<compile_context>
chip_gen: v7x
topology: tpu7x:2x2x1
jax: 0.10.2.dev20260603
libtpu: 0.0.44.dev20260713+nightly
codegen_flags: <defaults>
</compile_context>

<pallas_src>
import functools

import jax
import jax.numpy as jnp
from jax import lax
from jax.experimental import pallas as pl
from jax.experimental.pallas import tpu as pltpu
from jax.experimental.pallas import tpu_sc as plsc

VOCAB_SIZE = 1000000
EMB = 64
BATCH = 16384
PAD = 50

NUM_CORES = 2
NUM_SUBCORES = 16
LANES = 16
NW = NUM_CORES * NUM_SUBCORES
NQ = EMB // LANES

SENT_PER_W = BATCH // NW
CH = 16
NCHUNK = SENT_PER_W // CH
IDX_COLS = 50
ROWS_PER_CHUNK = CH * PAD
GATHERS = ROWS_PER_CHUNK // IDX_COLS
IDX_ROWS_PER_W = SENT_PER_W * PAD // IDX_COLS

_mesh = plsc.VectorSubcoreMesh(core_axis_name="c", subcore_axis_name="s")


@functools.partial(
    pl.kernel,
    out_type=jax.ShapeDtypeStruct((BATCH, EMB), jnp.float32),
    mesh=_mesh,
    compiler_params=pltpu.CompilerParams(use_tc_tiling_on_sc=False),
    scratch_types=[
        pltpu.VMEM((2, GATHERS, IDX_COLS), jnp.int32),
        pltpu.VMEM((2, ROWS_PER_CHUNK, EMB), jnp.float32),
        pltpu.VMEM((2, CH, EMB), jnp.float32),
        pltpu.SemaphoreType.DMA((2,)),
        pltpu.SemaphoreType.DMA((2,)),
        pltpu.SemaphoreType.DMA((2,)),
    ],
)
def _bag(sent_hbm, table_hbm, out_hbm, idx_v, rows_v, out_v,
         gsem, osem, isem):
    wid = lax.axis_index("s") * NUM_CORES + lax.axis_index("c")
    irow_base = wid * IDX_ROWS_PER_W
    orow_base = wid * SENT_PER_W

    def load_idx(c, buf):
        pltpu.async_copy(
            sent_hbm.at[pl.ds(irow_base + c * GATHERS, GATHERS)],
            idx_v.at[buf], isem.at[buf])

    def fire_gathers(c, buf):
        pltpu.make_async_copy(
            sent_hbm.at[pl.ds(irow_base + c * GATHERS, GATHERS)],
            idx_v.at[buf], isem.at[buf]).wait()
        for m in range(GATHERS):
            pltpu.async_copy(
                table_hbm.at[idx_v.at[buf, m]],
                rows_v.at[buf].at[pl.ds(m * IDX_COLS, IDX_COLS)],
                gsem.at[buf])

    def process(c, cur):
        @pl.when(c >= 2)
        def _():
            pltpu.make_async_copy(
                out_v.at[cur], out_hbm.at[pl.ds(0, CH)],
                osem.at[cur]).wait()

        pltpu.make_async_copy(
            table_hbm.at[pl.ds(0, ROWS_PER_CHUNK)],
            rows_v.at[cur], gsem.at[cur]).wait()

        @pl.when(c + 2 < NCHUNK)
        def _():
            load_idx(c + 2, cur)

        def sent_body(s, carry2):
            base = s * PAD
            acc = [rows_v[cur, base, pl.ds(q * LANES, LANES)]
                   for q in range(NQ)]
            for j in range(1, PAD):
                for q in range(NQ):
                    acc[q] = acc[q] + rows_v[cur, base + j,
                                             pl.ds(q * LANES, LANES)]
            for q in range(NQ):
                out_v[cur, s, pl.ds(q * LANES, LANES)] = acc[q]
            return carry2

        lax.fori_loop(0, CH, sent_body, 0)

        pltpu.async_copy(
            out_v.at[cur], out_hbm.at[pl.ds(orow_base + c * CH, CH)],
            osem.at[cur])

        @pl.when(c + 2 < NCHUNK)
        def _():
            fire_gathers(c + 2, cur)

    load_idx(0, 0)
    fire_gathers(0, 0)
    load_idx(1, 1)
    fire_gathers(1, 1)

    def pair_body(k, carry):
        process(2 * k, 0)
        process(2 * k + 1, 1)
        return carry

    lax.fori_loop(0, NCHUNK // 2, pair_body, 0)

    for buf in range(2):
        pltpu.make_async_copy(
            out_v.at[buf], out_hbm.at[pl.ds(0, CH)], osem.at[buf]).wait()


def kernel(sentences, words_per_sentence, table):
    del words_per_sentence
    return _bag(sentences, table)

# --- scband reference (transcript-rebuilt; emitter-appended) ---
"""Pipeline reference for scband-word-bag-9921374454067 (READ-ONLY COPY).

The authoritative reference and input builder live on the scoring server;
editing this copy changes nothing except your own understanding.
"""

import jax, jax.numpy as jnp
import numpy as np

VOCAB_SIZE = 1000000
EMB_SIZE = 64
BATCH = 16384
PAD_LEN = 50

def setup_inputs(seed: int = 0) -> dict:
    key = jax.random.key(seed)
    k1, k2, k3 = jax.random.split(key, 3)
    sentences = jax.random.randint(k1, (BATCH, PAD_LEN), 0, VOCAB_SIZE, dtype=jnp.int64 if jax.config.jax_enable_x64 else jnp.int32)
    words_per_sentence = jax.random.randint(k2, (BATCH,), 0, PAD_LEN, dtype=jnp.int64 if jax.config.jax_enable_x64 else jnp.int32)
    # EmbeddingBag weight, initialized like nn.EmbeddingBag default (N(0,1))
    table = jax.random.normal(k3, (VOCAB_SIZE, EMB_SIZE), dtype=jnp.float32)
    return {"sentences": sentences, "words_per_sentence": words_per_sentence, "table": table}

def reference(sentences, words_per_sentence, table):
    # nn.EmbeddingBag(mode='sum') with 2D index input: each row is a bag;
    # output[i] = sum_j table[sentences[i, j]]
    # words_per_sentence is accepted by the original forward but unused.
    gathered = jnp.take(table, sentences, axis=0)  # (BATCH, PAD_LEN, EMB_SIZE)
    out = jnp.sum(gathered, axis=1)  # (BATCH, EMB_SIZE)
    return out

if __name__ == "__main__":
    import jax
    _d = setup_inputs()
    print(jax.jit(kernel)(*tuple(_d.values())))

</pallas_src>

<mosaic_0001>
#map = affine_map<(d0, d1) -> (0, 0)>
module attributes {stable_mosaic.version = 14 : i64} {
  func.func @_bag(%arg0: i32, %arg1: i32, %arg2: memref<16384x50xi32, #tpu.memory_space<hbm>>, %arg3: memref<1000000x64xf32, #tpu.memory_space<hbm>>, %arg4: memref<16384x64xf32, #tpu.memory_space<hbm>>, %arg5: memref<2x16x50xi32, #tpu.memory_space<vmem>>, %arg6: memref<2x800x64xf32, #tpu.memory_space<vmem>>, %arg7: memref<2x16x64xf32, #tpu.memory_space<vmem>>, %arg8: memref<2x!tpu.dma_semaphore, #tpu.memory_space<semaphore_mem>>, %arg9: memref<2x!tpu.dma_semaphore, #tpu.memory_space<semaphore_mem>>, %arg10: memref<2x!tpu.dma_semaphore, #tpu.memory_space<semaphore_mem>>) attributes {dimension_semantics = [#tpu.dimension_semantics<core_parallel>, #tpu.dimension_semantics<subcore_parallel>], iteration_bounds = array<i64: 2, 16>, scalar_prefetch = 0 : i64, scratch_operands = 6 : i64, tpu.core_type = #tpu.core_type<sc_vector_subcore>, window_params = [{transform_indices = #map}, {transform_indices = #map}, {transform_indices = #map}]} {
    %mul3A = arith.constant 2 : i32
    %mul3A_0 = arith.muli %arg1, %mul3A : i32
    %add3A = arith.addi %mul3A_0, %arg0 : i32
    %mul3A_1 = arith.constant 512 : i32
    %mul3A_2 = arith.muli %add3A, %mul3A_1 : i32
    %mul3A_3 = arith.constant 512 : i32
    %mul3A_4 = arith.muli %add3A, %mul3A_3 : i32
    %add3A_5 = arith.constant 0 : i32
    %add3A_6 = arith.addi %mul3A_2, %add3A_5 : i32
    %dma_start3A = arith.constant 0 : i32
    %dma_start3A_7 = arith.constant 0 : i32
    %dma_start3A_8 = arith.constant 0 : i32
    %dma_start3A_9 = arith.constant 0 : i32
    %dma_start3A_10 = tpu.memref_slice %arg5[%dma_start3A, %dma_start3A_8, %dma_start3A_9] : memref<2x16x50xi32, #tpu.memory_space<vmem>> -> memref<1x16x50xi32, #tpu.memory_space<vmem>>
    %dma_start3A_11 = tpu.memref_squeeze %dma_start3A_10 : memref<1x16x50xi32, #tpu.memory_space<vmem>> -> memref<16x50xi32, #tpu.memory_space<vmem>>
    %dma_start3A_12 = arith.constant 0 : i32
    %dma_start3A_13 = tpu.memref_slice %arg2[%add3A_6, %dma_start3A_12] : memref<16384x50xi32, #tpu.memory_space<hbm>> -> memref<16x50xi32, #tpu.memory_space<hbm>>
    %dma_start3A_14 = tpu.memref_slice %arg10[%dma_start3A_7] : memref<2x!tpu.dma_semaphore, #tpu.memory_space<semaphore_mem>> -> memref<1x!tpu.dma_semaphore, #tpu.memory_space<semaphore_mem>>
    %dma_start3A_15 = tpu.memref_squeeze %dma_start3A_14 : memref<1x!tpu.dma_semaphore, #tpu.memory_space<semaphore_mem>> -> memref<!tpu.dma_semaphore, #tpu.memory_space<semaphore_mem>>
    %dma_start3A_16 = arith.constant 0 : i32
    %dma_start3A_17 = arith.constant 0 : i32
    %dma_start3A_18 = tpu.memref_slice %arg5[%dma_start3A, %dma_start3A_16, %dma_start3A_17] : memref<2x16x50xi32, #tpu.memory_space<vmem>> -> memref<1x16x50xi32, #tpu.memory_space<vmem>>
    %dma_start3A_19 = tpu.memref_squeeze %dma_start3A_18 : memref<1x16x50xi32, #tpu.memory_space<vmem>> -> memref<16x50xi32, #tpu.memory_space<vmem>>
    %dma_start3A_20 = arith.constant 0 : i32
    %dma_start3A_21 = tpu.memref_slice %arg2[%add3A_6, %dma_start3A_20] : memref<16384x50xi32, #tpu.memory_space<hbm>> -> memref<16x50xi32, #tpu.memory_space<hbm>>
    tpu.enqueue_dma source(%dma_start3A_21 : memref<16x50xi32, #tpu.memory_space<hbm>>) target(%dma_start3A_19 : memref<16x50xi32, #tpu.memory_space<vmem>>) target_semaphore(%dma_start3A_15 : memref<!tpu.dma_semaphore, #tpu.memory_space<semaphore_mem>>)
    %add3A_22 = arith.constant 0 : i32
    %add3A_23 = arith.addi %mul3A_2, %add3A_22 : i32
    %dma_wait3A = arith.constant 0 : i32
    %dma_wait3A_24 = arith.constant 0 : i32
    %dma_wait3A_25 = arith.constant 0 : i32
    %dma_wait3A_26 = arith.constant 0 : i32
    %dma_wait3A_27 = tpu.memref_slice %arg5[%dma_wait3A, %dma_wait3A_25, %dma_wait3A_26] : memref<2x16x50xi32, #tpu.memory_space<vmem>> -> memref<1x16x50xi32, #tpu.memory_space<vmem>>
    %dma_wait3A_28 = tpu.memref_squeeze %dma_wait3A_27 : memref<1x16x50xi32, #tpu.memory_space<vmem>> -> memref<16x50xi32, #tpu.memory_space<vmem>>
    %dma_wait3A_29 = arith.constant 0 : i32
    %dma_wait3A_30 = tpu.memref_slice %arg2[%add3A_23, %dma_wait3A_29] : memref<16384x50xi32, #tpu.memory_space<hbm>> -> memref<16x50xi32, #tpu.memory_space<hbm>>
    %dma_wait3A_31 = tpu.memref_slice %arg10[%dma_wait3A_24] : memref<2x!tpu.dma_semaphore, #tpu.memory_space<semaphore_mem>> -> memref<1x!tpu.dma_semaphore, #tpu.memory_space<semaphore_mem>>
    %dma_wait3A_32 = tpu.memref_squeeze %dma_wait3A_31 : memref<1x!tpu.dma_semaphore, #tpu.memory_space<semaphore_mem>> -> memref<!tpu.dma_semaphore, #tpu.memory_space<semaphore_mem>>
    %dma_wait3A_33 = arith.constant 0 : i32
    %dma_wait3A_34 = arith.constant 0 : i32
    %dma_wait3A_35 = tpu.memref_slice %arg5[%dma_wait3A, %dma_wait3A_33, %dma_wait3A_34] : memref<2x16x50xi32, #tpu.memory_space<vmem>> -> memref<1x16x50xi32, #tpu.memory_space<vmem>>
    %dma_wait3A_36 = tpu.memref_squeeze %dma_wait3A_35 : memref<1x16x50xi32, #tpu.memory_space<vmem>> -> memref<16x50xi32, #tpu.memory_space<vmem>>
    %dma_wait3A_37 = arith.constant 0 : i32
    %dma_wait3A_38 = tpu.memref_slice %arg2[%add3A_23, %dma_wait3A_37] : memref<16384x50xi32, #tpu.memory_space<hbm>> -> memref<16x50xi32, #tpu.memory_space<hbm>>
    tpu.wait_dma2 semaphore(%dma_wait3A_32 : memref<!tpu.dma_semaphore, #tpu.memory_space<semaphore_mem>>) src(%dma_wait3A_38 : memref<16x50xi32, #tpu.memory_space<hbm>>) dst(%dma_wait3A_36 : memref<16x50xi32, #tpu.memory_space<vmem>>)
    %dma_start3A_39 = arith.constant 0 : i32
    %dma_start3A_40 = arith.constant 0 : i32
    %dma_start3A_41 = arith.constant 0 : i32
    %dma_start3A_42 = arith.constant 0 : i32
    %dma_start3A_43 = arith.constant 0 : i32
    %dma_start3A_44 = arith.constant 0 : i32
    %dma_start3A_45 = tpu.memref_slice %arg6[%dma_start3A_41, %dma_start3A_43, %dma_start3A_44] : memref<2x800x64xf32, #tpu.memory_space<vmem>> -> memref<1x800x64xf32, #tpu.memory_space<vmem>>
    %dma_start3A_46 = tpu.memref_squeeze %dma_start3A_45 : memref<1x800x64xf32, #tpu.memory_space<vmem>> -> memref<800x64xf32, #tpu.memory_space<vmem>>
    %dma_start3A_47 = arith.constant 0 : i32
    %dma_start3A_48 = arith.constant 0 : i32
    %dma_start3A_49 = tpu.memref_slice %dma_start3A_46[%dma_start3A_47, %dma_start3A_48] : memref<800x64xf32, #tpu.memory_space<vmem>> -> memref<50x64xf32, #tpu.memory_space<vmem>>
    %dma_start3A_50 = arith.constant 0 : i32
    %dma_start3A_51 = tpu.memref_slice %arg5[%dma_start3A_39, %dma_start3A_40, %dma_start3A_50] : memref<2x16x50xi32, #tpu.memory_space<vmem>> -> memref<1x1x50xi32, #tpu.memory_space<vmem>>
    %dma_start3A_52 = tpu.memref_squeeze %dma_start3A_51 : memref<1x1x50xi32, #tpu.memory_space<vmem>> -> memref<50xi32, #tpu.memory_space<vmem>>
    %dma_start3A_53 = arith.constant 0 : i32
    %dma_start3A_54 = arith.constant 0 : i32
    %dma_start3A_55 = tpu.memref_slice %arg3[%dma_start3A_53, %dma_start3A_54] : memref<1000000x64xf32, #tpu.memory_space<hbm>> -> memref<1000000x64xf32, #tpu.memory_space<hbm>>
    %dma_start3A_56 = tpu.memref_slice %arg8[%dma_start3A_42] : memref<2x!tpu.dma_semaphore, #tpu.memory_space<semaphore_mem>> -> memref<1x!tpu.dma_semaphore, #tpu.memory_space<semaphore_mem>>
    %dma_start3A_57 = tpu.memref_squeeze %dma_start3A_56 : memref<1x!tpu.dma_semaphore, #tpu.memory_space<semaphore_mem>> -> memref<!tpu.dma_semaphore, #tpu.memory_space<semaphore_mem>>
    tpu.enqueue_indirect_dma source(%dma_start3A_55 : memref<1000000x64xf32, #tpu.memory_space<hbm>>) target(%dma_start3A_49 : memref<50x64xf32, #tpu.memory_space<vmem>>) offsets(%dma_start3A_52 : memref<50xi32, #tpu.memory_space<vmem>>) semaphore(%dma_start3A_57 : memref<!tpu.dma_semaphore, #tpu.memory_space<semaphore_mem>>)
    %dma_start3A_58 = arith.constant 0 : i32
    %dma_start3A_59 = arith.constant 1 : i32
    %dma_start3A_60 = arith.constant 0 : i32
    %dma_start3A_61 = arith.constant 0 : i32
    %dma_start3A_62 = arith.constant 0 : i32
    %dma_start3A_63 = arith.constant 0 : i32
    %dma_start3A_64 = tpu.memref_slice %arg6[%dma_start3A_60, %dma_start3A_62, %dma_start3A_63] : memref<2x800x64xf32, #tpu.memory_space<vmem>> -> memref<1x800x64xf32, #tpu.memory_space<vmem>>
    %dma_start3A_65 = tpu.memref_squeeze %dma_start3A_64 : memref<1x800x64xf32, #tpu.memory_space<vmem>> -> memref<800x64xf32, #tpu.memory_space<vmem>>
    %dma_start3A_66 = arith.constant 50 : i32
    %dma_start3A_67 = arith.constant 0 : i32
    %dma_start3A_68 = tpu.memref_slice %dma_start3A_65[%dma_start3A_66, %dma_start3A_67] : memref<800x64xf32, #tpu.memory_space<vmem>> -> memref<50x64xf32, #tpu.memory_space<vmem>>
    %dma_start3A_69 = arith.constant 0 : i32
    %dma_start3A_70 = tpu.memref_slice %arg5[%dma_start3A_58, %dma_start3A_59, %dma_start3A_69] : memref<2x16x50xi32, #tpu.memory_space<vmem>> -> memref<1x1x50xi32, #tpu.memory_space<vmem>>
    %dma_start3A_71 = tpu.memref_squeeze %dma_start3A_70 : memref<1x1x50xi32, #tpu.memory_space<vmem>> -> memref<50xi32, #tpu.memory_space<vmem>>
    %dma_start3A_72 = arith.constant 0 : i32
    %dma_start3A_73 = arith.constant 0 : i32
    %dma_start3A_74 = tpu.memref_slice %arg3[%dma_start3A_72, %dma_start3A_73] : memref<1000000x64xf32, #tpu.memory_space<hbm>> -> memref<1000000x64xf32, #tpu.memory_space<hbm>>
    %dma_start3A_75 = tpu.memref_slice %arg8[%dma_start3A_61] : memref<2x!tpu.dma_semaphore, #tpu.memory_space<semaphore_mem>> -> memref<1x!tpu.dma_semaphore, #tpu.memory_space<semaphore_mem>>
    %dma_start3A_76 = tpu.memref_squeeze %dma_start3A_75 : memref<1x!tpu.dma_semaphore, #tpu.memory_space<semaphore_mem>> -> memref<!tpu.dma_semaphore, #tpu.memory_space<semaphore_mem>>
    tpu.enqueue_indirect_dma source(%dma_start3A_74 : memref<1000000x64xf32, #tpu.memory_space<hbm>>) target(%dma_start3A_68 : memref<50x64xf32, #tpu.memory_space<vmem>>) offsets(%dma_start3A_71 : memref<50xi32, #tpu.memory_space<vmem>>) semaphore(%dma_start3A_76 : memref<!tpu.dma_semaphore, #tpu.memory_space<semaphore_mem>>)
    %dma_start3A_77 = arith.constant 0 : i32
    %dma_start3A_78 = arith.constant 2 : i32
    %dma_start3A_79 = arith.constant 0 : i32
    %dma_start3A_80 = arith.constant 0 : i32
    %dma_start3A_81 = arith.constant 0 : i32
    %dma_start3A_82 = arith.constant 0 : i32
    %dma_start3A_83 = tpu.memref_slice %arg6[%dma_start3A_79, %dma_start3A_81, %dma_start3A_82] : memref<2x800x64xf32, #tpu.memory_space<vmem>> -> memref<1x800x64xf32, #tpu.memory_space<vmem>>
    %dma_start3A_84 = tpu.memref_squeeze %dma_start3A_83 : memref<1x800x64xf32, #tpu.memory_space<vmem>> -> memref<800x64xf32, #tpu.memory_space<vmem>>
    %dma_start3A_85 = arith.constant 100 : i32
    %dma_start3A_86 = arith.constant 0 : i32
    %dma_start3A_87 = tpu.memref_slice %dma_start3A_84[%dma_start3A_85, %dma_start3A_86] : memref<800x64xf32, #tpu.memory_space<vmem>> -> memref<50x64xf32, #tpu.memory_space<vmem>>
    %dma_start3A_88 = arith.constant 0 : i32
    %dma_start3A_89 = tpu.memref_slice %arg5[%dma_start3A_77, %dma_start3A_78, %dma_start3A_88] : memref<2x16x50xi32, #tpu.memory_space<vmem>> -> memref<1x1x50xi32, #tpu.memory_space<vmem>>
    %dma_start3A_90 = tpu.memref_squeeze %dma_start3A_89 : memref<1x1x50xi32, #tpu.memory_space<vmem>> -> memref<50xi32, #tpu.memory_space<vmem>>
    %dma_start3A_91 = arith.constant 0 : i32
    %dma_start3A_92 = arith.constant 0 : i32
    %dma_start3A_93 = tpu.memref_slice %arg3[%dma_start3A_91, %dma_start3A_92] : memref<1000000x64xf32, #tpu.memory_space<hbm>> -> memref<1000000x64xf32, #tpu.memory_space<hbm>>
    %dma_start3A_94 = tpu.memref_slice %arg8[%dma_start3A_80] : memref<2x!tpu.dma_semaphore, #tpu.memory_space<semaphore_mem>> -> memref<1x!tpu.dma_semaphore, #tpu.memory_space<semaphore_mem>>
    %dma_start3A_95 = tpu.memref_squeeze %dma_start3A_94 : memref<1x!tpu.dma_semaphore, #tpu.memory_space<semaphore_mem>> -> memref<!tpu.dma_semaphore, #tpu.memory_space<semaphore_mem>>
    tpu.enqueue_indirect_dma source(%dma_start3A_93 : memref<1000000x64xf32, #tpu.memory_space<hbm>>) target(%dma_start3A_87 : memref<50x64xf32, #tpu.memory_space<vmem>>) offsets(%dma_start3A_90 : memref<50xi32, #tpu.memory_space<vmem>>) semaphore(%dma_start3A_95 : memref<!tpu.dma_semaphore, #tpu.memory_space<semaphore_mem>>)
    %dma_start3A_96 = arith.constant 0 : i32
    %dma_start3A_97 = arith.constant 3 : i32
    %dma_start3A_98 = arith.constant 0 : i32
    %dma_start3A_99 = arith.constant 0 : i32
    %dma_start3A_100 = arith.constant 0 : i32
    %dma_start3A_101 = arith.constant 0 : i32
    %dma_start3A_102 = tpu.memref_slice %arg6[%dma_start3A_98, %dma_start3A_100, %dma_start3A_101] : memref<2x800x64xf32, #tpu.memory_space<vmem>> -> memref<1x800x64xf32, #tpu.memory_space<vmem>>
    %dma_start3A_103 = tpu.memref_squeeze %dma_start3A_102 : memref<1x800x64xf32, #tpu.memory_space<vmem>> -> memref<800x64xf32, #tpu.memory_space<vmem>>
    %dma_start3A_104 = arith.constant 150 : i32
    %dma_start3A_105 = arith.constant 0 : i32
    %dma_start3A_106 = tpu.memref_slice %dma_start3A_103[%dma_start3A_104, %dma_start3A_105] : memref<800x64xf32, #tpu.memory_space<vmem>> -> memref<50x64xf32, #tpu.memory_space<vmem>>
    %dma_start3A_107 = arith.constant 0 : i32
    %dma_start3A_108 = tpu.memref_slice %arg5[%dma_start3A_96, %dma_start3A_97, %dma_start3A_107] : memref<2x16x50xi32, #tpu.memory_space<vmem>> -> memref<1x1x50xi32, #tpu.memory_space<vmem>>
    %dma_start3A_109 = tpu.memref_squeeze %dma_start3A_108 : memref<1x1x50xi32, #tpu.memory_space<vmem>> -> memref<50xi32, #tpu.memory_space<vmem>>
    %dma_start3A_110 = arith.constant 0 : i32
    %dma_start3A_111 = arith.constant 0 : i32
    %dma_start3A_112 = tpu.memref_slice %arg3[%dma_start3A_110, %dma_start3A_111] : memref<1000000x64xf32, #tpu.memory_space<hbm>> -> memref<1000000x64xf32, #tpu.memory_space<hbm>>
    %dma_start3A_113 = tpu.memref_slice %arg8[%dma_start3A_99] : memref<2x!tpu.dma_semaphore, #tpu.memory_space<semaphore_mem>> -> memref<1x!tpu.dma_semaphore, #tpu.memory_space<semaphore_mem>>
    %dma_start3A_114 = tpu.memref_squeeze %dma_start3A_113 : memref<1x!tpu.dma_semaphore, #tpu.memory_space<semaphore_mem>> -> memref<!tpu.dma_semaphore, #tpu.memory_space<semaphore_mem>>
    tpu.enqueue_indirect_dma source(%dma_start3A_112 : memref<1000000x64xf32, #tpu.memory_space<hbm>>) target(%dma_start3A_106 : memref<50x64xf32, #tpu.memory_space<vmem>>) offsets(%dma_start3A_109 : memref<50xi32, #tpu.memory_space<vmem>>) semaphore(%dma_start3A_114 : memref<!tpu.dma_semaphore, #tpu.memory_space<semaphore_mem>>)
    %dma_start3A_115 = arith.constant 0 : i32
    %dma_start3A_116 = arith.constant 4 : i32
    %dma_start3A_117 = arith.constant 0 : i32
    %dma_start3A_118 = arith.constant 0 : i32
    %dma_start3A_119 = arith.constant 0 : i32
    %dma_start3A_120 = arith.constant 0 : i32
    %dma_start3A_121 = tpu.memref_slice %arg6[%dma_start3A_117, %dma_start3A_119, %dma_start3A_120] : memref<2x800x64xf32, #tpu.memory_space<vmem>> -> memref<1x800x64xf32, #tpu.memory_space<vmem>>
    %dma_start3A_122 = tpu.memref_squeeze %dma_start3A_121 : memref<1x800x64xf32, #tpu.memory_space<vmem>> -> memref<800x64xf32, #tpu.memory_space<vmem>>
    %dma_start3A_123 = arith.constant 200 : i32
    %dma_start3A_124 = arith.constant 0 : i32
    %dma_start3A_125 = tpu.memref_slice %dma_start3A_122[%dma_start3A_123, %dma_start3A_124] : memref<800x64xf32, #tpu.memory_space<vmem>> -> memref<50x64xf32, #tpu.memory_space<vmem>>
    %dma_start3A_126 = arith.constant 0 : i32
    %dma_start3A_127 = tpu.memref_slice %arg5[%dma_start3A_115, %dma_start3A_116, %dma_start3A_126] : memref<2x16x50xi32, #tpu.memory_space<vmem>> -> memref<1x1x50xi32, #tpu.memory_space<vmem>>
    %dma_start3A_128 = tpu.memref_squeeze %dma_start3A_127 : memref<1x1x50xi32, #tpu.memory_space<vmem>> -> memref<50xi32, #tpu.memory_space<vmem>>
    %dma_start3A_129 = arith.constant 0 : i32
    %dma_start3A_130 = arith.constant 0 : i32
    %dma_start3A_131 = tpu.memref_slice %arg3[%dma_start3A_129, %dma_start3A_130] : memref<1000000x64xf32, #tpu.memory_space<hbm>> -> memref<1000000x64xf32, #tpu.memory_space<hbm>>
    %dma_start3A_132 = tpu.memref_slice %arg8[%dma_start3A_118] : memref<2x!tpu.dma_semaphore, #tpu.memory_space<semaphore_mem>> -> memref<1x!tpu.dma_semaphore, #tpu.memory_space<semaphore_mem>>
    %dma_start3A_133 = tpu.memref_squeeze %dma_start3A_132 : memref<1x!tpu.dma_semaphore, #tpu.memory_space<semaphore_mem>> -> memref<!tpu.dma_semaphore, #tpu.memory_space<semaphore_mem>>
    tpu.enqueue_indirect_dma source(%dma_start3A_131 : memref<1000000x64xf32, #tpu.memory_space<hbm>>) target(%dma_start3A_125 : memref<50x64xf32, #tpu.memory_space<vmem>>) offsets(%dma_start3A_128 : memref<50xi32, #tpu.memory_space<vmem>>) semaphore(%dma_start3A_133 : memref<!tpu.dma_semaphore, #tpu.memory_space<semaphore_mem>>)
    %dma_start3A_134 = arith.constant 0 : i32
    %dma_start3A_135 = arith.constant 5 : i32
    %dma_start3A_136 = arith.constant 0 : i32
    %dma_start3A_137 = arith.constant 0 : i32
    %dma_start3A_138 = arith.constant 0 : i32
    %dma_start3A_139 = arith.constant 0 : i32
    %dma_start3A_140 = tpu.memref_slice %arg6[%dma_start3A_136, %dma_start3A_138, %dma_start3A_139] : memref<2x800x64xf32, #tpu.memory_space<vmem>> -> memref<1x800x64xf32, #tpu.memory_space<vmem>>
    %dma_start3A_141 = tpu.memref_squeeze %dma_start3A_140 : memref<1x800x64xf32, #tpu.memory_space<vmem>> -> memref<800x64xf32, #tpu.memory_space<vmem>>
    %dma_start3A_142 = arith.constant 250 : i32
    %dma_start3A_143 = arith.constant 0 : i32
    %dma_start3A_144 = tpu.memref_slice %dma_start3A_141[%dma_start3A_142, %dma_start3A_143] : memref<800x64xf32, #tpu.memory_space<vmem>> -> memref<50x64xf32, #tpu.memory_space<vmem>>
    %dma_start3A_145 = arith.constant 0 : i32
    %dma_start3A_146 = tpu.memref_slice %arg5[%dma_start3A_134, %dma_start3A_135, %dma_start3A_145] : memref<2x16x50xi32, #tpu.memory_space<vmem>> -> memref<1x1x50xi32, #tpu.memory_space<vmem>>
    %dma_start3A_147 = tpu.memref_squeeze %dma_start3A_146 : memref<1x1x50xi32, #tpu.memory_space<vmem>> -> memref<50xi32, #tpu.memory_space<vmem>>
    %dma_start3A_148 = arith.constant 0 : i32
    %dma_start3A_149 = arith.constant 0 : i32
    %dma_start3A_150 = tpu.memref_slice %arg3[%dma_start3A_148, %dma_start3A_149] : memref<1000000x64xf32, #tpu.memory_space<hbm>> -> memref<1000000x64xf32, #tpu.memory_space<hbm>>
    %dma_start3A_151 = tpu.memref_slice %arg8[%dma_start3A_137] : memref<2x!tpu.dma_semaphore, #tpu.memory_space<semaphore_mem>> -> memref<1x!tpu.dma_semaphore, #tpu.memory_space<semaphore_mem>>
    %dma_start3A_152 = tpu.memref_squeeze %dma_start3A_151 : memref<1x!tpu.dma_semaphore, #tpu.memory_space<semaphore_mem>> -> memref<!tpu.dma_semaphore, #tpu.memory_space<semaphore_mem>>
    tpu.enqueue_indirect_dma source(%dma_start3A_150 : memref<1000000x64xf32, #tpu.memory_space<hbm>>) target(%dma_start3A_144 : memref<50x64xf32, #tpu.memory_space<vmem>>) offsets(%dma_start3A_147 : memref<50xi32, #tpu.memory_space<vmem>>) semaphore(%dma_start3A_152 : memref<!tpu.dma_semaphore, #tpu.memory_space<semaphore_mem>>)
    %dma_start3A_153 = arith.constant 0 : i32
    %dma_start3A_154 = arith.constant 6 : i32
    %dma_start3A_155 = arith.constant 0 : i32
    %dma_start3A_156 = arith.constant 0 : i32
    %dma_start3A_157 = arith.constant 0 : i32
    %dma_start3A_158 = arith.constant 0 : i32
    %dma_start3A_159 = tpu.memref_slice %arg6[%dma_start3A_155, %dma_start3A_157, %dma_start3A_158] : memref<2x800x64xf32, #tpu.memory_space<vmem>> -> memref<1x800x64xf32, #tpu.memory_space<vmem>>
    %dma_start3A_160 = tpu.memref_squeeze %dma_start3A_159 : memref<1x800x64xf32, #tpu.memory_space<vmem>> -> memref<800x64xf32, #tpu.memory_space<vmem>>
    %dma_start3A_161 = arith.constant 300 : i32
    %dma_start3A_162 = arith.constant 0 : i32
    %dma_start3A_163 = tpu.memref_slice %dma_start3A_160[%dma_start3A_161, %dma_start3A_162] : memref<800x64xf32, #tpu.memory_space<vmem>> -> memref<50x64xf32, #tpu.memory_space<vmem>>
    %dma_start3A_164 = arith.constant 0 : i32
    %dma_start3A_165 = tpu.memref_slice %arg5[%dma_start3A_153, %dma_start3A_154, %dma_start3A_164] : memref<2x16x50xi32, #tpu.memory_space<vmem>> -> memref<1x1x50xi32, #tpu.memory_space<vmem>>
    %dma_start3A_166 = tpu.memref_squeeze %dma_start3A_165 : memref<1x1x50xi32, #tpu.memory_space<vmem>> -> memref<50xi32, #tpu.memory_space<vmem>>
    %dma_start3A_167 = arith.constant 0 : i32
    %dma_start3A_168 = arith.constant 0 : i32
    %dma_start3A_169 = tpu.memref_slice %arg3[%dma_start3A_167, %dma_start3A_168] : memref<1000000x64xf32, #tpu.memory_space<hbm>> -> memref<1000000x64xf32, #tpu.memory_space<hbm>>
    %dma_start3A_170 = tpu.memref_slice %arg8[%dma_start3A_156] : memref<2x!tpu.dma_semaphore, #tpu.memory_space<semaphore_mem>> -> memref<1x!tpu.dma_semaphore, #tpu.memory_space<semaphore_mem>>
    %dma_start3A_171 = tpu.memref_squeeze %dma_start3A_170 : memref<1x!tpu.dma_semaphore, #tpu.memory_space<semaphore_mem>> -> memref<!tpu.dma_semaphore, #tpu.memory_space<semaphore_mem>>
    tpu.enqueue_indirect_dma source(%dma_start3A_169 : memref<1000000x64xf32, #tpu.memory_space<hbm>>) target(%dma_start3A_163 : memref<50x64xf32, #tpu.memory_space<vmem>>) offsets(%dma_start3A_166 : memref<50xi32, #tpu.memory_space<vmem>>) semaphore(%dma_start3A_171 : memref<!tpu.dma_semaphore, #tpu.memory_space<semaphore_mem>>)
    %dma_start3A_172 = arith.constant 0 : i32
    %dma_start3A_173 = arith.constant 7 : i32
    %dma_start3A_174 = arith.constant 0 : i32
    %dma_start3A_175 = arith.constant 0 : i32
    %dma_start3A_176 = arith.constant 0 : i32
    %dma_start3A_177 = arith.constant 0 : i32
    %dma_start3A_178 = tpu.memref_slice %arg6[%dma_start3A_174, %dma_start3A_176, %dma_start3A_177] : memref<2x800x64xf32, #tpu.memory_space<vmem>> -> memref<1x800x64xf32, #tpu.memory_space<vmem>>
    %dma_start3A_179 = tpu.memref_squeeze %dma_start3A_178 : memref<1x800x64xf32, #tpu.memory_space<vmem>> -> memref<800x64xf32, #tpu.memory_space<vmem>>
    %dma_start3A_180 = arith.constant 350 : i32
    %dma_start3A_181 = arith.constant 0 : i32
    %dma_start3A_182 = tpu.memref_slice %dma_start3A_179[%dma_start3A_180, %dma_start3A_181] : memref<800x64xf32, #tpu.memory_space<vmem>> -> memref<50x64xf32, #tpu.memory_space<vmem>>
    %dma_start3A_183 = arith.constant 0 : i32
    %dma_start3A_184 = tpu.memref_slice %arg5[%dma_start3A_172, %dma_start3A_173, %dma_start3A_183] : memref<2x16x50xi32, #tpu.memory_space<vmem>> -> memref<1x1x50xi32, #tpu.memory_space<vmem>>
    %dma_start3A_185 = tpu.memref_squeeze %dma_start3A_184 : memref<1x1x50xi32, #tpu.memory_space<vmem>> -> memref<50xi32, #tpu.memory_space<vmem>>
    %dma_start3A_186 = arith.constant 0 : i32
    %dma_start3A_187 = arith.constant 0 : i32
    %dma_start3A_188 = tpu.memref_slice %arg3[%dma_start3A_186, %dma_start3A_187] : memref<1000000x64xf32, #tpu.memory_space<hbm>> -> memref<1000000x64xf32, #tpu.memory_space<hbm>>
    %dma_start3A_189 = tpu.memref_slice %arg8[%dma_start3A_175] : memref<2x!tpu.dma_semaphore, #tpu.memory_space<semaphore_mem>> -> memref<1x!tpu.dma_semaphore, #tpu.memory_space<semaphore_mem>>
    %dma_start3A_190 = tpu.memref_squeeze %dma_start3A_189 : memref<1x!tpu.dma_semaphore, #tpu.memory_space<semaphore_mem>> -> memref<!tpu.dma_semaphore, #tpu.memory_space<semaphore_mem>>
    tpu.enqueue_indirect_dma source(%dma_start3A_188 : memref<1000000x64xf32, #tpu.memory_space<hbm>>) target(%dma_start3A_182 : memref<50x64xf32, #tpu.memory_space<vmem>>) offsets(%dma_start3A_185 : memref<50xi32, #tpu.memory_space<vmem>>) semaphore(%dma_start3A_190 : memref<!tpu.dma_semaphore, #tpu.memory_space<semaphore_mem>>)
    %dma_start3A_191 = arith.constant 0 : i32
    %dma_start3A_192 = arith.constant 8 : i32
    %dma_start3A_193 = arith.constant 0 : i32
    %dma_start3A_194 = arith.constant 0 : i32
    %dma_start3A_195 = arith.constant 0 : i32
    %dma_start3A_196 = arith.constant 0 : i32
    %dma_start3A_197 = tpu.memref_slice %arg6[%dma_start3A_193, %dma_start3A_195, %dma_start3A_196] : memref<2x800x64xf32, #tpu.memory_space<vmem>> -> memref<1x800x64xf32, #tpu.memory_space<vmem>>
    %dma_start3A_198 = tpu.memref_squeeze %dma_start3A_197 : memref<1x800x64xf32, #tpu.memory_space<vmem>> -> memref<800x64xf32, #tpu.memory_space<vmem>>
    %dma_start3A_199 = arith.constant 400 : i32
    %dma_start3A_200 = arith.constant 0 : i32
    %dma_start3A_201 = tpu.memref_slice %dma_start3A_198[%dma_start3A_199, %dma_start3A_200] : memref<800x64xf32, #tpu.memory_space<vmem>> -> memref<50x64xf32, #tpu.memory_space<vmem>>
    %dma_start3A_202 = arith.constant 0 : i32
    %dma_start3A_203 = tpu.memref_slice %arg5[%dma_start3A_191, %dma_start3A_192, %dma_start3A_202] : memref<2x16x50xi32, #tpu.memory_space<vmem>> -> memref<1x1x50xi32, #tpu.memory_space<vmem>>
    %dma_start3A_204 = tpu.memref_squeeze %dma_start3A_203 : memref<1x1x50xi32, #tpu.memory_space<vmem>> -> memref<50xi32, #tpu.memory_space<vmem>>
    %dma_start3A_205 = arith.constant 0 : i32
    %dma_start3A_206 = arith.constant 0 : i32
    %dma_start3A_207 = tpu.memref_slice %arg3[%dma_start3A_205, %dma_start3A_206] : memref<1000000x64xf32, #tpu.memory_space<hbm>> -> memref<1000000x64xf32, #tpu.memory_space<hbm>>
    %dma_start3A_208 = tpu.memref_slice %arg8[%dma_start3A_194] : memref<2x!tpu.dma_semaphore, #tpu.memory_space<semaphore_mem>> -> memref<1x!tpu.dma_semaphore, #tpu.memory_space<semaphore_mem>>
    %dma_start3A_209 = tpu.memref_squeeze %dma_start3A_208 : memref<1x!tpu.dma_semaphore, #tpu.memory_space<semaphore_mem>> -> memref<!tpu.dma_semaphore, #tpu.memory_space<semaphore_mem>>
    tpu.enqueue_indirect_dma source(%dma_start3A_207 : memref<1000000x64xf32, #tpu.memory_space<hbm>>) target(%dma_start3A_201 : memref<50x64xf32, #tpu.memory_space<vmem>>) offsets(%dma_start3A_204 : memref<50xi32, #tpu.memory_space<vmem>>) semaphore(%dma_start3A_209 : memref<!tpu.dma_semaphore, #tpu.memory_space<semaphore_mem>>)
    %dma_start3A_210 = arith.constant 0 : i32
    %dma_start3A_211 = arith.constant 9 : i32
    %dma_start3A_212 = arith.constant 0 : i32
    %dma_start3A_213 = arith.constant 0 : i32
    %dma_start3A_214 = arith.constant 0 : i32
    %dma_start3A_215 = arith.constant 0 : i32
    %dma_start3A_216 = tpu.memref_slice %arg6[%dma_start3A_212, %dma_start3A_214, %dma_start3A_215] : memref<2x800x64xf32, #tpu.memory_space<vmem>> -> memref<1x800x64xf32, #tpu.memory_space<vmem>>
    %dma_start3A_217 = tpu.memref_squeeze %dma_start3A_216 : memref<1x800x64xf32, #tpu.memory_space<vmem>> -> memref<800x64xf32, #tpu.memory_space<vmem>>
    %dma_start3A_218 = arith.constant 450 : i32
    %dma_start3A_219 = arith.constant 0 : i32
    %dma_start3A_220 = tpu.memref_slice %dma_start3A_217[%dma_start3A_218, %dma_start3A_219] : memref<800x64xf32, #tpu.memory_space<vmem>> -> memref<50x64xf32, #tpu.memory_space<vmem>>
    %dma_start3A_221 = arith.constant 0 : i32
    %dma_start3A_222 = tpu.memref_slice %arg5[%dma_start3A_210, %dma_start3A_211, %dma_start3A_221] : memref<2x16x50xi32, #tpu.memory_space<vmem>> -> memref<1x1x50xi32, #tpu.memory_space<vmem>>
    %dma_start3A_223 = tpu.memref_squeeze %dma_start3A_222 : memref<1x1x50xi32, #tpu.memory_space<vmem>> -> memref<50xi32, #tpu.memory_space<vmem>>
    %dma_start3A_224 = arith.constant 0 : i32
    %dma_start3A_225 = arith.constant 0 : i32
    %dma_start3A_226 = tpu.memref_slice %arg3[%dma_start3A_224, %dma_start3A_225] : memref<1000000x64xf32, #tpu.memory_space<hbm>> -> memref<1000000x64xf32, #tpu.memory_space<hbm>>
    %dma_start3A_227 = tpu.memref_slice %arg8[%dma_start3A_213] : memref<2x!tpu.dma_semaphore, #tpu.memory_space<semaphore_mem>> -> memref<1x!tpu.dma_semaphore, #tpu.memory_space<semaphore_mem>>
    %dma_start3A_228 = tpu.memref_squeeze %dma_start3A_227 : memref<1x!tpu.dma_semaphore, #tpu.memory_space<semaphore_mem>> -> memref<!tpu.dma_semaphore, #tpu.memory_space<semaphore_mem>>
    tpu.enqueue_indirect_dma source(%dma_start3A_226 : memref<1000000x64xf32, #tpu.memory_space<hbm>>) target(%dma_start3A_220 : memref<50x64xf32, #tpu.memory_space<vmem>>) offsets(%dma_start3A_223 : memref<50xi32, #tpu.memory_space<vmem>>) semaphore(%dma_start3A_228 : memref<!tpu.dma_semaphore, #tpu.memory_space<semaphore_mem>>)
    %dma_start3A_229 = arith.constant 0 : i32
    %dma_start3A_230 = arith.constant 10 : i32
    %dma_start3A_231 = arith.constant 0 : i32
    %dma_start3A_232 = arith.constant 0 : i32
    %dma_start3A_233 = arith.constant 0 : i32
    %dma_start3A_234 = arith.constant 0 : i32
    %dma_start3A_235 = tpu.memref_slice %arg6[%dma_start3A_231, %dma_start3A_233, %dma_start3A_234] : memref<2x800x64xf32, #tpu.memory_space<vmem>> -> memref<1x800x64xf32, #tpu.memory_space<vmem>>
    %dma_start3A_236 = tpu.memref_squeeze %dma_start3A_235 : memref<1x800x64xf32, #tpu.memory_space<vmem>> -> memref<800x64xf32, #tpu.memory_space<vmem>>
    %dma_start3A_237 = arith.constant 500 : i32
    %dma_start3A_238 = arith.constant 0 : i32
    %dma_start3A_239 = tpu.memref_slice %dma_start3A_236[%dma_start3A_237, %dma_start3A_238] : memref<800x64xf32, #tpu.memory_space<vmem>> -> memref<50x64xf32, #tpu.memory_space<vmem>>
    %dma_start3A_240 = arith.constant 0 : i32
    %dma_start3A_241 = tpu.memref_slice %arg5[%dma_start3A_229, %dma_start3A_230, %dma_start3A_240] : memref<2x16x50xi32, #tpu.memory_space<vmem>> -> memref<1x1x50xi32, #tpu.memory_space<vmem>>
    %dma_start3A_242 = tpu.memref_squeeze %dma_start3A_241 : memref<1x1x50xi32, #tpu.memory_space<vmem>> -> memref<50xi32, #tpu.memory_space<vmem>>
    %dma_start3A_243 = arith.constant 0 : i32
    %dma_start3A_244 = arith.constant 0 : i32
    %dma_start3A_245 = tpu.memref_slice %arg3[%dma_start3A_243, %dma_start3A_244] : memref<1000000x64xf32, #tpu.memory_space<hbm>> -> memref<1000000x64xf32, #tpu.memory_space<hbm>>
    %dma_start3A_246 = tpu.memref_slice %arg8[%dma_start3A_232] : memref<2x!tpu.dma_semaphore, #tpu.memory_space<semaphore_mem>> -> memref<1x!tpu.dma_semaphore, #tpu.memory_space<semaphore_mem>>
    %dma_start3A_247 = tpu.memref_squeeze %dma_start3A_246 : memref<1x!tpu.dma_semaphore, #tpu.memory_space<semaphore_mem>> -> memref<!tpu.dma_semaphore, #tpu.memory_space<semaphore_mem>>
    tpu.enqueue_indirect_dma source(%dma_start3A_245 : memref<1000000x64xf32, #tpu.memory_space<hbm>>) target(%dma_start3A_239 : memref<50x64xf32, #tpu.memory_space<vmem>>) offsets(%dma_start3A_242 : memref<50xi32, #tpu.memory_space<vmem>>) semaphore(%dma_start3A_247 : memref<!tpu.dma_semaphore, #tpu.memory_space<semaphore_mem>>)
    %dma_start3A_248 = arith.constant 0 : i32
    %dma_start3A_249 = arith.constant 11 : i32
    %dma_start3A_250 = arith.constant 0 : i32
    %dma_start3A_251 = arith.constant 0 : i32
    %dma_start3A_252 = arith.constant 0 : i32
    %dma_start3A_253 = arith.constant 0 : i32
    %dma_start3A_254 = tpu.memref_slice %arg6[%dma_start3A_250, %dma_start3A_252, %dma_start3A_253] : memref<2x800x64xf32, #tpu.memory_space<vmem>> -> memref<1x800x64xf32, #tpu.memory_space<vmem>>
    %dma_start3A_255 = tpu.memref_squeeze %dma_start3A_254 : memref<1x800x64xf32, #tpu.memory_space<vmem>> -> memref<800x64xf32, #tpu.memory_space<vmem>>
    %dma_start3A_256 = arith.constant 550 : i32
    %dma_start3A_257 = arith.constant 0 : i32
    %dma_start3A_258 = tpu.memref_slice %dma_start3A_255[%dma_start3A_256, %dma_start3A_257] : memref<800x64xf32, #tpu.memory_space<vmem>> -> memref<50x64xf32, #tpu.memory_space<vmem>>
    %dma_start3A_259 = arith.constant 0 : i32
    %dma_start3A_260 = tpu.memref_slice %arg5[%dma_start3A_248, %dma_start3A_249, %dma_start3A_259] : memref<2x16x50xi32, #tpu.memory_space<vmem>> -> memref<1x1x50xi32, #tpu.memory_space<vmem>>
    %dma_start3A_261 = tpu.memref_squeeze %dma_start3A_260 : memref<1x1x50xi32, #tpu.memory_space<vmem>> -> memref<50xi32, #tpu.memory_space<vmem>>
    %dma_start3A_262 = arith.constant 0 : i32
    %dma_start3A_263 = arith.constant 0 : i32
    %dma_start3A_264 = tpu.memref_slice %arg3[%dma_start3A_262, %dma_start3A_263] : memref<1000000x64xf32, #tpu.memory_space<hbm>> -> memref<1000000x64xf32, #tpu.memory_space<hbm>>
    %dma_start3A_265 = tpu.memref_slice %arg8[%dma_start3A_251] : memref<2x!tpu.dma_semaphore, #tpu.memory_space<semaphore_mem>> -> memref<1x!tpu.dma_semaphore, #tpu.memory_space<semaphore_mem>>
    %dma_start3A_266 = tpu.memref_squeeze %dma_start3A_265 : memref<1x!tpu.dma_semaphore, #tpu.memory_space<semaphore_mem>> -> memref<!tpu.dma_semaphore, #tpu.memory_space<semaphore_mem>>
    tpu.enqueue_indirect_dma source(%dma_start3A_264 : memref<1000000x64xf32, #tpu.memory_space<hbm>>) target(%dma_start3A_258 : memref<50x64xf32, #tpu.memory_space<vmem>>) offsets(%dma_start3A_261 : memref<50xi32, #tpu.memory_space<vmem>>) semaphore(%dma_start3A_266 : memref<!tpu.dma_semaphore, #tpu.memory_space<semaphore_mem>>)
    %dma_start3A_267 = arith.constant 0 : i32
    %dma_start3A_268 = arith.constant 12 : i32
    %dma_start3A_269 = arith.constant 0 : i32
    %dma_start3A_270 = arith.constant 0 : i32
    %dma_start3A_271 = arith.constant 0 : i32
    %dma_start3A_272 = arith.constant 0 : i32
    %dma_start3A_273 = tpu.memref_slice %arg6[%dma_start3A_269, %dma_start3A_271, %dma_start3A_272] : memref<2x800x64xf32, #tpu.memory_space<vmem>> -> memref<1x800x64xf32, #tpu.memory_space<vmem>>
    %dma_start3A_274 = tpu.memref_squeeze %dma_start3A_273 : memref<1x800x64xf32, #tpu.memory_space<vmem>> -> memref<800x64xf32, #tpu.memory_space<vmem>>
    %dma_start3A_275 = arith.constant 600 : i32
    %dma_start3A_276 = arith.constant 0 : i32
    %dma_start3A_277 = tpu.memref_slice %dma_start3A_274[%dma_start3A_275, %dma_start3A_276] : memref<800x64xf32, #tpu.memory_space<vmem>> -> memref<50x64xf32, #tpu.memory_space<vmem>>
    %dma_start3A_278 = arith.constant 0 : i32
    %dma_start3A_279 = tpu.memref_slice %arg5[%dma_start3A_267, %dma_start3A_268, %dma_start3A_278] : memref<2x16x50xi32, #tpu.memory_space<vmem>> -> memref<1x1x50xi32, #tpu.memory_space<vmem>>
    %dma_start3A_280 = tpu.memref_squeeze %dma_start3A_279 : memref<1x1x50xi32, #tpu.memory_space<vmem>> -> memref<50xi32, #tpu.memory_space<vmem>>
    %dma_start3A_281 = arith.constant 0 : i32
    %dma_start3A_282 = arith.constant 0 : i32
    %dma_start3A_283 = tpu.memref_slice %arg3[%dma_start3A_281, %dma_start3A_282] : memref<1000000x64xf32, #tpu.memory_space<hbm>> -> memref<1000000x64xf32, #tpu.memory_space<hbm>>
    %dma_start3A_284 = tpu.memref_slice %arg8[%dma_start3A_270] : memref<2x!tpu.dma_semaphore, #tpu.memory_space<semaphore_mem>> -> memref<1x!tpu.dma_semaphore, #tpu.memory_space<semaphore_mem>>
    %dma_start3A_285 = tpu.memref_squeeze %dma_start3A_284 : memref<1x!tpu.dma_semaphore, #tpu.memory_space<semaphore_mem>> -> memref<!tpu.dma_semaphore, #tpu.memory_space<semaphore_mem>>
    tpu.enqueue_indirect_dma source(%dma_start3A_283 : memref<1000000x64xf32, #tpu.memory_space<hbm>>) target(%dma_start3A_277 : memref<50x64xf32, #tpu.memory_space<vmem>>) offsets(%dma_start3A_280 : memref<50xi32, #tpu.memory_space<vmem>>) semaphore(%dma_start3A_285 : memref<!tpu.dma_semaphore, #tpu.memory_space<semaphore_mem>>)
    %dma_start3A_286 = arith.constant 0 : i32
    %dma_start3A_287 = arith.constant 13 : i32
    %dma_start3A_288 = arith.constant 0 : i32
    %dma_start3A_289 = arith.constant 0 : i32
    %dma_start3A_290 = arith.constant 0 : i32
    %dma_start3A_291 = arith.constant 0 : i32
    %dma_start3A_292 = tpu.memref_slice %arg6[%dma_start3A_288, %dma_start3A_290, %dma_start3A_291] : memref<2x800x64xf32, #tpu.memory_space<vmem>> -> memref<1x800x64xf32, #tpu.memory_space<vmem>>
    %dma_start3A_293 = tpu.memref_squeeze %dma_start3A_292 : memref<1x800x64xf32, #tpu.memory_space<vmem>> -> memref<800x64xf32, #tpu.memory_space<vmem>>
    %dma_start3A_294 = arith.constant 650 : i32
    %dma_start3A_295 = arith.constant 0 : i32
    %dma_start3A_296 = tpu.memref_slice %dma_start3A_293[%dma_start3A_294, %dma_start3A_295] : memref<800x64xf32, #tpu.memory_space<vmem>> -> memref<50x64xf32, #tpu.memory_space<vmem>>
    %dma_start3A_297 = arith.constant 0 : i32
    %dma_start3A_298 = tpu.memref_slice %arg5[%dma_start3A_286, %dma_start3A_287, %dma_start3A_297] : memref<2x16x50xi32, #tpu.memory_space<vmem>> -> memref<1x1x50xi32, #tpu.memory_space<vmem>>
    %dma_start3A_299 = tpu.memref_squeeze %dma_start3A_298 : memref<1x1x50xi32, #tpu.memory_space<vmem>> -> memref<50xi32, #tpu.memory_space<vmem>>
    %dma_start3A_300 = arith.constant 0 : i32
    %dma_start3A_301 = arith.constant 0 : i32
    %dma_start3A_302 = tpu.memref_slice %arg3[%dma_start3A_300, %dma_start3A_301] : memref<1000000x64xf32, #tpu.memory_space<hbm>> -> memref<1000000x64xf32, #tpu.memory_space<hbm>>
    %dma_start3A_303 = tpu.memref_slice %arg8[%dma_start3A_289] : memref<2x!tpu.dma_semaphore, #tpu.memory_space<semaphore_mem>> -> memref<1x!tpu.dma_semaphore, #tpu.memory_space<semaphore_mem>>
    %dma_start3A_304 = tpu.memref_squeeze %dma_start3A_303 : memref<1x!tpu.dma_semaphore, #tpu.memory_space<semaphore_mem>> -> memref<!tpu.dma_semaphore, #tpu.memory_space<semaphore_mem>>
    tpu.enqueue_indirect_dma source(%dma_start3A_302 : memref<1000000x64xf32, #tpu.memory_space<hbm>>) target(%dma_start3A_296 : memref<50x64xf32, #tpu.memory_space<vmem>>) offsets(%dma_start3A_299 : memref<50xi32, #tpu.memory_space<vmem>>) semaphore(%dma_start3A_304 : memref<!tpu.dma_semaphore, #tpu.memory_space<semaphore_mem>>)
    %dma_start3A_305 = arith.constant 0 : i32
    %dma_start3A_306 = arith.constant 14 : i32
    %dma_start3A_307 = arith.constant 0 : i32
    %dma_start3A_308 = arith.constant 0 : i32
    %dma_start3A_309 = arith.constant 0 : i32
    %dma_start3A_310 = arith.constant 0 : i32
    %dma_start3A_311 = tpu.memref_slice %arg6[%dma_start3A_307, %dma_start3A_309, %dma_start3A_310] : memref<2x800x64xf32, #tpu.memory_space<vmem>> -> memref<1x800x64xf32, #tpu.memory_space<vmem>>
    %dma_start3A_312 = tpu.memref_squeeze %dma_start3A_311 : memref<1x800x64xf32, #tpu.memory_space<vmem>> -> memref<800x64xf32, #tpu.memory_space<vmem>>
    %dma_start3A_313 = arith.constant 700 : i32
    %dma_start3A_314 = arith.constant 0 : i32
    %dma_start3A_315 = tpu.memref_slice %dma_start3A_312[%dma_start3A_313, %dma_start3A_314] : memref<800x64xf32, #tpu.memory_space<vmem>> -> memref<50x64xf32, #tpu.memory_space<vmem>>
    %dma_start3A_316 = arith.constant 0 : i32
    %dma_start3A_317 = tpu.memref_slice %arg5[%dma_start3A_305, %dma_start3A_306, %dma_start3A_316] : memref<2x16x50xi32, #tpu.memory_space<vmem>> -> memref<1x1x50xi32, #tpu.memory_space<vmem>>
    %dma_start3A_318 = tpu.memref_squeeze %dma_start3A_317 : memref<1x1x50xi32, #tpu.memory_space<vmem>> -> memref<50xi32, #tpu.memory_space<vmem>>
    %dma_start3A_319 = arith.constant 0 : i32
    %dma_start3A_320 = arith.constant 0 : i32
    %dma_start3A_321 = tpu.memref_slice %arg3[%dma_start3A_319, %dma_start3A_320] : memref<1000000x64xf32, #tpu.memory_space<hbm>> -> memref<1000000x64xf32, #tpu.memory_space<hbm>>
    %dma_start3A_322 = tpu.memref_slice %arg8[%dma_start3A_308] : memref<2x!tpu.dma_semaphore, #tpu.memory_space<semaphore_mem>> -> memref<1x!tpu.dma_semaphore, #tpu.memory_space<semaphore_mem>>
    %dma_start3A_323 = tpu.memref_squeeze %dma_start3A_322 : memref<1x!tpu.dma_semaphore, #tpu.memory_space<semaphore_mem>> -> memref<!tpu.dma_semaphore, #tpu.memory_space<semaphore_mem>>
    tpu.enqueue_indirect_dma source(%dma_start3A_321 : memref<1000000x64xf32, #tpu.memory_space<hbm>>) target(%dma_start3A_315 : memref<50x64xf32, #tpu.memory_space<vmem>>) offsets(%dma_start3A_318 : memref<50xi32, #tpu.memory_space<vmem>>) semaphore(%dma_start3A_323 : memref<!tpu.dma_semaphore, #tpu.memory_space<semaphore_mem>>)
    %dma_start3A_324 = arith.constant 0 : i32
    %dma_start3A_325 = arith.constant 15 : i32
    %dma_start3A_326 = arith.constant 0 : i32
    %dma_start3A_327 = arith.constant 0 : i32
    %dma_start3A_328 = arith.constant 0 : i32
    %dma_start3A_329 = arith.constant 0 : i32
    %dma_start3A_330 = tpu.memref_slice %arg6[%dma_start3A_326, %dma_start3A_328, %dma_start3A_329] : memref<2x800x64xf32, #tpu.memory_space<vmem>> -> memref<1x800x64xf32, #tpu.memory_space<vmem>>
    %dma_start3A_331 = tpu.memref_squeeze %dma_start3A_330 : memref<1x800x64xf32, #tpu.memory_space<vmem>> -> memref<800x64xf32, #tpu.memory_space<vmem>>
    %dma_start3A_332 = arith.constant 750 : i32
    %dma_start3A_333 = arith.constant 0 : i32
    %dma_start3A_334 = tpu.memref_slice %dma_start3A_331[%dma_start3A_332, %dma_start3A_333] : memref<800x64xf32, #tpu.memory_space<vmem>> -> memref<50x64xf32, #tpu.memory_space<vmem>>
    %dma_start3A_335 = arith.constant 0 : i32
    %dma_start3A_336 = tpu.memref_slice %arg5[%dma_start3A_324, %dma_start3A_325, %dma_start3A_335] : memref<2x16x50xi32, #tpu.memory_space<vmem>> -> memref<1x1x50xi32, #tpu.memory_space<vmem>>
    %dma_start3A_337 = tpu.memref_squeeze %dma_start3A_336 : memref<1x1x50xi32, #tpu.memory_space<vmem>> -> memref<50xi32, #tpu.memory_space<vmem>>
    %dma_start3A_338 = arith.constant 0 : i32
    %dma_start3A_339 = arith.constant 0 : i32
    %dma_start3A_340 = tpu.memref_slice %arg3[%dma_start3A_338, %dma_start3A_339] : memref<1000000x64xf32, #tpu.memory_space<hbm>> -> memref<1000000x64xf32, #tpu.memory_space<hbm>>
    %dma_start3A_341 = tpu.memref_slice %arg8[%dma_start3A_327] : memref<2x!tpu.dma_semaphore, #tpu.memory_space<semaphore_mem>> -> memref<1x!tpu.dma_semaphore, #tpu.memory_space<semaphore_mem>>
    %dma_start3A_342 = tpu.memref_squeeze %dma_start3A_341 : memref<1x!tpu.dma_semaphore, #tpu.memory_space<semaphore_mem>> -> memref<!tpu.dma_semaphore, #tpu.memory_space<semaphore_mem>>
    tpu.enqueue_indirect_dma source(%dma_start3A_340 : memref<1000000x64xf32, #tpu.memory_space<hbm>>) target(%dma_start3A_334 : memref<50x64xf32, #tpu.memory_space<vmem>>) offsets(%dma_start3A_337 : memref<50xi32, #tpu.memory_space<vmem>>) semaphore(%dma_start3A_342 : memref<!tpu.dma_semaphore, #tpu.memory_space<semaphore_mem>>)
    %add3A_343 = arith.constant 16 : i32
    %add3A_344 = arith.addi %mul3A_2, %add3A_343 : i32
    %dma_start3A_345 = arith.constant 1 : i32
    %dma_start3A_346 = arith.constant 1 : i32
    %dma_start3A_347 = arith.constant 0 : i32
    %dma_start3A_348 = arith.constant 0 : i32
    %dma_start3A_349 = tpu.memref_slice %arg5[%dma_start3A_345, %dma_start3A_347, %dma_start3A_348] : memref<2x16x50xi32, #tpu.memory_space<vmem>> -> memref<1x16x50xi32, #tpu.memory_space<vmem>>
    %dma_start3A_350 = tpu.memref_squeeze %dma_start3A_349 : memref<1x16x50xi32, #tpu.memory_space<vmem>> -> memref<16x50xi32, #tpu.memory_space<vmem>>
    %dma_start3A_351 = arith.constant 0 : i32
    %dma_start3A_352 = tpu.memref_slice %arg2[%add3A_344, %dma_start3A_351] : memref<16384x50xi32, #tpu.memory_space<hbm>> -> memref<16x50xi32, #tpu.memory_space<hbm>>
    %dma_start3A_353 = tpu.memref_slice %arg10[%dma_start3A_346] : memref<2x!tpu.dma_semaphore, #tpu.memory_space<semaphore_mem>> -> memref<1x!tpu.dma_semaphore, #tpu.memory_space<semaphore_mem>>
    %dma_start3A_354 = tpu.memref_squeeze %dma_start3A_353 : memref<1x!tpu.dma_semaphore, #tpu.memory_space<semaphore_mem>> -> memref<!tpu.dma_semaphore, #tpu.memory_space<semaphore_mem>>
    %dma_start3A_355 = arith.constant 0 : i32
    %dma_start3A_356 = arith.constant 0 : i32
    %dma_start3A_357 = tpu.memref_slice %arg5[%dma_start3A_345, %dma_start3A_355, %dma_start3A_356] : memref<2x16x50xi32, #tpu.memory_space<vmem>> -> memref<1x16x50xi32, #tpu.memory_space<vmem>>
    %dma_start3A_358 = tpu.memref_squeeze %dma_start3A_357 : memref<1x16x50xi32, #tpu.memory_space<vmem>> -> memref<16x50xi32, #tpu.memory_space<vmem>>
    %dma_start3A_359 = arith.constant 0 : i32
    %dma_start3A_360 = tpu.memref_slice %arg2[%add3A_344, %dma_start3A_359] : memref<16384x50xi32, #tpu.memory_space<hbm>> -> memref<16x50xi32, #tpu.memory_space<hbm>>
    tpu.enqueue_dma source(%dma_start3A_360 : memref<16x50xi32, #tpu.memory_space<hbm>>) target(%dma_start3A_358 : memref<16x50xi32, #tpu.memory_space<vmem>>) target_semaphore(%dma_start3A_354 : memref<!tpu.dma_semaphore, #tpu.memory_space<semaphore_mem>>)
    %add3A_361 = arith.constant 16 : i32
    %add3A_362 = arith.addi %mul3A_2, %add3A_361 : i32
    %dma_wait3A_363 = arith.constant 1 : i32
    %dma_wait3A_364 = arith.constant 1 : i32
    %dma_wait3A_365 = arith.constant 0 : i32
    %dma_wait3A_366 = arith.constant 0 : i32
    %dma_wait3A_367 = tpu.memref_slice %arg5[%dma_wait3A_363, %dma_wait3A_365, %dma_wait3A_366] : memref<2x16x50xi32, #tpu.memory_space<vmem>> -> memref<1x16x50xi32, #tpu.memory_space<vmem>>
    %dma_wait3A_368 = tpu.memref_squeeze %dma_wait3A_367 : memref<1x16x50xi32, #tpu.memory_space<vmem>> -> memref<16x50xi32, #tpu.memory_space<vmem>>
    %dma_wait3A_369 = arith.constant 0 : i32
    %dma_wait3A_370 = tpu.memref_slice %arg2[%add3A_362, %dma_wait3A_369] : memref<16384x50xi32, #tpu.memory_space<hbm>> -> memref<16x50xi32, #tpu.memory_space<hbm>>
    %dma_wait3A_371 = tpu.memref_slice %arg10[%dma_wait3A_364] : memref<2x!tpu.dma_semaphore, #tpu.memory_space<semaphore_mem>> -> memref<1x!tpu.dma_semaphore, #tpu.memory_space<semaphore_mem>>
    %dma_wait3A_372 = tpu.memref_squeeze %dma_wait3A_371 : memref<1x!tpu.dma_semaphore, #tpu.memory_space<semaphore_mem>> -> memref<!tpu.dma_semaphore, #tpu.memory_space<semaphore_mem>>
    %dma_wait3A_373 = arith.constant 0 : i32
    %dma_wait3A_374 = arith.constant 0 : i32
    %dma_wait3A_375 = tpu.memref_slice %arg5[%dma_wait3A_363, %dma_wait3A_373, %dma_wait3A_374] : memref<2x16x50xi32, #tpu.memory_space<vmem>> -> memref<1x16x50xi32, #tpu.memory_space<vmem>>
    %dma_wait3A_376 = tpu.memref_squeeze %dma_wait3A_375 : memref<1x16x50xi32, #tpu.memory_space<vmem>> -> memref<16x50xi32, #tpu.memory_space<vmem>>
    %dma_wait3A_377 = arith.constant 0 : i32
    %dma_wait3A_378 = tpu.memref_slice %arg2[%add3A_362, %dma_wait3A_377] : memref<16384x50xi32, #tpu.memory_space<hbm>> -> memref<16x50xi32, #tpu.memory_space<hbm>>
    tpu.wait_dma2 semaphore(%dma_wait3A_372 : memref<!tpu.dma_semaphore, #tpu.memory_space<semaphore_mem>>) src(%dma_wait3A_378 : memref<16x50xi32, #tpu.memory_space<hbm>>) dst(%dma_wait3A_376 : memref<16x50xi32, #tpu.memory_space<vmem>>)
    %dma_start3A_379 = arith.constant 1 : i32
    %dma_start3A_380 = arith.constant 0 : i32
    %dma_start3A_381 = arith.constant 1 : i32
    %dma_start3A_382 = arith.constant 1 : i32
    %dma_start3A_383 = arith.constant 0 : i32
    %dma_start3A_384 = arith.constant 0 : i32
    %dma_start3A_385 = tpu.memref_slice %arg6[%dma_start3A_381, %dma_start3A_383, %dma_start3A_384] : memref<2x800x64xf32, #tpu.memory_space<vmem>> -> memref<1x800x64xf32, #tpu.memory_space<vmem>>
    %dma_start3A_386 = tpu.memref_squeeze %dma_start3A_385 : memref<1x800x64xf32, #tpu.memory_space<vmem>> -> memref<800x64xf32, #tpu.memory_space<vmem>>
    %dma_start3A_387 = arith.constant 0 : i32
    %dma_start3A_388 = arith.constant 0 : i32
    %dma_start3A_389 = tpu.memref_slice %dma_start3A_386[%dma_start3A_387, %dma_start3A_388] : memref<800x64xf32, #tpu.memory_space<vmem>> -> memref<50x64xf32, #tpu.memory_space<vmem>>
    %dma_start3A_390 = arith.constant 0 : i32
    %dma_start3A_391 = tpu.memref_slice %arg5[%dma_start3A_379, %dma_start3A_380, %dma_start3A_390] : memref<2x16x50xi32, #tpu.memory_space<vmem>> -> memref<1x1x50xi32, #tpu.memory_space<vmem>>
    %dma_start3A_392 = tpu.memref_squeeze %dma_start3A_391 : memref<1x1x50xi32, #tpu.memory_space<vmem>> -> memref<50xi32, #tpu.memory_space<vmem>>
    %dma_start3A_393 = arith.constant 0 : i32
    %dma_start3A_394 = arith.constant 0 : i32
    %dma_start3A_395 = tpu.memref_slice %arg3[%dma_start3A_393, %dma_start3A_394] : memref<1000000x64xf32, #tpu.memory_space<hbm>> -> memref<1000000x64xf32, #tpu.memory_space<hbm>>
    %dma_start3A_396 = tpu.memref_slice %arg8[%dma_start3A_382] : memref<2x!tpu.dma_semaphore, #tpu.memory_space<semaphore_mem>> -> memref<1x!tpu.dma_semaphore, #tpu.memory_space<semaphore_mem>>
    %dma_start3A_397 = tpu.memref_squeeze %dma_start3A_396 : memref<1x!tpu.dma_semaphore, #tpu.memory_space<semaphore_mem>> -> memref<!tpu.dma_semaphore, #tpu.memory_space<semaphore_mem>>
    tpu.enqueue_indirect_dma source(%dma_start3A_395 : memref<1000000x64xf32, #tpu.memory_space<hbm>>) target(%dma_start3A_389 : memref<50x64xf32, #tpu.memory_space<vmem>>) offsets(%dma_start3A_392 : memref<50xi32, #tpu.memory_space<vmem>>) semaphore(%dma_start3A_397 : memref<!tpu.dma_semaphore, #tpu.memory_space<semaphore_mem>>)
    %dma_start3A_398 = arith.constant 1 : i32
    %dma_start3A_399 = arith.constant 1 : i32
    %dma_start3A_400 = arith.constant 1 : i32
    %dma_start3A_401 = arith.constant 1 : i32
    %dma_start3A_402 = arith.constant 0 : i32
    %dma_start3A_403 = arith.constant 0 : i32
    %dma_start3A_404 = tpu.memref_slice %arg6[%dma_start3A_400, %dma_start3A_402, %dma_start3A_403] : memref<2x800x64xf32, #tpu.memory_space<vmem>> -> memref<1x800x64xf32, #tpu.memory_space<vmem>>
    %dma_start3A_405 = tpu.memref_squeeze %dma_start3A_404 : memref<1x800x64xf32, #tpu.memory_space<vmem>> -> memref<800x64xf32, #tpu.memory_space<vmem>>
    %dma_start3A_406 = arith.constant 50 : i32
    %dma_start3A_407 = arith.constant 0 : i32
    %dma_start3A_408 = tpu.memref_slice %dma_start3A_405[%dma_start3A_406, %dma_start3A_407] : memref<800x64xf32, #tpu.memory_space<vmem>> -> memref<50x64xf32, #tpu.memory_space<vmem>>
    %dma_start3A_409 = arith.constant 0 : i32
    %dma_start3A_410 = tpu.memref_slice %arg5[%dma_start3A_398, %dma_start3A_399, %dma_start3A_409] : memref<2x16x50xi32, #tpu.memory_space<vmem>> -> memref<1x1x50xi32, #tpu.memory_space<vmem>>
    %dma_start3A_411 = tpu.memref_squeeze %dma_start3A_410 : memref<1x1x50xi32, #tpu.memory_space<vmem>> -> memref<50xi32, #tpu.memory_space<vmem>>
    %dma_start3A_412 = arith.constant 0 : i32
    %dma_start3A_413 = arith.constant 0 : i32
    %dma_start3A_414 = tpu.memref_slice %arg3[%dma_start3A_412, %dma_start3A_413] : memref<1000000x64xf32, #tpu.memory_space<hbm>> -> memref<1000000x64xf32, #tpu.memory_space<hbm>>
    %dma_start3A_415 = tpu.memref_slice %arg8[%dma_start3A_401] : memref<2x!tpu.dma_semaphore, #tpu.memory_space<semaphore_mem>> -> memref<1x!tpu.dma_semaphore, #tpu.memory_space<semaphore_mem>>
    %dma_start3A_416 = tpu.memref_squeeze %dma_start3A_415 : memref<1x!tpu.dma_semaphore, #tpu.memory_space<semaphore_mem>> -> memref<!tpu.dma_semaphore, #tpu.memory_space<semaphore_mem>>
    tpu.enqueue_indirect_dma source(%dma_start3A_414 : memref<1000000x64xf32, #tpu.memory_space<hbm>>) target(%dma_start3A_408 : memref<50x64xf32, #tpu.memory_space<vmem>>) offsets(%dma_start3A_411 : memref<50xi32, #tpu.memory_space<vmem>>) semaphore(%dma_start3A_416 : memref<!tpu.dma_semaphore, #tpu.memory_space<semaphore_mem>>)
    %dma_start3A_417 = arith.constant 1 : i32
    %dma_start3A_418 = arith.constant 2 : i32
    %dma_start3A_419 = arith.constant 1 : i32
    %dma_start3A_420 = arith.constant 1 : i32
    %dma_start3A_421 = arith.constant 0 : i32
    %dma_start3A_422 = arith.constant 0 : i32
    %dma_start3A_423 = tpu.memref_slice %arg6[%dma_start3A_419, %dma_start3A_421, %dma_start3A_422] : memref<2x800x64xf32, #tpu.memory_space<vmem>> -> memref<1x800x64xf32, #tpu.memory_space<vmem>>
    %dma_start3A_424 = tpu.memref_squeeze %dma_start3A_423 : memref<1x800x64xf32, #tpu.memory_space<vmem>> -> memref<800x64xf32, #tpu.memory_space<vmem>>
    %dma_start3A_425 = arith.constant 100 : i32
    %dma_start3A_426 = arith.constant 0 : i32
    %dma_start3A_427 = tpu.memref_slice %dma_start3A_424[%dma_start3A_425, %dma_start3A_426] : memref<800x64xf32, #tpu.memory_space<vmem>> -> memref<50x64xf32, #tpu.memory_space<vmem>>
    %dma_start3A_428 = arith.constant 0 : i32
    %dma_start3A_429 = tpu.memref_slice %arg5[%dma_start3A_417, %dma_start3A_418, %dma_start3A_428] : memref<2x16x50xi32, #tpu.memory_space<vmem>> -> memref<1x1x50xi32, #tpu.memory_space<vmem>>
    %dma_start3A_430 = tpu.memref_squeeze %dma_start3A_429 : memref<1x1x50xi32, #tpu.memory_space<vmem>> -> memref<50xi32, #tpu.memory_space<vmem>>
    %dma_start3A_431 = arith.constant 0 : i32
    %dma_start3A_432 = arith.constant 0 : i32
    %dma_start3A_433 = tpu.memref_slice %arg3[%dma_start3A_431, %dma_start3A_432] : memref<1000000x64xf32, #tpu.memory_space<hbm>> -> memref<1000000x64xf32, #tpu.memory_space<hbm>>
    %dma_start3A_434 = tpu.memref_slice %arg8[%dma_start3A_420] : memref<2x!tpu.dma_semaphore, #tpu.memory_space<semaphore_mem>> -> memref<1x!tpu.dma_semaphore, #tpu.memory_space<semaphore_mem>>
    %dma_start3A_435 = tpu.memref_squeeze %dma_start3A_434 : memref<1x!tpu.dma_semaphore, #tpu.memory_space<semaphore_mem>> -> memref<!tpu.dma_semaphore, #tpu.memory_space<semaphore_mem>>
    tpu.enqueue_indirect_dma source(%dma_start3A_433 : memref<1000000x64xf32, #tpu.memory_space<hbm>>) target(%dma_start3A_427 : memref<50x64xf32, #tpu.memory_space<vmem>>) offsets(%dma_start3A_430 : memref<50xi32, #tpu.memory_space<vmem>>) semaphore(%dma_start3A_435 : memref<!tpu.dma_semaphore, #tpu.memory_space<semaphore_mem>>)
    %dma_start3A_436 = arith.constant 1 : i32
    %dma_start3A_437 = arith.constant 3 : i32
    %dma_start3A_438 = arith.constant 1 : i32
    %dma_start3A_439 = arith.constant 1 : i32
    %dma_start3A_440 = arith.constant 0 : i32
    %dma_start3A_441 = arith.constant 0 : i32
    %dma_start3A_442 = tpu.memref_slice %arg6[%dma_start3A_438, %dma_start3A_440, %dma_start3A_441] : memref<2x800x64xf32, #tpu.memory_space<vmem>> -> memref<1x800x64xf32, #tpu.memory_space<vmem>>
    %dma_start3A_443 = tpu.memref_squeeze %dma_start3A_442 : memref<1x800x64xf32, #tpu.memory_space<vmem>> -> memref<800x64xf32, #tpu.memory_space<vmem>>
    %dma_start3A_444 = arith.constant 150 : i32
    %dma_start3A_445 = arith.constant 0 : i32
    %dma_start3A_446 = tpu.memref_slice %dma_start3A_443[%dma_start3A_444, %dma_start3A_445] : memref<800x64xf32, #tpu.memory_space<vmem>> -> memref<50x64xf32, #tpu.memory_space<vmem>>
    %dma_start3A_447 = arith.constant 0 : i32
    %dma_start3A_448 = tpu.memref_slice %arg5[%dma_start3A_436, %dma_start3A_437, %dma_start3A_447] : memref<2x16x50xi32, #tpu.memory_space<vmem>> -> memref<1x1x50xi32, #tpu.memory_space<vmem>>
    %dma_start3A_449 = tpu.memref_squeeze %dma_start3A_448 : memref<1x1x50xi32, #tpu.memory_space<vmem>> -> memref<50xi32, #tpu.memory_space<vmem>>
    %dma_start3A_450 = arith.constant 0 : i32
    %dma_start3A_451 = arith.constant 0 : i32
    %dma_start3A_452 = tpu.memref_slice %arg3[%dma_start3A_450, %dma_start3A_451] : memref<1000000x64xf32, #tpu.memory_space<hbm>> -> memref<1000000x64xf32, #tpu.memory_space<hbm>>
    %dma_start3A_453 = tpu.memref_slice %arg8[%dma_start3A_439] : memref<2x!tpu.dma_semaphore, #tpu.memory_space<semaphore_mem>> -> memref<1x!tpu.dma_semaphore, #tpu.memory_space<semaphore_mem>>
    %dma_start3A_454 = tpu.memref_squeeze %dma_start3A_453 : memref<1x!tpu.dma_semaphore, #tpu.memory_space<semaphore_mem>> -> memref<!tpu.dma_semaphore, #tpu.memory_space<semaphore_mem>>
    tpu.enqueue_indirect_dma source(%dma_start3A_452 : memref<1000000x64xf32, #tpu.memory_space<hbm>>) target(%dma_start3A_446 : memref<50x64xf32, #tpu.memory_space<vmem>>) offsets(%dma_start3A_449 : memref<50xi32, #tpu.memory_space<vmem>>) semaphore(%dma_start3A_454 : memref<!tpu.dma_semaphore, #tpu.memory_space<semaphore_mem>>)
    %dma_start3A_455 = arith.constant 1 : i32
    %dma_start3A_456 = arith.constant 4 : i32
    %dma_start3A_457 = arith.constant 1 : i32
    %dma_start3A_458 = arith.constant 1 : i32
    %dma_start3A_459 = arith.constant 0 : i32
    %dma_start3A_460 = arith.constant 0 : i32
    %dma_start3A_461 = tpu.memref_slice %arg6[%dma_start3A_457, %dma_start3A_459, %dma_start3A_460] : memref<2x800x64xf32, #tpu.memory_space<vmem>> -> memref<1x800x64xf32, #tpu.memory_space<vmem>>
    %dma_start3A_462 = tpu.memref_squeeze %dma_start3A_461 : memref<1x800x64xf32, #tpu.memory_space<vmem>> -> memref<800x64xf32, #tpu.memory_space<vmem>>
    %dma_start3A_463 = arith.constant 200 : i32
    %dma_start3A_464 = arith.constant 0 : i32
    %dma_start3A_465 = tpu.memref_slice %dma_start3A_462[%dma_start3A_463, %dma_start3A_464] : memref<800x64xf32, #tpu.memory_space<vmem>> -> memref<50x64xf32, #tpu.memory_space<vmem>>
    %dma_start3A_466 = arith.constant 0 : i32
    %dma_start3A_467 = tpu.memref_slice %arg5[%dma_start3A_455, %dma_start3A_456, %dma_start3A_466] : memref<2x16x50xi32, #tpu.memory_space<vmem>> -> memref<1x1x50xi32, #tpu.memory_space<vmem>>
    %dma_start3A_468 = tpu.memref_squeeze %dma_start3A_467 : memref<1x1x50xi32, #tpu.memory_space<vmem>> -> memref<50xi32, #tpu.memory_space<vmem>>
    %dma_start3A_469 = arith.constant 0 : i32
    %dma_start3A_470 = arith.constant 0 : i32
    %dma_start3A_471 = tpu.memref_slice %arg3[%dma_start3A_469, %dma_start3A_470] : memref<1000000x64xf32, #tpu.memory_space<hbm>> -> memref<1000000x64xf32, #tpu.memory_space<hbm>>
    %dma_start3A_472 = tpu.memref_slice %arg8[%dma_start3A_458] : memref<2x!tpu.dma_semaphore, #tpu.memory_space<semaphore_mem>> -> memref<1x!tpu.dma_semaphore, #tpu.memory_space<semaphore_mem>>
    %dma_start3A_473 = tpu.memref_squeeze %dma_start3A_472 : memref<1x!tpu.dma_semaphore, #tpu.memory_space<semaphore_mem>> -> memref<!tpu.dma_semaphore, #tpu.memory_space<semaphore_mem>>
    tpu.enqueue_indirect_dma source(%dma_start3A_471 : memref<1000000x64xf32, #tpu.memory_space<hbm>>) target(%dma_start3A_465 : memref<50x64xf32, #tpu.memory_space<vmem>>) offsets(%dma_start3A_468 : memref<50xi32, #tpu.memory_space<vmem>>) semaphore(%dma_start3A_473 : memref<!tpu.dma_semaphore, #tpu.memory_space<semaphore_mem>>)
    %dma_start3A_474 = arith.constant 1 : i32
    %dma_start3A_475 = arith.constant 5 : i32
    %dma_start3A_476 = arith.constant 1 : i32
    %dma_start3A_477 = arith.constant 1 : i32
    %dma_start3A_478 = arith.constant 0 : i32
    %dma_start3A_479 = arith.constant 0 : i32
    %dma_start3A_480 = tpu.memref_slice %arg6[%dma_start3A_476, %dma_start3A_478, %dma_start3A_479] : memref<2x800x64xf32, #tpu.memory_space<vmem>> -> memref<1x800x64xf32, #tpu.memory_space<vmem>>
    %dma_start3A_481 = tpu.memref_squeeze %dma_start3A_480 : memref<1x800x64xf32, #tpu.memory_space<vmem>> -> memref<800x64xf32, #tpu.memory_space<vmem>>
    %dma_start3A_482 = arith.constant 250 : i32
    %dma_start3A_483 = arith.constant 0 : i32
    %dma_start3A_484 = tpu.memref_slice %dma_start3A_481[%dma_start3A_482, %dma_start3A_483] : memref<800x64xf32, #tpu.memory_space<vmem>> -> memref<50x64xf32, #tpu.memory_space<vmem>>
    %dma_start3A_485 = arith.constant 0 : i32
    %dma_start3A_486 = tpu.memref_slice %arg5[%dma_start3A_474, %dma_start3A_475, %dma_start3A_485] : memref<2x16x50xi32, #tpu.memory_space<vmem>> -> memref<1x1x50xi32, #tpu.memory_space<vmem>>
    %dma_start3A_487 = tpu.memref_squeeze %dma_start3A_486 : memref<1x1x50xi32, #tpu.memory_space<vmem>> -> memref<50xi32, #tpu.memory_space<vmem>>
    %dma_start3A_488 = arith.constant 0 : i32
    %dma_start3A_489 = arith.constant 0 : i32
    %dma_start3A_490 = tpu.memref_slice %arg3[%dma_start3A_488, %dma_start3A_489] : memref<1000000x64xf32, #tpu.memory_space<hbm>> -> memref<1000000x64xf32, #tpu.memory_space<hbm>>
    %dma_start3A_491 = tpu.memref_slice %arg8[%dma_start3A_477] : memref<2x!tpu.dma_semaphore, #tpu.memory_space<semaphore_mem>> -> memref<1x!tpu.dma_semaphore, #tpu.memory_space<semaphore_mem>>
    %dma_start3A_492 = tpu.memref_squeeze %dma_start3A_491 : memref<1x!tpu.dma_semaphore, #tpu.memory_space<semaphore_mem>> -> memref<!tpu.dma_semaphore, #tpu.memory_space<semaphore_mem>>
    tpu.enqueue_indirect_dma source(%dma_start3A_490 : memref<1000000x64xf32, #tpu.memory_space<hbm>>) target(%dma_start3A_484 : memref<50x64xf32, #tpu.memory_space<vmem>>) offsets(%dma_start3A_487 : memref<50xi32, #tpu.memory_space<vmem>>) semaphore(%dma_start3A_492 : memref<!tpu.dma_semaphore, #tpu.memory_space<semaphore_mem>>)
    %dma_start3A_493 = arith.constant 1 : i32
    %dma_start3A_494 = arith.constant 6 : i32
    %dma_start3A_495 = arith.constant 1 : i32
    %dma_start3A_496 = arith.constant 1 : i32
    %dma_start3A_497 = arith.constant 0 : i32
    %dma_start3A_498 = arith.constant 0 : i32
    %dma_start3A_499 = tpu.memref_slice %arg6[%dma_start3A_495, %dma_start3A_497, %dma_start3A_498] : memref<2x800x64xf32, #tpu.memory_space<vmem>> -> memref<1x800x64xf32, #tpu.memory_space<vmem>>
    %dma_start3A_500 = tpu.memref_squeeze %dma_start3A_499 : memref<1x800x64xf32, #tpu.memory_space<vmem>> -> memref<800x64xf32, #tpu.memory_space<vmem>>
    %dma_start3A_501 = arith.constant 300 : i32
    %dma_start3A_502 = arith.constant 0 : i32
    %dma_start3A_503 = tpu.memref_slice %dma_start3A_500[%dma_start3A_501, %dma_start3A_502] : memref<800x64xf32, #tpu.memory_space<vmem>> -> memref<50x64xf32, #tpu.memory_space<vmem>>
    %dma_start3A_504 = arith.constant 0 : i32
    %dma_start3A_505 = tpu.memref_slice %arg5[%dma_start3A_493, %dma_start3A_494, %dma_start3A_504] : memref<2x16x50xi32, #tpu.memory_space<vmem>> -> memref<1x1x50xi32, #tpu.memory_space<vmem>>
    %dma_start3A_506 = tpu.memref_squeeze %dma_start3A_505 : memref<1x1x50xi32, #tpu.memory_space<vmem>> -> memref<50xi32, #tpu.memory_space<vmem>>
    %dma_start3A_507 = arith.constant 0 : i32
    %dma_start3A_508 = arith.constant 0 : i32
    %dma_start3A_509 = tpu.memref_slice %arg3[%dma_start3A_507, %dma_start3A_508] : memref<1000000x64xf32, #tpu.memory_space<hbm>> -> memref<1000000x64xf32, #tpu.memory_space<hbm>>
    %dma_start3A_510 = tpu.memref_slice %arg8[%dma_start3A_496] : memref<2x!tpu.dma_semaphore, #tpu.memory_space<semaphore_mem>> -> memref<1x!tpu.dma_semaphore, #tpu.memory_space<semaphore_mem>>
    %dma_start3A_511 = tpu.memref_squeeze %dma_start3A_510 : memref<1x!tpu.dma_semaphore, #tpu.memory_space<semaphore_mem>> -> memref<!tpu.dma_semaphore, #tpu.memory_space<semaphore_mem>>
    tpu.enqueue_indirect_dma source(%dma_start3A_509 : memref<1000000x64xf32, #tpu.memory_space<hbm>>) target(%dma_start3A_503 : memref<50x64xf32, #tpu.memory_space<vmem>>) offsets(%dma_start3A_506 : memref<50xi32, #tpu.memory_space<vmem>>) semaphore(%dma_start3A_511 : memref<!tpu.dma_semaphore, #tpu.memory_space<semaphore_mem>>)
    %dma_start3A_512 = arith.constant 1 : i32
    %dma_start3A_513 = arith.constant 7 : i32
    %dma_start3A_514 = arith.constant 1 : i32
    %dma_start3A_515 = arith.constant 1 : i32
    %dma_start3A_516 = arith.constant 0 : i32
    %dma_start3A_517 = arith.constant 0 : i32
    %dma_start3A_518 = tpu.memref_slice %arg6[%dma_start3A_514, %dma_start3A_516, %dma_start3A_517] : memref<2x800x64xf32, #tpu.memory_space<vmem>> -> memref<1x800x64xf32, #tpu.memory_space<vmem>>
    %dma_start3A_519 = tpu.memref_squeeze %dma_start3A_518 : memref<1x800x64xf32, #tpu.memory_space<vmem>> -> memref<800x64xf32, #tpu.memory_space<vmem>>
    %dma_start3A_520 = arith.constant 350 : i32
    %dma_start3A_521 = arith.constant 0 : i32
    %dma_start3A_522 = tpu.memref_slice %dma_start3A_519[%dma_start3A_520, %dma_start3A_521] : memref<800x64xf32, #tpu.memory_space<vmem>> -> memref<50x64xf32, #tpu.memory_space<vmem>>
    %dma_start3A_523 = arith.constant 0 : i32
    %dma_start3A_524 = tpu.memref_slice %arg5[%dma_start3A_512, %dma_start3A_513, %dma_start3A_523] : memref<2x16x50xi32, #tpu.memory_space<vmem>> -> memref<1x1x50xi32, #tpu.memory_space<vmem>>
    %dma_start3A_525 = tpu.memref_squeeze %dma_start3A_524 : memref<1x1x50xi32, #tpu.memory_space<vmem>> -> memref<50xi32, #tpu.memory_space<vmem>>
    %dma_start3A_526 = arith.constant 0 : i32
    %dma_start3A_527 = arith.constant 0 : i32
    %dma_start3A_528 = tpu.memref_slice %arg3[%dma_start3A_526, %dma_start3A_527] : memref<1000000x64xf32, #tpu.memory_space<hbm>> -> memref<1000000x64xf32, #tpu.memory_space<hbm>>
    %dma_start3A_529 = tpu.memref_slice %arg8[%dma_start3A_515] : memref<2x!tpu.dma_semaphore, #tpu.memory_space<semaphore_mem>> -> memref<1x!tpu.dma_semaphore, #tpu.memory_space<semaphore_mem>>
    %dma_start3A_530 = tpu.memref_squeeze %dma_start3A_529 : memref<1x!tpu.dma_semaphore, #tpu.memory_space<semaphore_mem>> -> memref<!tpu.dma_semaphore, #tpu.memory_space<semaphore_mem>>
    tpu.enqueue_indirect_dma source(%dma_start3A_528 : memref<1000000x64xf32, #tpu.memory_space<hbm>>) target(%dma_start3A_522 : memref<50x64xf32, #tpu.memory_space<vmem>>) offsets(%dma_start3A_525 : memref<50xi32, #tpu.memory_space<vmem>>) semaphore(%dma_start3A_530 : memref<!tpu.dma_semaphore, #tpu.memory_space<semaphore_mem>>)
    %dma_start3A_531 = arith.constant 1 : i32
    %dma_start3A_532 = arith.constant 8 : i32
    %dma_start3A_533 = arith.constant 1 : i32
    %dma_start3A_534 = arith.constant 1 : i32
    %dma_start3A_535 = arith.constant 0 : i32
    %dma_start3A_536 = arith.constant 0 : i32
    %dma_start3A_537 = tpu.memref_slice %arg6[%dma_start3A_533, %dma_start3A_535, %dma_start3A_536] : memref<2x800x64xf32, #tpu.memory_space<vmem>> -> memref<1x800x64xf32, #tpu.memory_space<vmem>>
    %dma_start3A_538 = tpu.memref_squeeze %dma_start3A_537 : memref<1x800x64xf32, #tpu.memory_space<vmem>> -> memref<800x64xf32, #tpu.memory_space<vmem>>
    %dma_start3A_539 = arith.constant 400 : i32
    %dma_start3A_540 = arith.constant 0 : i32
    %dma_start3A_541 = tpu.memref_slice %dma_start3A_538[%dma_start3A_539, %dma_start3A_540] : memref<800x64xf32, #tpu.memory_space<vmem>> -> memref<50x64xf32, #tpu.memory_space<vmem>>
    %dma_start3A_542 = arith.constant 0 : i32
    %dma_start3A_543 = tpu.memref_slice %arg5[%dma_start3A_531, %dma_start3A_532, %dma_start3A_542] : memref<2x16x50xi32, #tpu.memory_space<vmem>> -> memref<1x1x50xi32, #tpu.memory_space<vmem>>
    %dma_start3A_544 = tpu.memref_squeeze %dma_start3A_543 : memref<1x1x50xi32, #tpu.memory_space<vmem>> -> memref<50xi32, #tpu.memory_space<vmem>>
    %dma_start3A_545 = arith.constant 0 : i32
    %dma_start3A_546 = arith.constant 0 : i32
    %dma_start3A_547 = tpu.memref_slice %arg3[%dma_start3A_545, %dma_start3A_546] : memref<1000000x64xf32, #tpu.memory_space<hbm>> -> memref<1000000x64xf32, #tpu.memory_space<hbm>>
    %dma_start3A_548 = tpu.memref_slice %arg8[%dma_start3A_534] : memref<2x!tpu.dma_semaphore, #tpu.memory_space<semaphore_mem>> -> memref<1x!tpu.dma_semaphore, #tpu.memory_space<semaphore_mem>>
    %dma_start3A_549 = tpu.memref_squeeze %dma_start3A_548 : memref<1x!tpu.dma_semaphore, #tpu.memory_space<semaphore_mem>> -> memref<!tpu.dma_semaphore, #tpu.memory_space<semaphore_mem>>
    tpu.enqueue_indirect_dma source(%dma_start3A_547 : memref<1000000x64xf32, #tpu.memory_space<hbm>>) target(%dma_start3A_541 : memref<50x64xf32, #tpu.memory_space<vmem>>) offsets(%dma_start3A_544 : memref<50xi32, #tpu.memory_space<vmem>>) semaphore(%dma_start3A_549 : memref<!tpu.dma_semaphore, #tpu.memory_space<semaphore_mem>>)
    %dma_start3A_550 = arith.constant 1 : i32
    %dma_start3A_551 = arith.constant 9 : i32
    %dma_start3A_552 = arith.constant 1 : i32
    %dma_start3A_553 = arith.constant 1 : i32
    %dma_start3A_554 = arith.constant 0 : i32
    %dma_start3A_555 = arith.constant 0 : i32
    %dma_start3A_556 = tpu.memref_slice %arg6[%dma_start3A_552, %dma_start3A_554, %dma_start3A_555] : memref<2x800x64xf32, #tpu.memory_space<vmem>> -> memref<1x800x64xf32, #tpu.memory_space<vmem>>
    %dma_start3A_557 = tpu.memref_squeeze %dma_start3A_556 : memref<1x800x64xf32, #tpu.memory_space<vmem>> -> memref<800x64xf32, #tpu.memory_space<vmem>>
    %dma_start3A_558 = arith.constant 450 : i32
    %dma_start3A_559 = arith.constant 0 : i32
    %dma_start3A_560 = tpu.memref_slice %dma_start3A_557[%dma_start3A_558, %dma_start3A_559] : memref<800x64xf32, #tpu.memory_space<vmem>> -> memref<50x64xf32, #tpu.memory_space<vmem>>
    %dma_start3A_561 = arith.constant 0 : i32
    %dma_start3A_562 = tpu.memref_slice %arg5[%dma_start3A_550, %dma_start3A_551, %dma_start3A_561] : memref<2x16x50xi32, #tpu.memory_space<vmem>> -> memref<1x1x50xi32, #tpu.memory_space<vmem>>
    %dma_start3A_563 = tpu.memref_squeeze %dma_start3A_562 : memref<1x1x50xi32, #tpu.memory_space<vmem>> -> memref<50xi32, #tpu.memory_space<vmem>>
    %dma_start3A_564 = arith.constant 0 : i32
    %dma_start3A_565 = arith.constant 0 : i32
    %dma_start3A_566 = tpu.memref_slice %arg3[%dma_start3A_564, %dma_start3A_565] : memref<1000000x64xf32, #tpu.memory_space<hbm>> -> memref<1000000x64xf32, #tpu.memory_space<hbm>>
    %dma_start3A_567 = tpu.memref_slice %arg8[%dma_start3A_553] : memref<2x!tpu.dma_semaphore, #tpu.memory_space<semaphore_mem>> -> memref<1x!tpu.dma_semaphore, #tpu.memory_space<semaphore_mem>>
    %dma_start3A_568 = tpu.memref_squeeze %dma_start3A_567 : memref<1x!tpu.dma_semaphore, #tpu.memory_space<semaphore_mem>> -> memref<!tpu.dma_semaphore, #tpu.memory_space<semaphore_mem>>
    tpu.enqueue_indirect_dma source(%dma_start3A_566 : memref<1000000x64xf32, #tpu.memory_space<hbm>>) target(%dma_start3A_560 : memref<50x64xf32, #tpu.memory_space<vmem>>) offsets(%dma_start3A_563 : memref<50xi32, #tpu.memory_space<vmem>>) semaphore(%dma_start3A_568 : memref<!tpu.dma_semaphore, #tpu.memory_space<semaphore_mem>>)
    %dma_start3A_569 = arith.constant 1 : i32
    %dma_start3A_570 = arith.constant 10 : i32
    %dma_start3A_571 = arith.constant 1 : i32
    %dma_start3A_572 = arith.constant 1 : i32
    %dma_start3A_573 = arith.constant 0 : i32
    %dma_start3A_574 = arith.constant 0 : i32
    %dma_start3A_575 = tpu.memref_slice %arg6[%dma_start3A_571, %dma_start3A_573, %dma_start3A_574] : memref<2x800x64xf32, #tpu.memory_space<vmem>> -> memref<1x800x64xf32, #tpu.memory_space<vmem>>
    %dma_start3A_576 = tpu.memref_squeeze %dma_start3A_575 : memref<1x800x64xf32, #tpu.memory_space<vmem>> -> memref<800x64xf32, #tpu.memory_space<vmem>>
    %dma_start3A_577 = arith.constant 500 : i32
    %dma_start3A_578 = arith.constant 0 : i32
    %dma_start3A_579 = tpu.memref_slice %dma_start3A_576[%dma_start3A_577, %dma_start3A_578] : memref<800x64xf32, #tpu.memory_space<vmem>> -> memref<50x64xf32, #tpu.memory_space<vmem>>
    %dma_start3A_580 = arith.constant 0 : i32
    %dma_start3A_581 = tpu.memref_slice %arg5[%dma_start3A_569, %dma_start3A_570, %dma_start3A_580] : memref<2x16x50xi32, #tpu.memory_space<vmem>> -> memref<1x1x50xi32, #tpu.memory_space<vmem>>
    %dma_start3A_582 = tpu.memref_squeeze %dma_start3A_581 : memref<1x1x50xi32, #tpu.memory_space<vmem>> -> memref<50xi32, #tpu.memory_space<vmem>>
    %dma_start3A_583 = arith.constant 0 : i32
    %dma_start3A_584 = arith.constant 0 : i32
    %dma_start3A_585 = tpu.memref_slice %arg3[%dma_start3A_583, %dma_start3A_584] : memref<1000000x64xf32, #tpu.memory_space<hbm>> -> memref<1000000x64xf32, #tpu.memory_space<hbm>>
    %dma_start3A_586 = tpu.memref_slice %arg8[%dma_start3A_572] : memref<2x!tpu.dma_semaphore, #tpu.memory_space<semaphore_mem>> -> memref<1x!tpu.dma_semaphore, #tpu.memory_space<semaphore_mem>>
    %dma_start3A_587 = tpu.memref_squeeze %dma_start3A_586 : memref<1x!tpu.dma_semaphore, #tpu.memory_space<semaphore_mem>> -> memref<!tpu.dma_semaphore, #tpu.memory_space<semaphore_mem>>
    tpu.enqueue_indirect_dma source(%dma_start3A_585 : memref<1000000x64xf32, #tpu.memory_space<hbm>>) target(%dma_start3A_579 : memref<50x64xf32, #tpu.memory_space<vmem>>) offsets(%dma_start3A_582 : memref<50xi32, #tpu.memory_space<vmem>>) semaphore(%dma_start3A_587 : memref<!tpu.dma_semaphore, #tpu.memory_space<semaphore_mem>>)
    %dma_start3A_588 = arith.constant 1 : i32
    %dma_start3A_589 = arith.constant 11 : i32
    %dma_start3A_590 = arith.constant 1 : i32
    %dma_start3A_591 = arith.constant 1 : i32
    %dma_start3A_592 = arith.constant 0 : i32
    %dma_start3A_593 = arith.constant 0 : i32
    %dma_start3A_594 = tpu.memref_slice %arg6[%dma_start3A_590, %dma_start3A_592, %dma_start3A_593] : memref<2x800x64xf32, #tpu.memory_space<vmem>> -> memref<1x800x64xf32, #tpu.memory_space<vmem>>
    %dma_start3A_595 = tpu.memref_squeeze %dma_start3A_594 : memref<1x800x64xf32, #tpu.memory_space<vmem>> -> memref<800x64xf32, #tpu.memory_space<vmem>>
    %dma_start3A_596 = arith.constant 550 : i32
    %dma_start3A_597 = arith.constant 0 : i32
    %dma_start3A_598 = tpu.memref_slice %dma_start3A_595[%dma_start3A_596, %dma_start3A_597] : memref<800x64xf32, #tpu.memory_space<vmem>> -> memref<50x64xf32, #tpu.memory_space<vmem>>
    %dma_start3A_599 = arith.constant 0 : i32
    %dma_start3A_600 = tpu.memref_slice %arg5[%dma_start3A_588, %dma_start3A_589, %dma_start3A_599] : memref<2x16x50xi32, #tpu.memory_space<vmem>> -> memref<1x1x50xi32, #tpu.memory_space<vmem>>
    %dma_start3A_601 = tpu.memref_squeeze %dma_start3A_600 : memref<1x1x50xi32, #tpu.memory_space<vmem>> -> memref<50xi32, #tpu.memory_space<vmem>>
    %dma_start3A_602 = arith.constant 0 : i32
    %dma_start3A_603 = arith.constant 0 : i32
    %dma_start3A_604 = tpu.memref_slice %arg3[%dma_start3A_602, %dma_start3A_603] : memref<1000000x64xf32, #tpu.memory_space<hbm>> -> memref<1000000x64xf32, #tpu.memory_space<hbm>>
    %dma_start3A_605 = tpu.memref_slice %arg8[%dma_start3A_591] : memref<2x!tpu.dma_semaphore, #tpu.memory_space<semaphore_mem>> -> memref<1x!tpu.dma_semaphore, #tpu.memory_space<semaphore_mem>>
    %dma_start3A_606 = tpu.memref_squeeze %dma_start3A_605 : memref<1x!tpu.dma_semaphore, #tpu.memory_space<semaphore_mem>> -> memref<!tpu.dma_semaphore, #tpu.memory_space<semaphore_mem>>
    tpu.enqueue_indirect_dma source(%dma_start3A_604 : memref<1000000x64xf32, #tpu.memory_space<hbm>>) target(%dma_start3A_598 : memref<50x64xf32, #tpu.memory_space<vmem>>) offsets(%dma_start3A_601 : memref<50xi32, #tpu.memory_space<vmem>>) semaphore(%dma_start3A_606 : memref<!tpu.dma_semaphore, #tpu.memory_space<semaphore_mem>>)
    %dma_start3A_607 = arith.constant 1 : i32
    %dma_start3A_608 = arith.constant 12 : i32
    %dma_start3A_609 = arith.constant 1 : i32
    %dma_start3A_610 = arith.constant 1 : i32
    %dma_start3A_611 = arith.constant 0 : i32
    %dma_start3A_612 = arith.constant 0 : i32
    %dma_start3A_613 = tpu.memref_slice %arg6[%dma_start3A_609, %dma_start3A_611, %dma_start3A_612] : memref<2x800x64xf32, #tpu.memory_space<vmem>> -> memref<1x800x64xf32, #tpu.memory_space<vmem>>
    %dma_start3A_614 = tpu.memref_squeeze %dma_start3A_613 : memref<1x800x64xf32, #tpu.memory_space<vmem>> -> memref<800x64xf32, #tpu.memory_space<vmem>>
    %dma_start3A_615 = arith.constant 600 : i32
    %dma_start3A_616 = arith.constant 0 : i32
    %dma_start3A_617 = tpu.memref_slice %dma_start3A_614[%dma_start3A_615, %dma_start3A_616] : memref<800x64xf32, #tpu.memory_space<vmem>> -> memref<50x64xf32, #tpu.memory_space<vmem>>
    %dma_start3A_618 = arith.constant 0 : i32
    %dma_start3A_619 = tpu.memref_slice %arg5[%dma_start3A_607, %dma_start3A_608, %dma_start3A_618] : memref<2x16x50xi32, #tpu.memory_space<vmem>> -> memref<1x1x50xi32, #tpu.memory_space<vmem>>
    %dma_start3A_620 = tpu.memref_squeeze %dma_start3A_619 : memref<1x1x50xi32, #tpu.memory_space<vmem>> -> memref<50xi32, #tpu.memory_space<vmem>>
    %dma_start3A_621 = arith.constant 0 : i32
    %dma_start3A_622 = arith.constant 0 : i32
    %dma_start3A_623 = tpu.memref_slice %arg3[%dma_start3A_621, %dma_start3A_622] : memref<1000000x64xf32, #tpu.memory_space<hbm>> -> memref<1000000x64xf32, #tpu.memory_space<hbm>>
    %dma_start3A_624 = tpu.memref_slice %arg8[%dma_start3A_610] : memref<2x!tpu.dma_semaphore, #tpu.memory_space<semaphore_mem>> -> memref<1x!tpu.dma_semaphore, #tpu.memory_space<semaphore_mem>>
    %dma_start3A_625 = tpu.memref_squeeze %dma_start3A_624 : memref<1x!tpu.dma_semaphore, #tpu.memory_space<semaphore_mem>> -> memref<!tpu.dma_semaphore, #tpu.memory_space<semaphore_mem>>
    tpu.enqueue_indirect_dma source(%dma_start3A_623 : memref<1000000x64xf32, #tpu.memory_space<hbm>>) target(%dma_start3A_617 : memref<50x64xf32, #tpu.memory_space<vmem>>) offsets(%dma_start3A_620 : memref<50xi32, #tpu.memory_space<vmem>>) semaphore(%dma_start3A_625 : memref<!tpu.dma_semaphore, #tpu.memory_space<semaphore_mem>>)
    %dma_start3A_626 = arith.constant 1 : i32
    %dma_start3A_627 = arith.constant 13 : i32
    %dma_start3A_628 = arith.constant 1 : i32
    %dma_start3A_629 = arith.constant 1 : i32
    %dma_start3A_630 = arith.constant 0 : i32
    %dma_start3A_631 = arith.constant 0 : i32
    %dma_start3A_632 = tpu.memref_slice %arg6[%dma_start3A_628, %dma_start3A_630, %dma_start3A_631] : memref<2x800x64xf32, #tpu.memory_space<vmem>> -> memref<1x800x64xf32, #tpu.memory_space<vmem>>
    %dma_start3A_633 = tpu.memref_squeeze %dma_start3A_632 : memref<1x800x64xf32, #tpu.memory_space<vmem>> -> memref<800x64xf32, #tpu.memory_space<vmem>>
    %dma_start3A_634 = arith.constant 650 : i32
    %dma_start3A_635 = arith.constant 0 : i32
    %dma_start3A_636 = tpu.memref_slice %dma_start3A_633[%dma_start3A_634, %dma_start3A_635] : memref<800x64xf32, #tpu.memory_space<vmem>> -> memref<50x64xf32, #tpu.memory_space<vmem>>
    %dma_start3A_637 = arith.constant 0 : i32
    %dma_start3A_638 = tpu.memref_slice %arg5[%dma_start3A_626, %dma_start3A_627, %dma_start3A_637] : memref<2x16x50xi32, #tpu.memory_space<vmem>> -> memref<1x1x50xi32, #tpu.memory_space<vmem>>
    %dma_start3A_639 = tpu.memref_squeeze %dma_start3A_638 : memref<1x1x50xi32, #tpu.memory_space<vmem>> -> memref<50xi32, #tpu.memory_space<vmem>>
    %dma_start3A_640 = arith.constant 0 : i32
    %dma_start3A_641 = arith.constant 0 : i32
    %dma_start3A_642 = tpu.memref_slice %arg3[%dma_start3A_640, %dma_start3A_641] : memref<1000000x64xf32, #tpu.memory_space<hbm>> -> memref<1000000x64xf32, #tpu.memory_space<hbm>>
    %dma_start3A_643 = tpu.memref_slice %arg8[%dma_start3A_629] : memref<2x!tpu.dma_semaphore, #tpu.memory_space<semaphore_mem>> -> memref<1x!tpu.dma_semaphore, #tpu.memory_space<semaphore_mem>>
    %dma_start3A_644 = tpu.memref_squeeze %dma_start3A_643 : memref<1x!tpu.dma_semaphore, #tpu.memory_space<semaphore_mem>> -> memref<!tpu.dma_semaphore, #tpu.memory_space<semaphore_mem>>
    tpu.enqueue_indirect_dma source(%dma_start3A_642 : memref<1000000x64xf32, #tpu.memory_space<hbm>>) target(%dma_start3A_636 : memref<50x64xf32, #tpu.memory_space<vmem>>) offsets(%dma_start3A_639 : memref<50xi32, #tpu.memory_space<vmem>>) semaphore(%dma_start3A_644 : memref<!tpu.dma_semaphore, #tpu.memory_space<semaphore_mem>>)
    %dma_start3A_645 = arith.constant 1 : i32
    %dma_start3A_646 = arith.constant 14 : i32
    %dma_start3A_647 = arith.constant 1 : i32
    %dma_start3A_648 = arith.constant 1 : i32
    %dma_start3A_649 = arith.constant 0 : i32
    %dma_start3A_650 = arith.constant 0 : i32
    %dma_start3A_651 = tpu.memref_slice %arg6[%dma_start3A_647, %dma_start3A_649, %dma_start3A_650] : memref<2x800x64xf32, #tpu.memory_space<vmem>> -> memref<1x800x64xf32, #tpu.memory_space<vmem>>
    %dma_start3A_652 = tpu.memref_squeeze %dma_start3A_651 : memref<1x800x64xf32, #tpu.memory_space<vmem>> -> memref<800x64xf32, #tpu.memory_space<vmem>>
    %dma_start3A_653 = arith.constant 700 : i32
    %dma_start3A_654 = arith.constant 0 : i32
    %dma_start3A_655 = tpu.memref_slice %dma_start3A_652[%dma_start3A_653, %dma_start3A_654] : memref<800x64xf32, #tpu.memory_space<vmem>> -> memref<50x64xf32, #tpu.memory_space<vmem>>
    %dma_start3A_656 = arith.constant 0 : i32
    %dma_start3A_657 = tpu.memref_slice %arg5[%dma_start3A_645, %dma_start3A_646, %dma_start3A_656] : memref<2x16x50xi32, #tpu.memory_space<vmem>> -> memref<1x1x50xi32, #tpu.memory_space<vmem>>
    %dma_start3A_658 = tpu.memref_squeeze %dma_start3A_657 : memref<1x1x50xi32, #tpu.memory_space<vmem>> -> memref<50xi32, #tpu.memory_space<vmem>>
    %dma_start3A_659 = arith.constant 0 : i32
    %dma_start3A_660 = arith.constant 0 : i32
    %dma_start3A_661 = tpu.memref_slice %arg3[%dma_start3A_659, %dma_start3A_660] : memref<1000000x64xf32, #tpu.memory_space<hbm>> -> memref<1000000x64xf32, #tpu.memory_space<hbm>>
    %dma_start3A_662 = tpu.memref_slice %arg8[%dma_start3A_648] : memref<2x!tpu.dma_semaphore, #tpu.memory_space<semaphore_mem>> -> memref<1x!tpu.dma_semaphore, #tpu.memory_space<semaphore_mem>>
    %dma_start3A_663 = tpu.memref_squeeze %dma_start3A_662 : memref<1x!tpu.dma_semaphore, #tpu.memory_space<semaphore_mem>> -> memref<!tpu.dma_semaphore, #tpu.memory_space<semaphore_mem>>
    tpu.enqueue_indirect_dma source(%dma_start3A_661 : memref<1000000x64xf32, #tpu.memory_space<hbm>>) target(%dma_start3A_655 : memref<50x64xf32, #tpu.memory_space<vmem>>) offsets(%dma_start3A_658 : memref<50xi32, #tpu.memory_space<vmem>>) semaphore(%dma_start3A_663 : memref<!tpu.dma_semaphore, #tpu.memory_space<semaphore_mem>>)
    %dma_start3A_664 = arith.constant 1 : i32
    %dma_start3A_665 = arith.constant 15 : i32
    %dma_start3A_666 = arith.constant 1 : i32
    %dma_start3A_667 = arith.constant 1 : i32
    %dma_start3A_668 = arith.constant 0 : i32
    %dma_start3A_669 = arith.constant 0 : i32
    %dma_start3A_670 = tpu.memref_slice %arg6[%dma_start3A_666, %dma_start3A_668, %dma_start3A_669] : memref<2x800x64xf32, #tpu.memory_space<vmem>> -> memref<1x800x64xf32, #tpu.memory_space<vmem>>
    %dma_start3A_671 = tpu.memref_squeeze %dma_start3A_670 : memref<1x800x64xf32, #tpu.memory_space<vmem>> -> memref<800x64xf32, #tpu.memory_space<vmem>>
    %dma_start3A_672 = arith.constant 750 : i32
    %dma_start3A_673 = arith.constant 0 : i32
    %dma_start3A_674 = tpu.memref_slice %dma_start3A_671[%dma_start3A_672, %dma_start3A_673] : memref<800x64xf32, #tpu.memory_space<vmem>> -> memref<50x64xf32, #tpu.memory_space<vmem>>
    %dma_start3A_675 = arith.constant 0 : i32
    %dma_start3A_676 = tpu.memref_slice %arg5[%dma_start3A_664, %dma_start3A_665, %dma_start3A_675] : memref<2x16x50xi32, #tpu.memory_space<vmem>> -> memref<1x1x50xi32, #tpu.memory_space<vmem>>
    %dma_start3A_677 = tpu.memref_squeeze %dma_start3A_676 : memref<1x1x50xi32, #tpu.memory_space<vmem>> -> memref<50xi32, #tpu.memory_space<vmem>>
    %dma_start3A_678 = arith.constant 0 : i32
    %dma_start3A_679 = arith.constant 0 : i32
    %dma_start3A_680 = tpu.memref_slice %arg3[%dma_start3A_678, %dma_start3A_679] : memref<1000000x64xf32, #tpu.memory_space<hbm>> -> memref<1000000x64xf32, #tpu.memory_space<hbm>>
    %dma_start3A_681 = tpu.memref_slice %arg8[%dma_start3A_667] : memref<2x!tpu.dma_semaphore, #tpu.memory_space<semaphore_mem>> -> memref<1x!tpu.dma_semaphore, #tpu.memory_space<semaphore_mem>>
    %dma_start3A_682 = tpu.memref_squeeze %dma_start3A_681 : memref<1x!tpu.dma_semaphore, #tpu.memory_space<semaphore_mem>> -> memref<!tpu.dma_semaphore, #tpu.memory_space<semaphore_mem>>
    tpu.enqueue_indirect_dma source(%dma_start3A_680 : memref<1000000x64xf32, #tpu.memory_space<hbm>>) target(%dma_start3A_674 : memref<50x64xf32, #tpu.memory_space<vmem>>) offsets(%dma_start3A_677 : memref<50xi32, #tpu.memory_space<vmem>>) semaphore(%dma_start3A_682 : memref<!tpu.dma_semaphore, #tpu.memory_space<semaphore_mem>>)
    %scan3A = arith.constant 0 : i32
    %scan3A_683 = arith.constant 0 : i32
    %scan3A_684 = arith.constant 16 : i32
    %scan3A_685 = arith.addi %scan3A_683, %scan3A_684 : i32
    %scan3A_686 = arith.constant 1 : i32
    scf.for %scan3A_724 = %scan3A_683 to %scan3A_685 step %scan3A_686  : i32 {
      %mul3A_725 = arith.constant 2 : i32
      %mul3A_726 = arith.muli %mul3A_725, %scan3A_724 : i32
      %ge3A = arith.constant 2 : i32
      %ge3A_727 = arith.cmpi sge, %mul3A_726, %ge3A : i32
      %convert_element_type3A = arith.extui %ge3A_727 : i1 to i32
      %cond3A = arith.constant 0 : i32
      %cond3A_728 = arith.cmpi ne, %convert_element_type3A, %cond3A : i32
      scf.if %cond3A_728 {
        %dma_wait3A_851 = arith.constant 0 : i32
        %dma_wait3A_852 = arith.constant 0 : i32
        %dma_wait3A_853 = arith.constant 0 : i32
        %dma_wait3A_854 = arith.constant 0 : i32
        %dma_wait3A_855 = tpu.memref_slice %arg7[%dma_wait3A_851, %dma_wait3A_853, %dma_wait3A_854] : memref<2x16x64xf32, #tpu.memory_space<vmem>> -> memref<1x16x64xf32, #tpu.memory_space<vmem>>
        %dma_wait3A_856 = tpu.memref_squeeze %dma_wait3A_855 : memref<1x16x64xf32, #tpu.memory_space<vmem>> -> memref<16x64xf32, #tpu.memory_space<vmem>>
        %dma_wait3A_857 = arith.constant 0 : i32
        %dma_wait3A_858 = arith.constant 0 : i32
        %dma_wait3A_859 = tpu.memref_slice %arg4[%dma_wait3A_857, %dma_wait3A_858] : memref<16384x64xf32, #tpu.memory_space<hbm>> -> memref<16x64xf32, #tpu.memory_space<hbm>>
        %dma_wait3A_860 = tpu.memref_slice %arg9[%dma_wait3A_852] : memref<2x!tpu.dma_semaphore, #tpu.memory_space<semaphore_mem>> -> memref<1x!tpu.dma_semaphore, #tpu.memory_space<semaphore_mem>>
        %dma_wait3A_861 = tpu.memref_squeeze %dma_wait3A_860 : memref<1x!tpu.dma_semaphore, #tpu.memory_space<semaphore_mem>> -> memref<!tpu.dma_semaphore, #tpu.memory_space<semaphore_mem>>
        %dma_wait3A_862 = arith.constant 0 : i32
        %dma_wait3A_863 = arith.constant 0 : i32
        %dma_wait3A_864 = tpu.memref_slice %arg4[%dma_wait3A_862, %dma_wait3A_863] : memref<16384x64xf32, #tpu.memory_space<hbm>> -> memref<16x64xf32, #tpu.memory_space<hbm>>
        %dma_wait3A_865 = arith.constant 0 : i32
        %dma_wait3A_866 = arith.constant 0 : i32
        %dma_wait3A_867 = tpu.memref_slice %arg7[%dma_wait3A_851, %dma_wait3A_865, %dma_wait3A_866] : memref<2x16x64xf32, #tpu.memory_space<vmem>> -> memref<1x16x64xf32, #tpu.memory_space<vmem>>
        %dma_wait3A_868 = tpu.memref_squeeze %dma_wait3A_867 : memref<1x16x64xf32, #tpu.memory_space<vmem>> -> memref<16x64xf32, #tpu.memory_space<vmem>>
        tpu.wait_dma2 semaphore(%dma_wait3A_861 : memref<!tpu.dma_semaphore, #tpu.memory_space<semaphore_mem>>) src(%dma_wait3A_868 : memref<16x64xf32, #tpu.memory_space<vmem>>) dst(%dma_wait3A_864 : memref<16x64xf32, #tpu.memory_space<hbm>>)
      } else {
      }
      %dma_wait3A_729 = arith.constant 0 : i32
      %dma_wait3A_730 = arith.constant 0 : i32
      %dma_wait3A_731 = arith.constant 0 : i32
      %dma_wait3A_732 = arith.constant 0 : i32
      %dma_wait3A_733 = tpu.memref_slice %arg6[%dma_wait3A_729, %dma_wait3A_731, %dma_wait3A_732] : memref<2x800x64xf32, #tpu.memory_space<vmem>> -> memref<1x800x64xf32, #tpu.memory_space<vmem>>
      %dma_wait3A_734 = tpu.memref_squeeze %dma_wait3A_733 : memref<1x800x64xf32, #tpu.memory_space<vmem>> -> memref<800x64xf32, #tpu.memory_space<vmem>>
      %dma_wait3A_735 = arith.constant 0 : i32
      %dma_wait3A_736 = arith.constant 0 : i32
      %dma_wait3A_737 = tpu.memref_slice %arg3[%dma_wait3A_735, %dma_wait3A_736] : memref<1000000x64xf32, #tpu.memory_space<hbm>> -> memref<800x64xf32, #tpu.memory_space<hbm>>
      %dma_wait3A_738 = tpu.memref_slice %arg8[%dma_wait3A_730] : memref<2x!tpu.dma_semaphore, #tpu.memory_space<semaphore_mem>> -> memref<1x!tpu.dma_semaphore, #tpu.memory_space<semaphore_mem>>
      %dma_wait3A_739 = tpu.memref_squeeze %dma_wait3A_738 : memref<1x!tpu.dma_semaphore, #tpu.memory_space<semaphore_mem>> -> memref<!tpu.dma_semaphore, #tpu.memory_space<semaphore_mem>>
      %dma_wait3A_740 = arith.constant 0 : i32
      %dma_wait3A_741 = arith.constant 0 : i32
      %dma_wait3A_742 = tpu.memref_slice %arg6[%dma_wait3A_729, %dma_wait3A_740, %dma_wait3A_741] : memref<2x800x64xf32, #tpu.memory_space<vmem>> -> memref<1x800x64xf32, #tpu.memory_space<vmem>>
      %dma_wait3A_743 = tpu.memref_squeeze %dma_wait3A_742 : memref<1x800x64xf32, #tpu.memory_space<vmem>> -> memref<800x64xf32, #tpu.memory_space<vmem>>
      %dma_wait3A_744 = arith.constant 0 : i32
      %dma_wait3A_745 = arith.constant 0 : i32
      %dma_wait3A_746 = tpu.memref_slice %arg3[%dma_wait3A_744, %dma_wait3A_745] : memref<1000000x64xf32, #tpu.memory_space<hbm>> -> memref<800x64xf32, #tpu.memory_space<hbm>>
      tpu.wait_dma2 semaphore(%dma_wait3A_739 : memref<!tpu.dma_semaphore, #tpu.memory_space<semaphore_mem>>) src(%dma_wait3A_746 : memref<800x64xf32, #tpu.memory_space<hbm>>) dst(%dma_wait3A_743 : memref<800x64xf32, #tpu.memory_space<vmem>>)
      %add3A_747 = arith.constant 2 : i32
      %add3A_748 = arith.addi %mul3A_726, %add3A_747 : i32
      %lt3A = arith.constant 32 : i32
      %lt3A_749 = arith.cmpi slt, %add3A_748, %lt3A : i32
      %convert_element_type3A_750 = arith.extui %lt3A_749 : i1 to i32
      %cond3A_751 = arith.constant 0 : i32
      %cond3A_752 = arith.cmpi ne, %convert_element_type3A_750, %cond3A_751 : i32
      scf.if %cond3A_752 {
        %add3A_851 = arith.constant 2 : i32
        %add3A_852 = arith.addi %mul3A_726, %add3A_851 : i32
        %mul3A_853 = arith.constant 16 : i32
        %mul3A_854 = arith.muli %add3A_852, %mul3A_853 : i32
        %add3A_855 = arith.addi %mul3A_2, %mul3A_854 : i32
        %dma_start3A_856 = arith.constant 0 : i32
        %dma_start3A_857 = arith.constant 0 : i32
        %dma_start3A_858 = arith.constant 0 : i32
        %dma_start3A_859 = arith.constant 0 : i32
        %dma_start3A_860 = tpu.memref_slice %arg5[%dma_start3A_856, %dma_start3A_858, %dma_start3A_859] : memref<2x16x50xi32, #tpu.memory_space<vmem>> -> memref<1x16x50xi32, #tpu.memory_space<vmem>>
        %dma_start3A_861 = tpu.memref_squeeze %dma_start3A_860 : memref<1x16x50xi32, #tpu.memory_space<vmem>> -> memref<16x50xi32, #tpu.memory_space<vmem>>
        %dma_start3A_862 = arith.constant 0 : i32
        %dma_start3A_863 = tpu.memref_slice %arg2[%add3A_855, %dma_start3A_862] : memref<16384x50xi32, #tpu.memory_space<hbm>> -> memref<16x50xi32, #tpu.memory_space<hbm>>
        %dma_start3A_864 = tpu.memref_slice %arg10[%dma_start3A_857] : memref<2x!tpu.dma_semaphore, #tpu.memory_space<semaphore_mem>> -> memref<1x!tpu.dma_semaphore, #tpu.memory_space<semaphore_mem>>
        %dma_start3A_865 = tpu.memref_squeeze %dma_start3A_864 : memref<1x!tpu.dma_semaphore, #tpu.memory_space<semaphore_mem>> -> memref<!tpu.dma_semaphore, #tpu.memory_space<semaphore_mem>>
        %dma_start3A_866 = arith.constant 0 : i32
        %dma_start3A_867 = arith.constant 0 : i32
        %dma_start3A_868 = tpu.memref_slice %arg5[%dma_start3A_856, %dma_start3A_866, %dma_start3A_867] : memref<2x16x50xi32, #tpu.memory_space<vmem>> -> memref<1x16x50xi32, #tpu.memory_space<vmem>>
        %dma_start3A_869 = tpu.memref_squeeze %dma_start3A_868 : memref<1x16x50xi32, #tpu.memory_space<vmem>> -> memref<16x50xi32, #tpu.memory_space<vmem>>
        %dma_start3A_870 = arith.constant 0 : i32
        %dma_start3A_871 = tpu.memref_slice %arg2[%add3A_855, %dma_start3A_870] : memref<16384x50xi32, #tpu.memory_space<hbm>> -> memref<16x50xi32, #tpu.memory_space<hbm>>
        tpu.enqueue_dma source(%dma_start3A_871 : memref<16x50xi32, #tpu.memory_space<hbm>>) target(%dma_start3A_869 : memref<16x50xi32, #tpu.memory_space<vmem>>) target_semaphore(%dma_start3A_865 : memref<!tpu.dma_semaphore, #tpu.memory_space<semaphore_mem>>)
      } else {
      }
      %scan3A_753 = arith.constant 0 : i32
      %scan3A_754 = arith.constant 0 : i32
      %scan3A_755 = arith.constant 16 : i32
      %scan3A_756 = arith.addi %scan3A_754, %scan3A_755 : i32
      %scan3A_757 = arith.constant 1 : i32
      scf.for %scan3A_851 = %scan3A_754 to %scan3A_756 step %scan3A_757  : i32 {
        %mul3A_852 = arith.constant 50 : i32
        %mul3A_853 = arith.muli %scan3A_851, %mul3A_852 : i32
        %get3A = arith.constant 0 : i32
        %get3A_854 = arith.index_cast %get3A : i32 to index
        %get3A_855 = arith.index_cast %mul3A_853 : i32 to index
        %get3A_856 = arith.constant 0 : index
        %get3A_857 = tpu.vector_load %arg6[%get3A_854, %get3A_855, %get3A_856] {strides = array<i32>} : memref<2x800x64xf32, #tpu.memory_space<vmem>>, vector<1x1x16xf32>,
        %get3A_858 = vector.shape_cast %get3A_857 : vector<1x1x16xf32> to vector<16xf32>
        %get3A_859 = arith.constant 0 : i32
        %get3A_860 = arith.index_cast %get3A_859 : i32 to index
        %get3A_861 = arith.index_cast %mul3A_853 : i32 to index
        %get3A_862 = arith.constant 16 : index
        %get3A_863 = tpu.vector_load %arg6[%get3A_860, %get3A_861, %get3A_862] {strides = array<i32>} : memref<2x800x64xf32, #tpu.memory_space<vmem>>, vector<1x1x16xf32>,
        %get3A_864 = vector.shape_cast %get3A_863 : vector<1x1x16xf32> to vector<16xf32>
        %get3A_865 = arith.constant 0 : i32
        %get3A_866 = arith.index_cast %get3A_865 : i32 to index
        %get3A_867 = arith.index_cast %mul3A_853 : i32 to index
        %get3A_868 = arith.constant 32 : index
        %get3A_869 = tpu.vector_load %arg6[%get3A_866, %get3A_867, %get3A_868] {strides = array<i32>} : memref<2x800x64xf32, #tpu.memory_space<vmem>>, vector<1x1x16xf32>,
        %get3A_870 = vector.shape_cast %get3A_869 : vector<1x1x16xf32> to vector<16xf32>
        %get3A_871 = arith.constant 0 : i32
        %get3A_872 = arith.index_cast %get3A_871 : i32 to index
        %get3A_873 = arith.index_cast %mul3A_853 : i32 to index
        %get3A_874 = arith.constant 48 : index
        %get3A_875 = tpu.vector_load %arg6[%get3A_872, %get3A_873, %get3A_874] {strides = array<i32>} : memref<2x800x64xf32, #tpu.memory_space<vmem>>, vector<1x1x16xf32>,
        %get3A_876 = vector.shape_cast %get3A_875 : vector<1x1x16xf32> to vector<16xf32>
        %add3A_877 = arith.constant 1 : i32
        %add3A_878 = arith.addi %mul3A_853, %add3A_877 : i32
        %get3A_879 = arith.constant 0 : i32
        %get3A_880 = arith.index_cast %get3A_879 : i32 to index
        %get3A_881 = arith.index_cast %add3A_878 : i32 to index
        %get3A_882 = arith.constant 0 : index
        %get3A_883 = tpu.vector_load %arg6[%get3A_880, %get3A_881, %get3A_882] {strides = array<i32>} : memref<2x800x64xf32, #tpu.memory_space<vmem>>, vector<1x1x16xf32>,
        %get3A_884 = vector.shape_cast %get3A_883 : vector<1x1x16xf32> to vector<16xf32>
        %add3A_885 = arith.addf %get3A_858, %get3A_884 : vector<16xf32>
        %add3A_886 = arith.constant 1 : i32
        %add3A_887 = arith.addi %mul3A_853, %add3A_886 : i32
        %get3A_888 = arith.constant 0 : i32
        %get3A_889 = arith.index_cast %get3A_888 : i32 to index
        %get3A_890 = arith.index_cast %add3A_887 : i32 to index
        %get3A_891 = arith.constant 16 : index
        %get3A_892 = tpu.vector_load %arg6[%get3A_889, %get3A_890, %get3A_891] {strides = array<i32>} : memref<2x800x64xf32, #tpu.memory_space<vmem>>, vector<1x1x16xf32>,
        %get3A_893 = vector.shape_cast %get3A_892 : vector<1x1x16xf32> to vector<16xf32>
        %add3A_894 = arith.addf %get3A_864, %get3A_893 : vector<16xf32>
        %add3A_895 = arith.constant 1 : i32
        %add3A_896 = arith.addi %mul3A_853, %add3A_895 : i32
        %get3A_897 = arith.constant 0 : i32
        %get3A_898 = arith.index_cast %get3A_897 : i32 to index
        %get3A_899 = arith.index_cast %add3A_896 : i32 to index
        %get3A_900 = arith.constant 32 : index
        %get3A_901 = tpu.vector_load %arg6[%get3A_898, %get3A_899, %get3A_900] {strides = array<i32>} : memref<2x800x64xf32, #tpu.memory_space<vmem>>, vector<1x1x16xf32>,
        %get3A_902 = vector.shape_cast %get3A_901 : vector<1x1x16xf32> to vector<16xf32>
        %add3A_903 = arith.addf %get3A_870, %get3A_902 : vector<16xf32>
        %add3A_904 = arith.constant 1 : i32
        %add3A_905 = arith.addi %mul3A_853, %add3A_904 : i32
        %get3A_906 = arith.constant 0 : i32
        %get3A_907 = arith.index_cast %get3A_906 : i32 to index
        %get3A_908 = arith.index_cast %add3A_905 : i32 to index
        %get3A_909 = arith.constant 48 : index
        %get3A_910 = tpu.vector_load %arg6[%get3A_907, %get3A_908, %get3A_909] {strides = array<i32>} : memref<2x800x64xf32, #tpu.memory_space<vmem>>, vector<1x1x16xf32>,
        %get3A_911 = vector.shape_cast %get3A_910 : vector<1x1x16xf32> to vector<16xf32>
        %add3A_912 = arith.addf %get3A_876, %get3A_911 : vector<16xf32>
        %add3A_913 = arith.constant 2 : i32
        %add3A_914 = arith.addi %mul3A_853, %add3A_913 : i32
        %get3A_915 = arith.constant 0 : i32
        %get3A_916 = arith.index_cast %get3A_915 : i32 to index
        %get3A_917 = arith.index_cast %add3A_914 : i32 to index
        %get3A_918 = arith.constant 0 : index
        %get3A_919 = tpu.vector_load %arg6[%get3A_916, %get3A_917, %get3A_918] {strides = array<i32>} : memref<2x800x64xf32, #tpu.memory_space<vmem>>, vector<1x1x16xf32>,
        %get3A_920 = vector.shape_cast %get3A_919 : vector<1x1x16xf32> to vector<16xf32>
        %add3A_921 = arith.addf %add3A_885, %get3A_920 : vector<16xf32>
        %add3A_922 = arith.constant 2 : i32
        %add3A_923 = arith.addi %mul3A_853, %add3A_922 : i32
        %get3A_924 = arith.constant 0 : i32
        %get3A_925 = arith.index_cast %get3A_924 : i32 to index
        %get3A_926 = arith.index_cast %add3A_923 : i32 to index
        %get3A_927 = arith.constant 16 : index
        %get3A_928 = tpu.vector_load %arg6[%get3A_925, %get3A_926, %get3A_927] {strides = array<i32>} : memref<2x800x64xf32, #tpu.memory_space<vmem>>, vector<1x1x16xf32>,
        %get3A_929 = vector.shape_cast %get3A_928 : vector<1x1x16xf32> to vector<16xf32>
        %add3A_930 = arith.addf %add3A_894, %get3A_929 : vector<16xf32>
        %add3A_931 = arith.constant 2 : i32
        %add3A_932 = arith.addi %mul3A_853, %add3A_931 : i32
        %get3A_933 = arith.constant 0 : i32
        %get3A_934 = arith.index_cast %get3A_933 : i32 to index
        %get3A_935 = arith.index_cast %add3A_932 : i32 to index
        %get3A_936 = arith.constant 32 : index
        %get3A_937 = tpu.vector_load %arg6[%get3A_934, %get3A_935, %get3A_936] {strides = array<i32>} : memref<2x800x64xf32, #tpu.memory_space<vmem>>, vector<1x1x16xf32>,
        %get3A_938 = vector.shape_cast %get3A_937 : vector<1x1x16xf32> to vector<16xf32>
        %add3A_939 = arith.addf %add3A_903, %get3A_938 : vector<16xf32>
        %add3A_940 = arith.constant 2 : i32
        %add3A_941 = arith.addi %mul3A_853, %add3A_940 : i32
        %get3A_942 = arith.constant 0 : i32
        %get3A_943 = arith.index_cast %get3A_942 : i32 to index
        %get3A_944 = arith.index_cast %add3A_941 : i32 to index
        %get3A_945 = arith.constant 48 : index
        %get3A_946 = tpu.vector_load %arg6[%get3A_943, %get3A_944, %get3A_945] {strides = array<i32>} : memref<2x800x64xf32, #tpu.memory_space<vmem>>, vector<1x1x16xf32>,
        %get3A_947 = vector.shape_cast %get3A_946 : vector<1x1x16xf32> to vector<16xf32>
        %add3A_948 = arith.addf %add3A_912, %get3A_947 : vector<16xf32>
        %add3A_949 = arith.constant 3 : i32
        %add3A_950 = arith.addi %mul3A_853, %add3A_949 : i32
        %get3A_951 = arith.constant 0 : i32
        %get3A_952 = arith.index_cast %get3A_951 : i32 to index
        %get3A_953 = arith.index_cast %add3A_950 : i32 to index
        %get3A_954 = arith.constant 0 : index
        %get3A_955 = tpu.vector_load %arg6[%get3A_952, %get3A_953, %get3A_954] {strides = array<i32>} : memref<2x800x64xf32, #tpu.memory_space<vmem>>, vector<1x1x16xf32>,
        %get3A_956 = vector.shape_cast %get3A_955 : vector<1x1x16xf32> to vector<16xf32>
        %add3A_957 = arith.addf %add3A_921, %get3A_956 : vector<16xf32>
        %add3A_958 = arith.constant 3 : i32
        %add3A_959 = arith.addi %mul3A_853, %add3A_958 : i32
        %get3A_960 = arith.constant 0 : i32
        %get3A_961 = arith.index_cast %get3A_960 : i32 to index
        %get3A_962 = arith.index_cast %add3A_959 : i32 to index
        %get3A_963 = arith.constant 16 : index
        %get3A_964 = tpu.vector_load %arg6[%get3A_961, %get3A_962, %get3A_963] {strides = array<i32>} : memref<2x800x64xf32, #tpu.memory_space<vmem>>, vector<1x1x16xf32>,
        %get3A_965 = vector.shape_cast %get3A_964 : vector<1x1x16xf32> to vector<16xf32>
        %add3A_966 = arith.addf %add3A_930, %get3A_965 : vector<16xf32>
        %add3A_967 = arith.constant 3 : i32
        %add3A_968 = arith.addi %mul3A_853, %add3A_967 : i32
        %get3A_969 = arith.constant 0 : i32
        %get3A_970 = arith.index_cast %get3A_969 : i32 to index
        %get3A_971 = arith.index_cast %add3A_968 : i32 to index
        %get3A_972 = arith.constant 32 : index
        %get3A_973 = tpu.vector_load %arg6[%get3A_970, %get3A_971, %get3A_972] {strides = array<i32>} : memref<2x800x64xf32, #tpu.memory_space<vmem>>, vector<1x1x16xf32>,
        %get3A_974 = vector.shape_cast %get3A_973 : vector<1x1x16xf32> to vector<16xf32>
        %add3A_975 = arith.addf %add3A_939, %get3A_974 : vector<16xf32>
        %add3A_976 = arith.constant 3 : i32
        %add3A_977 = arith.addi %mul3A_853, %add3A_976 : i32
        %get3A_978 = arith.constant 0 : i32
        %get3A_979 = arith.index_cast %get3A_978 : i32 to index
        %get3A_980 = arith.index_cast %add3A_977 : i32 to index
        %get3A_981 = arith.constant 48 : index
        %get3A_982 = tpu.vector_load %arg6[%get3A_979, %get3A_980, %get3A_981] {strides = array<i32>} : memref<2x800x64xf32, #tpu.memory_space<vmem>>, vector<1x1x16xf32>,
        %get3A_983 = vector.shape_cast %get3A_982 : vector<1x1x16xf32> to vector<16xf32>
        %add3A_984 = arith.addf %add3A_948, %get3A_983 : vector<16xf32>
        %add3A_985 = arith.constant 4 : i32
        %add3A_986 = arith.addi %mul3A_853, %add3A_985 : i32
        %get3A_987 = arith.constant 0 : i32
        %get3A_988 = arith.index_cast %get3A_987 : i32 to index
        %get3A_989 = arith.index_cast %add3A_986 : i32 to index
        %get3A_990 = arith.constant 0 : index
        %get3A_991 = tpu.vector_load %arg6[%get3A_988, %get3A_989, %get3A_990] {strides = array<i32>} : memref<2x800x64xf32, #tpu.memory_space<vmem>>, vector<1x1x16xf32>,
        %get3A_992 = vector.shape_cast %get3A_991 : vector<1x1x16xf32> to vector<16xf32>
        %add3A_993 = arith.addf %add3A_957, %get3A_992 : vector<16xf32>
        %add3A_994 = arith.constant 4 : i32
        %add3A_995 = arith.addi %mul3A_853, %add3A_994 : i32
        %get3A_996 = arith.constant 0 : i32
        %get3A_997 = arith.index_cast %get3A_996 : i32 to index
        %get3A_998 = arith.index_cast %add3A_995 : i32 to index
        %get3A_999 = arith.constant 16 : index
        %get3A_1000 = tpu.vector_load %arg6[%get3A_997, %get3A_998, %get3A_999] {strides = array<i32>} : memref<2x800x64xf32, #tpu.memory_space<vmem>>, vector<1x1x16xf32>,
        %get3A_1001 = vector.shape_cast %get3A_1000 : vector<1x1x16xf32> to vector<16xf32>
        %add3A_1002 = arith.addf %add3A_966, %get3A_1001 : vector<16xf32>
        %add3A_1003 = arith.constant 4 : i32
        %add3A_1004 = arith.addi %mul3A_853, %add3A_1003 : i32
        %get3A_1005 = arith.constant 0 : i32
        %get3A_1006 = arith.index_cast %get3A_1005 : i32 to index
        %get3A_1007 = arith.index_cast %add3A_1004 : i32 to index
        %get3A_1008 = arith.constant 32 : index
        %get3A_1009 = tpu.vector_load %arg6[%get3A_1006, %get3A_1007, %get3A_1008] {strides = array<i32>} : memref<2x800x64xf32, #tpu.memory_space<vmem>>, vector<1x1x16xf32>,
        %get3A_1010 = vector.shape_cast %get3A_1009 : vector<1x1x16xf32> to vector<16xf32>
        %add3A_1011 = arith.addf %add3A_975, %get3A_1010 : vector<16xf32>
        %add3A_1012 = arith.constant 4 : i32
        %add3A_1013 = arith.addi %mul3A_853, %add3A_1012 : i32
        %get3A_1014 = arith.constant 0 : i32
        %get3A_1015 = arith.index_cast %get3A_1014 : i32 to index
        %get3A_1016 = arith.index_cast %add3A_1013 : i32 to index
        %get3A_1017 = arith.constant 48 : index
        %get3A_1018 = tpu.vector_load %arg6[%get3A_1015, %get3A_1016, %get3A_1017] {strides = array<i32>} : memref<2x800x64xf32, #tpu.memory_space<vmem>>, vector<1x1x16xf32>,
        %get3A_1019 = vector.shape_cast %get3A_1018 : vector<1x1x16xf32> to vector<16xf32>
        %add3A_1020 = arith.addf %add3A_984, %get3A_1019 : vector<16xf32>
        %add3A_1021 = arith.constant 5 : i32
        %add3A_1022 = arith.addi %mul3A_853, %add3A_1021 : i32
        %get3A_1023 = arith.constant 0 : i32
        %get3A_1024 = arith.index_cast %get3A_1023 : i32 to index
        %get3A_1025 = arith.index_cast %add3A_1022 : i32 to index
        %get3A_1026 = arith.constant 0 : index
        %get3A_1027 = tpu.vector_load %arg6[%get3A_1024, %get3A_1025, %get3A_1026] {strides = array<i32>} : memref<2x800x64xf32, #tpu.memory_space<vmem>>, vector<1x1x16xf32>,
        %get3A_1028 = vector.shape_cast %get3A_1027 : vector<1x1x16xf32> to vector<16xf32>
        %add3A_1029 = arith.addf %add3A_993, %get3A_1028 : vector<16xf32>
        %add3A_1030 = arith.constant 5 : i32
        %add3A_1031 = arith.addi %mul3A_853, %add3A_1030 : i32
        %get3A_1032 = arith.constant 0 : i32
        %get3A_1033 = arith.index_cast %get3A_1032 : i32 to index
        %get3A_1034 = arith.index_cast %add3A_1031 : i32 to index
        %get3A_1035 = arith.constant 16 : index
        %get3A_1036 = tpu.vector_load %arg6[%get3A_1033, %get3A_1034, %get3A_1035] {strides = array<i32>} : memref<2x800x64xf32, #tpu.memory_space<vmem>>, vector<1x1x16xf32>,
        %get3A_1037 = vector.shape_cast %get3A_1036 : vector<1x1x16xf32> to vector<16xf32>
        %add3A_1038 = arith.addf %add3A_1002, %get3A_1037 : vector<16xf32>
        %add3A_1039 = arith.constant 5 : i32
        %add3A_1040 = arith.addi %mul3A_853, %add3A_1039 : i32
        %get3A_1041 = arith.constant 0 : i32
        %get3A_1042 = arith.index_cast %get3A_1041 : i32 to index
        %get3A_1043 = arith.index_cast %add3A_1040 : i32 to index
        %get3A_1044 = arith.constant 32 : index
        %get3A_1045 = tpu.vector_load %arg6[%get3A_1042, %get3A_1043, %get3A_1044] {strides = array<i32>} : memref<2x800x64xf32, #tpu.memory_space<vmem>>, vector<1x1x16xf32>,
        %get3A_1046 = vector.shape_cast %get3A_1045 : vector<1x1x16xf32> to vector<16xf32>
        %add3A_1047 = arith.addf %add3A_1011, %get3A_1046 : vector<16xf32>
        %add3A_1048 = arith.constant 5 : i32
        %add3A_1049 = arith.addi %mul3A_853, %add3A_1048 : i32
        %get3A_1050 = arith.constant 0 : i32
        %get3A_1051 = arith.index_cast %get3A_1050 : i32 to index
        %get3A_1052 = arith.index_cast %add3A_1049 : i32 to index
        %get3A_1053 = arith.constant 48 : index
        %get3A_1054 = tpu.vector_load %arg6[%get3A_1051, %get3A_1052, %get3A_1053] {strides = array<i32>} : memref<2x800x64xf32, #tpu.memory_space<vmem>>, vector<1x1x16xf32>,
        %get3A_1055 = vector.shape_cast %get3A_1054 : vector<1x1x16xf32> to vector<16xf32>
        %add3A_1056 = arith.addf %add3A_1020, %get3A_1055 : vector<16xf32>
        %add3A_1057 = arith.constant 6 : i32
        %add3A_1058 = arith.addi %mul3A_853, %add3A_1057 : i32
        %get3A_1059 = arith.constant 0 : i32
        %get3A_1060 = arith.index_cast %get3A_1059 : i32 to index
        %get3A_1061 = arith.index_cast %add3A_1058 : i32 to index
        %get3A_1062 = arith.constant 0 : index
        %get3A_1063 = tpu.vector_load %arg6[%get3A_1060, %get3A_1061, %get3A_1062] {strides = array<i32>} : memref<2x800x64xf32, #tpu.memory_space<vmem>>, vector<1x1x16xf32>,
        %get3A_1064 = vector.shape_cast %get3A_1063 : vector<1x1x16xf32> to vector<16xf32>
        %add3A_1065 = arith.addf %add3A_1029, %get3A_1064 : vector<16xf32>
        %add3A_1066 = arith.constant 6 : i32
        %add3A_1067 = arith.addi %mul3A_853, %add3A_1066 : i32
        %get3A_1068 = arith.constant 0 : i32
        %get3A_1069 = arith.index_cast %get3A_1068 : i32 to index
        %get3A_1070 = arith.index_cast %add3A_1067 : i32 to index
        %get3A_1071 = arith.constant 16 : index
        %get3A_1072 = tpu.vector_load %arg6[%get3A_1069, %get3A_1070, %get3A_1071] {strides = array<i32>} : memref<2x800x64xf32, #tpu.memory_space<vmem>>, vector<1x1x16xf32>,
        %get3A_1073 = vector.shape_cast %get3A_1072 : vector<1x1x16xf32> to vector<16xf32>
        %add3A_1074 = arith.addf %add3A_1038, %get3A_1073 : vector<16xf32>
        %add3A_1075 = arith.constant 6 : i32
        %add3A_1076 = arith.addi %mul3A_853, %add3A_1075 : i32
        %get3A_1077 = arith.constant 0 : i32
        %get3A_1078 = arith.index_cast %get3A_1077 : i32 to index
        %get3A_1079 = arith.index_cast %add3A_1076 : i32 to index
        %get3A_1080 = arith.constant 32 : index
        %get3A_1081 = tpu.vector_load %arg6[%get3A_1078, %get3A_1079, %get3A_1080] {strides = array<i32>} : memref<2x800x64xf32, #tpu.memory_space<vmem>>, vector<1x1x16xf32>,
        %get3A_1082 = vector.shape_cast %get3A_1081 : vector<1x1x16xf32> to vector<16xf32>
        %add3A_1083 = arith.addf %add3A_1047, %get3A_1082 : vector<16xf32>
        %add3A_1084 = arith.constant 6 : i32
        %add3A_1085 = arith.addi %mul3A_853, %add3A_1084 : i32
        %get3A_1086 = arith.constant 0 : i32
        %get3A_1087 = arith.index_cast %get3A_1086 : i32 to index
        %get3A_1088 = arith.index_cast %add3A_1085 : i32 to index
        %get3A_1089 = arith.constant 48 : index
        %get3A_1090 = tpu.vector_load %arg6[%get3A_1087, %get3A_1088, %get3A_1089] {strides = array<i32>} : memref<2x800x64xf32, #tpu.memory_space<vmem>>, vector<1x1x16xf32>,
        %get3A_1091 = vector.shape_cast %get3A_1090 : vector<1x1x16xf32> to vector<16xf32>
        %add3A_1092 = arith.addf %add3A_1056, %get3A_1091 : vector<16xf32>
        %add3A_1093 = arith.constant 7 : i32
        %add3A_1094 = arith.addi %mul3A_853, %add3A_1093 : i32
        %get3A_1095 = arith.constant 0 : i32
        %get3A_1096 = arith.index_cast %get3A_1095 : i32 to index
        %get3A_1097 = arith.index_cast %add3A_1094 : i32 to index
        %get3A_1098 = arith.constant 0 : index
        %get3A_1099 = tpu.vector_load %arg6[%get3A_1096, %get3A_1097, %get3A_1098] {strides = array<i32>} : memref<2x800x64xf32, #tpu.memory_space<vmem>>, vector<1x1x16xf32>,
        %get3A_1100 = vector.shape_cast %get3A_1099 : vector<1x1x16xf32> to vector<16xf32>
        %add3A_1101 = arith.addf %add3A_1065, %get3A_1100 : vector<16xf32>
        %add3A_1102 = arith.constant 7 : i32
        %add3A_1103 = arith.addi %mul3A_853, %add3A_1102 : i32
        %get3A_1104 = arith.constant 0 : i32
        %get3A_1105 = arith.index_cast %get3A_1104 : i32 to index
        %get3A_1106 = arith.index_cast %add3A_1103 : i32 to index
        %get3A_1107 = arith.constant 16 : index
        %get3A_1108 = tpu.vector_load %arg6[%get3A_1105, %get3A_1106, %get3A_1107] {strides = array<i32>} : memref<2x800x64xf32, #tpu.memory_space<vmem>>, vector<1x1x16xf32>,
        %get3A_1109 = vector.shape_cast %get3A_1108 : vector<1x1x16xf32> to vector<16xf32>
        %add3A_1110 = arith.addf %add3A_1074, %get3A_1109 : vector<16xf32>
        %add3A_1111 = arith.constant 7 : i32
        %add3A_1112 = arith.addi %mul3A_853, %add3A_1111 : i32
        %get3A_1113 = arith.constant 0 : i32
        %get3A_1114 = arith.index_cast %get3A_1113 : i32 to index
        %get3A_1115 = arith.index_cast %add3A_1112 : i32 to index
        %get3A_1116 = arith.constant 32 : index
        %get3A_1117 = tpu.vector_load %arg6[%get3A_1114, %get3A_1115, %get3A_1116] {strides = array<i32>} : memref<2x800x64xf32, #tpu.memory_space<vmem>>, vector<1x1x16xf32>,
        %get3A_1118 = vector.shape_cast %get3A_1117 : vector<1x1x16xf32> to vector<16xf32>
        %add3A_1119 = arith.addf %add3A_1083, %get3A_1118 : vector<16xf32>
        %add3A_1120 = arith.constant 7 : i32
        %add3A_1121 = arith.addi %mul3A_853, %add3A_1120 : i32
        %get3A_1122 = arith.constant 0 : i32
        %get3A_1123 = arith.index_cast %get3A_1122 : i32 to index
        %get3A_1124 = arith.index_cast %add3A_1121 : i32 to index
        %get3A_1125 = arith.constant 48 : index
        %get3A_1126 = tpu.vector_load %arg6[%get3A_1123, %get3A_1124, %get3A_1125] {strides = array<i32>} : memref<2x800x64xf32, #tpu.memory_space<vmem>>, vector<1x1x16xf32>,
        %get3A_1127 = vector.shape_cast %get3A_1126 : vector<1x1x16xf32> to vector<16xf32>
        %add3A_1128 = arith.addf %add3A_1092, %get3A_1127 : vector<16xf32>
        %add3A_1129 = arith.constant 8 : i32
        %add3A_1130 = arith.addi %mul3A_853, %add3A_1129 : i32
        %get3A_1131 = arith.constant 0 : i32
        %get3A_1132 = arith.index_cast %get3A_1131 : i32 to index
        %get3A_1133 = arith.index_cast %add3A_1130 : i32 to index
        %get3A_1134 = arith.constant 0 : index
        %get3A_1135 = tpu.vector_load %arg6[%get3A_1132, %get3A_1133, %get3A_1134] {strides = array<i32>} : memref<2x800x64xf32, #tpu.memory_space<vmem>>, vector<1x1x16xf32>,
        %get3A_1136 = vector.shape_cast %get3A_1135 : vector<1x1x16xf32> to vector<16xf32>
        %add3A_1137 = arith.addf %add3A_1101, %get3A_1136 : vector<16xf32>
        %add3A_1138 = arith.constant 8 : i32
        %add3A_1139 = arith.addi %mul3A_853, %add3A_1138 : i32
        %get3A_1140 = arith.constant 0 : i32
        %get3A_1141 = arith.index_cast %get3A_1140 : i32 to index
        %get3A_1142 = arith.index_cast %add3A_1139 : i32 to index
        %get3A_1143 = arith.constant 16 : index
        %get3A_1144 = tpu.vector_load %arg6[%get3A_1141, %get3A_1142, %get3A_1143] {strides = array<i32>} : memref<2x800x64xf32, #tpu.memory_space<vmem>>, vector<1x1x16xf32>,
        %get3A_1145 = vector.shape_cast %get3A_1144 : vector<1x1x16xf32> to vector<16xf32>
        %add3A_1146 = arith.addf %add3A_1110, %get3A_1145 : vector<16xf32>
        %add3A_1147 = arith.constant 8 : i32
        %add3A_1148 = arith.addi %mul3A_853, %add3A_1147 : i32
        %get3A_1149 = arith.constant 0 : i32
        %get3A_1150 = arith.index_cast %get3A_1149 : i32 to index
        %get3A_1151 = arith.index_cast %add3A_1148 : i32 to index
        %get3A_1152 = arith.constant 32 : index
        %get3A_1153 = tpu.vector_load %arg6[%get3A_1150, %get3A_1151, %get3A_1152] {strides = array<i32>} : memref<2x800x64xf32, #tpu.memory_space<vmem>>, vector<1x1x16xf32>,
        %get3A_1154 = vector.shape_cast %get3A_1153 : vector<1x1x16xf32> to vector<16xf32>
        %add3A_1155 = arith.addf %add3A_1119, %get3A_1154 : vector<16xf32>
        %add3A_1156 = arith.constant 8 : i32
        %add3A_1157 = arith.addi %mul3A_853, %add3A_1156 : i32
        %get3A_1158 = arith.constant 0 : i32
        %get3A_1159 = arith.index_cast %get3A_1158 : i32 to index
        %get3A_1160 = arith.index_cast %add3A_1157 : i32 to index
        %get3A_1161 = arith.constant 48 : index
        %get3A_1162 = tpu.vector_load %arg6[%get3A_1159, %get3A_1160, %get3A_1161] {strides = array<i32>} : memref<2x800x64xf32, #tpu.memory_space<vmem>>, vector<1x1x16xf32>,
        %get3A_1163 = vector.shape_cast %get3A_1162 : vector<1x1x16xf32> to vector<16xf32>
        %add3A_1164 = arith.addf %add3A_1128, %get3A_1163 : vector<16xf32>
        %add3A_1165 = arith.constant 9 : i32
        %add3A_1166 = arith.addi %mul3A_853, %add3A_1165 : i32
        %get3A_1167 = arith.constant 0 : i32
        %get3A_1168 = arith.index_cast %get3A_1167 : i32 to index
        %get3A_1169 = arith.index_cast %add3A_1166 : i32 to index
        %get3A_1170 = arith.constant 0 : index
        %get3A_1171 = tpu.vector_load %arg6[%get3A_1168, %get3A_1169, %get3A_1170] {strides = array<i32>} : memref<2x800x64xf32, #tpu.memory_space<vmem>>, vector<1x1x16xf32>,
        %get3A_1172 = vector.shape_cast %get3A_1171 : vector<1x1x16xf32> to vector<16xf32>
        %add3A_1173 = arith.addf %add3A_1137, %get3A_1172 : vector<16xf32>
        %add3A_1174 = arith.constant 9 : i32
        %add3A_1175 = arith.addi %mul3A_853, %add3A_1174 : i32
        %get3A_1176 = arith.constant 0 : i32
        %get3A_1177 = arith.index_cast %get3A_1176 : i32 to index
        %get3A_1178 = arith.index_cast %add3A_1175 : i32 to index
        %get3A_1179 = arith.constant 16 : index
        %get3A_1180 = tpu.vector_load %arg6[%get3A_1177, %get3A_1178, %get3A_1179] {strides = array<i32>} : memref<2x800x64xf32, #tpu.memory_space<vmem>>, vector<1x1x16xf32>,
        %get3A_1181 = vector.shape_cast %get3A_1180 : vector<1x1x16xf32> to vector<16xf32>
        %add3A_1182 = arith.addf %add3A_1146, %get3A_1181 : vector<16xf32>
        %add3A_1183 = arith.constant 9 : i32
        %add3A_1184 = arith.addi %mul3A_853, %add3A_1183 : i32
        %get3A_1185 = arith.constant 0 : i32
        %get3A_1186 = arith.index_cast %get3A_1185 : i32 to index
        %get3A_1187 = arith.index_cast %add3A_1184 : i32 to index
        %get3A_1188 = arith.constant 32 : index
        %get3A_1189 = tpu.vector_load %arg6[%get3A_1186, %get3A_1187, %get3A_1188] {strides = array<i32>} : memref<2x800x64xf32, #tpu.memory_space<vmem>>, vector<1x1x16xf32>,
        %get3A_1190 = vector.shape_cast %get3A_1189 : vector<1x1x16xf32> to vector<16xf32>
        %add3A_1191 = arith.addf %add3A_1155, %get3A_1190 : vector<16xf32>
        %add3A_1192 = arith.constant 9 : i32
        %add3A_1193 = arith.addi %mul3A_853, %add3A_1192 : i32
        %get3A_1194 = arith.constant 0 : i32
        %get3A_1195 = arith.index_cast %get3A_1194 : i32 to index
        %get3A_1196 = arith.index_cast %add3A_1193 : i32 to index
        %get3A_1197 = arith.constant 48 : index
        %get3A_1198 = tpu.vector_load %arg6[%get3A_1195, %get3A_1196, %get3A_1197] {strides = array<i32>} : memref<2x800x64xf32, #tpu.memory_space<vmem>>, vector<1x1x16xf32>,
        %get3A_1199 = vector.shape_cast %get3A_1198 : vector<1x1x16xf32> to vector<16xf32>
        %add3A_1200 = arith.addf %add3A_1164, %get3A_1199 : vector<16xf32>
        %add3A_1201 = arith.constant 10 : i32
        %add3A_1202 = arith.addi %mul3A_853, %add3A_1201 : i32
        %get3A_1203 = arith.constant 0 : i32
        %get3A_1204 = arith.index_cast %get3A_1203 : i32 to index
        %get3A_1205 = arith.index_cast %add3A_1202 : i32 to index
        %get3A_1206 = arith.constant 0 : index
        %get3A_1207 = tpu.vector_load %arg6[%get3A_1204, %get3A_1205, %get3A_1206] {strides = array<i32>} : memref<2x800x64xf32, #tpu.memory_space<vmem>>, vector<1x1x16xf32>,
        %get3A_1208 = vector.shape_cast %get3A_1207 : vector<1x1x16xf32> to vector<16xf32>
        %add3A_1209 = arith.addf %add3A_1173, %get3A_1208 : vector<16xf32>
        %add3A_1210 = arith.constant 10 : i32
        %add3A_1211 = arith.addi %mul3A_853, %add3A_1210 : i32
        %get3A_1212 = arith.constant 0 : i32
        %get3A_1213 = arith.index_cast %get3A_1212 : i32 to index
        %get3A_1214 = arith.index_cast %add3A_1211 : i32 to index
        %get3A_1215 = arith.constant 16 : index
        %get3A_1216 = tpu.vector_load %arg6[%get3A_1213, %get3A_1214, %get3A_1215] {strides = array<i32>} : memref<2x800x64xf32, #tpu.memory_space<vmem>>, vector<1x1x16xf32>,
        %get3A_1217 = vector.shape_cast %get3A_1216 : vector<1x1x16xf32> to vector<16xf32>
        %add3A_1218 = arith.addf %add3A_1182, %get3A_1217 : vector<16xf32>
        %add3A_1219 = arith.constant 10 : i32
        %add3A_1220 = arith.addi %mul3A_853, %add3A_1219 : i32
        %get3A_1221 = arith.constant 0 : i32
        %get3A_1222 = arith.index_cast %get3A_1221 : i32 to index
        %get3A_1223 = arith.index_cast %add3A_1220 : i32 to index
        %get3A_1224 = arith.constant 32 : index
        %get3A_1225 = tpu.vector_load %arg6[%get3A_1222, %get3A_1223, %get3A_1224] {strides = array<i32>} : memref<2x800x64xf32, #tpu.memory_space<vmem>>, vector<1x1x16xf32>,
        %get3A_1226 = vector.shape_cast %get3A_1225 : vector<1x1x16xf32> to vector<16xf32>
        %add3A_1227 = arith.addf %add3A_1191, %get3A_1226 : vector<16xf32>
        %add3A_1228 = arith.constant 10 : i32
        %add3A_1229 = arith.addi %mul3A_853, %add3A_1228 : i32
        %get3A_1230 = arith.constant 0 : i32
        %get3A_1231 = arith.index_cast %get3A_1230 : i32 to index
        %get3A_1232 = arith.index_cast %add3A_1229 : i32 to index
        %get3A_1233 = arith.constant 48 : index
        %get3A_1234 = tpu.vector_load %arg6[%get3A_1231, %get3A_1232, %get3A_1233] {strides = array<i32>} : memref<2x800x64xf32, #tpu.memory_space<vmem>>, vector<1x1x16xf32>,
        %get3A_1235 = vector.shape_cast %get3A_1234 : vector<1x1x16xf32> to vector<16xf32>
        %add3A_1236 = arith.addf %add3A_1200, %get3A_1235 : vector<16xf32>
        %add3A_1237 = arith.constant 11 : i32
        %add3A_1238 = arith.addi %mul3A_853, %add3A_1237 : i32
        %get3A_1239 = arith.constant 0 : i32
        %get3A_1240 = arith.index_cast %get3A_1239 : i32 to index
        %get3A_1241 = arith.index_cast %add3A_1238 : i32 to index
        %get3A_1242 = arith.constant 0 : index
        %get3A_1243 = tpu.vector_load %arg6[%get3A_1240, %get3A_1241, %get3A_1242] {strides = array<i32>} : memref<2x800x64xf32, #tpu.memory_space<vmem>>, vector<1x1x16xf32>,
        %get3A_1244 = vector.shape_cast %get3A_1243 : vector<1x1x16xf32> to vector<16xf32>
        %add3A_1245 = arith.addf %add3A_1209, %get3A_1244 : vector<16xf32>
        %add3A_1246 = arith.constant 11 : i32
        %add3A_1247 = arith.addi %mul3A_853, %add3A_1246 : i32
        %get3A_1248 = arith.constant 0 : i32
        %get3A_1249 = arith.index_cast %get3A_1248 : i32 to index
        %get3A_1250 = arith.index_cast %add3A_1247 : i32 to index
        %get3A_1251 = arith.constant 16 : index
        %get3A_1252 = tpu.vector_load %arg6[%get3A_1249, %get3A_1250, %get3A_1251] {strides = array<i32>} : memref<2x800x64xf32, #tpu.memory_space<vmem>>, vector<1x1x16xf32>,
        %get3A_1253 = vector.shape_cast %get3A_1252 : vector<1x1x16xf32> to vector<16xf32>
        %add3A_1254 = arith.addf %add3A_1218, %get3A_1253 : vector<16xf32>
        %add3A_1255 = arith.constant 11 : i32
        %add3A_1256 = arith.addi %mul3A_853, %add3A_1255 : i32
        %get3A_1257 = arith.constant 0 : i32
        %get3A_1258 = arith.index_cast %get3A_1257 : i32 to index
        %get3A_1259 = arith.index_cast %add3A_1256 : i32 to index
        %get3A_1260 = arith.constant 32 : index
        %get3A_1261 = tpu.vector_load %arg6[%get3A_1258, %get3A_1259, %get3A_1260] {strides = array<i32>} : memref<2x800x64xf32, #tpu.memory_space<vmem>>, vector<1x1x16xf32>,
        %get3A_1262 = vector.shape_cast %get3A_1261 : vector<1x1x16xf32> to vector<16xf32>
        %add3A_1263 = arith.addf %add3A_1227, %get3A_1262 : vector<16xf32>
        %add3A_1264 = arith.constant 11 : i32
        %add3A_1265 = arith.addi %mul3A_853, %add3A_1264 : i32
        %get3A_1266 = arith.constant 0 : i32
        %get3A_1267 = arith.index_cast %get3A_1266 : i32 to index
        %get3A_1268 = arith.index_cast %add3A_1265 : i32 to index
        %get3A_1269 = arith.constant 48 : index
        %get3A_1270 = tpu.vector_load %arg6[%get3A_1267, %get3A_1268, %get3A_1269] {strides = array<i32>} : memref<2x800x64xf32, #tpu.memory_space<vmem>>, vector<1x1x16xf32>,
        %get3A_1271 = vector.shape_cast %get3A_1270 : vector<1x1x16xf32> to vector<16xf32>
        %add3A_1272 = arith.addf %add3A_1236, %get3A_1271 : vector<16xf32>
        %add3A_1273 = arith.constant 12 : i32
        %add3A_1274 = arith.addi %mul3A_853, %add3A_1273 : i32
        %get3A_1275 = arith.constant 0 : i32
        %get3A_1276 = arith.index_cast %get3A_1275 : i32 to index
        %get3A_1277 = arith.index_cast %add3A_1274 : i32 to index
        %get3A_1278 = arith.constant 0 : index
        %get3A_1279 = tpu.vector_load %arg6[%get3A_1276, %get3A_1277, %get3A_1278] {strides = array<i32>} : memref<2x800x64xf32, #tpu.memory_space<vmem>>, vector<1x1x16xf32>,
        %get3A_1280 = vector.shape_cast %get3A_1279 : vector<1x1x16xf32> to vector<16xf32>
        %add3A_1281 = arith.addf %add3A_1245, %get3A_1280 : vector<16xf32>
        %add3A_1282 = arith.constant 12 : i32
        %add3A_1283 = arith.addi %mul3A_853, %add3A_1282 : i32
        %get3A_1284 = arith.constant 0 : i32
        %get3A_1285 = arith.index_cast %get3A_1284 : i32 to index
        %get3A_1286 = arith.index_cast %add3A_1283 : i32 to index
        %get3A_1287 = arith.constant 16 : index
        %get3A_1288 = tpu.vector_load %arg6[%get3A_1285, %get3A_1286, %get3A_1287] {strides = array<i32>} : memref<2x800x64xf32, #tpu.memory_space<vmem>>, vector<1x1x16xf32>,
        %get3A_1289 = vector.shape_cast %get3A_1288 : vector<1x1x16xf32> to vector<16xf32>
        %add3A_1290 = arith.addf %add3A_1254, %get3A_1289 : vector<16xf32>
        %add3A_1291 = arith.constant 12 : i32
        %add3A_1292 = arith.addi %mul3A_853, %add3A_1291 : i32
        %get3A_1293 = arith.constant 0 : i32
        %get3A_1294 = arith.index_cast %get3A_1293 : i32 to index
        %get3A_1295 = arith.index_cast %add3A_1292 : i32 to index
        %get3A_1296 = arith.constant 32 : index
        %get3A_1297 = tpu.vector_load %arg6[%get3A_1294, %get3A_1295, %get3A_1296] {strides = array<i32>} : memref<2x800x64xf32, #tpu.memory_space<vmem>>, vector<1x1x16xf32>,
        %get3A_1298 = vector.shape_cast %get3A_1297 : vector<1x1x16xf32> to vector<16xf32>
        %add3A_1299 = arith.addf %add3A_1263, %get3A_1298 : vector<16xf32>
        %add3A_1300 = arith.constant 12 : i32
        %add3A_1301 = arith.addi %mul3A_853, %add3A_1300 : i32
        %get3A_1302 = arith.constant 0 : i32
        %get3A_1303 = arith.index_cast %get3A_1302 : i32 to index
        %get3A_1304 = arith.index_cast %add3A_1301 : i32 to index
        %get3A_1305 = arith.constant 48 : index
        %get3A_1306 = tpu.vector_load %arg6[%get3A_1303, %get3A_1304, %get3A_1305] {strides = array<i32>} : memref<2x800x64xf32, #tpu.memory_space<vmem>>, vector<1x1x16xf32>,
        %get3A_1307 = vector.shape_cast %get3A_1306 : vector<1x1x16xf32> to vector<16xf32>
        %add3A_1308 = arith.addf %add3A_1272, %get3A_1307 : vector<16xf32>
        %add3A_1309 = arith.constant 13 : i32
        %add3A_1310 = arith.addi %mul3A_853, %add3A_1309 : i32
        %get3A_1311 = arith.constant 0 : i32
        %get3A_1312 = arith.index_cast %get3A_1311 : i32 to index
        %get3A_1313 = arith.index_cast %add3A_1310 : i32 to index
        %get3A_1314 = arith.constant 0 : index
        %get3A_1315 = tpu.vector_load %arg6[%get3A_1312, %get3A_1313, %get3A_1314] {strides = array<i32>} : memref<2x800x64xf32, #tpu.memory_space<vmem>>, vector<1x1x16xf32>,
        %get3A_1316 = vector.shape_cast %get3A_1315 : vector<1x1x16xf32> to vector<16xf32>
        %add3A_1317 = arith.addf %add3A_1281, %get3A_1316 : vector<16xf32>
        %add3A_1318 = arith.constant 13 : i32
        %add3A_1319 = arith.addi %mul3A_853, %add3A_1318 : i32
        %get3A_1320 = arith.constant 0 : i32
        %get3A_1321 = arith.index_cast %get3A_1320 : i32 to index
        %get3A_1322 = arith.index_cast %add3A_1319 : i32 to index
        %get3A_1323 = arith.constant 16 : index
        %get3A_1324 = tpu.vector_load %arg6[%get3A_1321, %get3A_1322, %get3A_1323] {strides = array<i32>} : memref<2x800x64xf32, #tpu.memory_space<vmem>>, vector<1x1x16xf32>,
        %get3A_1325 = vector.shape_cast %get3A_1324 : vector<1x1x16xf32> to vector<16xf32>
        %add3A_1326 = arith.addf %add3A_1290, %get3A_1325 : vector<16xf32>
        %add3A_1327 = arith.constant 13 : i32
        %add3A_1328 = arith.addi %mul3A_853, %add3A_1327 : i32
        %get3A_1329 = arith.constant 0 : i32
        %get3A_1330 = arith.index_cast %get3A_1329 : i32 to index
        %get3A_1331 = arith.index_cast %add3A_1328 : i32 to index
        %get3A_1332 = arith.constant 32 : index
        %get3A_1333 = tpu.vector_load %arg6[%get3A_1330, %get3A_1331, %get3A_1332] {strides = array<i32>} : memref<2x800x64xf32, #tpu.memory_space<vmem>>, vector<1x1x16xf32>,
        %get3A_1334 = vector.shape_cast %get3A_1333 : vector<1x1x16xf32> to vector<16xf32>
        %add3A_1335 = arith.addf %add3A_1299, %get3A_1334 : vector<16xf32>
        %add3A_1336 = arith.constant 13 : i32
        %add3A_1337 = arith.addi %mul3A_853, %add3A_1336 : i32
        %get3A_1338 = arith.constant 0 : i32
        %get3A_1339 = arith.index_cast %get3A_1338 : i32 to index
        %get3A_1340 = arith.index_cast %add3A_1337 : i32 to index
        %get3A_1341 = arith.constant 48 : index
        %get3A_1342 = tpu.vector_load %arg6[%get3A_1339, %get3A_1340, %get3A_1341] {strides = array<i32>} : memref<2x800x64xf32, #tpu.memory_space<vmem>>, vector<1x1x16xf32>,
        %get3A_1343 = vector.shape_cast %get3A_1342 : vector<1x1x16xf32> to vector<16xf32>
        %add3A_1344 = arith.addf %add3A_1308, %get3A_1343 : vector<16xf32>
        %add3A_1345 = arith.constant 14 : i32
        %add3A_1346 = arith.addi %mul3A_853, %add3A_1345 : i32
        %get3A_1347 = arith.constant 0 : i32
        %get3A_1348 = arith.index_cast %get3A_1347 : i32 to index
        %get3A_1349 = arith.index_cast %add3A_1346 : i32 to index
        %get3A_1350 = arith.constant 0 : index
        %get3A_1351 = tpu.vector_load %arg6[%get3A_1348, %get3A_1349, %get3A_1350] {strides = array<i32>} : memref<2x800x64xf32, #tpu.memory_space<vmem>>, vector<1x1x16xf32>,
        %get3A_1352 = vector.shape_cast %get3A_1351 : vector<1x1x16xf32> to vector<16xf32>
        %add3A_1353 = arith.addf %add3A_1317, %get3A_1352 : vector<16xf32>
        %add3A_1354 = arith.constant 14 : i32
        %add3A_1355 = arith.addi %mul3A_853, %add3A_1354 : i32
        %get3A_1356 = arith.constant 0 : i32
        %get3A_1357 = arith.index_cast %get3A_1356 : i32 to index
        %get3A_1358 = arith.index_cast %add3A_1355 : i32 to index
        %get3A_1359 = arith.constant 16 : index
        %get3A_1360 = tpu.vector_load %arg6[%get3A_1357, %get3A_1358, %get3A_1359] {strides = array<i32>} : memref<2x800x64xf32, #tpu.memory_space<vmem>>, vector<1x1x16xf32>,
        %get3A_1361 = vector.shape_cast %get3A_1360 : vector<1x1x16xf32> to vector<16xf32>
        %add3A_1362 = arith.addf %add3A_1326, %get3A_1361 : vector<16xf32>
        %add3A_1363 = arith.constant 14 : i32
        %add3A_1364 = arith.addi %mul3A_853, %add3A_1363 : i32
        %get3A_1365 = arith.constant 0 : i32
        %get3A_1366 = arith.index_cast %get3A_1365 : i32 to index
        %get3A_1367 = arith.index_cast %add3A_1364 : i32 to index
        %get3A_1368 = arith.constant 32 : index
        %get3A_1369 = tpu.vector_load %arg6[%get3A_1366, %get3A_1367, %get3A_1368] {strides = array<i32>} : memref<2x800x64xf32, #tpu.memory_space<vmem>>, vector<1x1x16xf32>,
        %get3A_1370 = vector.shape_cast %get3A_1369 : vector<1x1x16xf32> to vector<16xf32>
        %add3A_1371 = arith.addf %add3A_1335, %get3A_1370 : vector<16xf32>
        %add3A_1372 = arith.constant 14 : i32
        %add3A_1373 = arith.addi %mul3A_853, %add3A_1372 : i32
        %get3A_1374 = arith.constant 0 : i32
        %get3A_1375 = arith.index_cast %get3A_1374 : i32 to index
        %get3A_1376 = arith.index_cast %add3A_1373 : i32 to index
        %get3A_1377 = arith.constant 48 : index
        %get3A_1378 = tpu.vector_load %arg6[%get3A_1375, %get3A_1376, %get3A_1377] {strides = array<i32>} : memref<2x800x64xf32, #tpu.memory_space<vmem>>, vector<1x1x16xf32>,
        %get3A_1379 = vector.shape_cast %get3A_1378 : vector<1x1x16xf32> to vector<16xf32>
        %add3A_1380 = arith.addf %add3A_1344, %get3A_1379 : vector<16xf32>
        %add3A_1381 = arith.constant 15 : i32
        %add3A_1382 = arith.addi %mul3A_853, %add3A_1381 : i32
        %get3A_1383 = arith.constant 0 : i32
        %get3A_1384 = arith.index_cast %get3A_1383 : i32 to index
        %get3A_1385 = arith.index_cast %add3A_1382 : i32 to index
        %get3A_1386 = arith.constant 0 : index
        %get3A_1387 = tpu.vector_load %arg6[%get3A_1384, %get3A_1385, %get3A_1386] {strides = array<i32>} : memref<2x800x64xf32, #tpu.memory_space<vmem>>, vector<1x1x16xf32>,
        %get3A_1388 = vector.shape_cast %get3A_1387 : vector<1x1x16xf32> to vector<16xf32>
        %add3A_1389 = arith.addf %add3A_1353, %get3A_1388 : vector<16xf32>
        %add3A_1390 = arith.constant 15 : i32
        %add3A_1391 = arith.addi %mul3A_853, %add3A_1390 : i32
        %get3A_1392 = arith.constant 0 : i32
        %get3A_1393 = arith.index_cast %get3A_1392 : i32 to index
        %get3A_1394 = arith.index_cast %add3A_1391 : i32 to index
        %get3A_1395 = arith.constant 16 : index
        %get3A_1396 = tpu.vector_load %arg6[%get3A_1393, %get3A_1394, %get3A_1395] {strides = array<i32>} : memref<2x800x64xf32, #tpu.memory_space<vmem>>, vector<1x1x16xf32>,
        %get3A_1397 = vector.shape_cast %get3A_1396 : vector<1x1x16xf32> to vector<16xf32>
        %add3A_1398 = arith.addf %add3A_1362, %get3A_1397 : vector<16xf32>
        %add3A_1399 = arith.constant 15 : i32
        %add3A_1400 = arith.addi %mul3A_853, %add3A_1399 : i32
        %get3A_1401 = arith.constant 0 : i32
        %get3A_1402 = arith.index_cast %get3A_1401 : i32 to index
        %get3A_1403 = arith.index_cast %add3A_1400 : i32 to index
        %get3A_1404 = arith.constant 32 : index
        %get3A_1405 = tpu.vector_load %arg6[%get3A_1402, %get3A_1403, %get3A_1404] {strides = array<i32>} : memref<2x800x64xf32, #tpu.memory_space<vmem>>, vector<1x1x16xf32>,
        %get3A_1406 = vector.shape_cast %get3A_1405 : vector<1x1x16xf32> to vector<16xf32>
        %add3A_1407 = arith.addf %add3A_1371, %get3A_1406 : vector<16xf32>
        %add3A_1408 = arith.constant 15 : i32
        %add3A_1409 = arith.addi %mul3A_853, %add3A_1408 : i32
        %get3A_1410 = arith.constant 0 : i32
        %get3A_1411 = arith.index_cast %get3A_1410 : i32 to index
        %get3A_1412 = arith.index_cast %add3A_1409 : i32 to index
        %get3A_1413 = arith.constant 48 : index
        %get3A_1414 = tpu.vector_load %arg6[%get3A_1411, %get3A_1412, %get3A_1413] {strides = array<i32>} : memref<2x800x64xf32, #tpu.memory_space<vmem>>, vector<1x1x16xf32>,
        %get3A_1415 = vector.shape_cast %get3A_1414 : vector<1x1x16xf32> to vector<16xf32>
        %add3A_1416 = arith.addf %add3A_1380, %get3A_1415 : vector<16xf32>
        %add3A_1417 = arith.constant 16 : i32
        %add3A_1418 = arith.addi %mul3A_853, %add3A_1417 : i32
        %get3A_1419 = arith.constant 0 : i32
        %get3A_1420 = arith.index_cast %get3A_1419 : i32 to index
        %get3A_1421 = arith.index_cast %add3A_1418 : i32 to index
        %get3A_1422 = arith.constant 0 : index
        %get3A_1423 = tpu.vector_load %arg6[%get3A_1420, %get3A_1421, %get3A_1422] {strides = array<i32>} : memref<2x800x64xf32, #tpu.memory_space<vmem>>, vector<1x1x16xf32>,
        %get3A_1424 = vector.shape_cast %get3A_1423 : vector<1x1x16xf32> to vector<16xf32>
        %add3A_1425 = arith.addf %add3A_1389, %get3A_1424 : vector<16xf32>
        %add3A_1426 = arith.constant 16 : i32
        %add3A_1427 = arith.addi %mul3A_853, %add3A_1426 : i32
        %get3A_1428 = arith.constant 0 : i32
        %get3A_1429 = arith.index_cast %get3A_1428 : i32 to index
        %get3A_1430 = arith.index_cast %add3A_1427 : i32 to index
        %get3A_1431 = arith.constant 16 : index
        %get3A_1432 = tpu.vector_load %arg6[%get3A_1429, %get3A_1430, %get3A_1431] {strides = array<i32>} : memref<2x800x64xf32, #tpu.memory_space<vmem>>, vector<1x1x16xf32>,
        %get3A_1433 = vector.shape_cast %get3A_1432 : vector<1x1x16xf32> to vector<16xf32>
        %add3A_1434 = arith.addf %add3A_1398, %get3A_1433 : vector<16xf32>
        %add3A_1435 = arith.constant 16 : i32
        %add3A_1436 = arith.addi %mul3A_853, %add3A_1435 : i32
        %get3A_1437 = arith.constant 0 : i32
        %get3A_1438 = arith.index_cast %get3A_1437 : i32 to index
        %get3A_1439 = arith.index_cast %add3A_1436 : i32 to index
        %get3A_1440 = arith.constant 32 : index
        %get3A_1441 = tpu.vector_load %arg6[%get3A_1438, %get3A_1439, %get3A_1440] {strides = array<i32>} : memref<2x800x64xf32, #tpu.memory_space<vmem>>, vector<1x1x16xf32>,
        %get3A_1442 = vector.shape_cast %get3A_1441 : vector<1x1x16xf32> to vector<16xf32>
        %add3A_1443 = arith.addf %add3A_1407, %get3A_1442 : vector<16xf32>
        %add3A_1444 = arith.constant 16 : i32
        %add3A_1445 = arith.addi %mul3A_853, %add3A_1444 : i32
        %get3A_1446 = arith.constant 0 : i32
        %get3A_1447 = arith.index_cast %get3A_1446 : i32 to index
        %get3A_1448 = arith.index_cast %add3A_1445 : i32 to index
        %get3A_1449 = arith.constant 48 : index
        %get3A_1450 = tpu.vector_load %arg6[%get3A_1447, %get3A_1448, %get3A_1449] {strides = array<i32>} : memref<2x800x64xf32, #tpu.memory_space<vmem>>, vector<1x1x16xf32>,
        %get3A_1451 = vector.shape_cast %get3A_1450 : vector<1x1x16xf32> to vector<16xf32>
        %add3A_1452 = arith.addf %add3A_1416, %get3A_1451 : vector<16xf32>
        %add3A_1453 = arith.constant 17 : i32
        %add3A_1454 = arith.addi %mul3A_853, %add3A_1453 : i32
        %get3A_1455 = arith.constant 0 : i32
        %get3A_1456 = arith.index_cast %get3A_1455 : i32 to index
        %get3A_1457 = arith.index_cast %add3A_1454 : i32 to index
        %get3A_1458 = arith.constant 0 : index
        %get3A_1459 = tpu.vector_load %arg6[%get3A_1456, %get3A_1457, %get3A_1458] {strides = array<i32>} : memref<2x800x64xf32, #tpu.memory_space<vmem>>, vector<1x1x16xf32>,
        %get3A_1460 = vector.shape_cast %get3A_1459 : vector<1x1x16xf32> to vector<16xf32>
        %add3A_1461 = arith.addf %add3A_1425, %get3A_1460 : vector<16xf32>
        %add3A_1462 = arith.constant 17 : i32
        %add3A_1463 = arith.addi %mul3A_853, %add3A_1462 : i32
        %get3A_1464 = arith.constant 0 : i32
        %get3A_1465 = arith.index_cast %get3A_1464 : i32 to index
        %get3A_1466 = arith.index_cast %add3A_1463 : i32 to index
        %get3A_1467 = arith.constant 16 : index
        %get3A_1468 = tpu.vector_load %arg6[%get3A_1465, %get3A_1466, %get3A_1467] {strides = array<i32>} : memref<2x800x64xf32, #tpu.memory_space<vmem>>, vector<1x1x16xf32>,
        %get3A_1469 = vector.shape_cast %get3A_1468 : vector<1x1x16xf32> to vector<16xf32>
        %add3A_1470 = arith.addf %add3A_1434, %get3A_1469 : vector<16xf32>
        %add3A_1471 = arith.constant 17 : i32
        %add3A_1472 = arith.addi %mul3A_853, %add3A_1471 : i32
        %get3A_1473 = arith.constant 0 : i32
        %get3A_1474 = arith.index_cast %get3A_1473 : i32 to index
        %get3A_1475 = arith.index_cast %add3A_1472 : i32 to index
        %get3A_1476 = arith.constant 32 : index
        %get3A_1477 = tpu.vector_load %arg6[%get3A_1474, %get3A_1475, %get3A_1476] {strides = array<i32>} : memref<2x800x64xf32, #tpu.memory_space<vmem>>, vector<1x1x16xf32>,
        %get3A_1478 = vector.shape_cast %get3A_1477 : vector<1x1x16xf32> to vector<16xf32>
        %add3A_1479 = arith.addf %add3A_1443, %get3A_1478 : vector<16xf32>
        %add3A_1480 = arith.constant 17 : i32
        %add3A_1481 = arith.addi %mul3A_853, %add3A_1480 : i32
        %get3A_1482 = arith.constant 0 : i32
        %get3A_1483 = arith.index_cast %get3A_1482 : i32 to index
        %get3A_1484 = arith.index_cast %add3A_1481 : i32 to index
        %get3A_1485 = arith.constant 48 : index
        %get3A_1486 = tpu.vector_load %arg6[%get3A_1483, %get3A_1484, %get3A_1485] {strides = array<i32>} : memref<2x800x64xf32, #tpu.memory_space<vmem>>, vector<1x1x16xf32>,
        %get3A_1487 = vector.shape_cast %get3A_1486 : vector<1x1x16xf32> to vector<16xf32>
        %add3A_1488 = arith.addf %add3A_1452, %get3A_1487 : vector<16xf32>
        %add3A_1489 = arith.constant 18 : i32
        %add3A_1490 = arith.addi %mul3A_853, %add3A_1489 : i32
        %get3A_1491 = arith.constant 0 : i32
        %get3A_1492 = arith.index_cast %get3A_1491 : i32 to index
        %get3A_1493 = arith.index_cast %add3A_1490 : i32 to index
        %get3A_1494 = arith.constant 0 : index
        %get3A_1495 = tpu.vector_load %arg6[%get3A_1492, %get3A_1493, %get3A_1494] {strides = array<i32>} : memref<2x800x64xf32, #tpu.memory_space<vmem>>, vector<1x1x16xf32>,
        %get3A_1496 = vector.shape_cast %get3A_1495 : vector<1x1x16xf32> to vector<16xf32>
        %add3A_1497 = arith.addf %add3A_1461, %get3A_1496 : vector<16xf32>
        %add3A_1498 = arith.constant 18 : i32
        %add3A_1499 = arith.addi %mul3A_853, %add3A_1498 : i32
        %get3A_1500 = arith.constant 0 : i32
        %get3A_1501 = arith.index_cast %get3A_1500 : i32 to index
        %get3A_1502 = arith.index_cast %add3A_1499 : i32 to index
        %get3A_1503 = arith.constant 16 : index
        %get3A_1504 = tpu.vector_load %arg6[%get3A_1501, %get3A_1502, %get3A_1503] {strides = array<i32>} : memref<2x800x64xf32, #tpu.memory_space<vmem>>, vector<1x1x16xf32>,
        %get3A_1505 = vector.shape_cast %get3A_1504 : vector<1x1x16xf32> to vector<16xf32>
        %add3A_1506 = arith.addf %add3A_1470, %get3A_1505 : vector<16xf32>
        %add3A_1507 = arith.constant 18 : i32
        %add3A_1508 = arith.addi %mul3A_853, %add3A_1507 : i32
        %get3A_1509 = arith.constant 0 : i32
        %get3A_1510 = arith.index_cast %get3A_1509 : i32 to index
        %get3A_1511 = arith.index_cast %add3A_1508 : i32 to index
        %get3A_1512 = arith.constant 32 : index
        %get3A_1513 = tpu.vector_load %arg6[%get3A_1510, %get3A_1511, %get3A_1512] {strides = array<i32>} : memref<2x800x64xf32, #tpu.memory_space<vmem>>, vector<1x1x16xf32>,
        %get3A_1514 = vector.shape_cast %get3A_1513 : vector<1x1x16xf32> to vector<16xf32>
        %add3A_1515 = arith.addf %add3A_1479, %get3A_1514 : vector<16xf32>
        %add3A_1516 = arith.constant 18 : i32
        %add3A_1517 = arith.addi %mul3A_853, %add3A_1516 : i32
        %get3A_1518 = arith.constant 0 : i32
        %get3A_1519 = arith.index_cast %get3A_1518 : i32 to index
        %get3A_1520 = arith.index_cast %add3A_1517 : i32 to index
        %get3A_1521 = arith.constant 48 : index
        %get3A_1522 = tpu.vector_load %arg6[%get3A_1519, %get3A_1520, %get3A_1521] {strides = array<i32>} : memref<2x800x64xf32, #tpu.memory_space<vmem>>, vector<1x1x16xf32>,
        %get3A_1523 = vector.shape_cast %get3A_1522 : vector<1x1x16xf32> to vector<16xf32>
        %add3A_1524 = arith.addf %add3A_1488, %get3A_1523 : vector<16xf32>
        %add3A_1525 = arith.constant 19 : i32
        %add3A_1526 = arith.addi %mul3A_853, %add3A_1525 : i32
        %get3A_1527 = arith.constant 0 : i32
        %get3A_1528 = arith.index_cast %get3A_1527 : i32 to index
        %get3A_1529 = arith.index_cast %add3A_1526 : i32 to index
        %get3A_1530 = arith.constant 0 : index
        %get3A_1531 = tpu.vector_load %arg6[%get3A_1528, %get3A_1529, %get3A_1530] {strides = array<i32>} : memref<2x800x64xf32, #tpu.memory_space<vmem>>, vector<1x1x16xf32>,
        %get3A_1532 = vector.shape_cast %get3A_1531 : vector<1x1x16xf32> to vector<16xf32>
        %add3A_1533 = arith.addf %add3A_1497, %get3A_1532 : vector<16xf32>
        %add3A_1534 = arith.constant 19 : i32
        %add3A_1535 = arith.addi %mul3A_853, %add3A_1534 : i32
        %get3A_1536 = arith.constant 0 : i32
        %get3A_1537 = arith.index_cast %get3A_1536 : i32 to index
        %get3A_1538 = arith.index_cast %add3A_1535 : i32 to index
        %get3A_1539 = arith.constant 16 : index
        %get3A_1540 = tpu.vector_load %arg6[%get3A_1537, %get3A_1538, %get3A_1539] {strides = array<i32>} : memref<2x800x64xf32, #tpu.memory_space<vmem>>, vector<1x1x16xf32>,
        %get3A_1541 = vector.shape_cast %get3A_1540 : vector<1x1x16xf32> to vector<16xf32>
        %add3A_1542 = arith.addf %add3A_1506, %get3A_1541 : vector<16xf32>
        %add3A_1543 = arith.constant 19 : i32
        %add3A_1544 = arith.addi %mul3A_853, %add3A_1543 : i32
        %get3A_1545 = arith.constant 0 : i32
        %get3A_1546 = arith.index_cast %get3A_1545 : i32 to index
        %get3A_1547 = arith.index_cast %add3A_1544 : i32 to index
        %get3A_1548 = arith.constant 32 : index
        %get3A_1549 = tpu.vector_load %arg6[%get3A_1546, %get3A_1547, %get3A_1548] {strides = array<i32>} : memref<2x800x64xf32, #tpu.memory_space<vmem>>, vector<1x1x16xf32>,
        %get3A_1550 = vector.shape_cast %get3A_1549 : vector<1x1x16xf32> to vector<16xf32>
        %add3A_1551 = arith.addf %add3A_1515, %get3A_1550 : vector<16xf32>
        %add3A_1552 = arith.constant 19 : i32
        %add3A_1553 = arith.addi %mul3A_853, %add3A_1552 : i32
        %get3A_1554 = arith.constant 0 : i32
        %get3A_1555 = arith.index_cast %get3A_1554 : i32 to index
        %get3A_1556 = arith.index_cast %add3A_1553 : i32 to index
        %get3A_1557 = arith.constant 48 : index
        %get3A_1558 = tpu.vector_load %arg6[%get3A_1555, %get3A_1556, %get3A_1557] {strides = array<i32>} : memref<2x800x64xf32, #tpu.memory_space<vmem>>, vector<1x1x16xf32>,
        %get3A_1559 = vector.shape_cast %get3A_1558 : vector<1x1x16xf32> to vector<16xf32>
        %add3A_1560 = arith.addf %add3A_1524, %get3A_1559 : vector<16xf32>
        %add3A_1561 = arith.constant 20 : i32
        %add3A_1562 = arith.addi %mul3A_853, %add3A_1561 : i32
        %get3A_1563 = arith.constant 0 : i32
        %get3A_1564 = arith.index_cast %get3A_1563 : i32 to index
        %get3A_1565 = arith.index_cast %add3A_1562 : i32 to index
        %get3A_1566 = arith.constant 0 : index
        %get3A_1567 = tpu.vector_load %arg6[%get3A_1564, %get3A_1565, %get3A_1566] {strides = array<i32>} : memref<2x800x64xf32, #tpu.memory_space<vmem>>, vector<1x1x16xf32>,
        %get3A_1568 = vector.shape_cast %get3A_1567 : vector<1x1x16xf32> to vector<16xf32>
        %add3A_1569 = arith.addf %add3A_1533, %get3A_1568 : vector<16xf32>
        %add3A_1570 = arith.constant 20 : i32
        %add3A_1571 = arith.addi %mul3A_853, %add3A_1570 : i32
        %get3A_1572 = arith.constant 0 : i32
        %get3A_1573 = arith.index_cast %get3A_1572 : i32 to index
        %get3A_1574 = arith.index_cast %add3A_1571 : i32 to index
        %get3A_1575 = arith.constant 16 : index
        %get3A_1576 = tpu.vector_load %arg6[%get3A_1573, %get3A_1574, %get3A_1575] {strides = array<i32>} : memref<2x800x64xf32, #tpu.memory_space<vmem>>, vector<1x1x16xf32>,
        %get3A_1577 = vector.shape_cast %get3A_1576 : vector<1x1x16xf32> to vector<16xf32>
        %add3A_1578 = arith.addf %add3A_1542, %get3A_1577 : vector<16xf32>
        %add3A_1579 = arith.constant 20 : i32
        %add3A_1580 = arith.addi %mul3A_853, %add3A_1579 : i32
        %get3A_1581 = arith.constant 0 : i32
        %get3A_1582 = arith.index_cast %get3A_1581 : i32 to index
        %get3A_1583 = arith.index_cast %add3A_1580 : i32 to index
        %get3A_1584 = arith.constant 32 : index
        %get3A_1585 = tpu.vector_load %arg6[%get3A_1582, %get3A_1583, %get3A_1584] {strides = array<i32>} : memref<2x800x64xf32, #tpu.memory_space<vmem>>, vector<1x1x16xf32>,
        %get3A_1586 = vector.shape_cast %get3A_1585 : vector<1x1x16xf32> to vector<16xf32>
        %add3A_1587 = arith.addf %add3A_1551, %get3A_1586 : vector<16xf32>
        %add3A_1588 = arith.constant 20 : i32
        %add3A_1589 = arith.addi %mul3A_853, %add3A_1588 : i32
        %get3A_1590 = arith.constant 0 : i32
        %get3A_1591 = arith.index_cast %get3A_1590 : i32 to index
        %get3A_1592 = arith.index_cast %add3A_1589 : i32 to index
        %get3A_1593 = arith.constant 48 : index
        %get3A_1594 = tpu.vector_load %arg6[%get3A_1591, %get3A_1592, %get3A_1593] {strides = array<i32>} : memref<2x800x64xf32, #tpu.memory_space<vmem>>, vector<1x1x16xf32>,
        %get3A_1595 = vector.shape_cast %get3A_1594 : vector<1x1x16xf32> to vector<16xf32>
        %add3A_1596 = arith.addf %add3A_1560, %get3A_1595 : vector<16xf32>
        %add3A_1597 = arith.constant 21 : i32
        %add3A_1598 = arith.addi %mul3A_853, %add3A_1597 : i32
        %get3A_1599 = arith.constant 0 : i32
        %get3A_1600 = arith.index_cast %get3A_1599 : i32 to index
        %get3A_1601 = arith.index_cast %add3A_1598 : i32 to index
        %get3A_1602 = arith.constant 0 : index
        %get3A_1603 = tpu.vector_load %arg6[%get3A_1600, %get3A_1601, %get3A_1602] {strides = array<i32>} : memref<2x800x64xf32, #tpu.memory_space<vmem>>, vector<1x1x16xf32>,
        %get3A_1604 = vector.shape_cast %get3A_1603 : vector<1x1x16xf32> to vector<16xf32>
        %add3A_1605 = arith.addf %add3A_1569, %get3A_1604 : vector<16xf32>
        %add3A_1606 = arith.constant 21 : i32
        %add3A_1607 = arith.addi %mul3A_853, %add3A_1606 : i32
        %get3A_1608 = arith.constant 0 : i32
        %get3A_1609 = arith.index_cast %get3A_1608 : i32 to index
        %get3A_1610 = arith.index_cast %add3A_1607 : i32 to index
        %get3A_1611 = arith.constant 16 : index
        %get3A_1612 = tpu.vector_load %arg6[%get3A_1609, %get3A_1610, %get3A_1611] {strides = array<i32>} : memref<2x800x64xf32, #tpu.memory_space<vmem>>, vector<1x1x16xf32>,
        %get3A_1613 = vector.shape_cast %get3A_1612 : vector<1x1x16xf32> to vector<16xf32>
        %add3A_1614 = arith.addf %add3A_1578, %get3A_1613 : vector<16xf32>
        %add3A_1615 = arith.constant 21 : i32
        %add3A_1616 = arith.addi %mul3A_853, %add3A_1615 : i32
        %get3A_1617 = arith.constant 0 : i32
        %get3A_1618 = arith.index_cast %get3A_1617 : i32 to index
        %get3A_1619 = arith.index_cast %add3A_1616 : i32 to index
        %get3A_1620 = arith.constant 32 : index
        %get3A_1621 = tpu.vector_load %arg6[%get3A_1618, %get3A_1619, %get3A_1620] {strides = array<i32>} : memref<2x800x64xf32, #tpu.memory_space<vmem>>, vector<1x1x16xf32>,
        %get3A_1622 = vector.shape_cast %get3A_1621 : vector<1x1x16xf32> to vector<16xf32>
        %add3A_1623 = arith.addf %add3A_1587, %get3A_1622 : vector<16xf32>
        %add3A_1624 = arith.constant 21 : i32
        %add3A_1625 = arith.addi %mul3A_853, %add3A_1624 : i32
        %get3A_1626 = arith.constant 0 : i32
        %get3A_1627 = arith.index_cast %get3A_1626 : i32 to index
        %get3A_1628 = arith.index_cast %add3A_1625 : i32 to index
        %get3A_1629 = arith.constant 48 : index
        %get3A_1630 = tpu.vector_load %arg6[%get3A_1627, %get3A_1628, %get3A_1629] {strides = array<i32>} : memref<2x800x64xf32, #tpu.memory_space<vmem>>, vector<1x1x16xf32>,
        %get3A_1631 = vector.shape_cast %get3A_1630 : vector<1x1x16xf32> to vector<16xf32>
        %add3A_1632 = arith.addf %add3A_1596, %get3A_1631 : vector<16xf32>
        %add3A_1633 = arith.constant 22 : i32
        %add3A_1634 = arith.addi %mul3A_853, %add3A_1633 : i32
        %get3A_1635 = arith.constant 0 : i32
        %get3A_1636 = arith.index_cast %get3A_1635 : i32 to index
        %get3A_1637 = arith.index_cast %add3A_1634 : i32 to index
        %get3A_1638 = arith.constant 0 : index
        %get3A_1639 = tpu.vector_load %arg6[%get3A_1636, %get3A_1637, %get3A_1638] {strides = array<i32>} : memref<2x800x64xf32, #tpu.memory_space<vmem>>, vector<1x1x16xf32>,
        %get3A_1640 = vector.shape_cast %get3A_1639 : vector<1x1x16xf32> to vector<16xf32>
        %add3A_1641 = arith.addf %add3A_1605, %get3A_1640 : vector<16xf32>
        %add3A_1642 = arith.constant 22 : i32
        %add3A_1643 = arith.addi %mul3A_853, %add3A_1642 : i32
        %get3A_1644 = arith.constant 0 : i32
        %get3A_1645 = arith.index_cast %get3A_1644 : i32 to index
        %get3A_1646 = arith.index_cast %add3A_1643 : i32 to index
        %get3A_1647 = arith.constant 16 : index
        %get3A_1648 = tpu.vector_load %arg6[%get3A_1645, %get3A_1646, %get3A_1647] {strides = array<i32>} : memref<2x800x64xf32, #tpu.memory_space<vmem>>, vector<1x1x16xf32>,
        %get3A_1649 = vector.shape_cast %get3A_1648 : vector<1x1x16xf32> to vector<16xf32>
        %add3A_1650 = arith.addf %add3A_1614, %get3A_1649 : vector<16xf32>
        %add3A_1651 = arith.constant 22 : i32
        %add3A_1652 = arith.addi %mul3A_853, %add3A_1651 : i32
        %get3A_1653 = arith.constant 0 : i32
        %get3A_1654 = arith.index_cast %get3A_1653 : i32 to index
        %get3A_1655 = arith.index_cast %add3A_1652 : i32 to index
        %get3A_1656 = arith.constant 32 : index
        %get3A_1657 = tpu.vector_load %arg6[%get3A_1654, %get3A_1655, %get3A_1656] {strides = array<i32>} : memref<2x800x64xf32, #tpu.memory_space<vmem>>, vector<1x1x16xf32>,
        %get3A_1658 = vector.shape_cast %get3A_1657 : vector<1x1x16xf32> to vector<16xf32>
        %add3A_1659 = arith.addf %add3A_1623, %get3A_1658 : vector<16xf32>
        %add3A_1660 = arith.constant 22 : i32
        %add3A_1661 = arith.addi %mul3A_853, %add3A_1660 : i32
        %get3A_1662 = arith.constant 0 : i32
        %get3A_1663 = arith.index_cast %get3A_1662 : i32 to index
        %get3A_1664 = arith.index_cast %add3A_1661 : i32 to index
        %get3A_1665 = arith.constant 48 : index
        %get3A_1666 = tpu.vector_load %arg6[%get3A_1663, %get3A_1664, %get3A_1665] {strides = array<i32>} : memref<2x800x64xf32, #tpu.memory_space<vmem>>, vector<1x1x16xf32>,
        %get3A_1667 = vector.shape_cast %get3A_1666 : vector<1x1x16xf32> to vector<16xf32>
        %add3A_1668 = arith.addf %add3A_1632, %get3A_1667 : vector<16xf32>
        %add3A_1669 = arith.constant 23 : i32
        %add3A_1670 = arith.addi %mul3A_853, %add3A_1669 : i32
        %get3A_1671 = arith.constant 0 : i32
        %get3A_1672 = arith.index_cast %get3A_1671 : i32 to index
        %get3A_1673 = arith.index_cast %add3A_1670 : i32 to index
        %get3A_1674 = arith.constant 0 : index
        %get3A_1675 = tpu.vector_load %arg6[%get3A_1672, %get3A_1673, %get3A_1674] {strides = array<i32>} : memref<2x800x64xf32, #tpu.memory_space<vmem>>, vector<1x1x16xf32>,
        %get3A_1676 = vector.shape_cast %get3A_1675 : vector<1x1x16xf32> to vector<16xf32>
        %add3A_1677 = arith.addf %add3A_1641, %get3A_1676 : vector<16xf32>
        %add3A_1678 = arith.constant 23 : i32
        %add3A_1679 = arith.addi %mul3A_853, %add3A_1678 : i32
        %get3A_1680 = arith.constant 0 : i32
        %get3A_1681 = arith.index_cast %get3A_1680 : i32 to index
        %get3A_1682 = arith.index_cast %add3A_1679 : i32 to index
        %get3A_1683 = arith.constant 16 : index
        %get3A_1684 = tpu.vector_load %arg6[%get3A_1681, %get3A_1682, %get3A_1683] {strides = array<i32>} : memref<2x800x64xf32, #tpu.memory_space<vmem>>, vector<1x1x16xf32>,
        %get3A_1685 = vector.shape_cast %get3A_1684 : vector<1x1x16xf32> to vector<16xf32>
        %add3A_1686 = arith.addf %add3A_1650, %get3A_1685 : vector<16xf32>
        %add3A_1687 = arith.constant 23 : i32
        %add3A_1688 = arith.addi %mul3A_853, %add3A_1687 : i32
        %get3A_1689 = arith.constant 0 : i32
        %get3A_1690 = arith.index_cast %get3A_1689 : i32 to index
        %get3A_1691 = arith.index_cast %add3A_1688 : i32 to index
        %get3A_1692 = arith.constant 32 : index
        %get3A_1693 = tpu.vector_load %arg6[%get3A_1690, %get3A_1691, %get3A_1692] {strides = array<i32>} : memref<2x800x64xf32, #tpu.memory_space<vmem>>, vector<1x1x16xf32>,
        %get3A_1694 = vector.shape_cast %get3A_1693 : vector<1x1x16xf32> to vector<16xf32>
        %add3A_1695 = arith.addf %add3A_1659, %get3A_1694 : vector<16xf32>
        %add3A_1696 = arith.constant 23 : i32
        %add3A_1697 = arith.addi %mul3A_853, %add3A_1696 : i32
        %get3A_1698 = arith.constant 0 : i32
        %get3A_1699 = arith.index_cast %get3A_1698 : i32 to index
        %get3A_1700 = arith.index_cast %add3A_1697 : i32 to index
        %get3A_1701 = arith.constant 48 : index
        %get3A_1702 = tpu.vector_load %arg6[%get3A_1699, %get3A_1700, %get3A_1701] {strides = array<i32>} : memref<2x800x64xf32, #tpu.memory_space<vmem>>, vector<1x1x16xf32>,
        %get3A_1703 = vector.shape_cast %get3A_1702 : vector<1x1x16xf32> to vector<16xf32>
        %add3A_1704 = arith.addf %add3A_1668, %get3A_1703 : vector<16xf32>
        %add3A_1705 = arith.constant 24 : i32
        %add3A_1706 = arith.addi %mul3A_853, %add3A_1705 : i32
        %get3A_1707 = arith.constant 0 : i32
        %get3A_1708 = arith.index_cast %get3A_1707 : i32 to index
        %get3A_1709 = arith.index_cast %add3A_1706 : i32 to index
        %get3A_1710 = arith.constant 0 : index
        %get3A_1711 = tpu.vector_load %arg6[%get3A_1708, %get3A_1709, %get3A_1710] {strides = array<i32>} : memref<2x800x64xf32, #tpu.memory_space<vmem>>, vector<1x1x16xf32>,
        %get3A_1712 = vector.shape_cast %get3A_1711 : vector<1x1x16xf32> to vector<16xf32>
        %add3A_1713 = arith.addf %add3A_1677, %get3A_1712 : vector<16xf32>
        %add3A_1714 = arith.constant 24 : i32
        %add3A_1715 = arith.addi %mul3A_853, %add3A_1714 : i32
        %get3A_1716 = arith.constant 0 : i32
        %get3A_1717 = arith.index_cast %get3A_1716 : i32 to index
        %get3A_1718 = arith.index_cast %add3A_1715 : i32 to index
        %get3A_1719 = arith.constant 16 : index
        %get3A_1720 = tpu.vector_load %arg6[%get3A_1717, %get3A_1718, %get3A_1719] {strides = array<i32>} : memref<2x800x64xf32, #tpu.memory_space<vmem>>, vector<1x1x16xf32>,
        %get3A_1721 = vector.shape_cast %get3A_1720 : vector<1x1x16xf32> to vector<16xf32>
        %add3A_1722 = arith.addf %add3A_1686, %get3A_1721 : vector<16xf32>
        %add3A_1723 = arith.constant 24 : i32
        %add3A_1724 = arith.addi %mul3A_853, %add3A_1723 : i32
        %get3A_1725 = arith.constant 0 : i32
        %get3A_1726 = arith.index_cast %get3A_1725 : i32 to index
        %get3A_1727 = arith.index_cast %add3A_1724 : i32 to index
        %get3A_1728 = arith.constant 32 : index
        %get3A_1729 = tpu.vector_load %arg6[%get3A_1726, %get3A_1727, %get3A_1728] {strides = array<i32>} : memref<2x800x64xf32, #tpu.memory_space<vmem>>, vector<1x1x16xf32>,
        %get3A_1730 = vector.shape_cast %get3A_1729 : vector<1x1x16xf32> to vector<16xf32>
        %add3A_1731 = arith.addf %add3A_1695, %get3A_1730 : vector<16xf32>
        %add3A_1732 = arith.constant 24 : i32
        %add3A_1733 = arith.addi %mul3A_853, %add3A_1732 : i32
        %get3A_1734 = arith.constant 0 : i32
        %get3A_1735 = arith.index_cast %get3A_1734 : i32 to index
        %get3A_1736 = arith.index_cast %add3A_1733 : i32 to index
        %get3A_1737 = arith.constant 48 : index
        %get3A_1738 = tpu.vector_load %arg6[%get3A_1735, %get3A_1736, %get3A_1737] {strides = array<i32>} : memref<2x800x64xf32, #tpu.memory_space<vmem>>, vector<1x1x16xf32>,
        %get3A_1739 = vector.shape_cast %get3A_1738 : vector<1x1x16xf32> to vector<16xf32>
        %add3A_1740 = arith.addf %add3A_1704, %get3A_1739 : vector<16xf32>
        %add3A_1741 = arith.constant 25 : i32
        %add3A_1742 = arith.addi %mul3A_853, %add3A_1741 : i32
        %get3A_1743 = arith.constant 0 : i32
        %get3A_1744 = arith.index_cast %get3A_1743 : i32 to index
        %get3A_1745 = arith.index_cast %add3A_1742 : i32 to index
        %get3A_1746 = arith.constant 0 : index
        %get3A_1747 = tpu.vector_load %arg6[%get3A_1744, %get3A_1745, %get3A_1746] {strides = array<i32>} : memref<2x800x64xf32, #tpu.memory_space<vmem>>, vector<1x1x16xf32>,
        %get3A_1748 = vector.shape_cast %get3A_1747 : vector<1x1x16xf32> to vector<16xf32>
        %add3A_1749 = arith.addf %add3A_1713, %get3A_1748 : vector<16xf32>
        %add3A_1750 = arith.constant 25 : i32
        %add3A_1751 = arith.addi %mul3A_853, %add3A_1750 : i32
        %get3A_1752 = arith.constant 0 : i32
        %get3A_1753 = arith.index_cast %get3A_1752 : i32 to index
        %get3A_1754 = arith.index_cast %add3A_1751 : i32 to index
        %get3A_1755 = arith.constant 16 : index
        %get3A_1756 = tpu.vector_load %arg6[%get3A_1753, %get3A_1754, %get3A_1755] {strides = array<i32>} : memref<2x800x64xf32, #tpu.memory_space<vmem>>, vector<1x1x16xf32>,
        %get3A_1757 = vector.shape_cast %get3A_1756 : vector<1x1x16xf32> to vector<16xf32>
        %add3A_1758 = arith.addf %add3A_1722, %get3A_1757 : vector<16xf32>
        %add3A_1759 = arith.constant 25 : i32
        %add3A_1760 = arith.addi %mul3A_853, %add3A_1759 : i32
        %get3A_1761 = arith.constant 0 : i32
        %get3A_1762 = arith.index_cast %get3A_1761 : i32 to index
        %get3A_1763 = arith.index_cast %add3A_1760 : i32 to index
        %get3A_1764 = arith.constant 32 : index
        %get3A_1765 = tpu.vector_load %arg6[%get3A_1762, %get3A_1763, %get3A_1764] {strides = array<i32>} : memref<2x800x64xf32, #tpu.memory_space<vmem>>, vector<1x1x16xf32>,
        %get3A_1766 = vector.shape_cast %get3A_1765 : vector<1x1x16xf32> to vector<16xf32>
        %add3A_1767 = arith.addf %add3A_1731, %get3A_1766 : vector<16xf32>
        %add3A_1768 = arith.constant 25 : i32
        %add3A_1769 = arith.addi %mul3A_853, %add3A_1768 : i32
        %get3A_1770 = arith.constant 0 : i32
        %get3A_1771 = arith.index_cast %get3A_1770 : i32 to index
        %get3A_1772 = arith.index_cast %add3A_1769 : i32 to index
        %get3A_1773 = arith.constant 48 : index
        %get3A_1774 = tpu.vector_load %arg6[%get3A_1771, %get3A_1772, %get3A_1773] {strides = array<i32>} : memref<2x800x64xf32, #tpu.memory_space<vmem>>, vector<1x1x16xf32>,
        %get3A_1775 = vector.shape_cast %get3A_1774 : vector<1x1x16xf32> to vector<16xf32>
        %add3A_1776 = arith.addf %add3A_1740, %get3A_1775 : vector<16xf32>
        %add3A_1777 = arith.constant 26 : i32
        %add3A_1778 = arith.addi %mul3A_853, %add3A_1777 : i32
        %get3A_1779 = arith.constant 0 : i32
        %get3A_1780 = arith.index_cast %get3A_1779 : i32 to index
        %get3A_1781 = arith.index_cast %add3A_1778 : i32 to index
        %get3A_1782 = arith.constant 0 : index
        %get3A_1783 = tpu.vector_load %arg6[%get3A_1780, %get3A_1781, %get3A_1782] {strides = array<i32>} : memref<2x800x64xf32, #tpu.memory_space<vmem>>, vector<1x1x16xf32>,
        %get3A_1784 = vector.shape_cast %get3A_1783 : vector<1x1x16xf32> to vector<16xf32>
        %add3A_1785 = arith.addf %add3A_1749, %get3A_1784 : vector<16xf32>
        %add3A_1786 = arith.constant 26 : i32
        %add3A_1787 = arith.addi %mul3A_853, %add3A_1786 : i32
        %get3A_1788 = arith.constant 0 : i32
        %get3A_1789 = arith.index_cast %get3A_1788 : i32 to index
        %get3A_1790 = arith.index_cast %add3A_1787 : i32 to index
        %get3A_1791 = arith.constant 16 : index
        %get3A_1792 = tpu.vector_load %arg6[%get3A_1789, %get3A_1790, %get3A_1791] {strides = array<i32>} : memref<2x800x64xf32, #tpu.memory_space<vmem>>, vector<1x1x16xf32>,
        %get3A_1793 = vector.shape_cast %get3A_1792 : vector<1x1x16xf32> to vector<16xf32>
        %add3A_1794 = arith.addf %add3A_1758, %get3A_1793 : vector<16xf32>
        %add3A_1795 = arith.constant 26 : i32
        %add3A_1796 = arith.addi %mul3A_853, %add3A_1795 : i32
        %get3A_1797 = arith.constant 0 : i32
        %get3A_1798 = arith.index_cast %get3A_1797 : i32 to index
        %get3A_1799 = arith.index_cast %add3A_1796 : i32 to index
        %get3A_1800 = arith.constant 32 : index
        %get3A_1801 = tpu.vector_load %arg6[%get3A_1798, %get3A_1799, %get3A_1800] {strides = array<i32>} : memref<2x800x64xf32, #tpu.memory_space<vmem>>, vector<1x1x16xf32>,
        %get3A_1802 = vector.shape_cast %get3A_1801 : vector<1x1x16xf32> to vector<16xf32>
        %add3A_1803 = arith.addf %add3A_1767, %get3A_1802 : vector<16xf32>
        %add3A_1804 = arith.constant 26 : i32
        %add3A_1805 = arith.addi %mul3A_853, %add3A_1804 : i32
        %get3A_1806 = arith.constant 0 : i32
        %get3A_1807 = arith.index_cast %get3A_1806 : i32 to index
        %get3A_1808 = arith.index_cast %add3A_1805 : i32 to index
        %get3A_1809 = arith.constant 48 : index
        %get3A_1810 = tpu.vector_load %arg6[%get3A_1807, %get3A_1808, %get3A_1809] {strides = array<i32>} : memref<2x800x64xf32, #tpu.memory_space<vmem>>, vector<1x1x16xf32>,
        %get3A_1811 = vector.shape_cast %get3A_1810 : vector<1x1x16xf32> to vector<16xf32>
        %add3A_1812 = arith.addf %add3A_1776, %get3A_1811 : vector<16xf32>
        %add3A_1813 = arith.constant 27 : i32
        %add3A_1814 = arith.addi %mul3A_853, %add3A_1813 : i32
        %get3A_1815 = arith.constant 0 : i32
        %get3A_1816 = arith.index_cast %get3A_1815 : i32 to index
        %get3A_1817 = arith.index_cast %add3A_1814 : i32 to index
        %get3A_1818 = arith.constant 0 : index
        %get3A_1819 = tpu.vector_load %arg6[%get3A_1816, %get3A_1817, %get3A_1818] {strides = array<i32>} : memref<2x800x64xf32, #tpu.memory_space<vmem>>, vector<1x1x16xf32>,
        %get3A_1820 = vector.shape_cast %get3A_1819 : vector<1x1x16xf32> to vector<16xf32>
        %add3A_1821 = arith.addf %add3A_1785, %get3A_1820 : vector<16xf32>
        %add3A_1822 = arith.constant 27 : i32
        %add3A_1823 = arith.addi %mul3A_853, %add3A_1822 : i32
        %get3A_1824 = arith.constant 0 : i32
        %get3A_1825 = arith.index_cast %get3A_1824 : i32 to index
        %get3A_1826 = arith.index_cast %add3A_1823 : i32 to index
        %get3A_1827 = arith.constant 16 : index
        %get3A_1828 = tpu.vector_load %arg6[%get3A_1825, %get3A_1826, %get3A_1827] {strides = array<i32>} : memref<2x800x64xf32, #tpu.memory_space<vmem>>, vector<1x1x16xf32>,
        %get3A_1829 = vector.shape_cast %get3A_1828 : vector<1x1x16xf32> to vector<16xf32>
        %add3A_1830 = arith.addf %add3A_1794, %get3A_1829 : vector<16xf32>
        %add3A_1831 = arith.constant 27 : i32
        %add3A_1832 = arith.addi %mul3A_853, %add3A_1831 : i32
        %get3A_1833 = arith.constant 0 : i32
        %get3A_1834 = arith.index_cast %get3A_1833 : i32 to index
        %get3A_1835 = arith.index_cast %add3A_1832 : i32 to index
        %get3A_1836 = arith.constant 32 : index
        %get3A_1837 = tpu.vector_load %arg6[%get3A_1834, %get3A_1835, %get3A_1836] {strides = array<i32>} : memref<2x800x64xf32, #tpu.memory_space<vmem>>, vector<1x1x16xf32>,
        %get3A_1838 = vector.shape_cast %get3A_1837 : vector<1x1x16xf32> to vector<16xf32>
        %add3A_1839 = arith.addf %add3A_1803, %get3A_1838 : vector<16xf32>
        %add3A_1840 = arith.constant 27 : i32
        %add3A_1841 = arith.addi %mul3A_853, %add3A_1840 : i32
        %get3A_1842 = arith.constant 0 : i32
        %get3A_1843 = arith.index_cast %get3A_1842 : i32 to index
        %get3A_1844 = arith.index_cast %add3A_1841 : i32 to index
        %get3A_1845 = arith.constant 48 : index
        %get3A_1846 = tpu.vector_load %arg6[%get3A_1843, %get3A_1844, %get3A_1845] {strides = array<i32>} : memref<2x800x64xf32, #tpu.memory_space<vmem>>, vector<1x1x16xf32>,
        %get3A_1847 = vector.shape_cast %get3A_1846 : vector<1x1x16xf32> to vector<16xf32>
        %add3A_1848 = arith.addf %add3A_1812, %get3A_1847 : vector<16xf32>
        %add3A_1849 = arith.constant 28 : i32
        %add3A_1850 = arith.addi %mul3A_853, %add3A_1849 : i32
        %get3A_1851 = arith.constant 0 : i32
        %get3A_1852 = arith.index_cast %get3A_1851 : i32 to index
        %get3A_1853 = arith.index_cast %add3A_1850 : i32 to index
        %get3A_1854 = arith.constant 0 : index
        %get3A_1855 = tpu.vector_load %arg6[%get3A_1852, %get3A_1853, %get3A_1854] {strides = array<i32>} : memref<2x800x64xf32, #tpu.memory_space<vmem>>, vector<1x1x16xf32>,
        %get3A_1856 = vector.shape_cast %get3A_1855 : vector<1x1x16xf32> to vector<16xf32>
        %add3A_1857 = arith.addf %add3A_1821, %get3A_1856 : vector<16xf32>
        %add3A_1858 = arith.constant 28 : i32
        %add3A_1859 = arith.addi %mul3A_853, %add3A_1858 : i32
        %get3A_1860 = arith.constant 0 : i32
        %get3A_1861 = arith.index_cast %get3A_1860 : i32 to index
        %get3A_1862 = arith.index_cast %add3A_1859 : i32 to index
        %get3A_1863 = arith.constant 16 : index
        %get3A_1864 = tpu.vector_load %arg6[%get3A_1861, %get3A_1862, %get3A_1863] {strides = array<i32>} : memref<2x800x64xf32, #tpu.memory_space<vmem>>, vector<1x1x16xf32>,
        %get3A_1865 = vector.shape_cast %get3A_1864 : vector<1x1x16xf32> to vector<16xf32>
        %add3A_1866 = arith.addf %add3A_1830, %get3A_1865 : vector<16xf32>
        %add3A_1867 = arith.constant 28 : i32
        %add3A_1868 = arith.addi %mul3A_853, %add3A_1867 : i32
        %get3A_1869 = arith.constant 0 : i32
        %get3A_1870 = arith.index_cast %get3A_1869 : i32 to index
        %get3A_1871 = arith.index_cast %add3A_1868 : i32 to index
        %get3A_1872 = arith.constant 32 : index
        %get3A_1873 = tpu.vector_load %arg6[%get3A_1870, %get3A_1871, %get3A_1872] {strides = array<i32>} : memref<2x800x64xf32, #tpu.memory_space<vmem>>, vector<1x1x16xf32>,
        %get3A_1874 = vector.shape_cast %get3A_1873 : vector<1x1x16xf32> to vector<16xf32>
        %add3A_1875 = arith.addf %add3A_1839, %get3A_1874 : vector<16xf32>
        %add3A_1876 = arith.constant 28 : i32
        %add3A_1877 = arith.addi %mul3A_853, %add3A_1876 : i32
        %get3A_1878 = arith.constant 0 : i32
        %get3A_1879 = arith.index_cast %get3A_1878 : i32 to index
        %get3A_1880 = arith.index_cast %add3A_1877 : i32 to index
        %get3A_1881 = arith.constant 48 : index
        %get3A_1882 = tpu.vector_load %arg6[%get3A_1879, %get3A_1880, %get3A_1881] {strides = array<i32>} : memref<2x800x64xf32, #tpu.memory_space<vmem>>, vector<1x1x16xf32>,
        %get3A_1883 = vector.shape_cast %get3A_1882 : vector<1x1x16xf32> to vector<16xf32>
        %add3A_1884 = arith.addf %add3A_1848, %get3A_1883 : vector<16xf32>
        %add3A_1885 = arith.constant 29 : i32
        %add3A_1886 = arith.addi %mul3A_853, %add3A_1885 : i32
        %get3A_1887 = arith.constant 0 : i32
        %get3A_1888 = arith.index_cast %get3A_1887 : i32 to index
        %get3A_1889 = arith.index_cast %add3A_1886 : i32 to index
        %get3A_1890 = arith.constant 0 : index
        %get3A_1891 = tpu.vector_load %arg6[%get3A_1888, %get3A_1889, %get3A_1890] {strides = array<i32>} : memref<2x800x64xf32, #tpu.memory_space<vmem>>, vector<1x1x16xf32>,
        %get3A_1892 = vector.shape_cast %get3A_1891 : vector<1x1x16xf32> to vector<16xf32>
        %add3A_1893 = arith.addf %add3A_1857, %get3A_1892 : vector<16xf32>
        %add3A_1894 = arith.constant 29 : i32
        %add3A_1895 = arith.addi %mul3A_853, %add3A_1894 : i32
        %get3A_1896 = arith.constant 0 : i32
        %get3A_1897 = arith.index_cast %get3A_1896 : i32 to index
        %get3A_1898 = arith.index_cast %add3A_1895 : i32 to index
        %get3A_1899 = arith.constant 16 : index
        %get3A_1900 = tpu.vector_load %arg6[%get3A_1897, %get3A_1898, %get3A_1899] {strides = array<i32>} : memref<2x800x64xf32, #tpu.memory_space<vmem>>, vector<1x1x16xf32>,
        %get3A_1901 = vector.shape_cast %get3A_1900 : vector<1x1x16xf32> to vector<16xf32>
        %add3A_1902 = arith.addf %add3A_1866, %get3A_1901 : vector<16xf32>
        %add3A_1903 = arith.constant 29 : i32
        %add3A_1904 = arith.addi %mul3A_853, %add3A_1903 : i32
        %get3A_1905 = arith.constant 0 : i32
        %get3A_1906 = arith.index_cast %get3A_1905 : i32 to index
        %get3A_1907 = arith.index_cast %add3A_1904 : i32 to index
        %get3A_1908 = arith.constant 32 : index
        %get3A_1909 = tpu.vector_load %arg6[%get3A_1906, %get3A_1907, %get3A_1908] {strides = array<i32>} : memref<2x800x64xf32, #tpu.memory_space<vmem>>, vector<1x1x16xf32>,
        %get3A_1910 = vector.shape_cast %get3A_1909 : vector<1x1x16xf32> to vector<16xf32>
        %add3A_1911 = arith.addf %add3A_1875, %get3A_1910 : vector<16xf32>
        %add3A_1912 = arith.constant 29 : i32
        %add3A_1913 = arith.addi %mul3A_853, %add3A_1912 : i32
        %get3A_1914 = arith.constant 0 : i32
        %get3A_1915 = arith.index_cast %get3A_1914 : i32 to index
        %get3A_1916 = arith.index_cast %add3A_1913 : i32 to index
        %get3A_1917 = arith.constant 48 : index
        %get3A_1918 = tpu.vector_load %arg6[%get3A_1915, %get3A_1916, %get3A_1917] {strides = array<i32>} : memref<2x800x64xf32, #tpu.memory_space<vmem>>, vector<1x1x16xf32>,
        %get3A_1919 = vector.shape_cast %get3A_1918 : vector<1x1x16xf32> to vector<16xf32>
        %add3A_1920 = arith.addf %add3A_1884, %get3A_1919 : vector<16xf32>
        %add3A_1921 = arith.constant 30 : i32
        %add3A_1922 = arith.addi %mul3A_853, %add3A_1921 : i32
        %get3A_1923 = arith.constant 0 : i32
        %get3A_1924 = arith.index_cast %get3A_1923 : i32 to index
        %get3A_1925 = arith.index_cast %add3A_1922 : i32 to index
        %get3A_1926 = arith.constant 0 : index
        %get3A_1927 = tpu.vector_load %arg6[%get3A_1924, %get3A_1925, %get3A_1926] {strides = array<i32>} : memref<2x800x64xf32, #tpu.memory_space<vmem>>, vector<1x1x16xf32>,
        %get3A_1928 = vector.shape_cast %get3A_1927 : vector<1x1x16xf32> to vector<16xf32>
        %add3A_1929 = arith.addf %add3A_1893, %get3A_1928 : vector<16xf32>
        %add3A_1930 = arith.constant 30 : i32
        %add3A_1931 = arith.addi %mul3A_853, %add3A_1930 : i32
        %get3A_1932 = arith.constant 0 : i32
        %get3A_1933 = arith.index_cast %get3A_1932 : i32 to index
        %get3A_1934 = arith.index_cast %add3A_1931 : i32 to index
        %get3A_1935 = arith.constant 16 : index
        %get3A_1936 = tpu.vector_load %arg6[%get3A_1933, %get3A_1934, %get3A_1935] {strides = array<i32>} : memref<2x800x64xf32, #tpu.memory_space<vmem>>, vector<1x1x16xf32>,
        %get3A_1937 = vector.shape_cast %get3A_1936 : vector<1x1x16xf32> to vector<16xf32>
        %add3A_1938 = arith.addf %add3A_1902, %get3A_1937 : vector<16xf32>
        %add3A_1939 = arith.constant 30 : i32
        %add3A_1940 = arith.addi %mul3A_853, %add3A_1939 : i32
        %get3A_1941 = arith.constant 0 : i32
        %get3A_1942 = arith.index_cast %get3A_1941 : i32 to index
        %get3A_1943 = arith.index_cast %add3A_1940 : i32 to index
        %get3A_1944 = arith.constant 32 : index
        %get3A_1945 = tpu.vector_load %arg6[%get3A_1942, %get3A_1943, %get3A_1944] {strides = array<i32>} : memref<2x800x64xf32, #tpu.memory_space<vmem>>, vector<1x1x16xf32>,
        %get3A_1946 = vector.shape_cast %get3A_1945 : vector<1x1x16xf32> to vector<16xf32>
        %add3A_1947 = arith.addf %add3A_1911, %get3A_1946 : vector<16xf32>
        %add3A_1948 = arith.constant 30 : i32
        %add3A_1949 = arith.addi %mul3A_853, %add3A_1948 : i32
        %get3A_1950 = arith.constant 0 : i32
        %get3A_1951 = arith.index_cast %get3A_1950 : i32 to index
        %get3A_1952 = arith.index_cast %add3A_1949 : i32 to index
        %get3A_1953 = arith.constant 48 : index
        %get3A_1954 = tpu.vector_load %arg6[%get3A_1951, %get3A_1952, %get3A_1953] {strides = array<i32>} : memref<2x800x64xf32, #tpu.memory_space<vmem>>, vector<1x1x16xf32>,
        %get3A_1955 = vector.shape_cast %get3A_1954 : vector<1x1x16xf32> to vector<16xf32>
        %add3A_1956 = arith.addf %add3A_1920, %get3A_1955 : vector<16xf32>
        %add3A_1957 = arith.constant 31 : i32
        %add3A_1958 = arith.addi %mul3A_853, %add3A_1957 : i32
        %get3A_1959 = arith.constant 0 : i32
        %get3A_1960 = arith.index_cast %get3A_1959 : i32 to index
        %get3A_1961 = arith.index_cast %add3A_1958 : i32 to index
        %get3A_1962 = arith.constant 0 : index
        %get3A_1963 = tpu.vector_load %arg6[%get3A_1960, %get3A_1961, %get3A_1962] {strides = array<i32>} : memref<2x800x64xf32, #tpu.memory_space<vmem>>, vector<1x1x16xf32>,
        %get3A_1964 = vector.shape_cast %get3A_1963 : vector<1x1x16xf32> to vector<16xf32>
        %add3A_1965 = arith.addf %add3A_1929, %get3A_1964 : vector<16xf32>
        %add3A_1966 = arith.constant 31 : i32
        %add3A_1967 = arith.addi %mul3A_853, %add3A_1966 : i32
        %get3A_1968 = arith.constant 0 : i32
        %get3A_1969 = arith.index_cast %get3A_1968 : i32 to index
        %get3A_1970 = arith.index_cast %add3A_1967 : i32 to index
        %get3A_1971 = arith.constant 16 : index
        %get3A_1972 = tpu.vector_load %arg6[%get3A_1969, %get3A_1970, %get3A_1971] {strides = array<i32>} : memref<2x800x64xf32, #tpu.memory_space<vmem>>, vector<1x1x16xf32>,
        %get3A_1973 = vector.shape_cast %get3A_1972 : vector<1x1x16xf32> to vector<16xf32>
        %add3A_1974 = arith.addf %add3A_1938, %get3A_1973 : vector<16xf32>
        %add3A_1975 = arith.constant 31 : i32
        %add3A_1976 = arith.addi %mul3A_853, %add3A_1975 : i32
        %get3A_1977 = arith.constant 0 : i32
        %get3A_1978 = arith.index_cast %get3A_1977 : i32 to index
        %get3A_1979 = arith.index_cast %add3A_1976 : i32 to index
        %get3A_1980 = arith.constant 32 : index
        %get3A_1981 = tpu.vector_load %arg6[%get3A_1978, %get3A_1979, %get3A_1980] {strides = array<i32>} : memref<2x800x64xf32, #tpu.memory_space<vmem>>, vector<1x1x16xf32>,
        %get3A_1982 = vector.shape_cast %get3A_1981 : vector<1x1x16xf32> to vector<16xf32>
        %add3A_1983 = arith.addf %add3A_1947, %get3A_1982 : vector<16xf32>
        %add3A_1984 = arith.constant 31 : i32
        %add3A_1985 = arith.addi %mul3A_853, %add3A_1984 : i32
        %get3A_1986 = arith.constant 0 : i32
        %get3A_1987 = arith.index_cast %get3A_1986 : i32 to index
        %get3A_1988 = arith.index_cast %add3A_1985 : i32 to index
        %get3A_1989 = arith.constant 48 : index
        %get3A_1990 = tpu.vector_load %arg6[%get3A_1987, %get3A_1988, %get3A_1989] {strides = array<i32>} : memref<2x800x64xf32, #tpu.memory_space<vmem>>, vector<1x1x16xf32>,
        %get3A_1991 = vector.shape_cast %get3A_1990 : vector<1x1x16xf32> to vector<16xf32>
        %add3A_1992 = arith.addf %add3A_1956, %get3A_1991 : vector<16xf32>
        %add3A_1993 = arith.constant 32 : i32
        %add3A_1994 = arith.addi %mul3A_853, %add3A_1993 : i32
        %get3A_1995 = arith.constant 0 : i32
        %get3A_1996 = arith.index_cast %get3A_1995 : i32 to index
        %get3A_1997 = arith.index_cast %add3A_1994 : i32 to index
        %get3A_1998 = arith.constant 0 : index
        %get3A_1999 = tpu.vector_load %arg6[%get3A_1996, %get3A_1997, %get3A_1998] {strides = array<i32>} : memref<2x800x64xf32, #tpu.memory_space<vmem>>, vector<1x1x16xf32>,
        %get3A_2000 = vector.shape_cast %get3A_1999 : vector<1x1x16xf32> to vector<16xf32>
        %add3A_2001 = arith.addf %add3A_1965, %get3A_2000 : vector<16xf32>
        %add3A_2002 = arith.constant 32 : i32
        %add3A_2003 = arith.addi %mul3A_853, %add3A_2002 : i32
        %get3A_2004 = arith.constant 0 : i32
        %get3A_2005 = arith.index_cast %get3A_2004 : i32 to index
        %get3A_2006 = arith.index_cast %add3A_2003 : i32 to index
        %get3A_2007 = arith.constant 16 : index
        %get3A_2008 = tpu.vector_load %arg6[%get3A_2005, %get3A_2006, %get3A_2007] {strides = array<i32>} : memref<2x800x64xf32, #tpu.memory_space<vmem>>, vector<1x1x16xf32>,
        %get3A_2009 = vector.shape_cast %get3A_2008 : vector<1x1x16xf32> to vector<16xf32>
        %add3A_2010 = arith.addf %add3A_1974, %get3A_2009 : vector<16xf32>
        %add3A_2011 = arith.constant 32 : i32
        %add3A_2012 = arith.addi %mul3A_853, %add3A_2011 : i32
        %get3A_2013 = arith.constant 0 : i32
        %get3A_2014 = arith.index_cast %get3A_2013 : i32 to index
        %get3A_2015 = arith.index_cast %add3A_2012 : i32 to index
        %get3A_2016 = arith.constant 32 : index
        %get3A_2017 = tpu.vector_load %arg6[%get3A_2014, %get3A_2015, %get3A_2016] {strides = array<i32>} : memref<2x800x64xf32, #tpu.memory_space<vmem>>, vector<1x1x16xf32>,
        %get3A_2018 = vector.shape_cast %get3A_2017 : vector<1x1x16xf32> to vector<16xf32>
        %add3A_2019 = arith.addf %add3A_1983, %get3A_2018 : vector<16xf32>
        %add3A_2020 = arith.constant 32 : i32
        %add3A_2021 = arith.addi %mul3A_853, %add3A_2020 : i32
        %get3A_2022 = arith.constant 0 : i32
        %get3A_2023 = arith.index_cast %get3A_2022 : i32 to index
        %get3A_2024 = arith.index_cast %add3A_2021 : i32 to index
        %get3A_2025 = arith.constant 48 : index
        %get3A_2026 = tpu.vector_load %arg6[%get3A_2023, %get3A_2024, %get3A_2025] {strides = array<i32>} : memref<2x800x64xf32, #tpu.memory_space<vmem>>, vector<1x1x16xf32>,
        %get3A_2027 = vector.shape_cast %get3A_2026 : vector<1x1x16xf32> to vector<16xf32>
        %add3A_2028 = arith.addf %add3A_1992, %get3A_2027 : vector<16xf32>
        %add3A_2029 = arith.constant 33 : i32
        %add3A_2030 = arith.addi %mul3A_853, %add3A_2029 : i32
        %get3A_2031 = arith.constant 0 : i32
        %get3A_2032 = arith.index_cast %get3A_2031 : i32 to index
        %get3A_2033 = arith.index_cast %add3A_2030 : i32 to index
        %get3A_2034 = arith.constant 0 : index
        %get3A_2035 = tpu.vector_load %arg6[%get3A_2032, %get3A_2033, %get3A_2034] {strides = array<i32>} : memref<2x800x64xf32, #tpu.memory_space<vmem>>, vector<1x1x16xf32>,
        %get3A_2036 = vector.shape_cast %get3A_2035 : vector<1x1x16xf32> to vector<16xf32>
        %add3A_2037 = arith.addf %add3A_2001, %get3A_2036 : vector<16xf32>
        %add3A_2038 = arith.constant 33 : i32
        %add3A_2039 = arith.addi %mul3A_853, %add3A_2038 : i32
        %get3A_2040 = arith.constant 0 : i32
        %get3A_2041 = arith.index_cast %get3A_2040 : i32 to index
        %get3A_2042 = arith.index_cast %add3A_2039 : i32 to index
        %get3A_2043 = arith.constant 16 : index
        %get3A_2044 = tpu.vector_load %arg6[%get3A_2041, %get3A_2042, %get3A_2043] {strides = array<i32>} : memref<2x800x64xf32, #tpu.memory_space<vmem>>, vector<1x1x16xf32>,
        %get3A_2045 = vector.shape_cast %get3A_2044 : vector<1x1x16xf32> to vector<16xf32>
        %add3A_2046 = arith.addf %add3A_2010, %get3A_2045 : vector<16xf32>
        %add3A_2047 = arith.constant 33 : i32
        %add3A_2048 = arith.addi %mul3A_853, %add3A_2047 : i32
        %get3A_2049 = arith.constant 0 : i32
        %get3A_2050 = arith.index_cast %get3A_2049 : i32 to index
        %get3A_2051 = arith.index_cast %add3A_2048 : i32 to index
        %get3A_2052 = arith.constant 32 : index
        %get3A_2053 = tpu.vector_load %arg6[%get3A_2050, %get3A_2051, %get3A_2052] {strides = array<i32>} : memref<2x800x64xf32, #tpu.memory_space<vmem>>, vector<1x1x16xf32>,
        %get3A_2054 = vector.shape_cast %get3A_2053 : vector<1x1x16xf32> to vector<16xf32>
        %add3A_2055 = arith.addf %add3A_2019, %get3A_2054 : vector<16xf32>
        %add3A_2056 = arith.constant 33 : i32
        %add3A_2057 = arith.addi %mul3A_853, %add3A_2056 : i32
        %get3A_2058 = arith.constant 0 : i32
        %get3A_2059 = arith.index_cast %get3A_2058 : i32 to index
        %get3A_2060 = arith.index_cast %add3A_2057 : i32 to index
        %get3A_2061 = arith.constant 48 : index
        %get3A_2062 = tpu.vector_load %arg6[%get3A_2059, %get3A_2060, %get3A_2061] {strides = array<i32>} : memref<2x800x64xf32, #tpu.memory_space<vmem>>, vector<1x1x16xf32>,
        %get3A_2063 = vector.shape_cast %get3A_2062 : vector<1x1x16xf32> to vector<16xf32>
        %add3A_2064 = arith.addf %add3A_2028, %get3A_2063 : vector<16xf32>
        %add3A_2065 = arith.constant 34 : i32
        %add3A_2066 = arith.addi %mul3A_853, %add3A_2065 : i32
        %get3A_2067 = arith.constant 0 : i32
        %get3A_2068 = arith.index_cast %get3A_2067 : i32 to index
        %get3A_2069 = arith.index_cast %add3A_2066 : i32 to index
        %get3A_2070 = arith.constant 0 : index
        %get3A_2071 = tpu.vector_load %arg6[%get3A_2068, %get3A_2069, %get3A_2070] {strides = array<i32>} : memref<2x800x64xf32, #tpu.memory_space<vmem>>, vector<1x1x16xf32>,
        %get3A_2072 = vector.shape_cast %get3A_2071 : vector<1x1x16xf32> to vector<16xf32>
        %add3A_2073 = arith.addf %add3A_2037, %get3A_2072 : vector<16xf32>
        %add3A_2074 = arith.constant 34 : i32
        %add3A_2075 = arith.addi %mul3A_853, %add3A_2074 : i32
        %get3A_2076 = arith.constant 0 : i32
        %get3A_2077 = arith.index_cast %get3A_2076 : i32 to index
        %get3A_2078 = arith.index_cast %add3A_2075 : i32 to index
        %get3A_2079 = arith.constant 16 : index
        %get3A_2080 = tpu.vector_load %arg6[%get3A_2077, %get3A_2078, %get3A_2079] {strides = array<i32>} : memref<2x800x64xf32, #tpu.memory_space<vmem>>, vector<1x1x16xf32>,
        %get3A_2081 = vector.shape_cast %get3A_2080 : vector<1x1x16xf32> to vector<16xf32>
        %add3A_2082 = arith.addf %add3A_2046, %get3A_2081 : vector<16xf32>
        %add3A_2083 = arith.constant 34 : i32
        %add3A_2084 = arith.addi %mul3A_853, %add3A_2083 : i32
        %get3A_2085 = arith.constant 0 : i32
        %get3A_2086 = arith.index_cast %get3A_2085 : i32 to index
        %get3A_2087 = arith.index_cast %add3A_2084 : i32 to index
        %get3A_2088 = arith.constant 32 : index
        %get3A_2089 = tpu.vector_load %arg6[%get3A_2086, %get3A_2087, %get3A_2088] {strides = array<i32>} : memref<2x800x64xf32, #tpu.memory_space<vmem>>, vector<1x1x16xf32>,
        %get3A_2090 = vector.shape_cast %get3A_2089 : vector<1x1x16xf32> to vector<16xf32>
        %add3A_2091 = arith.addf %add3A_2055, %get3A_2090 : vector<16xf32>
        %add3A_2092 = arith.constant 34 : i32
        %add3A_2093 = arith.addi %mul3A_853, %add3A_2092 : i32
        %get3A_2094 = arith.constant 0 : i32
        %get3A_2095 = arith.index_cast %get3A_2094 : i32 to index
        %get3A_2096 = arith.index_cast %add3A_2093 : i32 to index
        %get3A_2097 = arith.constant 48 : index
        %get3A_2098 = tpu.vector_load %arg6[%get3A_2095, %get3A_2096, %get3A_2097] {strides = array<i32>} : memref<2x800x64xf32, #tpu.memory_space<vmem>>, vector<1x1x16xf32>,
        %get3A_2099 = vector.shape_cast %get3A_2098 : vector<1x1x16xf32> to vector<16xf32>
        %add3A_2100 = arith.addf %add3A_2064, %get3A_2099 : vector<16xf32>
        %add3A_2101 = arith.constant 35 : i32
        %add3A_2102 = arith.addi %mul3A_853, %add3A_2101 : i32
        %get3A_2103 = arith.constant 0 : i32
        %get3A_2104 = arith.index_cast %get3A_2103 : i32 to index
        %get3A_2105 = arith.index_cast %add3A_2102 : i32 to index
        %get3A_2106 = arith.constant 0 : index
        %get3A_2107 = tpu.vector_load %arg6[%get3A_2104, %get3A_2105, %get3A_2106] {strides = array<i32>} : memref<2x800x64xf32, #tpu.memory_space<vmem>>, vector<1x1x16xf32>,
        %get3A_2108 = vector.shape_cast %get3A_2107 : vector<1x1x16xf32> to vector<16xf32>
        %add3A_2109 = arith.addf %add3A_2073, %get3A_2108 : vector<16xf32>
        %add3A_2110 = arith.constant 35 : i32
        %add3A_2111 = arith.addi %mul3A_853, %add3A_2110 : i32
        %get3A_2112 = arith.constant 0 : i32
        %get3A_2113 = arith.index_cast %get3A_2112 : i32 to index
        %get3A_2114 = arith.index_cast %add3A_2111 : i32 to index
        %get3A_2115 = arith.constant 16 : index
        %get3A_2116 = tpu.vector_load %arg6[%get3A_2113, %get3A_2114, %get3A_2115] {strides = array<i32>} : memref<2x800x64xf32, #tpu.memory_space<vmem>>, vector<1x1x16xf32>,
        %get3A_2117 = vector.shape_cast %get3A_2116 : vector<1x1x16xf32> to vector<16xf32>
        %add3A_2118 = arith.addf %add3A_2082, %get3A_2117 : vector<16xf32>
        %add3A_2119 = arith.constant 35 : i32
        %add3A_2120 = arith.addi %mul3A_853, %add3A_2119 : i32
        %get3A_2121 = arith.constant 0 : i32
        %get3A_2122 = arith.index_cast %get3A_2121 : i32 to index
        %get3A_2123 = arith.index_cast %add3A_2120 : i32 to index
        %get3A_2124 = arith.constant 32 : index
        %get3A_2125 = tpu.vector_load %arg6[%get3A_2122, %get3A_2123, %get3A_2124] {strides = array<i32>} : memref<2x800x64xf32, #tpu.memory_space<vmem>>, vector<1x1x16xf32>,
        %get3A_2126 = vector.shape_cast %get3A_2125 : vector<1x1x16xf32> to vector<16xf32>
        %add3A_2127 = arith.addf %add3A_2091, %get3A_2126 : vector<16xf32>
        %add3A_2128 = arith.constant 35 : i32
        %add3A_2129 = arith.addi %mul3A_853, %add3A_2128 : i32
        %get3A_2130 = arith.constant 0 : i32
        %get3A_2131 = arith.index_cast %get3A_2130 : i32 to index
        %get3A_2132 = arith.index_cast %add3A_2129 : i32 to index
        %get3A_2133 = arith.constant 48 : index
        %get3A_2134 = tpu.vector_load %arg6[%get3A_2131, %get3A_2132, %get3A_2133] {strides = array<i32>} : memref<2x800x64xf32, #tpu.memory_space<vmem>>, vector<1x1x16xf32>,
        %get3A_2135 = vector.shape_cast %get3A_2134 : vector<1x1x16xf32> to vector<16xf32>
        %add3A_2136 = arith.addf %add3A_2100, %get3A_2135 : vector<16xf32>
        %add3A_2137 = arith.constant 36 : i32
        %add3A_2138 = arith.addi %mul3A_853, %add3A_2137 : i32
        %get3A_2139 = arith.constant 0 : i32
        %get3A_2140 = arith.index_cast %get3A_2139 : i32 to index
        %get3A_2141 = arith.index_cast %add3A_2138 : i32 to index
        %get3A_2142 = arith.constant 0 : index
        %get3A_2143 = tpu.vector_load %arg6[%get3A_2140, %get3A_2141, %get3A_2142] {strides = array<i32>} : memref<2x800x64xf32, #tpu.memory_space<vmem>>, vector<1x1x16xf32>,
        %get3A_2144 = vector.shape_cast %get3A_2143 : vector<1x1x16xf32> to vector<16xf32>
        %add3A_2145 = arith.addf %add3A_2109, %get3A_2144 : vector<16xf32>
        %add3A_2146 = arith.constant 36 : i32
        %add3A_2147 = arith.addi %mul3A_853, %add3A_2146 : i32
        %get3A_2148 = arith.constant 0 : i32
        %get3A_2149 = arith.index_cast %get3A_2148 : i32 to index
        %get3A_2150 = arith.index_cast %add3A_2147 : i32 to index
        %get3A_2151 = arith.constant 16 : index
        %get3A_2152 = tpu.vector_load %arg6[%get3A_2149, %get3A_2150, %get3A_2151] {strides = array<i32>} : memref<2x800x64xf32, #tpu.memory_space<vmem>>, vector<1x1x16xf32>,
        %get3A_2153 = vector.shape_cast %get3A_2152 : vector<1x1x16xf32> to vector<16xf32>
        %add3A_2154 = arith.addf %add3A_2118, %get3A_2153 : vector<16xf32>
        %add3A_2155 = arith.constant 36 : i32
        %add3A_2156 = arith.addi %mul3A_853, %add3A_2155 : i32
        %get3A_2157 = arith.constant 0 : i32
        %get3A_2158 = arith.index_cast %get3A_2157 : i32 to index
        %get3A_2159 = arith.index_cast %add3A_2156 : i32 to index
        %get3A_2160 = arith.constant 32 : index
        %get3A_2161 = tpu.vector_load %arg6[%get3A_2158, %get3A_2159, %get3A_2160] {strides = array<i32>} : memref<2x800x64xf32, #tpu.memory_space<vmem>>, vector<1x1x16xf32>,
        %get3A_2162 = vector.shape_cast %get3A_2161 : vector<1x1x16xf32> to vector<16xf32>
        %add3A_2163 = arith.addf %add3A_2127, %get3A_2162 : vector<16xf32>
        %add3A_2164 = arith.constant 36 : i32
        %add3A_2165 = arith.addi %mul3A_853, %add3A_2164 : i32
        %get3A_2166 = arith.constant 0 : i32
        %get3A_2167 = arith.index_cast %get3A_2166 : i32 to index
        %get3A_2168 = arith.index_cast %add3A_2165 : i32 to index
        %get3A_2169 = arith.constant 48 : index
        %get3A_2170 = tpu.vector_load %arg6[%get3A_2167, %get3A_2168, %get3A_2169] {strides = array<i32>} : memref<2x800x64xf32, #tpu.memory_space<vmem>>, vector<1x1x16xf32>,
        %get3A_2171 = vector.shape_cast %get3A_2170 : vector<1x1x16xf32> to vector<16xf32>
        %add3A_2172 = arith.addf %add3A_2136, %get3A_2171 : vector<16xf32>
        %add3A_2173 = arith.constant 37 : i32
        %add3A_2174 = arith.addi %mul3A_853, %add3A_2173 : i32
        %get3A_2175 = arith.constant 0 : i32
        %get3A_2176 = arith.index_cast %get3A_2175 : i32 to index
        %get3A_2177 = arith.index_cast %add3A_2174 : i32 to index
        %get3A_2178 = arith.constant 0 : index
        %get3A_2179 = tpu.vector_load %arg6[%get3A_2176, %get3A_2177, %get3A_2178] {strides = array<i32>} : memref<2x800x64xf32, #tpu.memory_space<vmem>>, vector<1x1x16xf32>,
        %get3A_2180 = vector.shape_cast %get3A_2179 : vector<1x1x16xf32> to vector<16xf32>
        %add3A_2181 = arith.addf %add3A_2145, %get3A_2180 : vector<16xf32>
        %add3A_2182 = arith.constant 37 : i32
        %add3A_2183 = arith.addi %mul3A_853, %add3A_2182 : i32
        %get3A_2184 = arith.constant 0 : i32
        %get3A_2185 = arith.index_cast %get3A_2184 : i32 to index
        %get3A_2186 = arith.index_cast %add3A_2183 : i32 to index
        %get3A_2187 = arith.constant 16 : index
        %get3A_2188 = tpu.vector_load %arg6[%get3A_2185, %get3A_2186, %get3A_2187] {strides = array<i32>} : memref<2x800x64xf32, #tpu.memory_space<vmem>>, vector<1x1x16xf32>,
        %get3A_2189 = vector.shape_cast %get3A_2188 : vector<1x1x16xf32> to vector<16xf32>
        %add3A_2190 = arith.addf %add3A_2154, %get3A_2189 : vector<16xf32>
        %add3A_2191 = arith.constant 37 : i32
        %add3A_2192 = arith.addi %mul3A_853, %add3A_2191 : i32
        %get3A_2193 = arith.constant 0 : i32
        %get3A_2194 = arith.index_cast %get3A_2193 : i32 to index
        %get3A_2195 = arith.index_cast %add3A_2192 : i32 to index
        %get3A_2196 = arith.constant 32 : index
        %get3A_2197 = tpu.vector_load %arg6[%get3A_2194, %get3A_2195, %get3A_2196] {strides = array<i32>} : memref<2x800x64xf32, #tpu.memory_space<vmem>>, vector<1x1x16xf32>,
        %get3A_2198 = vector.shape_cast %get3A_2197 : vector<1x1x16xf32> to vector<16xf32>
        %add3A_2199 = arith.addf %add3A_2163, %get3A_2198 : vector<16xf32>
        %add3A_2200 = arith.constant 37 : i32
        %add3A_2201 = arith.addi %mul3A_853, %add3A_2200 : i32
        %get3A_2202 = arith.constant 0 : i32
        %get3A_2203 = arith.index_cast %get3A_2202 : i32 to index
        %get3A_2204 = arith.index_cast %add3A_2201 : i32 to index
        %get3A_2205 = arith.constant 48 : index
        %get3A_2206 = tpu.vector_load %arg6[%get3A_2203, %get3A_2204, %get3A_2205] {strides = array<i32>} : memref<2x800x64xf32, #tpu.memory_space<vmem>>, vector<1x1x16xf32>,
        %get3A_2207 = vector.shape_cast %get3A_2206 : vector<1x1x16xf32> to vector<16xf32>
        %add3A_2208 = arith.addf %add3A_2172, %get3A_2207 : vector<16xf32>
        %add3A_2209 = arith.constant 38 : i32
        %add3A_2210 = arith.addi %mul3A_853, %add3A_2209 : i32
        %get3A_2211 = arith.constant 0 : i32
        %get3A_2212 = arith.index_cast %get3A_2211 : i32 to index
        %get3A_2213 = arith.index_cast %add3A_2210 : i32 to index
        %get3A_2214 = arith.constant 0 : index
        %get3A_2215 = tpu.vector_load %arg6[%get3A_2212, %get3A_2213, %get3A_2214] {strides = array<i32>} : memref<2x800x64xf32, #tpu.memory_space<vmem>>, vector<1x1x16xf32>,
        %get3A_2216 = vector.shape_cast %get3A_2215 : vector<1x1x16xf32> to vector<16xf32>
        %add3A_2217 = arith.addf %add3A_2181, %get3A_2216 : vector<16xf32>
        %add3A_2218 = arith.constant 38 : i32
        %add3A_2219 = arith.addi %mul3A_853, %add3A_2218 : i32
        %get3A_2220 = arith.constant 0 : i32
        %get3A_2221 = arith.index_cast %get3A_2220 : i32 to index
        %get3A_2222 = arith.index_cast %add3A_2219 : i32 to index
        %get3A_2223 = arith.constant 16 : index
        %get3A_2224 = tpu.vector_load %arg6[%get3A_2221, %get3A_2222, %get3A_2223] {strides = array<i32>} : memref<2x800x64xf32, #tpu.memory_space<vmem>>, vector<1x1x16xf32>,
        %get3A_2225 = vector.shape_cast %get3A_2224 : vector<1x1x16xf32> to vector<16xf32>
        %add3A_2226 = arith.addf %add3A_2190, %get3A_2225 : vector<16xf32>
        %add3A_2227 = arith.constant 38 : i32
        %add3A_2228 = arith.addi %mul3A_853, %add3A_2227 : i32
        %get3A_2229 = arith.constant 0 : i32
        %get3A_2230 = arith.index_cast %get3A_2229 : i32 to index
        %get3A_2231 = arith.index_cast %add3A_2228 : i32 to index
        %get3A_2232 = arith.constant 32 : index
        %get3A_2233 = tpu.vector_load %arg6[%get3A_2230, %get3A_2231, %get3A_2232] {strides = array<i32>} : memref<2x800x64xf32, #tpu.memory_space<vmem>>, vector<1x1x16xf32>,
        %get3A_2234 = vector.shape_cast %get3A_2233 : vector<1x1x16xf32> to vector<16xf32>
        %add3A_2235 = arith.addf %add3A_2199, %get3A_2234 : vector<16xf32>
        %add3A_2236 = arith.constant 38 : i32
        %add3A_2237 = arith.addi %mul3A_853, %add3A_2236 : i32
        %get3A_2238 = arith.constant 0 : i32
        %get3A_2239 = arith.index_cast %get3A_2238 : i32 to index
        %get3A_2240 = arith.index_cast %add3A_2237 : i32 to index
        %get3A_2241 = arith.constant 48 : index
        %get3A_2242 = tpu.vector_load %arg6[%get3A_2239, %get3A_2240, %get3A_2241] {strides = array<i32>} : memref<2x800x64xf32, #tpu.memory_space<vmem>>, vector<1x1x16xf32>,
        %get3A_2243 = vector.shape_cast %get3A_2242 : vector<1x1x16xf32> to vector<16xf32>
        %add3A_2244 = arith.addf %add3A_2208, %get3A_2243 : vector<16xf32>
        %add3A_2245 = arith.constant 39 : i32
        %add3A_2246 = arith.addi %mul3A_853, %add3A_2245 : i32
        %get3A_2247 = arith.constant 0 : i32
        %get3A_2248 = arith.index_cast %get3A_2247 : i32 to index
        %get3A_2249 = arith.index_cast %add3A_2246 : i32 to index
        %get3A_2250 = arith.constant 0 : index
        %get3A_2251 = tpu.vector_load %arg6[%get3A_2248, %get3A_2249, %get3A_2250] {strides = array<i32>} : memref<2x800x64xf32, #tpu.memory_space<vmem>>, vector<1x1x16xf32>,
        %get3A_2252 = vector.shape_cast %get3A_2251 : vector<1x1x16xf32> to vector<16xf32>
        %add3A_2253 = arith.addf %add3A_2217, %get3A_2252 : vector<16xf32>
        %add3A_2254 = arith.constant 39 : i32
        %add3A_2255 = arith.addi %mul3A_853, %add3A_2254 : i32
        %get3A_2256 = arith.constant 0 : i32
        %get3A_2257 = arith.index_cast %get3A_2256 : i32 to index
        %get3A_2258 = arith.index_cast %add3A_2255 : i32 to index
        %get3A_2259 = arith.constant 16 : index
        %get3A_2260 = tpu.vector_load %arg6[%get3A_2257, %get3A_2258, %get3A_2259] {strides = array<i32>} : memref<2x800x64xf32, #tpu.memory_space<vmem>>, vector<1x1x16xf32>,
        %get3A_2261 = vector.shape_cast %get3A_2260 : vector<1x1x16xf32> to vector<16xf32>
        %add3A_2262 = arith.addf %add3A_2226, %get3A_2261 : vector<16xf32>
        %add3A_2263 = arith.constant 39 : i32
        %add3A_2264 = arith.addi %mul3A_853, %add3A_2263 : i32
        %get3A_2265 = arith.constant 0 : i32
        %get3A_2266 = arith.index_cast %get3A_2265 : i32 to index
        %get3A_2267 = arith.index_cast %add3A_2264 : i32 to index
        %get3A_2268 = arith.constant 32 : index
        %get3A_2269 = tpu.vector_load %arg6[%get3A_2266, %get3A_2267, %get3A_2268] {strides = array<i32>} : memref<2x800x64xf32, #tpu.memory_space<vmem>>, vector<1x1x16xf32>,
        %get3A_2270 = vector.shape_cast %get3A_2269 : vector<1x1x16xf32> to vector<16xf32>
        %add3A_2271 = arith.addf %add3A_2235, %get3A_2270 : vector<16xf32>
        %add3A_2272 = arith.constant 39 : i32
        %add3A_2273 = arith.addi %mul3A_853, %add3A_2272 : i32
        %get3A_2274 = arith.constant 0 : i32
        %get3A_2275 = arith.index_cast %get3A_2274 : i32 to index
        %get3A_2276 = arith.index_cast %add3A_2273 : i32 to index
        %get3A_2277 = arith.constant 48 : index
        %get3A_2278 = tpu.vector_load %arg6[%get3A_2275, %get3A_2276, %get3A_2277] {strides = array<i32>} : memref<2x800x64xf32, #tpu.memory_space<vmem>>, vector<1x1x16xf32>,
        %get3A_2279 = vector.shape_cast %get3A_2278 : vector<1x1x16xf32> to vector<16xf32>
        %add3A_2280 = arith.addf %add3A_2244, %get3A_2279 : vector<16xf32>
        %add3A_2281 = arith.constant 40 : i32
        %add3A_2282 = arith.addi %mul3A_853, %add3A_2281 : i32
        %get3A_2283 = arith.constant 0 : i32
        %get3A_2284 = arith.index_cast %get3A_2283 : i32 to index
        %get3A_2285 = arith.index_cast %add3A_2282 : i32 to index
        %get3A_2286 = arith.constant 0 : index
        %get3A_2287 = tpu.vector_load %arg6[%get3A_2284, %get3A_2285, %get3A_2286] {strides = array<i32>} : memref<2x800x64xf32, #tpu.memory_space<vmem>>, vector<1x1x16xf32>,
        %get3A_2288 = vector.shape_cast %get3A_2287 : vector<1x1x16xf32> to vector<16xf32>
        %add3A_2289 = arith.addf %add3A_2253, %get3A_2288 : vector<16xf32>
        %add3A_2290 = arith.constant 40 : i32
        %add3A_2291 = arith.addi %mul3A_853, %add3A_2290 : i32
        %get3A_2292 = arith.constant 0 : i32
        %get3A_2293 = arith.index_cast %get3A_2292 : i32 to index
        %get3A_2294 = arith.index_cast %add3A_2291 : i32 to index
        %get3A_2295 = arith.constant 16 : index
        %get3A_2296 = tpu.vector_load %arg6[%get3A_2293, %get3A_2294, %get3A_2295] {strides = array<i32>} : memref<2x800x64xf32, #tpu.memory_space<vmem>>, vector<1x1x16xf32>,
        %get3A_2297 = vector.shape_cast %get3A_2296 : vector<1x1x16xf32> to vector<16xf32>
        %add3A_2298 = arith.addf %add3A_2262, %get3A_2297 : vector<16xf32>
        %add3A_2299 = arith.constant 40 : i32
        %add3A_2300 = arith.addi %mul3A_853, %add3A_2299 : i32
        %get3A_2301 = arith.constant 0 : i32
        %get3A_2302 = arith.index_cast %get3A_2301 : i32 to index
        %get3A_2303 = arith.index_cast %add3A_2300 : i32 to index
        %get3A_2304 = arith.constant 32 : index
        %get3A_2305 = tpu.vector_load %arg6[%get3A_2302, %get3A_2303, %get3A_2304] {strides = array<i32>} : memref<2x800x64xf32, #tpu.memory_space<vmem>>, vector<1x1x16xf32>,
        %get3A_2306 = vector.shape_cast %get3A_2305 : vector<1x1x16xf32> to vector<16xf32>
        %add3A_2307 = arith.addf %add3A_2271, %get3A_2306 : vector<16xf32>
        %add3A_2308 = arith.constant 40 : i32
        %add3A_2309 = arith.addi %mul3A_853, %add3A_2308 : i32
        %get3A_2310 = arith.constant 0 : i32
        %get3A_2311 = arith.index_cast %get3A_2310 : i32 to index
        %get3A_2312 = arith.index_cast %add3A_2309 : i32 to index
        %get3A_2313 = arith.constant 48 : index
        %get3A_2314 = tpu.vector_load %arg6[%get3A_2311, %get3A_2312, %get3A_2313] {strides = array<i32>} : memref<2x800x64xf32, #tpu.memory_space<vmem>>, vector<1x1x16xf32>,
        %get3A_2315 = vector.shape_cast %get3A_2314 : vector<1x1x16xf32> to vector<16xf32>
        %add3A_2316 = arith.addf %add3A_2280, %get3A_2315 : vector<16xf32>
        %add3A_2317 = arith.constant 41 : i32
        %add3A_2318 = arith.addi %mul3A_853, %add3A_2317 : i32
        %get3A_2319 = arith.constant 0 : i32
        %get3A_2320 = arith.index_cast %get3A_2319 : i32 to index
        %get3A_2321 = arith.index_cast %add3A_2318 : i32 to index
        %get3A_2322 = arith.constant 0 : index
        %get3A_2323 = tpu.vector_load %arg6[%get3A_2320, %get3A_2321, %get3A_2322] {strides = array<i32>} : memref<2x800x64xf32, #tpu.memory_space<vmem>>, vector<1x1x16xf32>,
        %get3A_2324 = vector.shape_cast %get3A_2323 : vector<1x1x16xf32> to vector<16xf32>
        %add3A_2325 = arith.addf %add3A_2289, %get3A_2324 : vector<16xf32>
        %add3A_2326 = arith.constant 41 : i32
        %add3A_2327 = arith.addi %mul3A_853, %add3A_2326 : i32
        %get3A_2328 = arith.constant 0 : i32
        %get3A_2329 = arith.index_cast %get3A_2328 : i32 to index
        %get3A_2330 = arith.index_cast %add3A_2327 : i32 to index
        %get3A_2331 = arith.constant 16 : index
        %get3A_2332 = tpu.vector_load %arg6[%get3A_2329, %get3A_2330, %get3A_2331] {strides = array<i32>} : memref<2x800x64xf32, #tpu.memory_space<vmem>>, vector<1x1x16xf32>,
        %get3A_2333 = vector.shape_cast %get3A_2332 : vector<1x1x16xf32> to vector<16xf32>
        %add3A_2334 = arith.addf %add3A_2298, %get3A_2333 : vector<16xf32>
        %add3A_2335 = arith.constant 41 : i32
        %add3A_2336 = arith.addi %mul3A_853, %add3A_2335 : i32
        %get3A_2337 = arith.constant 0 : i32
        %get3A_2338 = arith.index_cast %get3A_2337 : i32 to index
        %get3A_2339 = arith.index_cast %add3A_2336 : i32 to index
        %get3A_2340 = arith.constant 32 : index
        %get3A_2341 = tpu.vector_load %arg6[%get3A_2338, %get3A_2339, %get3A_2340] {strides = array<i32>} : memref<2x800x64xf32, #tpu.memory_space<vmem>>, vector<1x1x16xf32>,
        %get3A_2342 = vector.shape_cast %get3A_2341 : vector<1x1x16xf32> to vector<16xf32>
        %add3A_2343 = arith.addf %add3A_2307, %get3A_2342 : vector<16xf32>
        %add3A_2344 = arith.constant 41 : i32
        %add3A_2345 = arith.addi %mul3A_853, %add3A_2344 : i32
        %get3A_2346 = arith.constant 0 : i32
        %get3A_2347 = arith.index_cast %get3A_2346 : i32 to index
        %get3A_2348 = arith.index_cast %add3A_2345 : i32 to index
        %get3A_2349 = arith.constant 48 : index
        %get3A_2350 = tpu.vector_load %arg6[%get3A_2347, %get3A_2348, %get3A_2349] {strides = array<i32>} : memref<2x800x64xf32, #tpu.memory_space<vmem>>, vector<1x1x16xf32>,
        %get3A_2351 = vector.shape_cast %get3A_2350 : vector<1x1x16xf32> to vector<16xf32>
        %add3A_2352 = arith.addf %add3A_2316, %get3A_2351 : vector<16xf32>
        %add3A_2353 = arith.constant 42 : i32
        %add3A_2354 = arith.addi %mul3A_853, %add3A_2353 : i32
        %get3A_2355 = arith.constant 0 : i32
        %get3A_2356 = arith.index_cast %get3A_2355 : i32 to index
        %get3A_2357 = arith.index_cast %add3A_2354 : i32 to index
        %get3A_2358 = arith.constant 0 : index
        %get3A_2359 = tpu.vector_load %arg6[%get3A_2356, %get3A_2357, %get3A_2358] {strides = array<i32>} : memref<2x800x64xf32, #tpu.memory_space<vmem>>, vector<1x1x16xf32>,
        %get3A_2360 = vector.shape_cast %get3A_2359 : vector<1x1x16xf32> to vector<16xf32>
        %add3A_2361 = arith.addf %add3A_2325, %get3A_2360 : vector<16xf32>
        %add3A_2362 = arith.constant 42 : i32
        %add3A_2363 = arith.addi %mul3A_853, %add3A_2362 : i32
        %get3A_2364 = arith.constant 0 : i32
        %get3A_2365 = arith.index_cast %get3A_2364 : i32 to index
        %get3A_2366 = arith.index_cast %add3A_2363 : i32 to index
        %get3A_2367 = arith.constant 16 : index
        %get3A_2368 = tpu.vector_load %arg6[%get3A_2365, %get3A_2366, %get3A_2367] {strides = array<i32>} : memref<2x800x64xf32, #tpu.memory_space<vmem>>, vector<1x1x16xf32>,
        %get3A_2369 = vector.shape_cast %get3A_2368 : vector<1x1x16xf32> to vector<16xf32>
        %add3A_2370 = arith.addf %add3A_2334, %get3A_2369 : vector<16xf32>
        %add3A_2371 = arith.constant 42 : i32
        %add3A_2372 = arith.addi %mul3A_853, %add3A_2371 : i32
        %get3A_2373 = arith.constant 0 : i32
        %get3A_2374 = arith.index_cast %get3A_2373 : i32 to index
        %get3A_2375 = arith.index_cast %add3A_2372 : i32 to index
        %get3A_2376 = arith.constant 32 : index
        %get3A_2377 = tpu.vector_load %arg6[%get3A_2374, %get3A_2375, %get3A_2376] {strides = array<i32>} : memref<2x800x64xf32, #tpu.memory_space<vmem>>, vector<1x1x16xf32>,
        %get3A_2378 = vector.shape_cast %get3A_2377 : vector<1x1x16xf32> to vector<16xf32>
        %add3A_2379 = arith.addf %add3A_2343, %get3A_2378 : vector<16xf32>
        %add3A_2380 = arith.constant 42 : i32
        %add3A_2381 = arith.addi %mul3A_853, %add3A_2380 : i32
        %get3A_2382 = arith.constant 0 : i32
        %get3A_2383 = arith.index_cast %get3A_2382 : i32 to index
        %get3A_2384 = arith.index_cast %add3A_2381 : i32 to index
        %get3A_2385 = arith.constant 48 : index
        %get3A_2386 = tpu.vector_load %arg6[%get3A_2383, %get3A_2384, %get3A_2385] {strides = array<i32>} : memref<2x800x64xf32, #tpu.memory_space<vmem>>, vector<1x1x16xf32>,
        %get3A_2387 = vector.shape_cast %get3A_2386 : vector<1x1x16xf32> to vector<16xf32>
        %add3A_2388 = arith.addf %add3A_2352, %get3A_2387 : vector<16xf32>
        %add3A_2389 = arith.constant 43 : i32
        %add3A_2390 = arith.addi %mul3A_853, %add3A_2389 : i32
        %get3A_2391 = arith.constant 0 : i32
        %get3A_2392 = arith.index_cast %get3A_2391 : i32 to index
        %get3A_2393 = arith.index_cast %add3A_2390 : i32 to index
        %get3A_2394 = arith.constant 0 : index
        %get3A_2395 = tpu.vector_load %arg6[%get3A_2392, %get3A_2393, %get3A_2394] {strides = array<i32>} : memref<2x800x64xf32, #tpu.memory_space<vmem>>, vector<1x1x16xf32>,
        %get3A_2396 = vector.shape_cast %get3A_2395 : vector<1x1x16xf32> to vector<16xf32>
        %add3A_2397 = arith.addf %add3A_2361, %get3A_2396 : vector<16xf32>
        %add3A_2398 = arith.constant 43 : i32
        %add3A_2399 = arith.addi %mul3A_853, %add3A_2398 : i32
        %get3A_2400 = arith.constant 0 : i32
        %get3A_2401 = arith.index_cast %get3A_2400 : i32 to index
        %get3A_2402 = arith.index_cast %add3A_2399 : i32 to index
        %get3A_2403 = arith.constant 16 : index
        %get3A_2404 = tpu.vector_load %arg6[%get3A_2401, %get3A_2402, %get3A_2403] {strides = array<i32>} : memref<2x800x64xf32, #tpu.memory_space<vmem>>, vector<1x1x16xf32>,
        %get3A_2405 = vector.shape_cast %get3A_2404 : vector<1x1x16xf32> to vector<16xf32>
        %add3A_2406 = arith.addf %add3A_2370, %get3A_2405 : vector<16xf32>
        %add3A_2407 = arith.constant 43 : i32
        %add3A_2408 = arith.addi %mul3A_853, %add3A_2407 : i32
        %get3A_2409 = arith.constant 0 : i32
        %get3A_2410 = arith.index_cast %get3A_2409 : i32 to index
        %get3A_2411 = arith.index_cast %add3A_2408 : i32 to index
        %get3A_2412 = arith.constant 32 : index
        %get3A_2413 = tpu.vector_load %arg6[%get3A_2410, %get3A_2411, %get3A_2412] {strides = array<i32>} : memref<2x800x64xf32, #tpu.memory_space<vmem>>, vector<1x1x16xf32>,
        %get3A_2414 = vector.shape_cast %get3A_2413 : vector<1x1x16xf32> to vector<16xf32>
        %add3A_2415 = arith.addf %add3A_2379, %get3A_2414 : vector<16xf32>
        %add3A_2416 = arith.constant 43 : i32
        %add3A_2417 = arith.addi %mul3A_853, %add3A_2416 : i32
        %get3A_2418 = arith.constant 0 : i32
        %get3A_2419 = arith.index_cast %get3A_2418 : i32 to index
        %get3A_2420 = arith.index_cast %add3A_2417 : i32 to index
        %get3A_2421 = arith.constant 48 : index
        %get3A_2422 = tpu.vector_load %arg6[%get3A_2419, %get3A_2420, %get3A_2421] {strides = array<i32>} : memref<2x800x64xf32, #tpu.memory_space<vmem>>, vector<1x1x16xf32>,
        %get3A_2423 = vector.shape_cast %get3A_2422 : vector<1x1x16xf32> to vector<16xf32>
        %add3A_2424 = arith.addf %add3A_2388, %get3A_2423 : vector<16xf32>
        %add3A_2425 = arith.constant 44 : i32
        %add3A_2426 = arith.addi %mul3A_853, %add3A_2425 : i32
        %get3A_2427 = arith.constant 0 : i32
        %get3A_2428 = arith.index_cast %get3A_2427 : i32 to index
        %get3A_2429 = arith.index_cast %add3A_2426 : i32 to index
        %get3A_2430 = arith.constant 0 : index
        %get3A_2431 = tpu.vector_load %arg6[%get3A_2428, %get3A_2429, %get3A_2430] {strides = array<i32>} : memref<2x800x64xf32, #tpu.memory_space<vmem>>, vector<1x1x16xf32>,
        %get3A_2432 = vector.shape_cast %get3A_2431 : vector<1x1x16xf32> to vector<16xf32>
        %add3A_2433 = arith.addf %add3A_2397, %get3A_2432 : vector<16xf32>
        %add3A_2434 = arith.constant 44 : i32
        %add3A_2435 = arith.addi %mul3A_853, %add3A_2434 : i32
        %get3A_2436 = arith.constant 0 : i32
        %get3A_2437 = arith.index_cast %get3A_2436 : i32 to index
        %get3A_2438 = arith.index_cast %add3A_2435 : i32 to index
        %get3A_2439 = arith.constant 16 : index
        %get3A_2440 = tpu.vector_load %arg6[%get3A_2437, %get3A_2438, %get3A_2439] {strides = array<i32>} : memref<2x800x64xf32, #tpu.memory_space<vmem>>, vector<1x1x16xf32>,
        %get3A_2441 = vector.shape_cast %get3A_2440 : vector<1x1x16xf32> to vector<16xf32>
        %add3A_2442 = arith.addf %add3A_2406, %get3A_2441 : vector<16xf32>
        %add3A_2443 = arith.constant 44 : i32
        %add3A_2444 = arith.addi %mul3A_853, %add3A_2443 : i32
        %get3A_2445 = arith.constant 0 : i32
        %get3A_2446 = arith.index_cast %get3A_2445 : i32 to index
        %get3A_2447 = arith.index_cast %add3A_2444 : i32 to index
        %get3A_2448 = arith.constant 32 : index
        %get3A_2449 = tpu.vector_load %arg6[%get3A_2446, %get3A_2447, %get3A_2448] {strides = array<i32>} : memref<2x800x64xf32, #tpu.memory_space<vmem>>, vector<1x1x16xf32>,
        %get3A_2450 = vector.shape_cast %get3A_2449 : vector<1x1x16xf32> to vector<16xf32>
        %add3A_2451 = arith.addf %add3A_2415, %get3A_2450 : vector<16xf32>
        %add3A_2452 = arith.constant 44 : i32
        %add3A_2453 = arith.addi %mul3A_853, %add3A_2452 : i32
        %get3A_2454 = arith.constant 0 : i32
        %get3A_2455 = arith.index_cast %get3A_2454 : i32 to index
        %get3A_2456 = arith.index_cast %add3A_2453 : i32 to index
        %get3A_2457 = arith.constant 48 : index
        %get3A_2458 = tpu.vector_load %arg6[%get3A_2455, %get3A_2456, %get3A_2457] {strides = array<i32>} : memref<2x800x64xf32, #tpu.memory_space<vmem>>, vector<1x1x16xf32>,
        %get3A_2459 = vector.shape_cast %get3A_2458 : vector<1x1x16xf32> to vector<16xf32>
        %add3A_2460 = arith.addf %add3A_2424, %get3A_2459 : vector<16xf32>
        %add3A_2461 = arith.constant 45 : i32
        %add3A_2462 = arith.addi %mul3A_853, %add3A_2461 : i32
        %get3A_2463 = arith.constant 0 : i32
        %get3A_2464 = arith.index_cast %get3A_2463 : i32 to index
        %get3A_2465 = arith.index_cast %add3A_2462 : i32 to index
        %get3A_2466 = arith.constant 0 : index
        %get3A_2467 = tpu.vector_load %arg6[%get3A_2464, %get3A_2465, %get3A_2466] {strides = array<i32>} : memref<2x800x64xf32, #tpu.memory_space<vmem>>, vector<1x1x16xf32>,
        %get3A_2468 = vector.shape_cast %get3A_2467 : vector<1x1x16xf32> to vector<16xf32>
        %add3A_2469 = arith.addf %add3A_2433, %get3A_2468 : vector<16xf32>
        %add3A_2470 = arith.constant 45 : i32
        %add3A_2471 = arith.addi %mul3A_853, %add3A_2470 : i32
        %get3A_2472 = arith.constant 0 : i32
        %get3A_2473 = arith.index_cast %get3A_2472 : i32 to index
        %get3A_2474 = arith.index_cast %add3A_2471 : i32 to index
        %get3A_2475 = arith.constant 16 : index
        %get3A_2476 = tpu.vector_load %arg6[%get3A_2473, %get3A_2474, %get3A_2475] {strides = array<i32>} : memref<2x800x64xf32, #tpu.memory_space<vmem>>, vector<1x1x16xf32>,
        %get3A_2477 = vector.shape_cast %get3A_2476 : vector<1x1x16xf32> to vector<16xf32>
        %add3A_2478 = arith.addf %add3A_2442, %get3A_2477 : vector<16xf32>
        %add3A_2479 = arith.constant 45 : i32
        %add3A_2480 = arith.addi %mul3A_853, %add3A_2479 : i32
        %get3A_2481 = arith.constant 0 : i32
        %get3A_2482 = arith.index_cast %get3A_2481 : i32 to index
        %get3A_2483 = arith.index_cast %add3A_2480 : i32 to index
        %get3A_2484 = arith.constant 32 : index
        %get3A_2485 = tpu.vector_load %arg6[%get3A_2482, %get3A_2483, %get3A_2484] {strides = array<i32>} : memref<2x800x64xf32, #tpu.memory_space<vmem>>, vector<1x1x16xf32>,
        %get3A_2486 = vector.shape_cast %get3A_2485 : vector<1x1x16xf32> to vector<16xf32>
        %add3A_2487 = arith.addf %add3A_2451, %get3A_2486 : vector<16xf32>
        %add3A_2488 = arith.constant 45 : i32
        %add3A_2489 = arith.addi %mul3A_853, %add3A_2488 : i32
        %get3A_2490 = arith.constant 0 : i32
        %get3A_2491 = arith.index_cast %get3A_2490 : i32 to index
        %get3A_2492 = arith.index_cast %add3A_2489 : i32 to index
        %get3A_2493 = arith.constant 48 : index
        %get3A_2494 = tpu.vector_load %arg6[%get3A_2491, %get3A_2492, %get3A_2493] {strides = array<i32>} : memref<2x800x64xf32, #tpu.memory_space<vmem>>, vector<1x1x16xf32>,
        %get3A_2495 = vector.shape_cast %get3A_2494 : vector<1x1x16xf32> to vector<16xf32>
        %add3A_2496 = arith.addf %add3A_2460, %get3A_2495 : vector<16xf32>
        %add3A_2497 = arith.constant 46 : i32
        %add3A_2498 = arith.addi %mul3A_853, %add3A_2497 : i32
        %get3A_2499 = arith.constant 0 : i32
        %get3A_2500 = arith.index_cast %get3A_2499 : i32 to index
        %get3A_2501 = arith.index_cast %add3A_2498 : i32 to index
        %get3A_2502 = arith.constant 0 : index
        %get3A_2503 = tpu.vector_load %arg6[%get3A_2500, %get3A_2501, %get3A_2502] {strides = array<i32>} : memref<2x800x64xf32, #tpu.memory_space<vmem>>, vector<1x1x16xf32>,
        %get3A_2504 = vector.shape_cast %get3A_2503 : vector<1x1x16xf32> to vector<16xf32>
        %add3A_2505 = arith.addf %add3A_2469, %get3A_2504 : vector<16xf32>
        %add3A_2506 = arith.constant 46 : i32
        %add3A_2507 = arith.addi %mul3A_853, %add3A_2506 : i32
        %get3A_2508 = arith.constant 0 : i32
        %get3A_2509 = arith.index_cast %get3A_2508 : i32 to index
        %get3A_2510 = arith.index_cast %add3A_2507 : i32 to index
        %get3A_2511 = arith.constant 16 : index
        %get3A_2512 = tpu.vector_load %arg6[%get3A_2509, %get3A_2510, %get3A_2511] {strides = array<i32>} : memref<2x800x64xf32, #tpu.memory_space<vmem>>, vector<1x1x16xf32>,
        %get3A_2513 = vector.shape_cast %get3A_2512 : vector<1x1x16xf32> to vector<16xf32>
        %add3A_2514 = arith.addf %add3A_2478, %get3A_2513 : vector<16xf32>
        %add3A_2515 = arith.constant 46 : i32
        %add3A_2516 = arith.addi %mul3A_853, %add3A_2515 : i32
        %get3A_2517 = arith.constant 0 : i32
        %get3A_2518 = arith.index_cast %get3A_2517 : i32 to index
        %get3A_2519 = arith.index_cast %add3A_2516 : i32 to index
        %get3A_2520 = arith.constant 32 : index
        %get3A_2521 = tpu.vector_load %arg6[%get3A_2518, %get3A_2519, %get3A_2520] {strides = array<i32>} : memref<2x800x64xf32, #tpu.memory_space<vmem>>, vector<1x1x16xf32>,
        %get3A_2522 = vector.shape_cast %get3A_2521 : vector<1x1x16xf32> to vector<16xf32>
        %add3A_2523 = arith.addf %add3A_2487, %get3A_2522 : vector<16xf32>
        %add3A_2524 = arith.constant 46 : i32
        %add3A_2525 = arith.addi %mul3A_853, %add3A_2524 : i32
        %get3A_2526 = arith.constant 0 : i32
        %get3A_2527 = arith.index_cast %get3A_2526 : i32 to index
        %get3A_2528 = arith.index_cast %add3A_2525 : i32 to index
        %get3A_2529 = arith.constant 48 : index
        %get3A_2530 = tpu.vector_load %arg6[%get3A_2527, %get3A_2528, %get3A_2529] {strides = array<i32>} : memref<2x800x64xf32, #tpu.memory_space<vmem>>, vector<1x1x16xf32>,
        %get3A_2531 = vector.shape_cast %get3A_2530 : vector<1x1x16xf32> to vector<16xf32>
        %add3A_2532 = arith.addf %add3A_2496, %get3A_2531 : vector<16xf32>
        %add3A_2533 = arith.constant 47 : i32
        %add3A_2534 = arith.addi %mul3A_853, %add3A_2533 : i32
        %get3A_2535 = arith.constant 0 : i32
        %get3A_2536 = arith.index_cast %get3A_2535 : i32 to index
        %get3A_2537 = arith.index_cast %add3A_2534 : i32 to index
        %get3A_2538 = arith.constant 0 : index
        %get3A_2539 = tpu.vector_load %arg6[%get3A_2536, %get3A_2537, %get3A_2538] {strides = array<i32>} : memref<2x800x64xf32, #tpu.memory_space<vmem>>, vector<1x1x16xf32>,
        %get3A_2540 = vector.shape_cast %get3A_2539 : vector<1x1x16xf32> to vector<16xf32>
        %add3A_2541 = arith.addf %add3A_2505, %get3A_2540 : vector<16xf32>
        %add3A_2542 = arith.constant 47 : i32
        %add3A_2543 = arith.addi %mul3A_853, %add3A_2542 : i32
        %get3A_2544 = arith.constant 0 : i32
        %get3A_2545 = arith.index_cast %get3A_2544 : i32 to index
        %get3A_2546 = arith.index_cast %add3A_2543 : i32 to index
        %get3A_2547 = arith.constant 16 : index
        %get3A_2548 = tpu.vector_load %arg6[%get3A_2545, %get3A_2546, %get3A_2547] {strides = array<i32>} : memref<2x800x64xf32, #tpu.memory_space<vmem>>, vector<1x1x16xf32>,
        %get3A_2549 = vector.shape_cast %get3A_2548 : vector<1x1x16xf32> to vector<16xf32>
        %add3A_2550 = arith.addf %add3A_2514, %get3A_2549 : vector<16xf32>
        %add3A_2551 = arith.constant 47 : i32
        %add3A_2552 = arith.addi %mul3A_853, %add3A_2551 : i32
        %get3A_2553 = arith.constant 0 : i32
        %get3A_2554 = arith.index_cast %get3A_2553 : i32 to index
        %get3A_2555 = arith.index_cast %add3A_2552 : i32 to index
        %get3A_2556 = arith.constant 32 : index
        %get3A_2557 = tpu.vector_load %arg6[%get3A_2554, %get3A_2555, %get3A_2556] {strides = array<i32>} : memref<2x800x64xf32, #tpu.memory_space<vmem>>, vector<1x1x16xf32>,
        %get3A_2558 = vector.shape_cast %get3A_2557 : vector<1x1x16xf32> to vector<16xf32>
        %add3A_2559 = arith.addf %add3A_2523, %get3A_2558 : vector<16xf32>
        %add3A_2560 = arith.constant 47 : i32
        %add3A_2561 = arith.addi %mul3A_853, %add3A_2560 : i32
        %get3A_2562 = arith.constant 0 : i32
        %get3A_2563 = arith.index_cast %get3A_2562 : i32 to index
        %get3A_2564 = arith.index_cast %add3A_2561 : i32 to index
        %get3A_2565 = arith.constant 48 : index
        %get3A_2566 = tpu.vector_load %arg6[%get3A_2563, %get3A_2564, %get3A_2565] {strides = array<i32>} : memref<2x800x64xf32, #tpu.memory_space<vmem>>, vector<1x1x16xf32>,
        %get3A_2567 = vector.shape_cast %get3A_2566 : vector<1x1x16xf32> to vector<16xf32>
        %add3A_2568 = arith.addf %add3A_2532, %get3A_2567 : vector<16xf32>
        %add3A_2569 = arith.constant 48 : i32
        %add3A_2570 = arith.addi %mul3A_853, %add3A_2569 : i32
        %get3A_2571 = arith.constant 0 : i32
        %get3A_2572 = arith.index_cast %get3A_2571 : i32 to index
        %get3A_2573 = arith.index_cast %add3A_2570 : i32 to index
        %get3A_2574 = arith.constant 0 : index
        %get3A_2575 = tpu.vector_load %arg6[%get3A_2572, %get3A_2573, %get3A_2574] {strides = array<i32>} : memref<2x800x64xf32, #tpu.memory_space<vmem>>, vector<1x1x16xf32>,
        %get3A_2576 = vector.shape_cast %get3A_2575 : vector<1x1x16xf32> to vector<16xf32>
        %add3A_2577 = arith.addf %add3A_2541, %get3A_2576 : vector<16xf32>
        %add3A_2578 = arith.constant 48 : i32
        %add3A_2579 = arith.addi %mul3A_853, %add3A_2578 : i32
        %get3A_2580 = arith.constant 0 : i32
        %get3A_2581 = arith.index_cast %get3A_2580 : i32 to index
        %get3A_2582 = arith.index_cast %add3A_2579 : i32 to index
        %get3A_2583 = arith.constant 16 : index
        %get3A_2584 = tpu.vector_load %arg6[%get3A_2581, %get3A_2582, %get3A_2583] {strides = array<i32>} : memref<2x800x64xf32, #tpu.memory_space<vmem>>, vector<1x1x16xf32>,
        %get3A_2585 = vector.shape_cast %get3A_2584 : vector<1x1x16xf32> to vector<16xf32>
        %add3A_2586 = arith.addf %add3A_2550, %get3A_2585 : vector<16xf32>
        %add3A_2587 = arith.constant 48 : i32
        %add3A_2588 = arith.addi %mul3A_853, %add3A_2587 : i32
        %get3A_2589 = arith.constant 0 : i32
        %get3A_2590 = arith.index_cast %get3A_2589 : i32 to index
        %get3A_2591 = arith.index_cast %add3A_2588 : i32 to index
        %get3A_2592 = arith.constant 32 : index
        %get3A_2593 = tpu.vector_load %arg6[%get3A_2590, %get3A_2591, %get3A_2592] {strides = array<i32>} : memref<2x800x64xf32, #tpu.memory_space<vmem>>, vector<1x1x16xf32>,
        %get3A_2594 = vector.shape_cast %get3A_2593 : vector<1x1x16xf32> to vector<16xf32>
        %add3A_2595 = arith.addf %add3A_2559, %get3A_2594 : vector<16xf32>
        %add3A_2596 = arith.constant 48 : i32
        %add3A_2597 = arith.addi %mul3A_853, %add3A_2596 : i32
        %get3A_2598 = arith.constant 0 : i32
        %get3A_2599 = arith.index_cast %get3A_2598 : i32 to index
        %get3A_2600 = arith.index_cast %add3A_2597 : i32 to index
        %get3A_2601 = arith.constant 48 : index
        %get3A_2602 = tpu.vector_load %arg6[%get3A_2599, %get3A_2600, %get3A_2601] {strides = array<i32>} : memref<2x800x64xf32, #tpu.memory_space<vmem>>, vector<1x1x16xf32>,
        %get3A_2603 = vector.shape_cast %get3A_2602 : vector<1x1x16xf32> to vector<16xf32>
        %add3A_2604 = arith.addf %add3A_2568, %get3A_2603 : vector<16xf32>
        %add3A_2605 = arith.constant 49 : i32
        %add3A_2606 = arith.addi %mul3A_853, %add3A_2605 : i32
        %get3A_2607 = arith.constant 0 : i32
        %get3A_2608 = arith.index_cast %get3A_2607 : i32 to index
        %get3A_2609 = arith.index_cast %add3A_2606 : i32 to index
        %get3A_2610 = arith.constant 0 : index
        %get3A_2611 = tpu.vector_load %arg6[%get3A_2608, %get3A_2609, %get3A_2610] {strides = array<i32>} : memref<2x800x64xf32, #tpu.memory_space<vmem>>, vector<1x1x16xf32>,
        %get3A_2612 = vector.shape_cast %get3A_2611 : vector<1x1x16xf32> to vector<16xf32>
        %add3A_2613 = arith.addf %add3A_2577, %get3A_2612 : vector<16xf32>
        %add3A_2614 = arith.constant 49 : i32
        %add3A_2615 = arith.addi %mul3A_853, %add3A_2614 : i32
        %get3A_2616 = arith.constant 0 : i32
        %get3A_2617 = arith.index_cast %get3A_2616 : i32 to index
        %get3A_2618 = arith.index_cast %add3A_2615 : i32 to index
        %get3A_2619 = arith.constant 16 : index
        %get3A_2620 = tpu.vector_load %arg6[%get3A_2617, %get3A_2618, %get3A_2619] {strides = array<i32>} : memref<2x800x64xf32, #tpu.memory_space<vmem>>, vector<1x1x16xf32>,
        %get3A_2621 = vector.shape_cast %get3A_2620 : vector<1x1x16xf32> to vector<16xf32>
        %add3A_2622 = arith.addf %add3A_2586, %get3A_2621 : vector<16xf32>
        %add3A_2623 = arith.constant 49 : i32
        %add3A_2624 = arith.addi %mul3A_853, %add3A_2623 : i32
        %get3A_2625 = arith.constant 0 : i32
        %get3A_2626 = arith.index_cast %get3A_2625 : i32 to index
        %get3A_2627 = arith.index_cast %add3A_2624 : i32 to index
        %get3A_2628 = arith.constant 32 : index
        %get3A_2629 = tpu.vector_load %arg6[%get3A_2626, %get3A_2627, %get3A_2628] {strides = array<i32>} : memref<2x800x64xf32, #tpu.memory_space<vmem>>, vector<1x1x16xf32>,
        %get3A_2630 = vector.shape_cast %get3A_2629 : vector<1x1x16xf32> to vector<16xf32>
        %add3A_2631 = arith.addf %add3A_2595, %get3A_2630 : vector<16xf32>
        %add3A_2632 = arith.constant 49 : i32
        %add3A_2633 = arith.addi %mul3A_853, %add3A_2632 : i32
        %get3A_2634 = arith.constant 0 : i32
        %get3A_2635 = arith.index_cast %get3A_2634 : i32 to index
        %get3A_2636 = arith.index_cast %add3A_2633 : i32 to index
        %get3A_2637 = arith.constant 48 : index
        %get3A_2638 = tpu.vector_load %arg6[%get3A_2635, %get3A_2636, %get3A_2637] {strides = array<i32>} : memref<2x800x64xf32, #tpu.memory_space<vmem>>, vector<1x1x16xf32>,
        %get3A_2639 = vector.shape_cast %get3A_2638 : vector<1x1x16xf32> to vector<16xf32>
        %add3A_2640 = arith.addf %add3A_2604, %get3A_2639 : vector<16xf32>
        %swap3A = arith.constant 0 : i32
        %swap3A_2641 = arith.index_cast %swap3A : i32 to index
        %swap3A_2642 = arith.index_cast %scan3A_851 : i32 to index
        %swap3A_2643 = arith.constant 0 : index
        %swap3A_2644 = tpu.vector_load %arg7[%swap3A_2641, %swap3A_2642, %swap3A_2643] {strides = array<i32>} : memref<2x16x64xf32, #tpu.memory_space<vmem>>, vector<1x1x16xf32>,
        %swap3A_2645 = vector.shape_cast %swap3A_2644 : vector<1x1x16xf32> to vector<16xf32>
        %swap3A_2646 = vector.shape_cast %add3A_2613 : vector<16xf32> to vector<1x1x16xf32>
        tpu.vector_store %arg7[%swap3A_2641, %swap3A_2642, %swap3A_2643], %swap3A_2646 {strides = array<i32>} : memref<2x16x64xf32, #tpu.memory_space<vmem>>, vector<1x1x16xf32>,
        %swap3A_2647 = arith.constant 0 : i32
        %swap3A_2648 = arith.index_cast %swap3A_2647 : i32 to index
        %swap3A_2649 = arith.index_cast %scan3A_851 : i32 to index
        %swap3A_2650 = arith.constant 16 : index
        %swap3A_2651 = tpu.vector_load %arg7[%swap3A_2648, %swap3A_2649, %swap3A_2650] {strides = array<i32>} : memref<2x16x64xf32, #tpu.memory_space<vmem>>, vector<1x1x16xf32>,
        %swap3A_2652 = vector.shape_cast %swap3A_2651 : vector<1x1x16xf32> to vector<16xf32>
        %swap3A_2653 = vector.shape_cast %add3A_2622 : vector<16xf32> to vector<1x1x16xf32>
        tpu.vector_store %arg7[%swap3A_2648, %swap3A_2649, %swap3A_2650], %swap3A_2653 {strides = array<i32>} : memref<2x16x64xf32, #tpu.memory_space<vmem>>, vector<1x1x16xf32>,
        %swap3A_2654 = arith.constant 0 : i32
        %swap3A_2655 = arith.index_cast %swap3A_2654 : i32 to index
        %swap3A_2656 = arith.index_cast %scan3A_851 : i32 to index
        %swap3A_2657 = arith.constant 32 : index
        %swap3A_2658 = tpu.vector_load %arg7[%swap3A_2655, %swap3A_2656, %swap3A_2657] {strides = array<i32>} : memref<2x16x64xf32, #tpu.memory_space<vmem>>, vector<1x1x16xf32>,
        %swap3A_2659 = vector.shape_cast %swap3A_2658 : vector<1x1x16xf32> to vector<16xf32>
        %swap3A_2660 = vector.shape_cast %add3A_2631 : vector<16xf32> to vector<1x1x16xf32>
        tpu.vector_store %arg7[%swap3A_2655, %swap3A_2656, %swap3A_2657], %swap3A_2660 {strides = array<i32>} : memref<2x16x64xf32, #tpu.memory_space<vmem>>, vector<1x1x16xf32>,
        %swap3A_2661 = arith.constant 0 : i32
        %swap3A_2662 = arith.index_cast %swap3A_2661 : i32 to index
        %swap3A_2663 = arith.index_cast %scan3A_851 : i32 to index
        %swap3A_2664 = arith.constant 48 : index
        %swap3A_2665 = tpu.vector_load %arg7[%swap3A_2662, %swap3A_2663, %swap3A_2664] {strides = array<i32>} : memref<2x16x64xf32, #tpu.memory_space<vmem>>, vector<1x1x16xf32>,
        %swap3A_2666 = vector.shape_cast %swap3A_2665 : vector<1x1x16xf32> to vector<16xf32>
        %swap3A_2667 = vector.shape_cast %add3A_2640 : vector<16xf32> to vector<1x1x16xf32>
        tpu.vector_store %arg7[%swap3A_2662, %swap3A_2663, %swap3A_2664], %swap3A_2667 {strides = array<i32>} : memref<2x16x64xf32, #tpu.memory_space<vmem>>, vector<1x1x16xf32>,
      }
      %scan3A_758 = arith.constant 16 : i32
      %mul3A_759 = arith.constant 16 : i32
      %mul3A_760 = arith.muli %mul3A_726, %mul3A_759 : i32
      %add3A_761 = arith.addi %mul3A_4, %mul3A_760 : i32
      %dma_start3A_762 = arith.constant 0 : i32
      %dma_start3A_763 = arith.constant 0 : i32
      %dma_start3A_764 = arith.constant 0 : i32
      %dma_start3A_765 = arith.constant 0 : i32
      %dma_start3A_766 = tpu.memref_slice %arg7[%dma_start3A_762, %dma_start3A_764, %dma_start3A_765] : memref<2x16x64xf32, #tpu.memory_space<vmem>> -> memref<1x16x64xf32, #tpu.memory_space<vmem>>
      %dma_start3A_767 = tpu.memref_squeeze %dma_start3A_766 : memref<1x16x64xf32, #tpu.memory_space<vmem>> -> memref<16x64xf32, #tpu.memory_space<vmem>>
      %dma_start3A_768 = arith.constant 0 : i32
      %dma_start3A_769 = tpu.memref_slice %arg4[%add3A_761, %dma_start3A_768] : memref<16384x64xf32, #tpu.memory_space<hbm>> -> memref<16x64xf32, #tpu.memory_space<hbm>>
      %dma_start3A_770 = tpu.memref_slice %arg9[%dma_start3A_763] : memref<2x!tpu.dma_semaphore, #tpu.memory_space<semaphore_mem>> -> memref<1x!tpu.dma_semaphore, #tpu.memory_space<semaphore_mem>>
      %dma_start3A_771 = tpu.memref_squeeze %dma_start3A_770 : memref<1x!tpu.dma_semaphore, #tpu.memory_space<semaphore_mem>> -> memref<!tpu.dma_semaphore, #tpu.memory_space<semaphore_mem>>
      %dma_start3A_772 = arith.constant 0 : i32
      %dma_start3A_773 = tpu.memref_slice %arg4[%add3A_761, %dma_start3A_772] : memref<16384x64xf32, #tpu.memory_space<hbm>> -> memref<16x64xf32, #tpu.memory_space<hbm>>
      %dma_start3A_774 = arith.constant 0 : i32
      %dma_start3A_775 = arith.constant 0 : i32
      %dma_start3A_776 = tpu.memref_slice %arg7[%dma_start3A_762, %dma_start3A_774, %dma_start3A_775] : memref<2x16x64xf32, #tpu.memory_space<vmem>> -> memref<1x16x64xf32, #tpu.memory_space<vmem>>
      %dma_start3A_777 = tpu.memref_squeeze %dma_start3A_776 : memref<1x16x64xf32, #tpu.memory_space<vmem>> -> memref<16x64xf32, #tpu.memory_space<vmem>>
      tpu.enqueue_dma source(%dma_start3A_777 : memref<16x64xf32, #tpu.memory_space<vmem>>) target(%dma_start3A_773 : memref<16x64xf32, #tpu.memory_space<hbm>>) target_semaphore(%dma_start3A_771 : memref<!tpu.dma_semaphore, #tpu.memory_space<semaphore_mem>>)
      %add3A_778 = arith.constant 2 : i32
      %add3A_779 = arith.addi %mul3A_726, %add3A_778 : i32
      %lt3A_780 = arith.constant 32 : i32
      %lt3A_781 = arith.cmpi slt, %add3A_779, %lt3A_780 : i32
      %convert_element_type3A_782 = arith.extui %lt3A_781 : i1 to i32
      %cond3A_783 = arith.constant 0 : i32
      %cond3A_784 = arith.cmpi ne, %convert_element_type3A_782, %cond3A_783 : i32
      scf.if %cond3A_784 {
        %add3A_851 = arith.constant 2 : i32
        %add3A_852 = arith.addi %mul3A_726, %add3A_851 : i32
        %mul3A_853 = arith.constant 16 : i32
        %mul3A_854 = arith.muli %add3A_852, %mul3A_853 : i32
        %add3A_855 = arith.addi %mul3A_2, %mul3A_854 : i32
        %dma_wait3A_856 = arith.constant 0 : i32
        %dma_wait3A_857 = arith.constant 0 : i32
        %dma_wait3A_858 = arith.constant 0 : i32
        %dma_wait3A_859 = arith.constant 0 : i32
        %dma_wait3A_860 = tpu.memref_slice %arg5[%dma_wait3A_856, %dma_wait3A_858, %dma_wait3A_859] : memref<2x16x50xi32, #tpu.memory_space<vmem>> -> memref<1x16x50xi32, #tpu.memory_space<vmem>>
        %dma_wait3A_861 = tpu.memref_squeeze %dma_wait3A_860 : memref<1x16x50xi32, #tpu.memory_space<vmem>> -> memref<16x50xi32, #tpu.memory_space<vmem>>
        %dma_wait3A_862 = arith.constant 0 : i32
        %dma_wait3A_863 = tpu.memref_slice %arg2[%add3A_855, %dma_wait3A_862] : memref<16384x50xi32, #tpu.memory_space<hbm>> -> memref<16x50xi32, #tpu.memory_space<hbm>>
        %dma_wait3A_864 = tpu.memref_slice %arg10[%dma_wait3A_857] : memref<2x!tpu.dma_semaphore, #tpu.memory_space<semaphore_mem>> -> memref<1x!tpu.dma_semaphore, #tpu.memory_space<semaphore_mem>>
        %dma_wait3A_865 = tpu.memref_squeeze %dma_wait3A_864 : memref<1x!tpu.dma_semaphore, #tpu.memory_space<semaphore_mem>> -> memref<!tpu.dma_semaphore, #tpu.memory_space<semaphore_mem>>
        %dma_wait3A_866 = arith.constant 0 : i32
        %dma_wait3A_867 = arith.constant 0 : i32
        %dma_wait3A_868 = tpu.memref_slice %arg5[%dma_wait3A_856, %dma_wait3A_866, %dma_wait3A_867] : memref<2x16x50xi32, #tpu.memory_space<vmem>> -> memref<1x16x50xi32, #tpu.memory_space<vmem>>
        %dma_wait3A_869 = tpu.memref_squeeze %dma_wait3A_868 : memref<1x16x50xi32, #tpu.memory_space<vmem>> -> memref<16x50xi32, #tpu.memory_space<vmem>>
        %dma_wait3A_870 = arith.constant 0 : i32
        %dma_wait3A_871 = tpu.memref_slice %arg2[%add3A_855, %dma_wait3A_870] : memref<16384x50xi32, #tpu.memory_space<hbm>> -> memref<16x50xi32, #tpu.memory_space<hbm>>
        tpu.wait_dma2 semaphore(%dma_wait3A_865 : memref<!tpu.dma_semaphore, #tpu.memory_space<semaphore_mem>>) src(%dma_wait3A_871 : memref<16x50xi32, #tpu.memory_space<hbm>>) dst(%dma_wait3A_869 : memref<16x50xi32, #tpu.memory_space<vmem>>)
        %dma_start3A_872 = arith.constant 0 : i32
        %dma_start3A_873 = arith.constant 0 : i32
        %dma_start3A_874 = arith.constant 0 : i32
        %dma_start3A_875 = arith.constant 0 : i32
        %dma_start3A_876 = arith.constant 0 : i32
        %dma_start3A_877 = arith.constant 0 : i32
        %dma_start3A_878 = tpu.memref_slice %arg6[%dma_start3A_874, %dma_start3A_876, %dma_start3A_877] : memref<2x800x64xf32, #tpu.memory_space<vmem>> -> memref<1x800x64xf32, #tpu.memory_space<vmem>>
        %dma_start3A_879 = tpu.memref_squeeze %dma_start3A_878 : memref<1x800x64xf32, #tpu.memory_space<vmem>> -> memref<800x64xf32, #tpu.memory_space<vmem>>
        %dma_start3A_880 = arith.constant 0 : i32
        %dma_start3A_881 = arith.constant 0 : i32
        %dma_start3A_882 = tpu.memref_slice %dma_start3A_879[%dma_start3A_880, %dma_start3A_881] : memref<800x64xf32, #tpu.memory_space<vmem>> -> memref<50x64xf32, #tpu.memory_space<vmem>>
        %dma_start3A_883 = arith.constant 0 : i32
        %dma_start3A_884 = tpu.memref_slice %arg5[%dma_start3A_872, %dma_start3A_873, %dma_start3A_883] : memref<2x16x50xi32, #tpu.memory_space<vmem>> -> memref<1x1x50xi32, #tpu.memory_space<vmem>>
        %dma_start3A_885 = tpu.memref_squeeze %dma_start3A_884 : memref<1x1x50xi32, #tpu.memory_space<vmem>> -> memref<50xi32, #tpu.memory_space<vmem>>
        %dma_start3A_886 = arith.constant 0 : i32
        %dma_start3A_887 = arith.constant 0 : i32
        %dma_start3A_888 = tpu.memref_slice %arg3[%dma_start3A_886, %dma_start3A_887] : memref<1000000x64xf32, #tpu.memory_space<hbm>> -> memref<1000000x64xf32, #tpu.memory_space<hbm>>
        %dma_start3A_889 = tpu.memref_slice %arg8[%dma_start3A_875] : memref<2x!tpu.dma_semaphore, #tpu.memory_space<semaphore_mem>> -> memref<1x!tpu.dma_semaphore, #tpu.memory_space<semaphore_mem>>
        %dma_start3A_890 = tpu.memref_squeeze %dma_start3A_889 : memref<1x!tpu.dma_semaphore, #tpu.memory_space<semaphore_mem>> -> memref<!tpu.dma_semaphore, #tpu.memory_space<semaphore_mem>>
        tpu.enqueue_indirect_dma source(%dma_start3A_888 : memref<1000000x64xf32, #tpu.memory_space<hbm>>) target(%dma_start3A_882 : memref<50x64xf32, #tpu.memory_space<vmem>>) offsets(%dma_start3A_885 : memref<50xi32, #tpu.memory_space<vmem>>) semaphore(%dma_start3A_890 : memref<!tpu.dma_semaphore, #tpu.memory_space<semaphore_mem>>)
        %dma_start3A_891 = arith.constant 0 : i32
        %dma_start3A_892 = arith.constant 1 : i32
        %dma_start3A_893 = arith.constant 0 : i32
        %dma_start3A_894 = arith.constant 0 : i32
        %dma_start3A_895 = arith.constant 0 : i32
        %dma_start3A_896 = arith.constant 0 : i32
        %dma_start3A_897 = tpu.memref_slice %arg6[%dma_start3A_893, %dma_start3A_895, %dma_start3A_896] : memref<2x800x64xf32, #tpu.memory_space<vmem>> -> memref<1x800x64xf32, #tpu.memory_space<vmem>>
        %dma_start3A_898 = tpu.memref_squeeze %dma_start3A_897 : memref<1x800x64xf32, #tpu.memory_space<vmem>> -> memref<800x64xf32, #tpu.memory_space<vmem>>
        %dma_start3A_899 = arith.constant 50 : i32
        %dma_start3A_900 = arith.constant 0 : i32
        %dma_start3A_901 = tpu.memref_slice %dma_start3A_898[%dma_start3A_899, %dma_start3A_900] : memref<800x64xf32, #tpu.memory_space<vmem>> -> memref<50x64xf32, #tpu.memory_space<vmem>>
        %dma_start3A_902 = arith.constant 0 : i32
        %dma_start3A_903 = tpu.memref_slice %arg5[%dma_start3A_891, %dma_start3A_892, %dma_start3A_902] : memref<2x16x50xi32, #tpu.memory_space<vmem>> -> memref<1x1x50xi32, #tpu.memory_space<vmem>>
        %dma_start3A_904 = tpu.memref_squeeze %dma_start3A_903 : memref<1x1x50xi32, #tpu.memory_space<vmem>> -> memref<50xi32, #tpu.memory_space<vmem>>
        %dma_start3A_905 = arith.constant 0 : i32
        %dma_start3A_906 = arith.constant 0 : i32
        %dma_start3A_907 = tpu.memref_slice %arg3[%dma_start3A_905, %dma_start3A_906] : memref<1000000x64xf32, #tpu.memory_space<hbm>> -> memref<1000000x64xf32, #tpu.memory_space<hbm>>
        %dma_start3A_908 = tpu.memref_slice %arg8[%dma_start3A_894] : memref<2x!tpu.dma_semaphore, #tpu.memory_space<semaphore_mem>> -> memref<1x!tpu.dma_semaphore, #tpu.memory_space<semaphore_mem>>
        %dma_start3A_909 = tpu.memref_squeeze %dma_start3A_908 : memref<1x!tpu.dma_semaphore, #tpu.memory_space<semaphore_mem>> -> memref<!tpu.dma_semaphore, #tpu.memory_space<semaphore_mem>>
        tpu.enqueue_indirect_dma source(%dma_start3A_907 : memref<1000000x64xf32, #tpu.memory_space<hbm>>) target(%dma_start3A_901 : memref<50x64xf32, #tpu.memory_space<vmem>>) offsets(%dma_start3A_904 : memref<50xi32, #tpu.memory_space<vmem>>) semaphore(%dma_start3A_909 : memref<!tpu.dma_semaphore, #tpu.memory_space<semaphore_mem>>)
        %dma_start3A_910 = arith.constant 0 : i32
        %dma_start3A_911 = arith.constant 2 : i32
        %dma_start3A_912 = arith.constant 0 : i32
        %dma_start3A_913 = arith.constant 0 : i32
        %dma_start3A_914 = arith.constant 0 : i32
        %dma_start3A_915 = arith.constant 0 : i32
        %dma_start3A_916 = tpu.memref_slice %arg6[%dma_start3A_912, %dma_start3A_914, %dma_start3A_915] : memref<2x800x64xf32, #tpu.memory_space<vmem>> -> memref<1x800x64xf32, #tpu.memory_space<vmem>>
        %dma_start3A_917 = tpu.memref_squeeze %dma_start3A_916 : memref<1x800x64xf32, #tpu.memory_space<vmem>> -> memref<800x64xf32, #tpu.memory_space<vmem>>
        %dma_start3A_918 = arith.constant 100 : i32
        %dma_start3A_919 = arith.constant 0 : i32
        %dma_start3A_920 = tpu.memref_slice %dma_start3A_917[%dma_start3A_918, %dma_start3A_919] : memref<800x64xf32, #tpu.memory_space<vmem>> -> memref<50x64xf32, #tpu.memory_space<vmem>>
        %dma_start3A_921 = arith.constant 0 : i32
        %dma_start3A_922 = tpu.memref_slice %arg5[%dma_start3A_910, %dma_start3A_911, %dma_start3A_921] : memref<2x16x50xi32, #tpu.memory_space<vmem>> -> memref<1x1x50xi32, #tpu.memory_space<vmem>>
        %dma_start3A_923 = tpu.memref_squeeze %dma_start3A_922 : memref<1x1x50xi32, #tpu.memory_space<vmem>> -> memref<50xi32, #tpu.memory_space<vmem>>
        %dma_start3A_924 = arith.constant 0 : i32
        %dma_start3A_925 = arith.constant 0 : i32
        %dma_start3A_926 = tpu.memref_slice %arg3[%dma_start3A_924, %dma_start3A_925] : memref<1000000x64xf32, #tpu.memory_space<hbm>> -> memref<1000000x64xf32, #tpu.memory_space<hbm>>
        %dma_start3A_927 = tpu.memref_slice %arg8[%dma_start3A_913] : memref<2x!tpu.dma_semaphore, #tpu.memory_space<semaphore_mem>> -> memref<1x!tpu.dma_semaphore, #tpu.memory_space<semaphore_mem>>
        %dma_start3A_928 = tpu.memref_squeeze %dma_start3A_927 : memref<1x!tpu.dma_semaphore, #tpu.memory_space<semaphore_mem>> -> memref<!tpu.dma_semaphore, #tpu.memory_space<semaphore_mem>>
        tpu.enqueue_indirect_dma source(%dma_start3A_926 : memref<1000000x64xf32, #tpu.memory_space<hbm>>) target(%dma_start3A_920 : memref<50x64xf32, #tpu.memory_space<vmem>>) offsets(%dma_start3A_923 : memref<50xi32, #tpu.memory_space<vmem>>) semaphore(%dma_start3A_928 : memref<!tpu.dma_semaphore, #tpu.memory_space<semaphore_mem>>)
        %dma_start3A_929 = arith.constant 0 : i32
        %dma_start3A_930 = arith.constant 3 : i32
        %dma_start3A_931 = arith.constant 0 : i32
        %dma_start3A_932 = arith.constant 0 : i32
        %dma_start3A_933 = arith.constant 0 : i32
        %dma_start3A_934 = arith.constant 0 : i32
        %dma_start3A_935 = tpu.memref_slice %arg6[%dma_start3A_931, %dma_start3A_933, %dma_start3A_934] : memref<2x800x64xf32, #tpu.memory_space<vmem>> -> memref<1x800x64xf32, #tpu.memory_space<vmem>>
        %dma_start3A_936 = tpu.memref_squeeze %dma_start3A_935 : memref<1x800x64xf32, #tpu.memory_space<vmem>> -> memref<800x64xf32, #tpu.memory_space<vmem>>
        %dma_start3A_937 = arith.constant 150 : i32
        %dma_start3A_938 = arith.constant 0 : i32
        %dma_start3A_939 = tpu.memref_slice %dma_start3A_936[%dma_start3A_937, %dma_start3A_938] : memref<800x64xf32, #tpu.memory_space<vmem>> -> memref<50x64xf32, #tpu.memory_space<vmem>>
        %dma_start3A_940 = arith.constant 0 : i32
        %dma_start3A_941 = tpu.memref_slice %arg5[%dma_start3A_929, %dma_start3A_930, %dma_start3A_940] : memref<2x16x50xi32, #tpu.memory_space<vmem>> -> memref<1x1x50xi32, #tpu.memory_space<vmem>>
        %dma_start3A_942 = tpu.memref_squeeze %dma_start3A_941 : memref<1x1x50xi32, #tpu.memory_space<vmem>> -> memref<50xi32, #tpu.memory_space<vmem>>
        %dma_start3A_943 = arith.constant 0 : i32
        %dma_start3A_944 = arith.constant 0 : i32
        %dma_start3A_945 = tpu.memref_slice %arg3[%dma_start3A_943, %dma_start3A_944] : memref<1000000x64xf32, #tpu.memory_space<hbm>> -> memref<1000000x64xf32, #tpu.memory_space<hbm>>
        %dma_start3A_946 = tpu.memref_slice %arg8[%dma_start3A_932] : memref<2x!tpu.dma_semaphore, #tpu.memory_space<semaphore_mem>> -> memref<1x!tpu.dma_semaphore, #tpu.memory_space<semaphore_mem>>
        %dma_start3A_947 = tpu.memref_squeeze %dma_start3A_946 : memref<1x!tpu.dma_semaphore, #tpu.memory_space<semaphore_mem>> -> memref<!tpu.dma_semaphore, #tpu.memory_space<semaphore_mem>>
        tpu.enqueue_indirect_dma source(%dma_start3A_945 : memref<1000000x64xf32, #tpu.memory_space<hbm>>) target(%dma_start3A_939 : memref<50x64xf32, #tpu.memory_space<vmem>>) offsets(%dma_start3A_942 : memref<50xi32, #tpu.memory_space<vmem>>) semaphore(%dma_start3A_947 : memref<!tpu.dma_semaphore, #tpu.memory_space<semaphore_mem>>)
        %dma_start3A_948 = arith.constant 0 : i32
        %dma_start3A_949 = arith.constant 4 : i32
        %dma_start3A_950 = arith.constant 0 : i32
        %dma_start3A_951 = arith.constant 0 : i32
        %dma_start3A_952 = arith.constant 0 : i32
        %dma_start3A_953 = arith.constant 0 : i32
        %dma_start3A_954 = tpu.memref_slice %arg6[%dma_start3A_950, %dma_start3A_952, %dma_start3A_953] : memref<2x800x64xf32, #tpu.memory_space<vmem>> -> memref<1x800x64xf32, #tpu.memory_space<vmem>>
        %dma_start3A_955 = tpu.memref_squeeze %dma_start3A_954 : memref<1x800x64xf32, #tpu.memory_space<vmem>> -> memref<800x64xf32, #tpu.memory_space<vmem>>
        %dma_start3A_956 = arith.constant 200 : i32
        %dma_start3A_957 = arith.constant 0 : i32
        %dma_start3A_958 = tpu.memref_slice %dma_start3A_955[%dma_start3A_956, %dma_start3A_957] : memref<800x64xf32, #tpu.memory_space<vmem>> -> memref<50x64xf32, #tpu.memory_space<vmem>>
        %dma_start3A_959 = arith.constant 0 : i32
        %dma_start3A_960 = tpu.memref_slice %arg5[%dma_start3A_948, %dma_start3A_949, %dma_start3A_959] : memref<2x16x50xi32, #tpu.memory_space<vmem>> -> memref<1x1x50xi32, #tpu.memory_space<vmem>>
        %dma_start3A_961 = tpu.memref_squeeze %dma_start3A_960 : memref<1x1x50xi32, #tpu.memory_space<vmem>> -> memref<50xi32, #tpu.memory_space<vmem>>
        %dma_start3A_962 = arith.constant 0 : i32
        %dma_start3A_963 = arith.constant 0 : i32
        %dma_start3A_964 = tpu.memref_slice %arg3[%dma_start3A_962, %dma_start3A_963] : memref<1000000x64xf32, #tpu.memory_space<hbm>> -> memref<1000000x64xf32, #tpu.memory_space<hbm>>
        %dma_start3A_965 = tpu.memref_slice %arg8[%dma_start3A_951] : memref<2x!tpu.dma_semaphore, #tpu.memory_space<semaphore_mem>> -> memref<1x!tpu.dma_semaphore, #tpu.memory_space<semaphore_mem>>
        %dma_start3A_966 = tpu.memref_squeeze %dma_start3A_965 : memref<1x!tpu.dma_semaphore, #tpu.memory_space<semaphore_mem>> -> memref<!tpu.dma_semaphore, #tpu.memory_space<semaphore_mem>>
        tpu.enqueue_indirect_dma source(%dma_start3A_964 : memref<1000000x64xf32, #tpu.memory_space<hbm>>) target(%dma_start3A_958 : memref<50x64xf32, #tpu.memory_space<vmem>>) offsets(%dma_start3A_961 : memref<50xi32, #tpu.memory_space<vmem>>) semaphore(%dma_start3A_966 : memref<!tpu.dma_semaphore, #tpu.memory_space<semaphore_mem>>)
        %dma_start3A_967 = arith.constant 0 : i32
        %dma_start3A_968 = arith.constant 5 : i32
        %dma_start3A_969 = arith.constant 0 : i32
        %dma_start3A_970 = arith.constant 0 : i32
        %dma_start3A_971 = arith.constant 0 : i32
        %dma_start3A_972 = arith.constant 0 : i32
        %dma_start3A_973 = tpu.memref_slice %arg6[%dma_start3A_969, %dma_start3A_971, %dma_start3A_972] : memref<2x800x64xf32, #tpu.memory_space<vmem>> -> memref<1x800x64xf32, #tpu.memory_space<vmem>>
        %dma_start3A_974 = tpu.memref_squeeze %dma_start3A_973 : memref<1x800x64xf32, #tpu.memory_space<vmem>> -> memref<800x64xf32, #tpu.memory_space<vmem>>
        %dma_start3A_975 = arith.constant 250 : i32
        %dma_start3A_976 = arith.constant 0 : i32
        %dma_start3A_977 = tpu.memref_slice %dma_start3A_974[%dma_start3A_975, %dma_start3A_976] : memref<800x64xf32, #tpu.memory_space<vmem>> -> memref<50x64xf32, #tpu.memory_space<vmem>>
        %dma_start3A_978 = arith.constant 0 : i32
        %dma_start3A_979 = tpu.memref_slice %arg5[%dma_start3A_967, %dma_start3A_968, %dma_start3A_978] : memref<2x16x50xi32, #tpu.memory_space<vmem>> -> memref<1x1x50xi32, #tpu.memory_space<vmem>>
        %dma_start3A_980 = tpu.memref_squeeze %dma_start3A_979 : memref<1x1x50xi32, #tpu.memory_space<vmem>> -> memref<50xi32, #tpu.memory_space<vmem>>
        %dma_start3A_981 = arith.constant 0 : i32
        %dma_start3A_982 = arith.constant 0 : i32
        %dma_start3A_983 = tpu.memref_slice %arg3[%dma_start3A_981, %dma_start3A_982] : memref<1000000x64xf32, #tpu.memory_space<hbm>> -> memref<1000000x64xf32, #tpu.memory_space<hbm>>
        %dma_start3A_984 = tpu.memref_slice %arg8[%dma_start3A_970] : memref<2x!tpu.dma_semaphore, #tpu.memory_space<semaphore_mem>> -> memref<1x!tpu.dma_semaphore, #tpu.memory_space<semaphore_mem>>
        %dma_start3A_985 = tpu.memref_squeeze %dma_start3A_984 : memref<1x!tpu.dma_semaphore, #tpu.memory_space<semaphore_mem>> -> memref<!tpu.dma_semaphore, #tpu.memory_space<semaphore_mem>>
        tpu.enqueue_indirect_dma source(%dma_start3A_983 : memref<1000000x64xf32, #tpu.memory_space<hbm>>) target(%dma_start3A_977 : memref<50x64xf32, #tpu.memory_space<vmem>>) offsets(%dma_start3A_980 : memref<50xi32, #tpu.memory_space<vmem>>) semaphore(%dma_start3A_985 : memref<!tpu.dma_semaphore, #tpu.memory_space<semaphore_mem>>)
        %dma_start3A_986 = arith.constant 0 : i32
        %dma_start3A_987 = arith.constant 6 : i32
        %dma_start3A_988 = arith.constant 0 : i32
        %dma_start3A_989 = arith.constant 0 : i32
        %dma_start3A_990 = arith.constant 0 : i32
        %dma_start3A_991 = arith.constant 0 : i32
        %dma_start3A_992 = tpu.memref_slice %arg6[%dma_start3A_988, %dma_start3A_990, %dma_start3A_991] : memref<2x800x64xf32, #tpu.memory_space<vmem>> -> memref<1x800x64xf32, #tpu.memory_space<vmem>>
        %dma_start3A_993 = tpu.memref_squeeze %dma_start3A_992 : memref<1x800x64xf32, #tpu.memory_space<vmem>> -> memref<800x64xf32, #tpu.memory_space<vmem>>
        %dma_start3A_994 = arith.constant 300 : i32
        %dma_start3A_995 = arith.constant 0 : i32
        %dma_start3A_996 = tpu.memref_slice %dma_start3A_993[%dma_start3A_994, %dma_start3A_995] : memref<800x64xf32, #tpu.memory_space<vmem>> -> memref<50x64xf32, #tpu.memory_space<vmem>>
        %dma_start3A_997 = arith.constant 0 : i32
        %dma_start3A_998 = tpu.memref_slice %arg5[%dma_start3A_986, %dma_start3A_987, %dma_start3A_997] : memref<2x16x50xi32, #tpu.memory_space<vmem>> -> memref<1x1x50xi32, #tpu.memory_space<vmem>>
        %dma_start3A_999 = tpu.memref_squeeze %dma_start3A_998 : memref<1x1x50xi32, #tpu.memory_space<vmem>> -> memref<50xi32, #tpu.memory_space<vmem>>
        %dma_start3A_1000 = arith.constant 0 : i32
        %dma_start3A_1001 = arith.constant 0 : i32
        %dma_start3A_1002 = tpu.memref_slice %arg3[%dma_start3A_1000, %dma_start3A_1001] : memref<1000000x64xf32, #tpu.memory_space<hbm>> -> memref<1000000x64xf32, #tpu.memory_space<hbm>>
        %dma_start3A_1003 = tpu.memref_slice %arg8[%dma_start3A_989] : memref<2x!tpu.dma_semaphore, #tpu.memory_space<semaphore_mem>> -> memref<1x!tpu.dma_semaphore, #tpu.memory_space<semaphore_mem>>
        %dma_start3A_1004 = tpu.memref_squeeze %dma_start3A_1003 : memref<1x!tpu.dma_semaphore, #tpu.memory_space<semaphore_mem>> -> memref<!tpu.dma_semaphore, #tpu.memory_space<semaphore_mem>>
        tpu.enqueue_indirect_dma source(%dma_start3A_1002 : memref<1000000x64xf32, #tpu.memory_space<hbm>>) target(%dma_start3A_996 : memref<50x64xf32, #tpu.memory_space<vmem>>) offsets(%dma_start3A_999 : memref<50xi32, #tpu.memory_space<vmem>>) semaphore(%dma_start3A_1004 : memref<!tpu.dma_semaphore, #tpu.memory_space<semaphore_mem>>)
        %dma_start3A_1005 = arith.constant 0 : i32
        %dma_start3A_1006 = arith.constant 7 : i32
        %dma_start3A_1007 = arith.constant 0 : i32
        %dma_start3A_1008 = arith.constant 0 : i32
        %dma_start3A_1009 = arith.constant 0 : i32
        %dma_start3A_1010 = arith.constant 0 : i32
        %dma_start3A_1011 = tpu.memref_slice %arg6[%dma_start3A_1007, %dma_start3A_1009, %dma_start3A_1010] : memref<2x800x64xf32, #tpu.memory_space<vmem>> -> memref<1x800x64xf32, #tpu.memory_space<vmem>>
        %dma_start3A_1012 = tpu.memref_squeeze %dma_start3A_1011 : memref<1x800x64xf32, #tpu.memory_space<vmem>> -> memref<800x64xf32, #tpu.memory_space<vmem>>
        %dma_start3A_1013 = arith.constant 350 : i32
        %dma_start3A_1014 = arith.constant 0 : i32
        %dma_start3A_1015 = tpu.memref_slice %dma_start3A_1012[%dma_start3A_1013, %dma_start3A_1014] : memref<800x64xf32, #tpu.memory_space<vmem>> -> memref<50x64xf32, #tpu.memory_space<vmem>>
        %dma_start3A_1016 = arith.constant 0 : i32
        %dma_start3A_1017 = tpu.memref_slice %arg5[%dma_start3A_1005, %dma_start3A_1006, %dma_start3A_1016] : memref<2x16x50xi32, #tpu.memory_space<vmem>> -> memref<1x1x50xi32, #tpu.memory_space<vmem>>
        %dma_start3A_1018 = tpu.memref_squeeze %dma_start3A_1017 : memref<1x1x50xi32, #tpu.memory_space<vmem>> -> memref<50xi32, #tpu.memory_space<vmem>>
        %dma_start3A_1019 = arith.constant 0 : i32
        %dma_start3A_1020 = arith.constant 0 : i32
        %dma_start3A_1021 = tpu.memref_slice %arg3[%dma_start3A_1019, %dma_start3A_1020] : memref<1000000x64xf32, #tpu.memory_space<hbm>> -> memref<1000000x64xf32, #tpu.memory_space<hbm>>
        %dma_start3A_1022 = tpu.memref_slice %arg8[%dma_start3A_1008] : memref<2x!tpu.dma_semaphore, #tpu.memory_space<semaphore_mem>> -> memref<1x!tpu.dma_semaphore, #tpu.memory_space<semaphore_mem>>
        %dma_start3A_1023 = tpu.memref_squeeze %dma_start3A_1022 : memref<1x!tpu.dma_semaphore, #tpu.memory_space<semaphore_mem>> -> memref<!tpu.dma_semaphore, #tpu.memory_space<semaphore_mem>>
        tpu.enqueue_indirect_dma source(%dma_start3A_1021 : memref<1000000x64xf32, #tpu.memory_space<hbm>>) target(%dma_start3A_1015 : memref<50x64xf32, #tpu.memory_space<vmem>>) offsets(%dma_start3A_1018 : memref<50xi32, #tpu.memory_space<vmem>>) semaphore(%dma_start3A_1023 : memref<!tpu.dma_semaphore, #tpu.memory_space<semaphore_mem>>)
        %dma_start3A_1024 = arith.constant 0 : i32
        %dma_start3A_1025 = arith.constant 8 : i32
        %dma_start3A_1026 = arith.constant 0 : i32
        %dma_start3A_1027 = arith.constant 0 : i32
        %dma_start3A_1028 = arith.constant 0 : i32
        %dma_start3A_1029 = arith.constant 0 : i32
        %dma_start3A_1030 = tpu.memref_slice %arg6[%dma_start3A_1026, %dma_start3A_1028, %dma_start3A_1029] : memref<2x800x64xf32, #tpu.memory_space<vmem>> -> memref<1x800x64xf32, #tpu.memory_space<vmem>>
        %dma_start3A_1031 = tpu.memref_squeeze %dma_start3A_1030 : memref<1x800x64xf32, #tpu.memory_space<vmem>> -> memref<800x64xf32, #tpu.memory_space<vmem>>
        %dma_start3A_1032 = arith.constant 400 : i32
        %dma_start3A_1033 = arith.constant 0 : i32
        %dma_start3A_1034 = tpu.memref_slice %dma_start3A_1031[%dma_start3A_1032, %dma_start3A_1033] : memref<800x64xf32, #tpu.memory_space<vmem>> -> memref<50x64xf32, #tpu.memory_space<vmem>>
        %dma_start3A_1035 = arith.constant 0 : i32
        %dma_start3A_1036 = tpu.memref_slice %arg5[%dma_start3A_1024, %dma_start3A_1025, %dma_start3A_1035] : memref<2x16x50xi32, #tpu.memory_space<vmem>> -> memref<1x1x50xi32, #tpu.memory_space<vmem>>
        %dma_start3A_1037 = tpu.memref_squeeze %dma_start3A_1036 : memref<1x1x50xi32, #tpu.memory_space<vmem>> -> memref<50xi32, #tpu.memory_space<vmem>>
        %dma_start3A_1038 = arith.constant 0 : i32
        %dma_start3A_1039 = arith.constant 0 : i32
        %dma_start3A_1040 = tpu.memref_slice %arg3[%dma_start3A_1038, %dma_start3A_1039] : memref<1000000x64xf32, #tpu.memory_space<hbm>> -> memref<1000000x64xf32, #tpu.memory_space<hbm>>
        %dma_start3A_1041 = tpu.memref_slice %arg8[%dma_start3A_1027] : memref<2x!tpu.dma_semaphore, #tpu.memory_space<semaphore_mem>> -> memref<1x!tpu.dma_semaphore, #tpu.memory_space<semaphore_mem>>
        %dma_start3A_1042 = tpu.memref_squeeze %dma_start3A_1041 : memref<1x!tpu.dma_semaphore, #tpu.memory_space<semaphore_mem>> -> memref<!tpu.dma_semaphore, #tpu.memory_space<semaphore_mem>>
        tpu.enqueue_indirect_dma source(%dma_start3A_1040 : memref<1000000x64xf32, #tpu.memory_space<hbm>>) target(%dma_start3A_1034 : memref<50x64xf32, #tpu.memory_space<vmem>>) offsets(%dma_start3A_1037 : memref<50xi32, #tpu.memory_space<vmem>>) semaphore(%dma_start3A_1042 : memref<!tpu.dma_semaphore, #tpu.memory_space<semaphore_mem>>)
        %dma_start3A_1043 = arith.constant 0 : i32
        %dma_start3A_1044 = arith.constant 9 : i32
        %dma_start3A_1045 = arith.constant 0 : i32
        %dma_start3A_1046 = arith.constant 0 : i32
        %dma_start3A_1047 = arith.constant 0 : i32
        %dma_start3A_1048 = arith.constant 0 : i32
        %dma_start3A_1049 = tpu.memref_slice %arg6[%dma_start3A_1045, %dma_start3A_1047, %dma_start3A_1048] : memref<2x800x64xf32, #tpu.memory_space<vmem>> -> memref<1x800x64xf32, #tpu.memory_space<vmem>>
        %dma_start3A_1050 = tpu.memref_squeeze %dma_start3A_1049 : memref<1x800x64xf32, #tpu.memory_space<vmem>> -> memref<800x64xf32, #tpu.memory_space<vmem>>
        %dma_start3A_1051 = arith.constant 450 : i32
        %dma_start3A_1052 = arith.constant 0 : i32
        %dma_start3A_1053 = tpu.memref_slice %dma_start3A_1050[%dma_start3A_1051, %dma_start3A_1052] : memref<800x64xf32, #tpu.memory_space<vmem>> -> memref<50x64xf32, #tpu.memory_space<vmem>>
        %dma_start3A_1054 = arith.constant 0 : i32
        %dma_start3A_1055 = tpu.memref_slice %arg5[%dma_start3A_1043, %dma_start3A_1044, %dma_start3A_1054] : memref<2x16x50xi32, #tpu.memory_space<vmem>> -> memref<1x1x50xi32, #tpu.memory_space<vmem>>
        %dma_start3A_1056 = tpu.memref_squeeze %dma_start3A_1055 : memref<1x1x50xi32, #tpu.memory_space<vmem>> -> memref<50xi32, #tpu.memory_space<vmem>>
        %dma_start3A_1057 = arith.constant 0 : i32
        %dma_start3A_1058 = arith.constant 0 : i32
        %dma_start3A_1059 = tpu.memref_slice %arg3[%dma_start3A_1057, %dma_start3A_1058] : memref<1000000x64xf32, #tpu.memory_space<hbm>> -> memref<1000000x64xf32, #tpu.memory_space<hbm>>
        %dma_start3A_1060 = tpu.memref_slice %arg8[%dma_start3A_1046] : memref<2x!tpu.dma_semaphore, #tpu.memory_space<semaphore_mem>> -> memref<1x!tpu.dma_semaphore, #tpu.memory_space<semaphore_mem>>
        %dma_start3A_1061 = tpu.memref_squeeze %dma_start3A_1060 : memref<1x!tpu.dma_semaphore, #tpu.memory_space<semaphore_mem>> -> memref<!tpu.dma_semaphore, #tpu.memory_space<semaphore_mem>>
        tpu.enqueue_indirect_dma source(%dma_start3A_1059 : memref<1000000x64xf32, #tpu.memory_space<hbm>>) target(%dma_start3A_1053 : memref<50x64xf32, #tpu.memory_space<vmem>>) offsets(%dma_start3A_1056 : memref<50xi32, #tpu.memory_space<vmem>>) semaphore(%dma_start3A_1061 : memref<!tpu.dma_semaphore, #tpu.memory_space<semaphore_mem>>)
        %dma_start3A_1062 = arith.constant 0 : i32
        %dma_start3A_1063 = arith.constant 10 : i32
        %dma_start3A_1064 = arith.constant 0 : i32
        %dma_start3A_1065 = arith.constant 0 : i32
        %dma_start3A_1066 = arith.constant 0 : i32
        %dma_start3A_1067 = arith.constant 0 : i32
        %dma_start3A_1068 = tpu.memref_slice %arg6[%dma_start3A_1064, %dma_start3A_1066, %dma_start3A_1067] : memref<2x800x64xf32, #tpu.memory_space<vmem>> -> memref<1x800x64xf32, #tpu.memory_space<vmem>>
        %dma_start3A_1069 = tpu.memref_squeeze %dma_start3A_1068 : memref<1x800x64xf32, #tpu.memory_space<vmem>> -> memref<800x64xf32, #tpu.memory_space<vmem>>
        %dma_start3A_1070 = arith.constant 500 : i32
        %dma_start3A_1071 = arith.constant 0 : i32
        %dma_start3A_1072 = tpu.memref_slice %dma_start3A_1069[%dma_start3A_1070, %dma_start3A_1071] : memref<800x64xf32, #tpu.memory_space<vmem>> -> memref<50x64xf32, #tpu.memory_space<vmem>>
        %dma_start3A_1073 = arith.constant 0 : i32
        %dma_start3A_1074 = tpu.memref_slice %arg5[%dma_start3A_1062, %dma_start3A_1063, %dma_start3A_1073] : memref<2x16x50xi32, #tpu.memory_space<vmem>> -> memref<1x1x50xi32, #tpu.memory_space<vmem>>
        %dma_start3A_1075 = tpu.memref_squeeze %dma_start3A_1074 : memref<1x1x50xi32, #tpu.memory_space<vmem>> -> memref<50xi32, #tpu.memory_space<vmem>>
        %dma_start3A_1076 = arith.constant 0 : i32
        %dma_start3A_1077 = arith.constant 0 : i32
        %dma_start3A_1078 = tpu.memref_slice %arg3[%dma_start3A_1076, %dma_start3A_1077] : memref<1000000x64xf32, #tpu.memory_space<hbm>> -> memref<1000000x64xf32, #tpu.memory_space<hbm>>
        %dma_start3A_1079 = tpu.memref_slice %arg8[%dma_start3A_1065] : memref<2x!tpu.dma_semaphore, #tpu.memory_space<semaphore_mem>> -> memref<1x!tpu.dma_semaphore, #tpu.memory_space<semaphore_mem>>
        %dma_start3A_1080 = tpu.memref_squeeze %dma_start3A_1079 : memref<1x!tpu.dma_semaphore, #tpu.memory_space<semaphore_mem>> -> memref<!tpu.dma_semaphore, #tpu.memory_space<semaphore_mem>>
        tpu.enqueue_indirect_dma source(%dma_start3A_1078 : memref<1000000x64xf32, #tpu.memory_space<hbm>>) target(%dma_start3A_1072 : memref<50x64xf32, #tpu.memory_space<vmem>>) offsets(%dma_start3A_1075 : memref<50xi32, #tpu.memory_space<vmem>>) semaphore(%dma_start3A_1080 : memref<!tpu.dma_semaphore, #tpu.memory_space<semaphore_mem>>)
        %dma_start3A_1081 = arith.constant 0 : i32
        %dma_start3A_1082 = arith.constant 11 : i32
        %dma_start3A_1083 = arith.constant 0 : i32
        %dma_start3A_1084 = arith.constant 0 : i32
        %dma_start3A_1085 = arith.constant 0 : i32
        %dma_start3A_1086 = arith.constant 0 : i32
        %dma_start3A_1087 = tpu.memref_slice %arg6[%dma_start3A_1083, %dma_start3A_1085, %dma_start3A_1086] : memref<2x800x64xf32, #tpu.memory_space<vmem>> -> memref<1x800x64xf32, #tpu.memory_space<vmem>>
        %dma_start3A_1088 = tpu.memref_squeeze %dma_start3A_1087 : memref<1x800x64xf32, #tpu.memory_space<vmem>> -> memref<800x64xf32, #tpu.memory_space<vmem>>
        %dma_start3A_1089 = arith.constant 550 : i32
        %dma_start3A_1090 = arith.constant 0 : i32
        %dma_start3A_1091 = tpu.memref_slice %dma_start3A_1088[%dma_start3A_1089, %dma_start3A_1090] : memref<800x64xf32, #tpu.memory_space<vmem>> -> memref<50x64xf32, #tpu.memory_space<vmem>>
        %dma_start3A_1092 = arith.constant 0 : i32
        %dma_start3A_1093 = tpu.memref_slice %arg5[%dma_start3A_1081, %dma_start3A_1082, %dma_start3A_1092] : memref<2x16x50xi32, #tpu.memory_space<vmem>> -> memref<1x1x50xi32, #tpu.memory_space<vmem>>
        %dma_start3A_1094 = tpu.memref_squeeze %dma_start3A_1093 : memref<1x1x50xi32, #tpu.memory_space<vmem>> -> memref<50xi32, #tpu.memory_space<vmem>>
        %dma_start3A_1095 = arith.constant 0 : i32
        %dma_start3A_1096 = arith.constant 0 : i32
        %dma_start3A_1097 = tpu.memref_slice %arg3[%dma_start3A_1095, %dma_start3A_1096] : memref<1000000x64xf32, #tpu.memory_space<hbm>> -> memref<1000000x64xf32, #tpu.memory_space<hbm>>
        %dma_start3A_1098 = tpu.memref_slice %arg8[%dma_start3A_1084] : memref<2x!tpu.dma_semaphore, #tpu.memory_space<semaphore_mem>> -> memref<1x!tpu.dma_semaphore, #tpu.memory_space<semaphore_mem>>
        %dma_start3A_1099 = tpu.memref_squeeze %dma_start3A_1098 : memref<1x!tpu.dma_semaphore, #tpu.memory_space<semaphore_mem>> -> memref<!tpu.dma_semaphore, #tpu.memory_space<semaphore_mem>>
        tpu.enqueue_indirect_dma source(%dma_start3A_1097 : memref<1000000x64xf32, #tpu.memory_space<hbm>>) target(%dma_start3A_1091 : memref<50x64xf32, #tpu.memory_space<vmem>>) offsets(%dma_start3A_1094 : memref<50xi32, #tpu.memory_space<vmem>>) semaphore(%dma_start3A_1099 : memref<!tpu.dma_semaphore, #tpu.memory_space<semaphore_mem>>)
        %dma_start3A_1100 = arith.constant 0 : i32
        %dma_start3A_1101 = arith.constant 12 : i32
        %dma_start3A_1102 = arith.constant 0 : i32
        %dma_start3A_1103 = arith.constant 0 : i32
        %dma_start3A_1104 = arith.constant 0 : i32
        %dma_start3A_1105 = arith.constant 0 : i32
        %dma_start3A_1106 = tpu.memref_slice %arg6[%dma_start3A_1102, %dma_start3A_1104, %dma_start3A_1105] : memref<2x800x64xf32, #tpu.memory_space<vmem>> -> memref<1x800x64xf32, #tpu.memory_space<vmem>>
        %dma_start3A_1107 = tpu.memref_squeeze %dma_start3A_1106 : memref<1x800x64xf32, #tpu.memory_space<vmem>> -> memref<800x64xf32, #tpu.memory_space<vmem>>
        %dma_start3A_1108 = arith.constant 600 : i32
        %dma_start3A_1109 = arith.constant 0 : i32
        %dma_start3A_1110 = tpu.memref_slice %dma_start3A_1107[%dma_start3A_1108, %dma_start3A_1109] : memref<800x64xf32, #tpu.memory_space<vmem>> -> memref<50x64xf32, #tpu.memory_space<vmem>>
        %dma_start3A_1111 = arith.constant 0 : i32
        %dma_start3A_1112 = tpu.memref_slice %arg5[%dma_start3A_1100, %dma_start3A_1101, %dma_start3A_1111] : memref<2x16x50xi32, #tpu.memory_space<vmem>> -> memref<1x1x50xi32, #tpu.memory_space<vmem>>
        %dma_start3A_1113 = tpu.memref_squeeze %dma_start3A_1112 : memref<1x1x50xi32, #tpu.memory_space<vmem>> -> memref<50xi32, #tpu.memory_space<vmem>>
        %dma_start3A_1114 = arith.constant 0 : i32
        %dma_start3A_1115 = arith.constant 0 : i32
        %dma_start3A_1116 = tpu.memref_slice %arg3[%dma_start3A_1114, %dma_start3A_1115] : memref<1000000x64xf32, #tpu.memory_space<hbm>> -> memref<1000000x64xf32, #tpu.memory_space<hbm>>
        %dma_start3A_1117 = tpu.memref_slice %arg8[%dma_start3A_1103] : memref<2x!tpu.dma_semaphore, #tpu.memory_space<semaphore_mem>> -> memref<1x!tpu.dma_semaphore, #tpu.memory_space<semaphore_mem>>
        %dma_start3A_1118 = tpu.memref_squeeze %dma_start3A_1117 : memref<1x!tpu.dma_semaphore, #tpu.memory_space<semaphore_mem>> -> memref<!tpu.dma_semaphore, #tpu.memory_space<semaphore_mem>>
        tpu.enqueue_indirect_dma source(%dma_start3A_1116 : memref<1000000x64xf32, #tpu.memory_space<hbm>>) target(%dma_start3A_1110 : memref<50x64xf32, #tpu.memory_space<vmem>>) offsets(%dma_start3A_1113 : memref<50xi32, #tpu.memory_space<vmem>>) semaphore(%dma_start3A_1118 : memref<!tpu.dma_semaphore, #tpu.memory_space<semaphore_mem>>)
        %dma_start3A_1119 = arith.constant 0 : i32
        %dma_start3A_1120 = arith.constant 13 : i32
        %dma_start3A_1121 = arith.constant 0 : i32
        %dma_start3A_1122 = arith.constant 0 : i32
        %dma_start3A_1123 = arith.constant 0 : i32
        %dma_start3A_1124 = arith.constant 0 : i32
        %dma_start3A_1125 = tpu.memref_slice %arg6[%dma_start3A_1121, %dma_start3A_1123, %dma_start3A_1124] : memref<2x800x64xf32, #tpu.memory_space<vmem>> -> memref<1x800x64xf32, #tpu.memory_space<vmem>>
        %dma_start3A_1126 = tpu.memref_squeeze %dma_start3A_1125 : memref<1x800x64xf32, #tpu.memory_space<vmem>> -> memref<800x64xf32, #tpu.memory_space<vmem>>
        %dma_start3A_1127 = arith.constant 650 : i32
        %dma_start3A_1128 = arith.constant 0 : i32
        %dma_start3A_1129 = tpu.memref_slice %dma_start3A_1126[%dma_start3A_1127, %dma_start3A_1128] : memref<800x64xf32, #tpu.memory_space<vmem>> -> memref<50x64xf32, #tpu.memory_space<vmem>>
        %dma_start3A_1130 = arith.constant 0 : i32
        %dma_start3A_1131 = tpu.memref_slice %arg5[%dma_start3A_1119, %dma_start3A_1120, %dma_start3A_1130] : memref<2x16x50xi32, #tpu.memory_space<vmem>> -> memref<1x1x50xi32, #tpu.memory_space<vmem>>
        %dma_start3A_1132 = tpu.memref_squeeze %dma_start3A_1131 : memref<1x1x50xi32, #tpu.memory_space<vmem>> -> memref<50xi32, #tpu.memory_space<vmem>>
        %dma_start3A_1133 = arith.constant 0 : i32
        %dma_start3A_1134 = arith.constant 0 : i32
        %dma_start3A_1135 = tpu.memref_slice %arg3[%dma_start3A_1133, %dma_start3A_1134] : memref<1000000x64xf32, #tpu.memory_space<hbm>> -> memref<1000000x64xf32, #tpu.memory_space<hbm>>
        %dma_start3A_1136 = tpu.memref_slice %arg8[%dma_start3A_1122] : memref<2x!tpu.dma_semaphore, #tpu.memory_space<semaphore_mem>> -> memref<1x!tpu.dma_semaphore, #tpu.memory_space<semaphore_mem>>
        %dma_start3A_1137 = tpu.memref_squeeze %dma_start3A_1136 : memref<1x!tpu.dma_semaphore, #tpu.memory_space<semaphore_mem>> -> memref<!tpu.dma_semaphore, #tpu.memory_space<semaphore_mem>>
        tpu.enqueue_indirect_dma source(%dma_start3A_1135 : memref<1000000x64xf32, #tpu.memory_space<hbm>>) target(%dma_start3A_1129 : memref<50x64xf32, #tpu.memory_space<vmem>>) offsets(%dma_start3A_1132 : memref<50xi32, #tpu.memory_space<vmem>>) semaphore(%dma_start3A_1137 : memref<!tpu.dma_semaphore, #tpu.memory_space<semaphore_mem>>)
        %dma_start3A_1138 = arith.constant 0 : i32
        %dma_start3A_1139 = arith.constant 14 : i32
        %dma_start3A_1140 = arith.constant 0 : i32
        %dma_start3A_1141 = arith.constant 0 : i32
        %dma_start3A_1142 = arith.constant 0 : i32
        %dma_start3A_1143 = arith.constant 0 : i32
        %dma_start3A_1144 = tpu.memref_slice %arg6[%dma_start3A_1140, %dma_start3A_1142, %dma_start3A_1143] : memref<2x800x64xf32, #tpu.memory_space<vmem>> -> memref<1x800x64xf32, #tpu.memory_space<vmem>>
        %dma_start3A_1145 = tpu.memref_squeeze %dma_start3A_1144 : memref<1x800x64xf32, #tpu.memory_space<vmem>> -> memref<800x64xf32, #tpu.memory_space<vmem>>
        %dma_start3A_1146 = arith.constant 700 : i32
        %dma_start3A_1147 = arith.constant 0 : i32
        %dma_start3A_1148 = tpu.memref_slice %dma_start3A_1145[%dma_start3A_1146, %dma_start3A_1147] : memref<800x64xf32, #tpu.memory_space<vmem>> -> memref<50x64xf32, #tpu.memory_space<vmem>>
        %dma_start3A_1149 = arith.constant 0 : i32
        %dma_start3A_1150 = tpu.memref_slice %arg5[%dma_start3A_1138, %dma_start3A_1139, %dma_start3A_1149] : memref<2x16x50xi32, #tpu.memory_space<vmem>> -> memref<1x1x50xi32, #tpu.memory_space<vmem>>
        %dma_start3A_1151 = tpu.memref_squeeze %dma_start3A_1150 : memref<1x1x50xi32, #tpu.memory_space<vmem>> -> memref<50xi32, #tpu.memory_space<vmem>>
        %dma_start3A_1152 = arith.constant 0 : i32
        %dma_start3A_1153 = arith.constant 0 : i32
        %dma_start3A_1154 = tpu.memref_slice %arg3[%dma_start3A_1152, %dma_start3A_1153] : memref<1000000x64xf32, #tpu.memory_space<hbm>> -> memref<1000000x64xf32, #tpu.memory_space<hbm>>
        %dma_start3A_1155 = tpu.memref_slice %arg8[%dma_start3A_1141] : memref<2x!tpu.dma_semaphore, #tpu.memory_space<semaphore_mem>> -> memref<1x!tpu.dma_semaphore, #tpu.memory_space<semaphore_mem>>
        %dma_start3A_1156 = tpu.memref_squeeze %dma_start3A_1155 : memref<1x!tpu.dma_semaphore, #tpu.memory_space<semaphore_mem>> -> memref<!tpu.dma_semaphore, #tpu.memory_space<semaphore_mem>>
        tpu.enqueue_indirect_dma source(%dma_start3A_1154 : memref<1000000x64xf32, #tpu.memory_space<hbm>>) target(%dma_start3A_1148 : memref<50x64xf32, #tpu.memory_space<vmem>>) offsets(%dma_start3A_1151 : memref<50xi32, #tpu.memory_space<vmem>>) semaphore(%dma_start3A_1156 : memref<!tpu.dma_semaphore, #tpu.memory_space<semaphore_mem>>)
        %dma_start3A_1157 = arith.constant 0 : i32
        %dma_start3A_1158 = arith.constant 15 : i32
        %dma_start3A_1159 = arith.constant 0 : i32
        %dma_start3A_1160 = arith.constant 0 : i32
        %dma_start3A_1161 = arith.constant 0 : i32
        %dma_start3A_1162 = arith.constant 0 : i32
        %dma_start3A_1163 = tpu.memref_slice %arg6[%dma_start3A_1159, %dma_start3A_1161, %dma_start3A_1162] : memref<2x800x64xf32, #tpu.memory_space<vmem>> -> memref<1x800x64xf32, #tpu.memory_space<vmem>>
        %dma_start3A_1164 = tpu.memref_squeeze %dma_start3A_1163 : memref<1x800x64xf32, #tpu.memory_space<vmem>> -> memref<800x64xf32, #tpu.memory_space<vmem>>
        %dma_start3A_1165 = arith.constant 750 : i32
        %dma_start3A_1166 = arith.constant 0 : i32
        %dma_start3A_1167 = tpu.memref_slice %dma_start3A_1164[%dma_start3A_1165, %dma_start3A_1166] : memref<800x64xf32, #tpu.memory_space<vmem>> -> memref<50x64xf32, #tpu.memory_space<vmem>>
        %dma_start3A_1168 = arith.constant 0 : i32
        %dma_start3A_1169 = tpu.memref_slice %arg5[%dma_start3A_1157, %dma_start3A_1158, %dma_start3A_1168] : memref<2x16x50xi32, #tpu.memory_space<vmem>> -> memref<1x1x50xi32, #tpu.memory_space<vmem>>
        %dma_start3A_1170 = tpu.memref_squeeze %dma_start3A_1169 : memref<1x1x50xi32, #tpu.memory_space<vmem>> -> memref<50xi32, #tpu.memory_space<vmem>>
        %dma_start3A_1171 = arith.constant 0 : i32
        %dma_start3A_1172 = arith.constant 0 : i32
        %dma_start3A_1173 = tpu.memref_slice %arg3[%dma_start3A_1171, %dma_start3A_1172] : memref<1000000x64xf32, #tpu.memory_space<hbm>> -> memref<1000000x64xf32, #tpu.memory_space<hbm>>
        %dma_start3A_1174 = tpu.memref_slice %arg8[%dma_start3A_1160] : memref<2x!tpu.dma_semaphore, #tpu.memory_space<semaphore_mem>> -> memref<1x!tpu.dma_semaphore, #tpu.memory_space<semaphore_mem>>
        %dma_start3A_1175 = tpu.memref_squeeze %dma_start3A_1174 : memref<1x!tpu.dma_semaphore, #tpu.memory_space<semaphore_mem>> -> memref<!tpu.dma_semaphore, #tpu.memory_space<semaphore_mem>>
        tpu.enqueue_indirect_dma source(%dma_start3A_1173 : memref<1000000x64xf32, #tpu.memory_space<hbm>>) target(%dma_start3A_1167 : memref<50x64xf32, #tpu.memory_space<vmem>>) offsets(%dma_start3A_1170 : memref<50xi32, #tpu.memory_space<vmem>>) semaphore(%dma_start3A_1175 : memref<!tpu.dma_semaphore, #tpu.memory_space<semaphore_mem>>)
      } else {
      }
      %mul3A_785 = arith.constant 2 : i32
      %mul3A_786 = arith.muli %mul3A_785, %scan3A_724 : i32
      %add3A_787 = arith.constant 1 : i32
      %add3A_788 = arith.addi %mul3A_786, %add3A_787 : i32
      %ge3A_789 = arith.constant 2 : i32
      %ge3A_790 = arith.cmpi sge, %add3A_788, %ge3A_789 : i32
      %convert_element_type3A_791 = arith.extui %ge3A_790 : i1 to i32
      %cond3A_792 = arith.constant 0 : i32
      %cond3A_793 = arith.cmpi ne, %convert_element_type3A_791, %cond3A_792 : i32
      scf.if %cond3A_793 {
        %dma_wait3A_851 = arith.constant 1 : i32
        %dma_wait3A_852 = arith.constant 1 : i32
        %dma_wait3A_853 = arith.constant 0 : i32
        %dma_wait3A_854 = arith.constant 0 : i32
        %dma_wait3A_855 = tpu.memref_slice %arg7[%dma_wait3A_851, %dma_wait3A_853, %dma_wait3A_854] : memref<2x16x64xf32, #tpu.memory_space<vmem>> -> memref<1x16x64xf32, #tpu.memory_space<vmem>>
        %dma_wait3A_856 = tpu.memref_squeeze %dma_wait3A_855 : memref<1x16x64xf32, #tpu.memory_space<vmem>> -> memref<16x64xf32, #tpu.memory_space<vmem>>
        %dma_wait3A_857 = arith.constant 0 : i32
        %dma_wait3A_858 = arith.constant 0 : i32
        %dma_wait3A_859 = tpu.memref_slice %arg4[%dma_wait3A_857, %dma_wait3A_858] : memref<16384x64xf32, #tpu.memory_space<hbm>> -> memref<16x64xf32, #tpu.memory_space<hbm>>
        %dma_wait3A_860 = tpu.memref_slice %arg9[%dma_wait3A_852] : memref<2x!tpu.dma_semaphore, #tpu.memory_space<semaphore_mem>> -> memref<1x!tpu.dma_semaphore, #tpu.memory_space<semaphore_mem>>
        %dma_wait3A_861 = tpu.memref_squeeze %dma_wait3A_860 : memref<1x!tpu.dma_semaphore, #tpu.memory_space<semaphore_mem>> -> memref<!tpu.dma_semaphore, #tpu.memory_space<semaphore_mem>>
        %dma_wait3A_862 = arith.constant 0 : i32
        %dma_wait3A_863 = arith.constant 0 : i32
        %dma_wait3A_864 = tpu.memref_slice %arg4[%dma_wait3A_862, %dma_wait3A_863] : memref<16384x64xf32, #tpu.memory_space<hbm>> -> memref<16x64xf32, #tpu.memory_space<hbm>>
        %dma_wait3A_865 = arith.constant 0 : i32
        %dma_wait3A_866 = arith.constant 0 : i32
        %dma_wait3A_867 = tpu.memref_slice %arg7[%dma_wait3A_851, %dma_wait3A_865, %dma_wait3A_866] : memref<2x16x64xf32, #tpu.memory_space<vmem>> -> memref<1x16x64xf32, #tpu.memory_space<vmem>>
        %dma_wait3A_868 = tpu.memref_squeeze %dma_wait3A_867 : memref<1x16x64xf32, #tpu.memory_space<vmem>> -> memref<16x64xf32, #tpu.memory_space<vmem>>
        tpu.wait_dma2 semaphore(%dma_wait3A_861 : memref<!tpu.dma_semaphore, #tpu.memory_space<semaphore_mem>>) src(%dma_wait3A_868 : memref<16x64xf32, #tpu.memory_space<vmem>>) dst(%dma_wait3A_864 : memref<16x64xf32, #tpu.memory_space<hbm>>)
      } else {
      }
      %dma_wait3A_794 = arith.constant 1 : i32
      %dma_wait3A_795 = arith.constant 1 : i32
      %dma_wait3A_796 = arith.constant 0 : i32
      %dma_wait3A_797 = arith.constant 0 : i32
      %dma_wait3A_798 = tpu.memref_slice %arg6[%dma_wait3A_794, %dma_wait3A_796, %dma_wait3A_797] : memref<2x800x64xf32, #tpu.memory_space<vmem>> -> memref<1x800x64xf32, #tpu.memory_space<vmem>>
      %dma_wait3A_799 = tpu.memref_squeeze %dma_wait3A_798 : memref<1x800x64xf32, #tpu.memory_space<vmem>> -> memref<800x64xf32, #tpu.memory_space<vmem>>
      %dma_wait3A_800 = arith.constant 0 : i32
      %dma_wait3A_801 = arith.constant 0 : i32
      %dma_wait3A_802 = tpu.memref_slice %arg3[%dma_wait3A_800, %dma_wait3A_801] : memref<1000000x64xf32, #tpu.memory_space<hbm>> -> memref<800x64xf32, #tpu.memory_space<hbm>>
      %dma_wait3A_803 = tpu.memref_slice %arg8[%dma_wait3A_795] : memref<2x!tpu.dma_semaphore, #tpu.memory_space<semaphore_mem>> -> memref<1x!tpu.dma_semaphore, #tpu.memory_space<semaphore_mem>>
      %dma_wait3A_804 = tpu.memref_squeeze %dma_wait3A_803 : memref<1x!tpu.dma_semaphore, #tpu.memory_space<semaphore_mem>> -> memref<!tpu.dma_semaphore, #tpu.memory_space<semaphore_mem>>
      %dma_wait3A_805 = arith.constant 0 : i32
      %dma_wait3A_806 = arith.constant 0 : i32
      %dma_wait3A_807 = tpu.memref_slice %arg6[%dma_wait3A_794, %dma_wait3A_805, %dma_wait3A_806] : memref<2x800x64xf32, #tpu.memory_space<vmem>> -> memref<1x800x64xf32, #tpu.memory_space<vmem>>
      %dma_wait3A_808 = tpu.memref_squeeze %dma_wait3A_807 : memref<1x800x64xf32, #tpu.memory_space<vmem>> -> memref<800x64xf32, #tpu.memory_space<vmem>>
      %dma_wait3A_809 = arith.constant 0 : i32
      %dma_wait3A_810 = arith.constant 0 : i32
      %dma_wait3A_811 = tpu.memref_slice %arg3[%dma_wait3A_809, %dma_wait3A_810] : memref<1000000x64xf32, #tpu.memory_space<hbm>> -> memref<800x64xf32, #tpu.memory_space<hbm>>
      tpu.wait_dma2 semaphore(%dma_wait3A_804 : memref<!tpu.dma_semaphore, #tpu.memory_space<semaphore_mem>>) src(%dma_wait3A_811 : memref<800x64xf32, #tpu.memory_space<hbm>>) dst(%dma_wait3A_808 : memref<800x64xf32, #tpu.memory_space<vmem>>)
      %add3A_812 = arith.constant 2 : i32
      %add3A_813 = arith.addi %add3A_788, %add3A_812 : i32
      %lt3A_814 = arith.constant 32 : i32
      %lt3A_815 = arith.cmpi slt, %add3A_813, %lt3A_814 : i32
      %convert_element_type3A_816 = arith.extui %lt3A_815 : i1 to i32
      %cond3A_817 = arith.constant 0 : i32
      %cond3A_818 = arith.cmpi ne, %convert_element_type3A_816, %cond3A_817 : i32
      scf.if %cond3A_818 {
        %add3A_851 = arith.constant 2 : i32
        %add3A_852 = arith.addi %add3A_788, %add3A_851 : i32
        %mul3A_853 = arith.constant 16 : i32
        %mul3A_854 = arith.muli %add3A_852, %mul3A_853 : i32
        %add3A_855 = arith.addi %mul3A_2, %mul3A_854 : i32
        %dma_start3A_856 = arith.constant 1 : i32
        %dma_start3A_857 = arith.constant 1 : i32
        %dma_start3A_858 = arith.constant 0 : i32
        %dma_start3A_859 = arith.constant 0 : i32
        %dma_start3A_860 = tpu.memref_slice %arg5[%dma_start3A_856, %dma_start3A_858, %dma_start3A_859] : memref<2x16x50xi32, #tpu.memory_space<vmem>> -> memref<1x16x50xi32, #tpu.memory_space<vmem>>
        %dma_start3A_861 = tpu.memref_squeeze %dma_start3A_860 : memref<1x16x50xi32, #tpu.memory_space<vmem>> -> memref<16x50xi32, #tpu.memory_space<vmem>>
        %dma_start3A_862 = arith.constant 0 : i32
        %dma_start3A_863 = tpu.memref_slice %arg2[%add3A_855, %dma_start3A_862] : memref<16384x50xi32, #tpu.memory_space<hbm>> -> memref<16x50xi32, #tpu.memory_space<hbm>>
        %dma_start3A_864 = tpu.memref_slice %arg10[%dma_start3A_857] : memref<2x!tpu.dma_semaphore, #tpu.memory_space<semaphore_mem>> -> memref<1x!tpu.dma_semaphore, #tpu.memory_space<semaphore_mem>>
        %dma_start3A_865 = tpu.memref_squeeze %dma_start3A_864 : memref<1x!tpu.dma_semaphore, #tpu.memory_space<semaphore_mem>> -> memref<!tpu.dma_semaphore, #tpu.memory_space<semaphore_mem>>
        %dma_start3A_866 = arith.constant 0 : i32
        %dma_start3A_867 = arith.constant 0 : i32
        %dma_start3A_868 = tpu.memref_slice %arg5[%dma_start3A_856, %dma_start3A_866, %dma_start3A_867] : memref<2x16x50xi32, #tpu.memory_space<vmem>> -> memref<1x16x50xi32, #tpu.memory_space<vmem>>
        %dma_start3A_869 = tpu.memref_squeeze %dma_start3A_868 : memref<1x16x50xi32, #tpu.memory_space<vmem>> -> memref<16x50xi32, #tpu.memory_space<vmem>>
        %dma_start3A_870 = arith.constant 0 : i32
        %dma_start3A_871 = tpu.memref_slice %arg2[%add3A_855, %dma_start3A_870] : memref<16384x50xi32, #tpu.memory_space<hbm>> -> memref<16x50xi32, #tpu.memory_space<hbm>>
        tpu.enqueue_dma source(%dma_start3A_871 : memref<16x50xi32, #tpu.memory_space<hbm>>) target(%dma_start3A_869 : memref<16x50xi32, #tpu.memory_space<vmem>>) target_semaphore(%dma_start3A_865 : memref<!tpu.dma_semaphore, #tpu.memory_space<semaphore_mem>>)
      } else {
      }
      %scan3A_819 = arith.constant 0 : i32
      %scan3A_820 = arith.constant 0 : i32
      %scan3A_821 = arith.constant 16 : i32
      %scan3A_822 = arith.addi %scan3A_820, %scan3A_821 : i32
      %scan3A_823 = arith.constant 1 : i32
      scf.for %scan3A_851 = %scan3A_820 to %scan3A_822 step %scan3A_823  : i32 {
        %mul3A_852 = arith.constant 50 : i32
        %mul3A_853 = arith.muli %scan3A_851, %mul3A_852 : i32
        %get3A = arith.constant 1 : i32
        %get3A_854 = arith.index_cast %get3A : i32 to index
        %get3A_855 = arith.index_cast %mul3A_853 : i32 to index
        %get3A_856 = arith.constant 0 : index
        %get3A_857 = tpu.vector_load %arg6[%get3A_854, %get3A_855, %get3A_856] {strides = array<i32>} : memref<2x800x64xf32, #tpu.memory_space<vmem>>, vector<1x1x16xf32>,
        %get3A_858 = vector.shape_cast %get3A_857 : vector<1x1x16xf32> to vector<16xf32>
        %get3A_859 = arith.constant 1 : i32
        %get3A_860 = arith.index_cast %get3A_859 : i32 to index
        %get3A_861 = arith.index_cast %mul3A_853 : i32 to index
        %get3A_862 = arith.constant 16 : index
        %get3A_863 = tpu.vector_load %arg6[%get3A_860, %get3A_861, %get3A_862] {strides = array<i32>} : memref<2x800x64xf32, #tpu.memory_space<vmem>>, vector<1x1x16xf32>,
        %get3A_864 = vector.shape_cast %get3A_863 : vector<1x1x16xf32> to vector<16xf32>
        %get3A_865 = arith.constant 1 : i32
        %get3A_866 = arith.index_cast %get3A_865 : i32 to index
        %get3A_867 = arith.index_cast %mul3A_853 : i32 to index
        %get3A_868 = arith.constant 32 : index
        %get3A_869 = tpu.vector_load %arg6[%get3A_866, %get3A_867, %get3A_868] {strides = array<i32>} : memref<2x800x64xf32, #tpu.memory_space<vmem>>, vector<1x1x16xf32>,
        %get3A_870 = vector.shape_cast %get3A_869 : vector<1x1x16xf32> to vector<16xf32>
        %get3A_871 = arith.constant 1 : i32
        %get3A_872 = arith.index_cast %get3A_871 : i32 to index
        %get3A_873 = arith.index_cast %mul3A_853 : i32 to index
        %get3A_874 = arith.constant 48 : index
        %get3A_875 = tpu.vector_load %arg6[%get3A_872, %get3A_873, %get3A_874] {strides = array<i32>} : memref<2x800x64xf32, #tpu.memory_space<vmem>>, vector<1x1x16xf32>,
        %get3A_876 = vector.shape_cast %get3A_875 : vector<1x1x16xf32> to vector<16xf32>
        %add3A_877 = arith.constant 1 : i32
        %add3A_878 = arith.addi %mul3A_853, %add3A_877 : i32
        %get3A_879 = arith.constant 1 : i32
        %get3A_880 = arith.index_cast %get3A_879 : i32 to index
        %get3A_881 = arith.index_cast %add3A_878 : i32 to index
        %get3A_882 = arith.constant 0 : index
        %get3A_883 = tpu.vector_load %arg6[%get3A_880, %get3A_881, %get3A_882] {strides = array<i32>} : memref<2x800x64xf32, #tpu.memory_space<vmem>>, vector<1x1x16xf32>,
        %get3A_884 = vector.shape_cast %get3A_883 : vector<1x1x16xf32> to vector<16xf32>
        %add3A_885 = arith.addf %get3A_858, %get3A_884 : vector<16xf32>
        %add3A_886 = arith.constant 1 : i32
        %add3A_887 = arith.addi %mul3A_853, %add3A_886 : i32
        %get3A_888 = arith.constant 1 : i32
        %get3A_889 = arith.index_cast %get3A_888 : i32 to index
        %get3A_890 = arith.index_cast %add3A_887 : i32 to index
        %get3A_891 = arith.constant 16 : index
        %get3A_892 = tpu.vector_load %arg6[%get3A_889, %get3A_890, %get3A_891] {strides = array<i32>} : memref<2x800x64xf32, #tpu.memory_space<vmem>>, vector<1x1x16xf32>,
        %get3A_893 = vector.shape_cast %get3A_892 : vector<1x1x16xf32> to vector<16xf32>
        %add3A_894 = arith.addf %get3A_864, %get3A_893 : vector<16xf32>
        %add3A_895 = arith.constant 1 : i32
        %add3A_896 = arith.addi %mul3A_853, %add3A_895 : i32
        %get3A_897 = arith.constant 1 : i32
        %get3A_898 = arith.index_cast %get3A_897 : i32 to index
        %get3A_899 = arith.index_cast %add3A_896 : i32 to index
        %get3A_900 = arith.constant 32 : index
        %get3A_901 = tpu.vector_load %arg6[%get3A_898, %get3A_899, %get3A_900] {strides = array<i32>} : memref<2x800x64xf32, #tpu.memory_space<vmem>>, vector<1x1x16xf32>,
        %get3A_902 = vector.shape_cast %get3A_901 : vector<1x1x16xf32> to vector<16xf32>
        %add3A_903 = arith.addf %get3A_870, %get3A_902 : vector<16xf32>
        %add3A_904 = arith.constant 1 : i32
        %add3A_905 = arith.addi %mul3A_853, %add3A_904 : i32
        %get3A_906 = arith.constant 1 : i32
        %get3A_907 = arith.index_cast %get3A_906 : i32 to index
        %get3A_908 = arith.index_cast %add3A_905 : i32 to index
        %get3A_909 = arith.constant 48 : index
        %get3A_910 = tpu.vector_load %arg6[%get3A_907, %get3A_908, %get3A_909] {strides = array<i32>} : memref<2x800x64xf32, #tpu.memory_space<vmem>>, vector<1x1x16xf32>,
        %get3A_911 = vector.shape_cast %get3A_910 : vector<1x1x16xf32> to vector<16xf32>
        %add3A_912 = arith.addf %get3A_876, %get3A_911 : vector<16xf32>
        %add3A_913 = arith.constant 2 : i32
        %add3A_914 = arith.addi %mul3A_853, %add3A_913 : i32
        %get3A_915 = arith.constant 1 : i32
        %get3A_916 = arith.index_cast %get3A_915 : i32 to index
        %get3A_917 = arith.index_cast %add3A_914 : i32 to index
        %get3A_918 = arith.constant 0 : index
        %get3A_919 = tpu.vector_load %arg6[%get3A_916, %get3A_917, %get3A_918] {strides = array<i32>} : memref<2x800x64xf32, #tpu.memory_space<vmem>>, vector<1x1x16xf32>,
        %get3A_920 = vector.shape_cast %get3A_919 : vector<1x1x16xf32> to vector<16xf32>
        %add3A_921 = arith.addf %add3A_885, %get3A_920 : vector<16xf32>
        %add3A_922 = arith.constant 2 : i32
        %add3A_923 = arith.addi %mul3A_853, %add3A_922 : i32
        %get3A_924 = arith.constant 1 : i32
        %get3A_925 = arith.index_cast %get3A_924 : i32 to index
        %get3A_926 = arith.index_cast %add3A_923 : i32 to index
        %get3A_927 = arith.constant 16 : index
        %get3A_928 = tpu.vector_load %arg6[%get3A_925, %get3A_926, %get3A_927] {strides = array<i32>} : memref<2x800x64xf32, #tpu.memory_space<vmem>>, vector<1x1x16xf32>,
        %get3A_929 = vector.shape_cast %get3A_928 : vector<1x1x16xf32> to vector<16xf32>
        %add3A_930 = arith.addf %add3A_894, %get3A_929 : vector<16xf32>
        %add3A_931 = arith.constant 2 : i32
        %add3A_932 = arith.addi %mul3A_853, %add3A_931 : i32
        %get3A_933 = arith.constant 1 : i32
        %get3A_934 = arith.index_cast %get3A_933 : i32 to index
        %get3A_935 = arith.index_cast %add3A_932 : i32 to index
        %get3A_936 = arith.constant 32 : index
        %get3A_937 = tpu.vector_load %arg6[%get3A_934, %get3A_935, %get3A_936] {strides = array<i32>} : memref<2x800x64xf32, #tpu.memory_space<vmem>>, vector<1x1x16xf32>,
        %get3A_938 = vector.shape_cast %get3A_937 : vector<1x1x16xf32> to vector<16xf32>
        %add3A_939 = arith.addf %add3A_903, %get3A_938 : vector<16xf32>
        %add3A_940 = arith.constant 2 : i32
        %add3A_941 = arith.addi %mul3A_853, %add3A_940 : i32
        %get3A_942 = arith.constant 1 : i32
        %get3A_943 = arith.index_cast %get3A_942 : i32 to index
        %get3A_944 = arith.index_cast %add3A_941 : i32 to index
        %get3A_945 = arith.constant 48 : index
        %get3A_946 = tpu.vector_load %arg6[%get3A_943, %get3A_944, %get3A_945] {strides = array<i32>} : memref<2x800x64xf32, #tpu.memory_space<vmem>>, vector<1x1x16xf32>,
        %get3A_947 = vector.shape_cast %get3A_946 : vector<1x1x16xf32> to vector<16xf32>
        %add3A_948 = arith.addf %add3A_912, %get3A_947 : vector<16xf32>
        %add3A_949 = arith.constant 3 : i32
        %add3A_950 = arith.addi %mul3A_853, %add3A_949 : i32
        %get3A_951 = arith.constant 1 : i32
        %get3A_952 = arith.index_cast %get3A_951 : i32 to index
        %get3A_953 = arith.index_cast %add3A_950 : i32 to index
        %get3A_954 = arith.constant 0 : index
        %get3A_955 = tpu.vector_load %arg6[%get3A_952, %get3A_953, %get3A_954] {strides = array<i32>} : memref<2x800x64xf32, #tpu.memory_space<vmem>>, vector<1x1x16xf32>,
        %get3A_956 = vector.shape_cast %get3A_955 : vector<1x1x16xf32> to vector<16xf32>
        %add3A_957 = arith.addf %add3A_921, %get3A_956 : vector<16xf32>
        %add3A_958 = arith.constant 3 : i32
        %add3A_959 = arith.addi %mul3A_853, %add3A_958 : i32
        %get3A_960 = arith.constant 1 : i32
        %get3A_961 = arith.index_cast %get3A_960 : i32 to index
        %get3A_962 = arith.index_cast %add3A_959 : i32 to index
        %get3A_963 = arith.constant 16 : index
        %get3A_964 = tpu.vector_load %arg6[%get3A_961, %get3A_962, %get3A_963] {strides = array<i32>} : memref<2x800x64xf32, #tpu.memory_space<vmem>>, vector<1x1x16xf32>,
        %get3A_965 = vector.shape_cast %get3A_964 : vector<1x1x16xf32> to vector<16xf32>
        %add3A_966 = arith.addf %add3A_930, %get3A_965 : vector<16xf32>
        %add3A_967 = arith.constant 3 : i32
        %add3A_968 = arith.addi %mul3A_853, %add3A_967 : i32
        %get3A_969 = arith.constant 1 : i32
        %get3A_970 = arith.index_cast %get3A_969 : i32 to index
        %get3A_971 = arith.index_cast %add3A_968 : i32 to index
        %get3A_972 = arith.constant 32 : index
        %get3A_973 = tpu.vector_load %arg6[%get3A_970, %get3A_971, %get3A_972] {strides = array<i32>} : memref<2x800x64xf32, #tpu.memory_space<vmem>>, vector<1x1x16xf32>,
        %get3A_974 = vector.shape_cast %get3A_973 : vector<1x1x16xf32> to vector<16xf32>
        %add3A_975 = arith.addf %add3A_939, %get3A_974 : vector<16xf32>
        %add3A_976 = arith.constant 3 : i32
        %add3A_977 = arith.addi %mul3A_853, %add3A_976 : i32
        %get3A_978 = arith.constant 1 : i32
        %get3A_979 = arith.index_cast %get3A_978 : i32 to index
        %get3A_980 = arith.index_cast %add3A_977 : i32 to index
        %get3A_981 = arith.constant 48 : index
        %get3A_982 = tpu.vector_load %arg6[%get3A_979, %get3A_980, %get3A_981] {strides = array<i32>} : memref<2x800x64xf32, #tpu.memory_space<vmem>>, vector<1x1x16xf32>,
        %get3A_983 = vector.shape_cast %get3A_982 : vector<1x1x16xf32> to vector<16xf32>
        %add3A_984 = arith.addf %add3A_948, %get3A_983 : vector<16xf32>
        %add3A_985 = arith.constant 4 : i32
        %add3A_986 = arith.addi %mul3A_853, %add3A_985 : i32
        %get3A_987 = arith.constant 1 : i32
        %get3A_988 = arith.index_cast %get3A_987 : i32 to index
        %get3A_989 = arith.index_cast %add3A_986 : i32 to index
        %get3A_990 = arith.constant 0 : index
        %get3A_991 = tpu.vector_load %arg6[%get3A_988, %get3A_989, %get3A_990] {strides = array<i32>} : memref<2x800x64xf32, #tpu.memory_space<vmem>>, vector<1x1x16xf32>,
        %get3A_992 = vector.shape_cast %get3A_991 : vector<1x1x16xf32> to vector<16xf32>
        %add3A_993 = arith.addf %add3A_957, %get3A_992 : vector<16xf32>
        %add3A_994 = arith.constant 4 : i32
        %add3A_995 = arith.addi %mul3A_853, %add3A_994 : i32
        %get3A_996 = arith.constant 1 : i32
        %get3A_997 = arith.index_cast %get3A_996 : i32 to index
        %get3A_998 = arith.index_cast %add3A_995 : i32 to index
        %get3A_999 = arith.constant 16 : index
        %get3A_1000 = tpu.vector_load %arg6[%get3A_997, %get3A_998, %get3A_999] {strides = array<i32>} : memref<2x800x64xf32, #tpu.memory_space<vmem>>, vector<1x1x16xf32>,
        %get3A_1001 = vector.shape_cast %get3A_1000 : vector<1x1x16xf32> to vector<16xf32>
        %add3A_1002 = arith.addf %add3A_966, %get3A_1001 : vector<16xf32>
        %add3A_1003 = arith.constant 4 : i32
        %add3A_1004 = arith.addi %mul3A_853, %add3A_1003 : i32
        %get3A_1005 = arith.constant 1 : i32
        %get3A_1006 = arith.index_cast %get3A_1005 : i32 to index
        %get3A_1007 = arith.index_cast %add3A_1004 : i32 to index
        %get3A_1008 = arith.constant 32 : index
        %get3A_1009 = tpu.vector_load %arg6[%get3A_1006, %get3A_1007, %get3A_1008] {strides = array<i32>} : memref<2x800x64xf32, #tpu.memory_space<vmem>>, vector<1x1x16xf32>,
        %get3A_1010 = vector.shape_cast %get3A_1009 : vector<1x1x16xf32> to vector<16xf32>
        %add3A_1011 = arith.addf %add3A_975, %get3A_1010 : vector<16xf32>
        %add3A_1012 = arith.constant 4 : i32
        %add3A_1013 = arith.addi %mul3A_853, %add3A_1012 : i32
        %get3A_1014 = arith.constant 1 : i32
        %get3A_1015 = arith.index_cast %get3A_1014 : i32 to index
        %get3A_1016 = arith.index_cast %add3A_1013 : i32 to index
        %get3A_1017 = arith.constant 48 : index
        %get3A_1018 = tpu.vector_load %arg6[%get3A_1015, %get3A_1016, %get3A_1017] {strides = array<i32>} : memref<2x800x64xf32, #tpu.memory_space<vmem>>, vector<1x1x16xf32>,
        %get3A_1019 = vector.shape_cast %get3A_1018 : vector<1x1x16xf32> to vector<16xf32>
        %add3A_1020 = arith.addf %add3A_984, %get3A_1019 : vector<16xf32>
        %add3A_1021 = arith.constant 5 : i32
        %add3A_1022 = arith.addi %mul3A_853, %add3A_1021 : i32
        %get3A_1023 = arith.constant 1 : i32
        %get3A_1024 = arith.index_cast %get3A_1023 : i32 to index
        %get3A_1025 = arith.index_cast %add3A_1022 : i32 to index
        %get3A_1026 = arith.constant 0 : index
        %get3A_1027 = tpu.vector_load %arg6[%get3A_1024, %get3A_1025, %get3A_1026] {strides = array<i32>} : memref<2x800x64xf32, #tpu.memory_space<vmem>>, vector<1x1x16xf32>,
        %get3A_1028 = vector.shape_cast %get3A_1027 : vector<1x1x16xf32> to vector<16xf32>
        %add3A_1029 = arith.addf %add3A_993, %get3A_1028 : vector<16xf32>
        %add3A_1030 = arith.constant 5 : i32
        %add3A_1031 = arith.addi %mul3A_853, %add3A_1030 : i32
        %get3A_1032 = arith.constant 1 : i32
        %get3A_1033 = arith.index_cast %get3A_1032 : i32 to index
        %get3A_1034 = arith.index_cast %add3A_1031 : i32 to index
        %get3A_1035 = arith.constant 16 : index
        %get3A_1036 = tpu.vector_load %arg6[%get3A_1033, %get3A_1034, %get3A_1035] {strides = array<i32>} : memref<2x800x64xf32, #tpu.memory_space<vmem>>, vector<1x1x16xf32>,
        %get3A_1037 = vector.shape_cast %get3A_1036 : vector<1x1x16xf32> to vector<16xf32>
        %add3A_1038 = arith.addf %add3A_1002, %get3A_1037 : vector<16xf32>
        %add3A_1039 = arith.constant 5 : i32
        %add3A_1040 = arith.addi %mul3A_853, %add3A_1039 : i32
        %get3A_1041 = arith.constant 1 : i32
        %get3A_1042 = arith.index_cast %get3A_1041 : i32 to index
        %get3A_1043 = arith.index_cast %add3A_1040 : i32 to index
        %get3A_1044 = arith.constant 32 : index
        %get3A_1045 = tpu.vector_load %arg6[%get3A_1042, %get3A_1043, %get3A_1044] {strides = array<i32>} : memref<2x800x64xf32, #tpu.memory_space<vmem>>, vector<1x1x16xf32>,
        %get3A_1046 = vector.shape_cast %get3A_1045 : vector<1x1x16xf32> to vector<16xf32>
        %add3A_1047 = arith.addf %add3A_1011, %get3A_1046 : vector<16xf32>
        %add3A_1048 = arith.constant 5 : i32
        %add3A_1049 = arith.addi %mul3A_853, %add3A_1048 : i32
        %get3A_1050 = arith.constant 1 : i32
        %get3A_1051 = arith.index_cast %get3A_1050 : i32 to index
        %get3A_1052 = arith.index_cast %add3A_1049 : i32 to index
        %get3A_1053 = arith.constant 48 : index
        %get3A_1054 = tpu.vector_load %arg6[%get3A_1051, %get3A_1052, %get3A_1053] {strides = array<i32>} : memref<2x800x64xf32, #tpu.memory_space<vmem>>, vector<1x1x16xf32>,
        %get3A_1055 = vector.shape_cast %get3A_1054 : vector<1x1x16xf32> to vector<16xf32>
        %add3A_1056 = arith.addf %add3A_1020, %get3A_1055 : vector<16xf32>
        %add3A_1057 = arith.constant 6 : i32
        %add3A_1058 = arith.addi %mul3A_853, %add3A_1057 : i32
        %get3A_1059 = arith.constant 1 : i32
        %get3A_1060 = arith.index_cast %get3A_1059 : i32 to index
        %get3A_1061 = arith.index_cast %add3A_1058 : i32 to index
        %get3A_1062 = arith.constant 0 : index
        %get3A_1063 = tpu.vector_load %arg6[%get3A_1060, %get3A_1061, %get3A_1062] {strides = array<i32>} : memref<2x800x64xf32, #tpu.memory_space<vmem>>, vector<1x1x16xf32>,
        %get3A_1064 = vector.shape_cast %get3A_1063 : vector<1x1x16xf32> to vector<16xf32>
        %add3A_1065 = arith.addf %add3A_1029, %get3A_1064 : vector<16xf32>
        %add3A_1066 = arith.constant 6 : i32
        %add3A_1067 = arith.addi %mul3A_853, %add3A_1066 : i32
        %get3A_1068 = arith.constant 1 : i32
        %get3A_1069 = arith.index_cast %get3A_1068 : i32 to index
        %get3A_1070 = arith.index_cast %add3A_1067 : i32 to index
        %get3A_1071 = arith.constant 16 : index
        %get3A_1072 = tpu.vector_load %arg6[%get3A_1069, %get3A_1070, %get3A_1071] {strides = array<i32>} : memref<2x800x64xf32, #tpu.memory_space<vmem>>, vector<1x1x16xf32>,
        %get3A_1073 = vector.shape_cast %get3A_1072 : vector<1x1x16xf32> to vector<16xf32>
        %add3A_1074 = arith.addf %add3A_1038, %get3A_1073 : vector<16xf32>
        %add3A_1075 = arith.constant 6 : i32
        %add3A_1076 = arith.addi %mul3A_853, %add3A_1075 : i32
        %get3A_1077 = arith.constant 1 : i32
        %get3A_1078 = arith.index_cast %get3A_1077 : i32 to index
        %get3A_1079 = arith.index_cast %add3A_1076 : i32 to index
        %get3A_1080 = arith.constant 32 : index
        %get3A_1081 = tpu.vector_load %arg6[%get3A_1078, %get3A_1079, %get3A_1080] {strides = array<i32>} : memref<2x800x64xf32, #tpu.memory_space<vmem>>, vector<1x1x16xf32>,
        %get3A_1082 = vector.shape_cast %get3A_1081 : vector<1x1x16xf32> to vector<16xf32>
        %add3A_1083 = arith.addf %add3A_1047, %get3A_1082 : vector<16xf32>
        %add3A_1084 = arith.constant 6 : i32
        %add3A_1085 = arith.addi %mul3A_853, %add3A_1084 : i32
        %get3A_1086 = arith.constant 1 : i32
        %get3A_1087 = arith.index_cast %get3A_1086 : i32 to index
        %get3A_1088 = arith.index_cast %add3A_1085 : i32 to index
        %get3A_1089 = arith.constant 48 : index
        %get3A_1090 = tpu.vector_load %arg6[%get3A_1087, %get3A_1088, %get3A_1089] {strides = array<i32>} : memref<2x800x64xf32, #tpu.memory_space<vmem>>, vector<1x1x16xf32>,
        %get3A_1091 = vector.shape_cast %get3A_1090 : vector<1x1x16xf32> to vector<16xf32>
        %add3A_1092 = arith.addf %add3A_1056, %get3A_1091 : vector<16xf32>
        %add3A_1093 = arith.constant 7 : i32
        %add3A_1094 = arith.addi %mul3A_853, %add3A_1093 : i32
        %get3A_1095 = arith.constant 1 : i32
        %get3A_1096 = arith.index_cast %get3A_1095 : i32 to index
        %get3A_1097 = arith.index_cast %add3A_1094 : i32 to index
        %get3A_1098 = arith.constant 0 : index
        %get3A_1099 = tpu.vector_load %arg6[%get3A_1096, %get3A_1097, %get3A_1098] {strides = array<i32>} : memref<2x800x64xf32, #tpu.memory_space<vmem>>, vector<1x1x16xf32>,
        %get3A_1100 = vector.shape_cast %get3A_1099 : vector<1x1x16xf32> to vector<16xf32>
        %add3A_1101 = arith.addf %add3A_1065, %get3A_1100 : vector<16xf32>
        %add3A_1102 = arith.constant 7 : i32
        %add3A_1103 = arith.addi %mul3A_853, %add3A_1102 : i32
        %get3A_1104 = arith.constant 1 : i32
        %get3A_1105 = arith.index_cast %get3A_1104 : i32 to index
        %get3A_1106 = arith.index_cast %add3A_1103 : i32 to index
        %get3A_1107 = arith.constant 16 : index
        %get3A_1108 = tpu.vector_load %arg6[%get3A_1105, %get3A_1106, %get3A_1107] {strides = array<i32>} : memref<2x800x64xf32, #tpu.memory_space<vmem>>, vector<1x1x16xf32>,
        %get3A_1109 = vector.shape_cast %get3A_1108 : vector<1x1x16xf32> to vector<16xf32>
        %add3A_1110 = arith.addf %add3A_1074, %get3A_1109 : vector<16xf32>
        %add3A_1111 = arith.constant 7 : i32
        %add3A_1112 = arith.addi %mul3A_853, %add3A_1111 : i32
        %get3A_1113 = arith.constant 1 : i32
        %get3A_1114 = arith.index_cast %get3A_1113 : i32 to index
        %get3A_1115 = arith.index_cast %add3A_1112 : i32 to index
        %get3A_1116 = arith.constant 32 : index
        %get3A_1117 = tpu.vector_load %arg6[%get3A_1114, %get3A_1115, %get3A_1116] {strides = array<i32>} : memref<2x800x64xf32, #tpu.memory_space<vmem>>, vector<1x1x16xf32>,
        %get3A_1118 = vector.shape_cast %get3A_1117 : vector<1x1x16xf32> to vector<16xf32>
        %add3A_1119 = arith.addf %add3A_1083, %get3A_1118 : vector<16xf32>
        %add3A_1120 = arith.constant 7 : i32
        %add3A_1121 = arith.addi %mul3A_853, %add3A_1120 : i32
        %get3A_1122 = arith.constant 1 : i32
        %get3A_1123 = arith.index_cast %get3A_1122 : i32 to index
        %get3A_1124 = arith.index_cast %add3A_1121 : i32 to index
        %get3A_1125 = arith.constant 48 : index
        %get3A_1126 = tpu.vector_load %arg6[%get3A_1123, %get3A_1124, %get3A_1125] {strides = array<i32>} : memref<2x800x64xf32, #tpu.memory_space<vmem>>, vector<1x1x16xf32>,
        %get3A_1127 = vector.shape_cast %get3A_1126 : vector<1x1x16xf32> to vector<16xf32>
        %add3A_1128 = arith.addf %add3A_1092, %get3A_1127 : vector<16xf32>
        %add3A_1129 = arith.constant 8 : i32
        %add3A_1130 = arith.addi %mul3A_853, %add3A_1129 : i32
        %get3A_1131 = arith.constant 1 : i32
        %get3A_1132 = arith.index_cast %get3A_1131 : i32 to index
        %get3A_1133 = arith.index_cast %add3A_1130 : i32 to index
        %get3A_1134 = arith.constant 0 : index
        %get3A_1135 = tpu.vector_load %arg6[%get3A_1132, %get3A_1133, %get3A_1134] {strides = array<i32>} : memref<2x800x64xf32, #tpu.memory_space<vmem>>, vector<1x1x16xf32>,
        %get3A_1136 = vector.shape_cast %get3A_1135 : vector<1x1x16xf32> to vector<16xf32>
        %add3A_1137 = arith.addf %add3A_1101, %get3A_1136 : vector<16xf32>
        %add3A_1138 = arith.constant 8 : i32
        %add3A_1139 = arith.addi %mul3A_853, %add3A_1138 : i32
        %get3A_1140 = arith.constant 1 : i32
        %get3A_1141 = arith.index_cast %get3A_1140 : i32 to index
        %get3A_1142 = arith.index_cast %add3A_1139 : i32 to index
        %get3A_1143 = arith.constant 16 : index
        %get3A_1144 = tpu.vector_load %arg6[%get3A_1141, %get3A_1142, %get3A_1143] {strides = array<i32>} : memref<2x800x64xf32, #tpu.memory_space<vmem>>, vector<1x1x16xf32>,
        %get3A_1145 = vector.shape_cast %get3A_1144 : vector<1x1x16xf32> to vector<16xf32>
        %add3A_1146 = arith.addf %add3A_1110, %get3A_1145 : vector<16xf32>
        %add3A_1147 = arith.constant 8 : i32
        %add3A_1148 = arith.addi %mul3A_853, %add3A_1147 : i32
        %get3A_1149 = arith.constant 1 : i32
        %get3A_1150 = arith.index_cast %get3A_1149 : i32 to index
        %get3A_1151 = arith.index_cast %add3A_1148 : i32 to index
        %get3A_1152 = arith.constant 32 : index
        %get3A_1153 = tpu.vector_load %arg6[%get3A_1150, %get3A_1151, %get3A_1152] {strides = array<i32>} : memref<2x800x64xf32, #tpu.memory_space<vmem>>, vector<1x1x16xf32>,
        %get3A_1154 = vector.shape_cast %get3A_1153 : vector<1x1x16xf32> to vector<16xf32>
        %add3A_1155 = arith.addf %add3A_1119, %get3A_1154 : vector<16xf32>
        %add3A_1156 = arith.constant 8 : i32
        %add3A_1157 = arith.addi %mul3A_853, %add3A_1156 : i32
        %get3A_1158 = arith.constant 1 : i32
        %get3A_1159 = arith.index_cast %get3A_1158 : i32 to index
        %get3A_1160 = arith.index_cast %add3A_1157 : i32 to index
        %get3A_1161 = arith.constant 48 : index
        %get3A_1162 = tpu.vector_load %arg6[%get3A_1159, %get3A_1160, %get3A_1161] {strides = array<i32>} : memref<2x800x64xf32, #tpu.memory_space<vmem>>, vector<1x1x16xf32>,
        %get3A_1163 = vector.shape_cast %get3A_1162 : vector<1x1x16xf32> to vector<16xf32>
        %add3A_1164 = arith.addf %add3A_1128, %get3A_1163 : vector<16xf32>
        %add3A_1165 = arith.constant 9 : i32
        %add3A_1166 = arith.addi %mul3A_853, %add3A_1165 : i32
        %get3A_1167 = arith.constant 1 : i32
        %get3A_1168 = arith.index_cast %get3A_1167 : i32 to index
        %get3A_1169 = arith.index_cast %add3A_1166 : i32 to index
        %get3A_1170 = arith.constant 0 : index
        %get3A_1171 = tpu.vector_load %arg6[%get3A_1168, %get3A_1169, %get3A_1170] {strides = array<i32>} : memref<2x800x64xf32, #tpu.memory_space<vmem>>, vector<1x1x16xf32>,
        %get3A_1172 = vector.shape_cast %get3A_1171 : vector<1x1x16xf32> to vector<16xf32>
        %add3A_1173 = arith.addf %add3A_1137, %get3A_1172 : vector<16xf32>
        %add3A_1174 = arith.constant 9 : i32
        %add3A_1175 = arith.addi %mul3A_853, %add3A_1174 : i32
        %get3A_1176 = arith.constant 1 : i32
        %get3A_1177 = arith.index_cast %get3A_1176 : i32 to index
        %get3A_1178 = arith.index_cast %add3A_1175 : i32 to index
        %get3A_1179 = arith.constant 16 : index
        %get3A_1180 = tpu.vector_load %arg6[%get3A_1177, %get3A_1178, %get3A_1179] {strides = array<i32>} : memref<2x800x64xf32, #tpu.memory_space<vmem>>, vector<1x1x16xf32>,
        %get3A_1181 = vector.shape_cast %get3A_1180 : vector<1x1x16xf32> to vector<16xf32>
        %add3A_1182 = arith.addf %add3A_1146, %get3A_1181 : vector<16xf32>
        %add3A_1183 = arith.constant 9 : i32
        %add3A_1184 = arith.addi %mul3A_853, %add3A_1183 : i32
        %get3A_1185 = arith.constant 1 : i32
        %get3A_1186 = arith.index_cast %get3A_1185 : i32 to index
        %get3A_1187 = arith.index_cast %add3A_1184 : i32 to index
        %get3A_1188 = arith.constant 32 : index
        %get3A_1189 = tpu.vector_load %arg6[%get3A_1186, %get3A_1187, %get3A_1188] {strides = array<i32>} : memref<2x800x64xf32, #tpu.memory_space<vmem>>, vector<1x1x16xf32>,
        %get3A_1190 = vector.shape_cast %get3A_1189 : vector<1x1x16xf32> to vector<16xf32>
        %add3A_1191 = arith.addf %add3A_1155, %get3A_1190 : vector<16xf32>
        %add3A_1192 = arith.constant 9 : i32
        %add3A_1193 = arith.addi %mul3A_853, %add3A_1192 : i32
        %get3A_1194 = arith.constant 1 : i32
        %get3A_1195 = arith.index_cast %get3A_1194 : i32 to index
        %get3A_1196 = arith.index_cast %add3A_1193 : i32 to index
        %get3A_1197 = arith.constant 48 : index
        %get3A_1198 = tpu.vector_load %arg6[%get3A_1195, %get3A_1196, %get3A_1197] {strides = array<i32>} : memref<2x800x64xf32, #tpu.memory_space<vmem>>, vector<1x1x16xf32>,
        %get3A_1199 = vector.shape_cast %get3A_1198 : vector<1x1x16xf32> to vector<16xf32>
        %add3A_1200 = arith.addf %add3A_1164, %get3A_1199 : vector<16xf32>
        %add3A_1201 = arith.constant 10 : i32
        %add3A_1202 = arith.addi %mul3A_853, %add3A_1201 : i32
        %get3A_1203 = arith.constant 1 : i32
        %get3A_1204 = arith.index_cast %get3A_1203 : i32 to index
        %get3A_1205 = arith.index_cast %add3A_1202 : i32 to index
        %get3A_1206 = arith.constant 0 : index
        %get3A_1207 = tpu.vector_load %arg6[%get3A_1204, %get3A_1205, %get3A_1206] {strides = array<i32>} : memref<2x800x64xf32, #tpu.memory_space<vmem>>, vector<1x1x16xf32>,
        %get3A_1208 = vector.shape_cast %get3A_1207 : vector<1x1x16xf32> to vector<16xf32>
        %add3A_1209 = arith.addf %add3A_1173, %get3A_1208 : vector<16xf32>
        %add3A_1210 = arith.constant 10 : i32
        %add3A_1211 = arith.addi %mul3A_853, %add3A_1210 : i32
        %get3A_1212 = arith.constant 1 : i32
        %get3A_1213 = arith.index_cast %get3A_1212 : i32 to index
        %get3A_1214 = arith.index_cast %add3A_1211 : i32 to index
        %get3A_1215 = arith.constant 16 : index
        %get3A_1216 = tpu.vector_load %arg6[%get3A_1213, %get3A_1214, %get3A_1215] {strides = array<i32>} : memref<2x800x64xf32, #tpu.memory_space<vmem>>, vector<1x1x16xf32>,
        %get3A_1217 = vector.shape_cast %get3A_1216 : vector<1x1x16xf32> to vector<16xf32>
        %add3A_1218 = arith.addf %add3A_1182, %get3A_1217 : vector<16xf32>
        %add3A_1219 = arith.constant 10 : i32
        %add3A_1220 = arith.addi %mul3A_853, %add3A_1219 : i32
        %get3A_1221 = arith.constant 1 : i32
        %get3A_1222 = arith.index_cast %get3A_1221 : i32 to index
        %get3A_1223 = arith.index_cast %add3A_1220 : i32 to index
        %get3A_1224 = arith.constant 32 : index
        %get3A_1225 = tpu.vector_load %arg6[%get3A_1222, %get3A_1223, %get3A_1224] {strides = array<i32>} : memref<2x800x64xf32, #tpu.memory_space<vmem>>, vector<1x1x16xf32>,
        %get3A_1226 = vector.shape_cast %get3A_1225 : vector<1x1x16xf32> to vector<16xf32>
        %add3A_1227 = arith.addf %add3A_1191, %get3A_1226 : vector<16xf32>
        %add3A_1228 = arith.constant 10 : i32
        %add3A_1229 = arith.addi %mul3A_853, %add3A_1228 : i32
        %get3A_1230 = arith.constant 1 : i32
        %get3A_1231 = arith.index_cast %get3A_1230 : i32 to index
        %get3A_1232 = arith.index_cast %add3A_1229 : i32 to index
        %get3A_1233 = arith.constant 48 : index
        %get3A_1234 = tpu.vector_load %arg6[%get3A_1231, %get3A_1232, %get3A_1233] {strides = array<i32>} : memref<2x800x64xf32, #tpu.memory_space<vmem>>, vector<1x1x16xf32>,
        %get3A_1235 = vector.shape_cast %get3A_1234 : vector<1x1x16xf32> to vector<16xf32>
        %add3A_1236 = arith.addf %add3A_1200, %get3A_1235 : vector<16xf32>
        %add3A_1237 = arith.constant 11 : i32
        %add3A_1238 = arith.addi %mul3A_853, %add3A_1237 : i32
        %get3A_1239 = arith.constant 1 : i32
        %get3A_1240 = arith.index_cast %get3A_1239 : i32 to index
        %get3A_1241 = arith.index_cast %add3A_1238 : i32 to index
        %get3A_1242 = arith.constant 0 : index
        %get3A_1243 = tpu.vector_load %arg6[%get3A_1240, %get3A_1241, %get3A_1242] {strides = array<i32>} : memref<2x800x64xf32, #tpu.memory_space<vmem>>, vector<1x1x16xf32>,
        %get3A_1244 = vector.shape_cast %get3A_1243 : vector<1x1x16xf32> to vector<16xf32>
        %add3A_1245 = arith.addf %add3A_1209, %get3A_1244 : vector<16xf32>
        %add3A_1246 = arith.constant 11 : i32
        %add3A_1247 = arith.addi %mul3A_853, %add3A_1246 : i32
        %get3A_1248 = arith.constant 1 : i32
        %get3A_1249 = arith.index_cast %get3A_1248 : i32 to index
        %get3A_1250 = arith.index_cast %add3A_1247 : i32 to index
        %get3A_1251 = arith.constant 16 : index
        %get3A_1252 = tpu.vector_load %arg6[%get3A_1249, %get3A_1250, %get3A_1251] {strides = array<i32>} : memref<2x800x64xf32, #tpu.memory_space<vmem>>, vector<1x1x16xf32>,
        %get3A_1253 = vector.shape_cast %get3A_1252 : vector<1x1x16xf32> to vector<16xf32>
        %add3A_1254 = arith.addf %add3A_1218, %get3A_1253 : vector<16xf32>
        %add3A_1255 = arith.constant 11 : i32
        %add3A_1256 = arith.addi %mul3A_853, %add3A_1255 : i32
        %get3A_1257 = arith.constant 1 : i32
        %get3A_1258 = arith.index_cast %get3A_1257 : i32 to index
        %get3A_1259 = arith.index_cast %add3A_1256 : i32 to index
        %get3A_1260 = arith.constant 32 : index
        %get3A_1261 = tpu.vector_load %arg6[%get3A_1258, %get3A_1259, %get3A_1260] {strides = array<i32>} : memref<2x800x64xf32, #tpu.memory_space<vmem>>, vector<1x1x16xf32>,
        %get3A_1262 = vector.shape_cast %get3A_1261 : vector<1x1x16xf32> to vector<16xf32>
        %add3A_1263 = arith.addf %add3A_1227, %get3A_1262 : vector<16xf32>
        %add3A_1264 = arith.constant 11 : i32
        %add3A_1265 = arith.addi %mul3A_853, %add3A_1264 : i32
        %get3A_1266 = arith.constant 1 : i32
        %get3A_1267 = arith.index_cast %get3A_1266 : i32 to index
        %get3A_1268 = arith.index_cast %add3A_1265 : i32 to index
        %get3A_1269 = arith.constant 48 : index
        %get3A_1270 = tpu.vector_load %arg6[%get3A_1267, %get3A_1268, %get3A_1269] {strides = array<i32>} : memref<2x800x64xf32, #tpu.memory_space<vmem>>, vector<1x1x16xf32>,
        %get3A_1271 = vector.shape_cast %get3A_1270 : vector<1x1x16xf32> to vector<16xf32>
        %add3A_1272 = arith.addf %add3A_1236, %get3A_1271 : vector<16xf32>
        %add3A_1273 = arith.constant 12 : i32
        %add3A_1274 = arith.addi %mul3A_853, %add3A_1273 : i32
        %get3A_1275 = arith.constant 1 : i32
        %get3A_1276 = arith.index_cast %get3A_1275 : i32 to index
        %get3A_1277 = arith.index_cast %add3A_1274 : i32 to index
        %get3A_1278 = arith.constant 0 : index
        %get3A_1279 = tpu.vector_load %arg6[%get3A_1276, %get3A_1277, %get3A_1278] {strides = array<i32>} : memref<2x800x64xf32, #tpu.memory_space<vmem>>, vector<1x1x16xf32>,
        %get3A_1280 = vector.shape_cast %get3A_1279 : vector<1x1x16xf32> to vector<16xf32>
        %add3A_1281 = arith.addf %add3A_1245, %get3A_1280 : vector<16xf32>
        %add3A_1282 = arith.constant 12 : i32
        %add3A_1283 = arith.addi %mul3A_853, %add3A_1282 : i32
        %get3A_1284 = arith.constant 1 : i32
        %get3A_1285 = arith.index_cast %get3A_1284 : i32 to index
        %get3A_1286 = arith.index_cast %add3A_1283 : i32 to index
        %get3A_1287 = arith.constant 16 : index
        %get3A_1288 = tpu.vector_load %arg6[%get3A_1285, %get3A_1286, %get3A_1287] {strides = array<i32>} : memref<2x800x64xf32, #tpu.memory_space<vmem>>, vector<1x1x16xf32>,
        %get3A_1289 = vector.shape_cast %get3A_1288 : vector<1x1x16xf32> to vector<16xf32>
        %add3A_1290 = arith.addf %add3A_1254, %get3A_1289 : vector<16xf32>
        %add3A_1291 = arith.constant 12 : i32
        %add3A_1292 = arith.addi %mul3A_853, %add3A_1291 : i32
        %get3A_1293 = arith.constant 1 : i32
        %get3A_1294 = arith.index_cast %get3A_1293 : i32 to index
        %get3A_1295 = arith.index_cast %add3A_1292 : i32 to index
        %get3A_1296 = arith.constant 32 : index
        %get3A_1297 = tpu.vector_load %arg6[%get3A_1294, %get3A_1295, %get3A_1296] {strides = array<i32>} : memref<2x800x64xf32, #tpu.memory_space<vmem>>, vector<1x1x16xf32>,
        %get3A_1298 = vector.shape_cast %get3A_1297 : vector<1x1x16xf32> to vector<16xf32>
        %add3A_1299 = arith.addf %add3A_1263, %get3A_1298 : vector<16xf32>
        %add3A_1300 = arith.constant 12 : i32
        %add3A_1301 = arith.addi %mul3A_853, %add3A_1300 : i32
        %get3A_1302 = arith.constant 1 : i32
        %get3A_1303 = arith.index_cast %get3A_1302 : i32 to index
        %get3A_1304 = arith.index_cast %add3A_1301 : i32 to index
        %get3A_1305 = arith.constant 48 : index
        %get3A_1306 = tpu.vector_load %arg6[%get3A_1303, %get3A_1304, %get3A_1305] {strides = array<i32>} : memref<2x800x64xf32, #tpu.memory_space<vmem>>, vector<1x1x16xf32>,
        %get3A_1307 = vector.shape_cast %get3A_1306 : vector<1x1x16xf32> to vector<16xf32>
        %add3A_1308 = arith.addf %add3A_1272, %get3A_1307 : vector<16xf32>
        %add3A_1309 = arith.constant 13 : i32
        %add3A_1310 = arith.addi %mul3A_853, %add3A_1309 : i32
        %get3A_1311 = arith.constant 1 : i32
        %get3A_1312 = arith.index_cast %get3A_1311 : i32 to index
        %get3A_1313 = arith.index_cast %add3A_1310 : i32 to index
        %get3A_1314 = arith.constant 0 : index
        %get3A_1315 = tpu.vector_load %arg6[%get3A_1312, %get3A_1313, %get3A_1314] {strides = array<i32>} : memref<2x800x64xf32, #tpu.memory_space<vmem>>, vector<1x1x16xf32>,
        %get3A_1316 = vector.shape_cast %get3A_1315 : vector<1x1x16xf32> to vector<16xf32>
        %add3A_1317 = arith.addf %add3A_1281, %get3A_1316 : vector<16xf32>
        %add3A_1318 = arith.constant 13 : i32
        %add3A_1319 = arith.addi %mul3A_853, %add3A_1318 : i32
        %get3A_1320 = arith.constant 1 : i32
        %get3A_1321 = arith.index_cast %get3A_1320 : i32 to index
        %get3A_1322 = arith.index_cast %add3A_1319 : i32 to index
        %get3A_1323 = arith.constant 16 : index
        %get3A_1324 = tpu.vector_load %arg6[%get3A_1321, %get3A_1322, %get3A_1323] {strides = array<i32>} : memref<2x800x64xf32, #tpu.memory_space<vmem>>, vector<1x1x16xf32>,
        %get3A_1325 = vector.shape_cast %get3A_1324 : vector<1x1x16xf32> to vector<16xf32>
        %add3A_1326 = arith.addf %add3A_1290, %get3A_1325 : vector<16xf32>
        %add3A_1327 = arith.constant 13 : i32
        %add3A_1328 = arith.addi %mul3A_853, %add3A_1327 : i32
        %get3A_1329 = arith.constant 1 : i32
        %get3A_1330 = arith.index_cast %get3A_1329 : i32 to index
        %get3A_1331 = arith.index_cast %add3A_1328 : i32 to index
        %get3A_1332 = arith.constant 32 : index
        %get3A_1333 = tpu.vector_load %arg6[%get3A_1330, %get3A_1331, %get3A_1332] {strides = array<i32>} : memref<2x800x64xf32, #tpu.memory_space<vmem>>, vector<1x1x16xf32>,
        %get3A_1334 = vector.shape_cast %get3A_1333 : vector<1x1x16xf32> to vector<16xf32>
        %add3A_1335 = arith.addf %add3A_1299, %get3A_1334 : vector<16xf32>
        %add3A_1336 = arith.constant 13 : i32
        %add3A_1337 = arith.addi %mul3A_853, %add3A_1336 : i32
        %get3A_1338 = arith.constant 1 : i32
        %get3A_1339 = arith.index_cast %get3A_1338 : i32 to index
        %get3A_1340 = arith.index_cast %add3A_1337 : i32 to index
        %get3A_1341 = arith.constant 48 : index
        %get3A_1342 = tpu.vector_load %arg6[%get3A_1339, %get3A_1340, %get3A_1341] {strides = array<i32>} : memref<2x800x64xf32, #tpu.memory_space<vmem>>, vector<1x1x16xf32>,
        %get3A_1343 = vector.shape_cast %get3A_1342 : vector<1x1x16xf32> to vector<16xf32>
        %add3A_1344 = arith.addf %add3A_1308, %get3A_1343 : vector<16xf32>
        %add3A_1345 = arith.constant 14 : i32
        %add3A_1346 = arith.addi %mul3A_853, %add3A_1345 : i32
        %get3A_1347 = arith.constant 1 : i32
        %get3A_1348 = arith.index_cast %get3A_1347 : i32 to index
        %get3A_1349 = arith.index_cast %add3A_1346 : i32 to index
        %get3A_1350 = arith.constant 0 : index
        %get3A_1351 = tpu.vector_load %arg6[%get3A_1348, %get3A_1349, %get3A_1350] {strides = array<i32>} : memref<2x800x64xf32, #tpu.memory_space<vmem>>, vector<1x1x16xf32>,
        %get3A_1352 = vector.shape_cast %get3A_1351 : vector<1x1x16xf32> to vector<16xf32>
        %add3A_1353 = arith.addf %add3A_1317, %get3A_1352 : vector<16xf32>
        %add3A_1354 = arith.constant 14 : i32
        %add3A_1355 = arith.addi %mul3A_853, %add3A_1354 : i32
        %get3A_1356 = arith.constant 1 : i32
        %get3A_1357 = arith.index_cast %get3A_1356 : i32 to index
        %get3A_1358 = arith.index_cast %add3A_1355 : i32 to index
        %get3A_1359 = arith.constant 16 : index
        %get3A_1360 = tpu.vector_load %arg6[%get3A_1357, %get3A_1358, %get3A_1359] {strides = array<i32>} : memref<2x800x64xf32, #tpu.memory_space<vmem>>, vector<1x1x16xf32>,
        %get3A_1361 = vector.shape_cast %get3A_1360 : vector<1x1x16xf32> to vector<16xf32>
        %add3A_1362 = arith.addf %add3A_1326, %get3A_1361 : vector<16xf32>
        %add3A_1363 = arith.constant 14 : i32
        %add3A_1364 = arith.addi %mul3A_853, %add3A_1363 : i32
        %get3A_1365 = arith.constant 1 : i32
        %get3A_1366 = arith.index_cast %get3A_1365 : i32 to index
        %get3A_1367 = arith.index_cast %add3A_1364 : i32 to index
        %get3A_1368 = arith.constant 32 : index
        %get3A_1369 = tpu.vector_load %arg6[%get3A_1366, %get3A_1367, %get3A_1368] {strides = array<i32>} : memref<2x800x64xf32, #tpu.memory_space<vmem>>, vector<1x1x16xf32>,
        %get3A_1370 = vector.shape_cast %get3A_1369 : vector<1x1x16xf32> to vector<16xf32>
        %add3A_1371 = arith.addf %add3A_1335, %get3A_1370 : vector<16xf32>
        %add3A_1372 = arith.constant 14 : i32
        %add3A_1373 = arith.addi %mul3A_853, %add3A_1372 : i32
        %get3A_1374 = arith.constant 1 : i32
        %get3A_1375 = arith.index_cast %get3A_1374 : i32 to index
        %get3A_1376 = arith.index_cast %add3A_1373 : i32 to index
        %get3A_1377 = arith.constant 48 : index
        %get3A_1378 = tpu.vector_load %arg6[%get3A_1375, %get3A_1376, %get3A_1377] {strides = array<i32>} : memref<2x800x64xf32, #tpu.memory_space<vmem>>, vector<1x1x16xf32>,
        %get3A_1379 = vector.shape_cast %get3A_1378 : vector<1x1x16xf32> to vector<16xf32>
        %add3A_1380 = arith.addf %add3A_1344, %get3A_1379 : vector<16xf32>
        %add3A_1381 = arith.constant 15 : i32
        %add3A_1382 = arith.addi %mul3A_853, %add3A_1381 : i32
        %get3A_1383 = arith.constant 1 : i32
        %get3A_1384 = arith.index_cast %get3A_1383 : i32 to index
        %get3A_1385 = arith.index_cast %add3A_1382 : i32 to index
        %get3A_1386 = arith.constant 0 : index
        %get3A_1387 = tpu.vector_load %arg6[%get3A_1384, %get3A_1385, %get3A_1386] {strides = array<i32>} : memref<2x800x64xf32, #tpu.memory_space<vmem>>, vector<1x1x16xf32>,
        %get3A_1388 = vector.shape_cast %get3A_1387 : vector<1x1x16xf32> to vector<16xf32>
        %add3A_1389 = arith.addf %add3A_1353, %get3A_1388 : vector<16xf32>
        %add3A_1390 = arith.constant 15 : i32
        %add3A_1391 = arith.addi %mul3A_853, %add3A_1390 : i32
        %get3A_1392 = arith.constant 1 : i32
        %get3A_1393 = arith.index_cast %get3A_1392 : i32 to index
        %get3A_1394 = arith.index_cast %add3A_1391 : i32 to index
        %get3A_1395 = arith.constant 16 : index
        %get3A_1396 = tpu.vector_load %arg6[%get3A_1393, %get3A_1394, %get3A_1395] {strides = array<i32>} : memref<2x800x64xf32, #tpu.memory_space<vmem>>, vector<1x1x16xf32>,
        %get3A_1397 = vector.shape_cast %get3A_1396 : vector<1x1x16xf32> to vector<16xf32>
        %add3A_1398 = arith.addf %add3A_1362, %get3A_1397 : vector<16xf32>
        %add3A_1399 = arith.constant 15 : i32
        %add3A_1400 = arith.addi %mul3A_853, %add3A_1399 : i32
        %get3A_1401 = arith.constant 1 : i32
        %get3A_1402 = arith.index_cast %get3A_1401 : i32 to index
        %get3A_1403 = arith.index_cast %add3A_1400 : i32 to index
        %get3A_1404 = arith.constant 32 : index
        %get3A_1405 = tpu.vector_load %arg6[%get3A_1402, %get3A_1403, %get3A_1404] {strides = array<i32>} : memref<2x800x64xf32, #tpu.memory_space<vmem>>, vector<1x1x16xf32>,
        %get3A_1406 = vector.shape_cast %get3A_1405 : vector<1x1x16xf32> to vector<16xf32>
        %add3A_1407 = arith.addf %add3A_1371, %get3A_1406 : vector<16xf32>
        %add3A_1408 = arith.constant 15 : i32
        %add3A_1409 = arith.addi %mul3A_853, %add3A_1408 : i32
        %get3A_1410 = arith.constant 1 : i32
        %get3A_1411 = arith.index_cast %get3A_1410 : i32 to index
        %get3A_1412 = arith.index_cast %add3A_1409 : i32 to index
        %get3A_1413 = arith.constant 48 : index
        %get3A_1414 = tpu.vector_load %arg6[%get3A_1411, %get3A_1412, %get3A_1413] {strides = array<i32>} : memref<2x800x64xf32, #tpu.memory_space<vmem>>, vector<1x1x16xf32>,
        %get3A_1415 = vector.shape_cast %get3A_1414 : vector<1x1x16xf32> to vector<16xf32>
        %add3A_1416 = arith.addf %add3A_1380, %get3A_1415 : vector<16xf32>
        %add3A_1417 = arith.constant 16 : i32
        %add3A_1418 = arith.addi %mul3A_853, %add3A_1417 : i32
        %get3A_1419 = arith.constant 1 : i32
        %get3A_1420 = arith.index_cast %get3A_1419 : i32 to index
        %get3A_1421 = arith.index_cast %add3A_1418 : i32 to index
        %get3A_1422 = arith.constant 0 : index
        %get3A_1423 = tpu.vector_load %arg6[%get3A_1420, %get3A_1421, %get3A_1422] {strides = array<i32>} : memref<2x800x64xf32, #tpu.memory_space<vmem>>, vector<1x1x16xf32>,
        %get3A_1424 = vector.shape_cast %get3A_1423 : vector<1x1x16xf32> to vector<16xf32>
        %add3A_1425 = arith.addf %add3A_1389, %get3A_1424 : vector<16xf32>
        %add3A_1426 = arith.constant 16 : i32
        %add3A_1427 = arith.addi %mul3A_853, %add3A_1426 : i32
        %get3A_1428 = arith.constant 1 : i32
        %get3A_1429 = arith.index_cast %get3A_1428 : i32 to index
        %get3A_1430 = arith.index_cast %add3A_1427 : i32 to index
        %get3A_1431 = arith.constant 16 : index
        %get3A_1432 = tpu.vector_load %arg6[%get3A_1429, %get3A_1430, %get3A_1431] {strides = array<i32>} : memref<2x800x64xf32, #tpu.memory_space<vmem>>, vector<1x1x16xf32>,
        %get3A_1433 = vector.shape_cast %get3A_1432 : vector<1x1x16xf32> to vector<16xf32>
        %add3A_1434 = arith.addf %add3A_1398, %get3A_1433 : vector<16xf32>
        %add3A_1435 = arith.constant 16 : i32
        %add3A_1436 = arith.addi %mul3A_853, %add3A_1435 : i32
        %get3A_1437 = arith.constant 1 : i32
        %get3A_1438 = arith.index_cast %get3A_1437 : i32 to index
        %get3A_1439 = arith.index_cast %add3A_1436 : i32 to index
        %get3A_1440 = arith.constant 32 : index
        %get3A_1441 = tpu.vector_load %arg6[%get3A_1438, %get3A_1439, %get3A_1440] {strides = array<i32>} : memref<2x800x64xf32, #tpu.memory_space<vmem>>, vector<1x1x16xf32>,
        %get3A_1442 = vector.shape_cast %get3A_1441 : vector<1x1x16xf32> to vector<16xf32>
        %add3A_1443 = arith.addf %add3A_1407, %get3A_1442 : vector<16xf32>
        %add3A_1444 = arith.constant 16 : i32
        %add3A_1445 = arith.addi %mul3A_853, %add3A_1444 : i32
        %get3A_1446 = arith.constant 1 : i32
        %get3A_1447 = arith.index_cast %get3A_1446 : i32 to index
        %get3A_1448 = arith.index_cast %add3A_1445 : i32 to index
        %get3A_1449 = arith.constant 48 : index
        %get3A_1450 = tpu.vector_load %arg6[%get3A_1447, %get3A_1448, %get3A_1449] {strides = array<i32>} : memref<2x800x64xf32, #tpu.memory_space<vmem>>, vector<1x1x16xf32>,
        %get3A_1451 = vector.shape_cast %get3A_1450 : vector<1x1x16xf32> to vector<16xf32>
        %add3A_1452 = arith.addf %add3A_1416, %get3A_1451 : vector<16xf32>
        %add3A_1453 = arith.constant 17 : i32
        %add3A_1454 = arith.addi %mul3A_853, %add3A_1453 : i32
        %get3A_1455 = arith.constant 1 : i32
        %get3A_1456 = arith.index_cast %get3A_1455 : i32 to index
        %get3A_1457 = arith.index_cast %add3A_1454 : i32 to index
        %get3A_1458 = arith.constant 0 : index
        %get3A_1459 = tpu.vector_load %arg6[%get3A_1456, %get3A_1457, %get3A_1458] {strides = array<i32>} : memref<2x800x64xf32, #tpu.memory_space<vmem>>, vector<1x1x16xf32>,
        %get3A_1460 = vector.shape_cast %get3A_1459 : vector<1x1x16xf32> to vector<16xf32>
        %add3A_1461 = arith.addf %add3A_1425, %get3A_1460 : vector<16xf32>
        %add3A_1462 = arith.constant 17 : i32
        %add3A_1463 = arith.addi %mul3A_853, %add3A_1462 : i32
        %get3A_1464 = arith.constant 1 : i32
        %get3A_1465 = arith.index_cast %get3A_1464 : i32 to index
        %get3A_1466 = arith.index_cast %add3A_1463 : i32 to index
        %get3A_1467 = arith.constant 16 : index
        %get3A_1468 = tpu.vector_load %arg6[%get3A_1465, %get3A_1466, %get3A_1467] {strides = array<i32>} : memref<2x800x64xf32, #tpu.memory_space<vmem>>, vector<1x1x16xf32>,
        %get3A_1469 = vector.shape_cast %get3A_1468 : vector<1x1x16xf32> to vector<16xf32>
        %add3A_1470 = arith.addf %add3A_1434, %get3A_1469 : vector<16xf32>
        %add3A_1471 = arith.constant 17 : i32
        %add3A_1472 = arith.addi %mul3A_853, %add3A_1471 : i32
        %get3A_1473 = arith.constant 1 : i32
        %get3A_1474 = arith.index_cast %get3A_1473 : i32 to index
        %get3A_1475 = arith.index_cast %add3A_1472 : i32 to index
        %get3A_1476 = arith.constant 32 : index
        %get3A_1477 = tpu.vector_load %arg6[%get3A_1474, %get3A_1475, %get3A_1476] {strides = array<i32>} : memref<2x800x64xf32, #tpu.memory_space<vmem>>, vector<1x1x16xf32>,
        %get3A_1478 = vector.shape_cast %get3A_1477 : vector<1x1x16xf32> to vector<16xf32>
        %add3A_1479 = arith.addf %add3A_1443, %get3A_1478 : vector<16xf32>
        %add3A_1480 = arith.constant 17 : i32
        %add3A_1481 = arith.addi %mul3A_853, %add3A_1480 : i32
        %get3A_1482 = arith.constant 1 : i32
        %get3A_1483 = arith.index_cast %get3A_1482 : i32 to index
        %get3A_1484 = arith.index_cast %add3A_1481 : i32 to index
        %get3A_1485 = arith.constant 48 : index
        %get3A_1486 = tpu.vector_load %arg6[%get3A_1483, %get3A_1484, %get3A_1485] {strides = array<i32>} : memref<2x800x64xf32, #tpu.memory_space<vmem>>, vector<1x1x16xf32>,
        %get3A_1487 = vector.shape_cast %get3A_1486 : vector<1x1x16xf32> to vector<16xf32>
        %add3A_1488 = arith.addf %add3A_1452, %get3A_1487 : vector<16xf32>
        %add3A_1489 = arith.constant 18 : i32
        %add3A_1490 = arith.addi %mul3A_853, %add3A_1489 : i32
        %get3A_1491 = arith.constant 1 : i32
        %get3A_1492 = arith.index_cast %get3A_1491 : i32 to index
        %get3A_1493 = arith.index_cast %add3A_1490 : i32 to index
        %get3A_1494 = arith.constant 0 : index
        %get3A_1495 = tpu.vector_load %arg6[%get3A_1492, %get3A_1493, %get3A_1494] {strides = array<i32>} : memref<2x800x64xf32, #tpu.memory_space<vmem>>, vector<1x1x16xf32>,
        %get3A_1496 = vector.shape_cast %get3A_1495 : vector<1x1x16xf32> to vector<16xf32>
        %add3A_1497 = arith.addf %add3A_1461, %get3A_1496 : vector<16xf32>
        %add3A_1498 = arith.constant 18 : i32
        %add3A_1499 = arith.addi %mul3A_853, %add3A_1498 : i32
        %get3A_1500 = arith.constant 1 : i32
        %get3A_1501 = arith.index_cast %get3A_1500 : i32 to index
        %get3A_1502 = arith.index_cast %add3A_1499 : i32 to index
        %get3A_1503 = arith.constant 16 : index
        %get3A_1504 = tpu.vector_load %arg6[%get3A_1501, %get3A_1502, %get3A_1503] {strides = array<i32>} : memref<2x800x64xf32, #tpu.memory_space<vmem>>, vector<1x1x16xf32>,
        %get3A_1505 = vector.shape_cast %get3A_1504 : vector<1x1x16xf32> to vector<16xf32>
        %add3A_1506 = arith.addf %add3A_1470, %get3A_1505 : vector<16xf32>
        %add3A_1507 = arith.constant 18 : i32
        %add3A_1508 = arith.addi %mul3A_853, %add3A_1507 : i32
        %get3A_1509 = arith.constant 1 : i32
        %get3A_1510 = arith.index_cast %get3A_1509 : i32 to index
        %get3A_1511 = arith.index_cast %add3A_1508 : i32 to index
        %get3A_1512 = arith.constant 32 : index
        %get3A_1513 = tpu.vector_load %arg6[%get3A_1510, %get3A_1511, %get3A_1512] {strides = array<i32>} : memref<2x800x64xf32, #tpu.memory_space<vmem>>, vector<1x1x16xf32>,
        %get3A_1514 = vector.shape_cast %get3A_1513 : vector<1x1x16xf32> to vector<16xf32>
        %add3A_1515 = arith.addf %add3A_1479, %get3A_1514 : vector<16xf32>
        %add3A_1516 = arith.constant 18 : i32
        %add3A_1517 = arith.addi %mul3A_853, %add3A_1516 : i32
        %get3A_1518 = arith.constant 1 : i32
        %get3A_1519 = arith.index_cast %get3A_1518 : i32 to index
        %get3A_1520 = arith.index_cast %add3A_1517 : i32 to index
        %get3A_1521 = arith.constant 48 : index
        %get3A_1522 = tpu.vector_load %arg6[%get3A_1519, %get3A_1520, %get3A_1521] {strides = array<i32>} : memref<2x800x64xf32, #tpu.memory_space<vmem>>, vector<1x1x16xf32>,
        %get3A_1523 = vector.shape_cast %get3A_1522 : vector<1x1x16xf32> to vector<16xf32>
        %add3A_1524 = arith.addf %add3A_1488, %get3A_1523 : vector<16xf32>
        %add3A_1525 = arith.constant 19 : i32
        %add3A_1526 = arith.addi %mul3A_853, %add3A_1525 : i32
        %get3A_1527 = arith.constant 1 : i32
        %get3A_1528 = arith.index_cast %get3A_1527 : i32 to index
        %get3A_1529 = arith.index_cast %add3A_1526 : i32 to index
        %get3A_1530 = arith.constant 0 : index
        %get3A_1531 = tpu.vector_load %arg6[%get3A_1528, %get3A_1529, %get3A_1530] {strides = array<i32>} : memref<2x800x64xf32, #tpu.memory_space<vmem>>, vector<1x1x16xf32>,
        %get3A_1532 = vector.shape_cast %get3A_1531 : vector<1x1x16xf32> to vector<16xf32>
        %add3A_1533 = arith.addf %add3A_1497, %get3A_1532 : vector<16xf32>
        %add3A_1534 = arith.constant 19 : i32
        %add3A_1535 = arith.addi %mul3A_853, %add3A_1534 : i32
        %get3A_1536 = arith.constant 1 : i32
        %get3A_1537 = arith.index_cast %get3A_1536 : i32 to index
        %get3A_1538 = arith.index_cast %add3A_1535 : i32 to index
        %get3A_1539 = arith.constant 16 : index
        %get3A_1540 = tpu.vector_load %arg6[%get3A_1537, %get3A_1538, %get3A_1539] {strides = array<i32>} : memref<2x800x64xf32, #tpu.memory_space<vmem>>, vector<1x1x16xf32>,
        %get3A_1541 = vector.shape_cast %get3A_1540 : vector<1x1x16xf32> to vector<16xf32>
        %add3A_1542 = arith.addf %add3A_1506, %get3A_1541 : vector<16xf32>
        %add3A_1543 = arith.constant 19 : i32
        %add3A_1544 = arith.addi %mul3A_853, %add3A_1543 : i32
        %get3A_1545 = arith.constant 1 : i32
        %get3A_1546 = arith.index_cast %get3A_1545 : i32 to index
        %get3A_1547 = arith.index_cast %add3A_1544 : i32 to index
        %get3A_1548 = arith.constant 32 : index
        %get3A_1549 = tpu.vector_load %arg6[%get3A_1546, %get3A_1547, %get3A_1548] {strides = array<i32>} : memref<2x800x64xf32, #tpu.memory_space<vmem>>, vector<1x1x16xf32>,
        %get3A_1550 = vector.shape_cast %get3A_1549 : vector<1x1x16xf32> to vector<16xf32>
        %add3A_1551 = arith.addf %add3A_1515, %get3A_1550 : vector<16xf32>
        %add3A_1552 = arith.constant 19 : i32
        %add3A_1553 = arith.addi %mul3A_853, %add3A_1552 : i32
        %get3A_1554 = arith.constant 1 : i32
        %get3A_1555 = arith.index_cast %get3A_1554 : i32 to index
        %get3A_1556 = arith.index_cast %add3A_1553 : i32 to index
        %get3A_1557 = arith.constant 48 : index
        %get3A_1558 = tpu.vector_load %arg6[%get3A_1555, %get3A_1556, %get3A_1557] {strides = array<i32>} : memref<2x800x64xf32, #tpu.memory_space<vmem>>, vector<1x1x16xf32>,
        %get3A_1559 = vector.shape_cast %get3A_1558 : vector<1x1x16xf32> to vector<16xf32>
        %add3A_1560 = arith.addf %add3A_1524, %get3A_1559 : vector<16xf32>
        %add3A_1561 = arith.constant 20 : i32
        %add3A_1562 = arith.addi %mul3A_853, %add3A_1561 : i32
        %get3A_1563 = arith.constant 1 : i32
        %get3A_1564 = arith.index_cast %get3A_1563 : i32 to index
        %get3A_1565 = arith.index_cast %add3A_1562 : i32 to index
        %get3A_1566 = arith.constant 0 : index
        %get3A_1567 = tpu.vector_load %arg6[%get3A_1564, %get3A_1565, %get3A_1566] {strides = array<i32>} : memref<2x800x64xf32, #tpu.memory_space<vmem>>, vector<1x1x16xf32>,
        %get3A_1568 = vector.shape_cast %get3A_1567 : vector<1x1x16xf32> to vector<16xf32>
        %add3A_1569 = arith.addf %add3A_1533, %get3A_1568 : vector<16xf32>
        %add3A_1570 = arith.constant 20 : i32
        %add3A_1571 = arith.addi %mul3A_853, %add3A_1570 : i32
        %get3A_1572 = arith.constant 1 : i32
        %get3A_1573 = arith.index_cast %get3A_1572 : i32 to index
        %get3A_1574 = arith.index_cast %add3A_1571 : i32 to index
        %get3A_1575 = arith.constant 16 : index
        %get3A_1576 = tpu.vector_load %arg6[%get3A_1573, %get3A_1574, %get3A_1575] {strides = array<i32>} : memref<2x800x64xf32, #tpu.memory_space<vmem>>, vector<1x1x16xf32>,
        %get3A_1577 = vector.shape_cast %get3A_1576 : vector<1x1x16xf32> to vector<16xf32>
        %add3A_1578 = arith.addf %add3A_1542, %get3A_1577 : vector<16xf32>
        %add3A_1579 = arith.constant 20 : i32
        %add3A_1580 = arith.addi %mul3A_853, %add3A_1579 : i32
        %get3A_1581 = arith.constant 1 : i32
        %get3A_1582 = arith.index_cast %get3A_1581 : i32 to index
        %get3A_1583 = arith.index_cast %add3A_1580 : i32 to index
        %get3A_1584 = arith.constant 32 : index
        %get3A_1585 = tpu.vector_load %arg6[%get3A_1582, %get3A_1583, %get3A_1584] {strides = array<i32>} : memref<2x800x64xf32, #tpu.memory_space<vmem>>, vector<1x1x16xf32>,
        %get3A_1586 = vector.shape_cast %get3A_1585 : vector<1x1x16xf32> to vector<16xf32>
        %add3A_1587 = arith.addf %add3A_1551, %get3A_1586 : vector<16xf32>
        %add3A_1588 = arith.constant 20 : i32
        %add3A_1589 = arith.addi %mul3A_853, %add3A_1588 : i32
        %get3A_1590 = arith.constant 1 : i32
        %get3A_1591 = arith.index_cast %get3A_1590 : i32 to index
        %get3A_1592 = arith.index_cast %add3A_1589 : i32 to index
        %get3A_1593 = arith.constant 48 : index
        %get3A_1594 = tpu.vector_load %arg6[%get3A_1591, %get3A_1592, %get3A_1593] {strides = array<i32>} : memref<2x800x64xf32, #tpu.memory_space<vmem>>, vector<1x1x16xf32>,
        %get3A_1595 = vector.shape_cast %get3A_1594 : vector<1x1x16xf32> to vector<16xf32>
        %add3A_1596 = arith.addf %add3A_1560, %get3A_1595 : vector<16xf32>
        %add3A_1597 = arith.constant 21 : i32
        %add3A_1598 = arith.addi %mul3A_853, %add3A_1597 : i32
        %get3A_1599 = arith.constant 1 : i32
        %get3A_1600 = arith.index_cast %get3A_1599 : i32 to index
        %get3A_1601 = arith.index_cast %add3A_1598 : i32 to index
        %get3A_1602 = arith.constant 0 : index
        %get3A_1603 = tpu.vector_load %arg6[%get3A_1600, %get3A_1601, %get3A_1602] {strides = array<i32>} : memref<2x800x64xf32, #tpu.memory_space<vmem>>, vector<1x1x16xf32>,
        %get3A_1604 = vector.shape_cast %get3A_1603 : vector<1x1x16xf32> to vector<16xf32>
        %add3A_1605 = arith.addf %add3A_1569, %get3A_1604 : vector<16xf32>
        %add3A_1606 = arith.constant 21 : i32
        %add3A_1607 = arith.addi %mul3A_853, %add3A_1606 : i32
        %get3A_1608 = arith.constant 1 : i32
        %get3A_1609 = arith.index_cast %get3A_1608 : i32 to index
        %get3A_1610 = arith.index_cast %add3A_1607 : i32 to index
        %get3A_1611 = arith.constant 16 : index
        %get3A_1612 = tpu.vector_load %arg6[%get3A_1609, %get3A_1610, %get3A_1611] {strides = array<i32>} : memref<2x800x64xf32, #tpu.memory_space<vmem>>, vector<1x1x16xf32>,
        %get3A_1613 = vector.shape_cast %get3A_1612 : vector<1x1x16xf32> to vector<16xf32>
        %add3A_1614 = arith.addf %add3A_1578, %get3A_1613 : vector<16xf32>
        %add3A_1615 = arith.constant 21 : i32
        %add3A_1616 = arith.addi %mul3A_853, %add3A_1615 : i32
        %get3A_1617 = arith.constant 1 : i32
        %get3A_1618 = arith.index_cast %get3A_1617 : i32 to index
        %get3A_1619 = arith.index_cast %add3A_1616 : i32 to index
        %get3A_1620 = arith.constant 32 : index
        %get3A_1621 = tpu.vector_load %arg6[%get3A_1618, %get3A_1619, %get3A_1620] {strides = array<i32>} : memref<2x800x64xf32, #tpu.memory_space<vmem>>, vector<1x1x16xf32>,
        %get3A_1622 = vector.shape_cast %get3A_1621 : vector<1x1x16xf32> to vector<16xf32>
        %add3A_1623 = arith.addf %add3A_1587, %get3A_1622 : vector<16xf32>
        %add3A_1624 = arith.constant 21 : i32
        %add3A_1625 = arith.addi %mul3A_853, %add3A_1624 : i32
        %get3A_1626 = arith.constant 1 : i32
        %get3A_1627 = arith.index_cast %get3A_1626 : i32 to index
        %get3A_1628 = arith.index_cast %add3A_1625 : i32 to index
        %get3A_1629 = arith.constant 48 : index
        %get3A_1630 = tpu.vector_load %arg6[%get3A_1627, %get3A_1628, %get3A_1629] {strides = array<i32>} : memref<2x800x64xf32, #tpu.memory_space<vmem>>, vector<1x1x16xf32>,
        %get3A_1631 = vector.shape_cast %get3A_1630 : vector<1x1x16xf32> to vector<16xf32>
        %add3A_1632 = arith.addf %add3A_1596, %get3A_1631 : vector<16xf32>
        %add3A_1633 = arith.constant 22 : i32
        %add3A_1634 = arith.addi %mul3A_853, %add3A_1633 : i32
        %get3A_1635 = arith.constant 1 : i32
        %get3A_1636 = arith.index_cast %get3A_1635 : i32 to index
        %get3A_1637 = arith.index_cast %add3A_1634 : i32 to index
        %get3A_1638 = arith.constant 0 : index
        %get3A_1639 = tpu.vector_load %arg6[%get3A_1636, %get3A_1637, %get3A_1638] {strides = array<i32>} : memref<2x800x64xf32, #tpu.memory_space<vmem>>, vector<1x1x16xf32>,
        %get3A_1640 = vector.shape_cast %get3A_1639 : vector<1x1x16xf32> to vector<16xf32>
        %add3A_1641 = arith.addf %add3A_1605, %get3A_1640 : vector<16xf32>
        %add3A_1642 = arith.constant 22 : i32
        %add3A_1643 = arith.addi %mul3A_853, %add3A_1642 : i32
        %get3A_1644 = arith.constant 1 : i32
        %get3A_1645 = arith.index_cast %get3A_1644 : i32 to index
        %get3A_1646 = arith.index_cast %add3A_1643 : i32 to index
        %get3A_1647 = arith.constant 16 : index
        %get3A_1648 = tpu.vector_load %arg6[%get3A_1645, %get3A_1646, %get3A_1647] {strides = array<i32>} : memref<2x800x64xf32, #tpu.memory_space<vmem>>, vector<1x1x16xf32>,
        %get3A_1649 = vector.shape_cast %get3A_1648 : vector<1x1x16xf32> to vector<16xf32>
        %add3A_1650 = arith.addf %add3A_1614, %get3A_1649 : vector<16xf32>
        %add3A_1651 = arith.constant 22 : i32
        %add3A_1652 = arith.addi %mul3A_853, %add3A_1651 : i32
        %get3A_1653 = arith.constant 1 : i32
        %get3A_1654 = arith.index_cast %get3A_1653 : i32 to index
        %get3A_1655 = arith.index_cast %add3A_1652 : i32 to index
        %get3A_1656 = arith.constant 32 : index
        %get3A_1657 = tpu.vector_load %arg6[%get3A_1654, %get3A_1655, %get3A_1656] {strides = array<i32>} : memref<2x800x64xf32, #tpu.memory_space<vmem>>, vector<1x1x16xf32>,
        %get3A_1658 = vector.shape_cast %get3A_1657 : vector<1x1x16xf32> to vector<16xf32>
        %add3A_1659 = arith.addf %add3A_1623, %get3A_1658 : vector<16xf32>
        %add3A_1660 = arith.constant 22 : i32
        %add3A_1661 = arith.addi %mul3A_853, %add3A_1660 : i32
        %get3A_1662 = arith.constant 1 : i32
        %get3A_1663 = arith.index_cast %get3A_1662 : i32 to index
        %get3A_1664 = arith.index_cast %add3A_1661 : i32 to index
        %get3A_1665 = arith.constant 48 : index
        %get3A_1666 = tpu.vector_load %arg6[%get3A_1663, %get3A_1664, %get3A_1665] {strides = array<i32>} : memref<2x800x64xf32, #tpu.memory_space<vmem>>, vector<1x1x16xf32>,
        %get3A_1667 = vector.shape_cast %get3A_1666 : vector<1x1x16xf32> to vector<16xf32>
        %add3A_1668 = arith.addf %add3A_1632, %get3A_1667 : vector<16xf32>
        %add3A_1669 = arith.constant 23 : i32
        %add3A_1670 = arith.addi %mul3A_853, %add3A_1669 : i32
        %get3A_1671 = arith.constant 1 : i32
        %get3A_1672 = arith.index_cast %get3A_1671 : i32 to index
        %get3A_1673 = arith.index_cast %add3A_1670 : i32 to index
        %get3A_1674 = arith.constant 0 : index
        %get3A_1675 = tpu.vector_load %arg6[%get3A_1672, %get3A_1673, %get3A_1674] {strides = array<i32>} : memref<2x800x64xf32, #tpu.memory_space<vmem>>, vector<1x1x16xf32>,
        %get3A_1676 = vector.shape_cast %get3A_1675 : vector<1x1x16xf32> to vector<16xf32>
        %add3A_1677 = arith.addf %add3A_1641, %get3A_1676 : vector<16xf32>
        %add3A_1678 = arith.constant 23 : i32
        %add3A_1679 = arith.addi %mul3A_853, %add3A_1678 : i32
        %get3A_1680 = arith.constant 1 : i32
        %get3A_1681 = arith.index_cast %get3A_1680 : i32 to index
        %get3A_1682 = arith.index_cast %add3A_1679 : i32 to index
        %get3A_1683 = arith.constant 16 : index
        %get3A_1684 = tpu.vector_load %arg6[%get3A_1681, %get3A_1682, %get3A_1683] {strides = array<i32>} : memref<2x800x64xf32, #tpu.memory_space<vmem>>, vector<1x1x16xf32>,
        %get3A_1685 = vector.shape_cast %get3A_1684 : vector<1x1x16xf32> to vector<16xf32>
        %add3A_1686 = arith.addf %add3A_1650, %get3A_1685 : vector<16xf32>
        %add3A_1687 = arith.constant 23 : i32
        %add3A_1688 = arith.addi %mul3A_853, %add3A_1687 : i32
        %get3A_1689 = arith.constant 1 : i32
        %get3A_1690 = arith.index_cast %get3A_1689 : i32 to index
        %get3A_1691 = arith.index_cast %add3A_1688 : i32 to index
        %get3A_1692 = arith.constant 32 : index
        %get3A_1693 = tpu.vector_load %arg6[%get3A_1690, %get3A_1691, %get3A_1692] {strides = array<i32>} : memref<2x800x64xf32, #tpu.memory_space<vmem>>, vector<1x1x16xf32>,
        %get3A_1694 = vector.shape_cast %get3A_1693 : vector<1x1x16xf32> to vector<16xf32>
        %add3A_1695 = arith.addf %add3A_1659, %get3A_1694 : vector<16xf32>
        %add3A_1696 = arith.constant 23 : i32
        %add3A_1697 = arith.addi %mul3A_853, %add3A_1696 : i32
        %get3A_1698 = arith.constant 1 : i32
        %get3A_1699 = arith.index_cast %get3A_1698 : i32 to index
        %get3A_1700 = arith.index_cast %add3A_1697 : i32 to index
        %get3A_1701 = arith.constant 48 : index
        %get3A_1702 = tpu.vector_load %arg6[%get3A_1699, %get3A_1700, %get3A_1701] {strides = array<i32>} : memref<2x800x64xf32, #tpu.memory_space<vmem>>, vector<1x1x16xf32>,
        %get3A_1703 = vector.shape_cast %get3A_1702 : vector<1x1x16xf32> to vector<16xf32>
        %add3A_1704 = arith.addf %add3A_1668, %get3A_1703 : vector<16xf32>
        %add3A_1705 = arith.constant 24 : i32
        %add3A_1706 = arith.addi %mul3A_853, %add3A_1705 : i32
        %get3A_1707 = arith.constant 1 : i32
        %get3A_1708 = arith.index_cast %get3A_1707 : i32 to index
        %get3A_1709 = arith.index_cast %add3A_1706 : i32 to index
        %get3A_1710 = arith.constant 0 : index
        %get3A_1711 = tpu.vector_load %arg6[%get3A_1708, %get3A_1709, %get3A_1710] {strides = array<i32>} : memref<2x800x64xf32, #tpu.memory_space<vmem>>, vector<1x1x16xf32>,
        %get3A_1712 = vector.shape_cast %get3A_1711 : vector<1x1x16xf32> to vector<16xf32>
        %add3A_1713 = arith.addf %add3A_1677, %get3A_1712 : vector<16xf32>
        %add3A_1714 = arith.constant 24 : i32
        %add3A_1715 = arith.addi %mul3A_853, %add3A_1714 : i32
        %get3A_1716 = arith.constant 1 : i32
        %get3A_1717 = arith.index_cast %get3A_1716 : i32 to index
        %get3A_1718 = arith.index_cast %add3A_1715 : i32 to index
        %get3A_1719 = arith.constant 16 : index
        %get3A_1720 = tpu.vector_load %arg6[%get3A_1717, %get3A_1718, %get3A_1719] {strides = array<i32>} : memref<2x800x64xf32, #tpu.memory_space<vmem>>, vector<1x1x16xf32>,
        %get3A_1721 = vector.shape_cast %get3A_1720 : vector<1x1x16xf32> to vector<16xf32>
        %add3A_1722 = arith.addf %add3A_1686, %get3A_1721 : vector<16xf32>
        %add3A_1723 = arith.constant 24 : i32
        %add3A_1724 = arith.addi %mul3A_853, %add3A_1723 : i32
        %get3A_1725 = arith.constant 1 : i32
        %get3A_1726 = arith.index_cast %get3A_1725 : i32 to index
        %get3A_1727 = arith.index_cast %add3A_1724 : i32 to index
        %get3A_1728 = arith.constant 32 : index
        %get3A_1729 = tpu.vector_load %arg6[%get3A_1726, %get3A_1727, %get3A_1728] {strides = array<i32>} : memref<2x800x64xf32, #tpu.memory_space<vmem>>, vector<1x1x16xf32>,
        %get3A_1730 = vector.shape_cast %get3A_1729 : vector<1x1x16xf32> to vector<16xf32>
        %add3A_1731 = arith.addf %add3A_1695, %get3A_1730 : vector<16xf32>
        %add3A_1732 = arith.constant 24 : i32
        %add3A_1733 = arith.addi %mul3A_853, %add3A_1732 : i32
        %get3A_1734 = arith.constant 1 : i32
        %get3A_1735 = arith.index_cast %get3A_1734 : i32 to index
        %get3A_1736 = arith.index_cast %add3A_1733 : i32 to index
        %get3A_1737 = arith.constant 48 : index
        %get3A_1738 = tpu.vector_load %arg6[%get3A_1735, %get3A_1736, %get3A_1737] {strides = array<i32>} : memref<2x800x64xf32, #tpu.memory_space<vmem>>, vector<1x1x16xf32>,
        %get3A_1739 = vector.shape_cast %get3A_1738 : vector<1x1x16xf32> to vector<16xf32>
        %add3A_1740 = arith.addf %add3A_1704, %get3A_1739 : vector<16xf32>
        %add3A_1741 = arith.constant 25 : i32
        %add3A_1742 = arith.addi %mul3A_853, %add3A_1741 : i32
        %get3A_1743 = arith.constant 1 : i32
        %get3A_1744 = arith.index_cast %get3A_1743 : i32 to index
        %get3A_1745 = arith.index_cast %add3A_1742 : i32 to index
        %get3A_1746 = arith.constant 0 : index
        %get3A_1747 = tpu.vector_load %arg6[%get3A_1744, %get3A_1745, %get3A_1746] {strides = array<i32>} : memref<2x800x64xf32, #tpu.memory_space<vmem>>, vector<1x1x16xf32>,
        %get3A_1748 = vector.shape_cast %get3A_1747 : vector<1x1x16xf32> to vector<16xf32>
        %add3A_1749 = arith.addf %add3A_1713, %get3A_1748 : vector<16xf32>
        %add3A_1750 = arith.constant 25 : i32
        %add3A_1751 = arith.addi %mul3A_853, %add3A_1750 : i32
        %get3A_1752 = arith.constant 1 : i32
        %get3A_1753 = arith.index_cast %get3A_1752 : i32 to index
        %get3A_1754 = arith.index_cast %add3A_1751 : i32 to index
        %get3A_1755 = arith.constant 16 : index
        %get3A_1756 = tpu.vector_load %arg6[%get3A_1753, %get3A_1754, %get3A_1755] {strides = array<i32>} : memref<2x800x64xf32, #tpu.memory_space<vmem>>, vector<1x1x16xf32>,
        %get3A_1757 = vector.shape_cast %get3A_1756 : vector<1x1x16xf32> to vector<16xf32>
        %add3A_1758 = arith.addf %add3A_1722, %get3A_1757 : vector<16xf32>
        %add3A_1759 = arith.constant 25 : i32
        %add3A_1760 = arith.addi %mul3A_853, %add3A_1759 : i32
        %get3A_1761 = arith.constant 1 : i32
        %get3A_1762 = arith.index_cast %get3A_1761 : i32 to index
        %get3A_1763 = arith.index_cast %add3A_1760 : i32 to index
        %get3A_1764 = arith.constant 32 : index
        %get3A_1765 = tpu.vector_load %arg6[%get3A_1762, %get3A_1763, %get3A_1764] {strides = array<i32>} : memref<2x800x64xf32, #tpu.memory_space<vmem>>, vector<1x1x16xf32>,
        %get3A_1766 = vector.shape_cast %get3A_1765 : vector<1x1x16xf32> to vector<16xf32>
        %add3A_1767 = arith.addf %add3A_1731, %get3A_1766 : vector<16xf32>
        %add3A_1768 = arith.constant 25 : i32
        %add3A_1769 = arith.addi %mul3A_853, %add3A_1768 : i32
        %get3A_1770 = arith.constant 1 : i32
        %get3A_1771 = arith.index_cast %get3A_1770 : i32 to index
        %get3A_1772 = arith.index_cast %add3A_1769 : i32 to index
        %get3A_1773 = arith.constant 48 : index
        %get3A_1774 = tpu.vector_load %arg6[%get3A_1771, %get3A_1772, %get3A_1773] {strides = array<i32>} : memref<2x800x64xf32, #tpu.memory_space<vmem>>, vector<1x1x16xf32>,
        %get3A_1775 = vector.shape_cast %get3A_1774 : vector<1x1x16xf32> to vector<16xf32>
        %add3A_1776 = arith.addf %add3A_1740, %get3A_1775 : vector<16xf32>
        %add3A_1777 = arith.constant 26 : i32
        %add3A_1778 = arith.addi %mul3A_853, %add3A_1777 : i32
        %get3A_1779 = arith.constant 1 : i32
        %get3A_1780 = arith.index_cast %get3A_1779 : i32 to index
        %get3A_1781 = arith.index_cast %add3A_1778 : i32 to index
        %get3A_1782 = arith.constant 0 : index
        %get3A_1783 = tpu.vector_load %arg6[%get3A_1780, %get3A_1781, %get3A_1782] {strides = array<i32>} : memref<2x800x64xf32, #tpu.memory_space<vmem>>, vector<1x1x16xf32>,
        %get3A_1784 = vector.shape_cast %get3A_1783 : vector<1x1x16xf32> to vector<16xf32>
        %add3A_1785 = arith.addf %add3A_1749, %get3A_1784 : vector<16xf32>
        %add3A_1786 = arith.constant 26 : i32
        %add3A_1787 = arith.addi %mul3A_853, %add3A_1786 : i32
        %get3A_1788 = arith.constant 1 : i32
        %get3A_1789 = arith.index_cast %get3A_1788 : i32 to index
        %get3A_1790 = arith.index_cast %add3A_1787 : i32 to index
        %get3A_1791 = arith.constant 16 : index
        %get3A_1792 = tpu.vector_load %arg6[%get3A_1789, %get3A_1790, %get3A_1791] {strides = array<i32>} : memref<2x800x64xf32, #tpu.memory_space<vmem>>, vector<1x1x16xf32>,
        %get3A_1793 = vector.shape_cast %get3A_1792 : vector<1x1x16xf32> to vector<16xf32>
        %add3A_1794 = arith.addf %add3A_1758, %get3A_1793 : vector<16xf32>
        %add3A_1795 = arith.constant 26 : i32
        %add3A_1796 = arith.addi %mul3A_853, %add3A_1795 : i32
        %get3A_1797 = arith.constant 1 : i32
        %get3A_1798 = arith.index_cast %get3A_1797 : i32 to index
        %get3A_1799 = arith.index_cast %add3A_1796 : i32 to index
        %get3A_1800 = arith.constant 32 : index
        %get3A_1801 = tpu.vector_load %arg6[%get3A_1798, %get3A_1799, %get3A_1800] {strides = array<i32>} : memref<2x800x64xf32, #tpu.memory_space<vmem>>, vector<1x1x16xf32>,
        %get3A_1802 = vector.shape_cast %get3A_1801 : vector<1x1x16xf32> to vector<16xf32>
        %add3A_1803 = arith.addf %add3A_1767, %get3A_1802 : vector<16xf32>
        %add3A_1804 = arith.constant 26 : i32
        %add3A_1805 = arith.addi %mul3A_853, %add3A_1804 : i32
        %get3A_1806 = arith.constant 1 : i32
        %get3A_1807 = arith.index_cast %get3A_1806 : i32 to index
        %get3A_1808 = arith.index_cast %add3A_1805 : i32 to index
        %get3A_1809 = arith.constant 48 : index
        %get3A_1810 = tpu.vector_load %arg6[%get3A_1807, %get3A_1808, %get3A_1809] {strides = array<i32>} : memref<2x800x64xf32, #tpu.memory_space<vmem>>, vector<1x1x16xf32>,
        %get3A_1811 = vector.shape_cast %get3A_1810 : vector<1x1x16xf32> to vector<16xf32>
        %add3A_1812 = arith.addf %add3A_1776, %get3A_1811 : vector<16xf32>
        %add3A_1813 = arith.constant 27 : i32
        %add3A_1814 = arith.addi %mul3A_853, %add3A_1813 : i32
        %get3A_1815 = arith.constant 1 : i32
        %get3A_1816 = arith.index_cast %get3A_1815 : i32 to index
        %get3A_1817 = arith.index_cast %add3A_1814 : i32 to index
        %get3A_1818 = arith.constant 0 : index
        %get3A_1819 = tpu.vector_load %arg6[%get3A_1816, %get3A_1817, %get3A_1818] {strides = array<i32>} : memref<2x800x64xf32, #tpu.memory_space<vmem>>, vector<1x1x16xf32>,
        %get3A_1820 = vector.shape_cast %get3A_1819 : vector<1x1x16xf32> to vector<16xf32>
        %add3A_1821 = arith.addf %add3A_1785, %get3A_1820 : vector<16xf32>
        %add3A_1822 = arith.constant 27 : i32
        %add3A_1823 = arith.addi %mul3A_853, %add3A_1822 : i32
        %get3A_1824 = arith.constant 1 : i32
        %get3A_1825 = arith.index_cast %get3A_1824 : i32 to index
        %get3A_1826 = arith.index_cast %add3A_1823 : i32 to index
        %get3A_1827 = arith.constant 16 : index
        %get3A_1828 = tpu.vector_load %arg6[%get3A_1825, %get3A_1826, %get3A_1827] {strides = array<i32>} : memref<2x800x64xf32, #tpu.memory_space<vmem>>, vector<1x1x16xf32>,
        %get3A_1829 = vector.shape_cast %get3A_1828 : vector<1x1x16xf32> to vector<16xf32>
        %add3A_1830 = arith.addf %add3A_1794, %get3A_1829 : vector<16xf32>
        %add3A_1831 = arith.constant 27 : i32
        %add3A_1832 = arith.addi %mul3A_853, %add3A_1831 : i32
        %get3A_1833 = arith.constant 1 : i32
        %get3A_1834 = arith.index_cast %get3A_1833 : i32 to index
        %get3A_1835 = arith.index_cast %add3A_1832 : i32 to index
        %get3A_1836 = arith.constant 32 : index
        %get3A_1837 = tpu.vector_load %arg6[%get3A_1834, %get3A_1835, %get3A_1836] {strides = array<i32>} : memref<2x800x64xf32, #tpu.memory_space<vmem>>, vector<1x1x16xf32>,
        %get3A_1838 = vector.shape_cast %get3A_1837 : vector<1x1x16xf32> to vector<16xf32>
        %add3A_1839 = arith.addf %add3A_1803, %get3A_1838 : vector<16xf32>
        %add3A_1840 = arith.constant 27 : i32
        %add3A_1841 = arith.addi %mul3A_853, %add3A_1840 : i32
        %get3A_1842 = arith.constant 1 : i32
        %get3A_1843 = arith.index_cast %get3A_1842 : i32 to index
        %get3A_1844 = arith.index_cast %add3A_1841 : i32 to index
        %get3A_1845 = arith.constant 48 : index
        %get3A_1846 = tpu.vector_load %arg6[%get3A_1843, %get3A_1844, %get3A_1845] {strides = array<i32>} : memref<2x800x64xf32, #tpu.memory_space<vmem>>, vector<1x1x16xf32>,
        %get3A_1847 = vector.shape_cast %get3A_1846 : vector<1x1x16xf32> to vector<16xf32>
        %add3A_1848 = arith.addf %add3A_1812, %get3A_1847 : vector<16xf32>
        %add3A_1849 = arith.constant 28 : i32
        %add3A_1850 = arith.addi %mul3A_853, %add3A_1849 : i32
        %get3A_1851 = arith.constant 1 : i32
        %get3A_1852 = arith.index_cast %get3A_1851 : i32 to index
        %get3A_1853 = arith.index_cast %add3A_1850 : i32 to index
        %get3A_1854 = arith.constant 0 : index
        %get3A_1855 = tpu.vector_load %arg6[%get3A_1852, %get3A_1853, %get3A_1854] {strides = array<i32>} : memref<2x800x64xf32, #tpu.memory_space<vmem>>, vector<1x1x16xf32>,
        %get3A_1856 = vector.shape_cast %get3A_1855 : vector<1x1x16xf32> to vector<16xf32>
        %add3A_1857 = arith.addf %add3A_1821, %get3A_1856 : vector<16xf32>
        %add3A_1858 = arith.constant 28 : i32
        %add3A_1859 = arith.addi %mul3A_853, %add3A_1858 : i32
        %get3A_1860 = arith.constant 1 : i32
        %get3A_1861 = arith.index_cast %get3A_1860 : i32 to index
        %get3A_1862 = arith.index_cast %add3A_1859 : i32 to index
        %get3A_1863 = arith.constant 16 : index
        %get3A_1864 = tpu.vector_load %arg6[%get3A_1861, %get3A_1862, %get3A_1863] {strides = array<i32>} : memref<2x800x64xf32, #tpu.memory_space<vmem>>, vector<1x1x16xf32>,
        %get3A_1865 = vector.shape_cast %get3A_1864 : vector<1x1x16xf32> to vector<16xf32>
        %add3A_1866 = arith.addf %add3A_1830, %get3A_1865 : vector<16xf32>
        %add3A_1867 = arith.constant 28 : i32
        %add3A_1868 = arith.addi %mul3A_853, %add3A_1867 : i32
        %get3A_1869 = arith.constant 1 : i32
        %get3A_1870 = arith.index_cast %get3A_1869 : i32 to index
        %get3A_1871 = arith.index_cast %add3A_1868 : i32 to index
        %get3A_1872 = arith.constant 32 : index
        %get3A_1873 = tpu.vector_load %arg6[%get3A_1870, %get3A_1871, %get3A_1872] {strides = array<i32>} : memref<2x800x64xf32, #tpu.memory_space<vmem>>, vector<1x1x16xf32>,
        %get3A_1874 = vector.shape_cast %get3A_1873 : vector<1x1x16xf32> to vector<16xf32>
        %add3A_1875 = arith.addf %add3A_1839, %get3A_1874 : vector<16xf32>
        %add3A_1876 = arith.constant 28 : i32
        %add3A_1877 = arith.addi %mul3A_853, %add3A_1876 : i32
        %get3A_1878 = arith.constant 1 : i32
        %get3A_1879 = arith.index_cast %get3A_1878 : i32 to index
        %get3A_1880 = arith.index_cast %add3A_1877 : i32 to index
        %get3A_1881 = arith.constant 48 : index
        %get3A_1882 = tpu.vector_load %arg6[%get3A_1879, %get3A_1880, %get3A_1881] {strides = array<i32>} : memref<2x800x64xf32, #tpu.memory_space<vmem>>, vector<1x1x16xf32>,
        %get3A_1883 = vector.shape_cast %get3A_1882 : vector<1x1x16xf32> to vector<16xf32>
        %add3A_1884 = arith.addf %add3A_1848, %get3A_1883 : vector<16xf32>
        %add3A_1885 = arith.constant 29 : i32
        %add3A_1886 = arith.addi %mul3A_853, %add3A_1885 : i32
        %get3A_1887 = arith.constant 1 : i32
        %get3A_1888 = arith.index_cast %get3A_1887 : i32 to index
        %get3A_1889 = arith.index_cast %add3A_1886 : i32 to index
        %get3A_1890 = arith.constant 0 : index
        %get3A_1891 = tpu.vector_load %arg6[%get3A_1888, %get3A_1889, %get3A_1890] {strides = array<i32>} : memref<2x800x64xf32, #tpu.memory_space<vmem>>, vector<1x1x16xf32>,
        %get3A_1892 = vector.shape_cast %get3A_1891 : vector<1x1x16xf32> to vector<16xf32>
        %add3A_1893 = arith.addf %add3A_1857, %get3A_1892 : vector<16xf32>
        %add3A_1894 = arith.constant 29 : i32
        %add3A_1895 = arith.addi %mul3A_853, %add3A_1894 : i32
        %get3A_1896 = arith.constant 1 : i32
        %get3A_1897 = arith.index_cast %get3A_1896 : i32 to index
        %get3A_1898 = arith.index_cast %add3A_1895 : i32 to index
        %get3A_1899 = arith.constant 16 : index
        %get3A_1900 = tpu.vector_load %arg6[%get3A_1897, %get3A_1898, %get3A_1899] {strides = array<i32>} : memref<2x800x64xf32, #tpu.memory_space<vmem>>, vector<1x1x16xf32>,
        %get3A_1901 = vector.shape_cast %get3A_1900 : vector<1x1x16xf32> to vector<16xf32>
        %add3A_1902 = arith.addf %add3A_1866, %get3A_1901 : vector<16xf32>
        %add3A_1903 = arith.constant 29 : i32
        %add3A_1904 = arith.addi %mul3A_853, %add3A_1903 : i32
        %get3A_1905 = arith.constant 1 : i32
        %get3A_1906 = arith.index_cast %get3A_1905 : i32 to index
        %get3A_1907 = arith.index_cast %add3A_1904 : i32 to index
        %get3A_1908 = arith.constant 32 : index
        %get3A_1909 = tpu.vector_load %arg6[%get3A_1906, %get3A_1907, %get3A_1908] {strides = array<i32>} : memref<2x800x64xf32, #tpu.memory_space<vmem>>, vector<1x1x16xf32>,
        %get3A_1910 = vector.shape_cast %get3A_1909 : vector<1x1x16xf32> to vector<16xf32>
        %add3A_1911 = arith.addf %add3A_1875, %get3A_1910 : vector<16xf32>
        %add3A_1912 = arith.constant 29 : i32
        %add3A_1913 = arith.addi %mul3A_853, %add3A_1912 : i32
        %get3A_1914 = arith.constant 1 : i32
        %get3A_1915 = arith.index_cast %get3A_1914 : i32 to index
        %get3A_1916 = arith.index_cast %add3A_1913 : i32 to index
        %get3A_1917 = arith.constant 48 : index
        %get3A_1918 = tpu.vector_load %arg6[%get3A_1915, %get3A_1916, %get3A_1917] {strides = array<i32>} : memref<2x800x64xf32, #tpu.memory_space<vmem>>, vector<1x1x16xf32>,
        %get3A_1919 = vector.shape_cast %get3A_1918 : vector<1x1x16xf32> to vector<16xf32>
        %add3A_1920 = arith.addf %add3A_1884, %get3A_1919 : vector<16xf32>
        %add3A_1921 = arith.constant 30 : i32
        %add3A_1922 = arith.addi %mul3A_853, %add3A_1921 : i32
        %get3A_1923 = arith.constant 1 : i32
        %get3A_1924 = arith.index_cast %get3A_1923 : i32 to index
        %get3A_1925 = arith.index_cast %add3A_1922 : i32 to index
        %get3A_1926 = arith.constant 0 : index
        %get3A_1927 = tpu.vector_load %arg6[%get3A_1924, %get3A_1925, %get3A_1926] {strides = array<i32>} : memref<2x800x64xf32, #tpu.memory_space<vmem>>, vector<1x1x16xf32>,
        %get3A_1928 = vector.shape_cast %get3A_1927 : vector<1x1x16xf32> to vector<16xf32>
        %add3A_1929 = arith.addf %add3A_1893, %get3A_1928 : vector<16xf32>
        %add3A_1930 = arith.constant 30 : i32
        %add3A_1931 = arith.addi %mul3A_853, %add3A_1930 : i32
        %get3A_1932 = arith.constant 1 : i32
        %get3A_1933 = arith.index_cast %get3A_1932 : i32 to index
        %get3A_1934 = arith.index_cast %add3A_1931 : i32 to index
        %get3A_1935 = arith.constant 16 : index
        %get3A_1936 = tpu.vector_load %arg6[%get3A_1933, %get3A_1934, %get3A_1935] {strides = array<i32>} : memref<2x800x64xf32, #tpu.memory_space<vmem>>, vector<1x1x16xf32>,
        %get3A_1937 = vector.shape_cast %get3A_1936 : vector<1x1x16xf32> to vector<16xf32>
        %add3A_1938 = arith.addf %add3A_1902, %get3A_1937 : vector<16xf32>
        %add3A_1939 = arith.constant 30 : i32
        %add3A_1940 = arith.addi %mul3A_853, %add3A_1939 : i32
        %get3A_1941 = arith.constant 1 : i32
        %get3A_1942 = arith.index_cast %get3A_1941 : i32 to index
        %get3A_1943 = arith.index_cast %add3A_1940 : i32 to index
        %get3A_1944 = arith.constant 32 : index
        %get3A_1945 = tpu.vector_load %arg6[%get3A_1942, %get3A_1943, %get3A_1944] {strides = array<i32>} : memref<2x800x64xf32, #tpu.memory_space<vmem>>, vector<1x1x16xf32>,
        %get3A_1946 = vector.shape_cast %get3A_1945 : vector<1x1x16xf32> to vector<16xf32>
        %add3A_1947 = arith.addf %add3A_1911, %get3A_1946 : vector<16xf32>
        %add3A_1948 = arith.constant 30 : i32
        %add3A_1949 = arith.addi %mul3A_853, %add3A_1948 : i32
        %get3A_1950 = arith.constant 1 : i32
        %get3A_1951 = arith.index_cast %get3A_1950 : i32 to index
        %get3A_1952 = arith.index_cast %add3A_1949 : i32 to index
        %get3A_1953 = arith.constant 48 : index
        %get3A_1954 = tpu.vector_load %arg6[%get3A_1951, %get3A_1952, %get3A_1953] {strides = array<i32>} : memref<2x800x64xf32, #tpu.memory_space<vmem>>, vector<1x1x16xf32>,
        %get3A_1955 = vector.shape_cast %get3A_1954 : vector<1x1x16xf32> to vector<16xf32>
        %add3A_1956 = arith.addf %add3A_1920, %get3A_1955 : vector<16xf32>
        %add3A_1957 = arith.constant 31 : i32
        %add3A_1958 = arith.addi %mul3A_853, %add3A_1957 : i32
        %get3A_1959 = arith.constant 1 : i32
        %get3A_1960 = arith.index_cast %get3A_1959 : i32 to index
        %get3A_1961 = arith.index_cast %add3A_1958 : i32 to index
        %get3A_1962 = arith.constant 0 : index
        %get3A_1963 = tpu.vector_load %arg6[%get3A_1960, %get3A_1961, %get3A_1962] {strides = array<i32>} : memref<2x800x64xf32, #tpu.memory_space<vmem>>, vector<1x1x16xf32>,
        %get3A_1964 = vector.shape_cast %get3A_1963 : vector<1x1x16xf32> to vector<16xf32>
        %add3A_1965 = arith.addf %add3A_1929, %get3A_1964 : vector<16xf32>
        %add3A_1966 = arith.constant 31 : i32
        %add3A_1967 = arith.addi %mul3A_853, %add3A_1966 : i32
        %get3A_1968 = arith.constant 1 : i32
        %get3A_1969 = arith.index_cast %get3A_1968 : i32 to index
        %get3A_1970 = arith.index_cast %add3A_1967 : i32 to index
        %get3A_1971 = arith.constant 16 : index
        %get3A_1972 = tpu.vector_load %arg6[%get3A_1969, %get3A_1970, %get3A_1971] {strides = array<i32>} : memref<2x800x64xf32, #tpu.memory_space<vmem>>, vector<1x1x16xf32>,
        %get3A_1973 = vector.shape_cast %get3A_1972 : vector<1x1x16xf32> to vector<16xf32>
        %add3A_1974 = arith.addf %add3A_1938, %get3A_1973 : vector<16xf32>
        %add3A_1975 = arith.constant 31 : i32
        %add3A_1976 = arith.addi %mul3A_853, %add3A_1975 : i32
        %get3A_1977 = arith.constant 1 : i32
        %get3A_1978 = arith.index_cast %get3A_1977 : i32 to index
        %get3A_1979 = arith.index_cast %add3A_1976 : i32 to index
        %get3A_1980 = arith.constant 32 : index
        %get3A_1981 = tpu.vector_load %arg6[%get3A_1978, %get3A_1979, %get3A_1980] {strides = array<i32>} : memref<2x800x64xf32, #tpu.memory_space<vmem>>, vector<1x1x16xf32>,
        %get3A_1982 = vector.shape_cast %get3A_1981 : vector<1x1x16xf32> to vector<16xf32>
        %add3A_1983 = arith.addf %add3A_1947, %get3A_1982 : vector<16xf32>
        %add3A_1984 = arith.constant 31 : i32
        %add3A_1985 = arith.addi %mul3A_853, %add3A_1984 : i32
        %get3A_1986 = arith.constant 1 : i32
        %get3A_1987 = arith.index_cast %get3A_1986 : i32 to index
        %get3A_1988 = arith.index_cast %add3A_1985 : i32 to index
        %get3A_1989 = arith.constant 48 : index
        %get3A_1990 = tpu.vector_load %arg6[%get3A_1987, %get3A_1988, %get3A_1989] {strides = array<i32>} : memref<2x800x64xf32, #tpu.memory_space<vmem>>, vector<1x1x16xf32>,
        %get3A_1991 = vector.shape_cast %get3A_1990 : vector<1x1x16xf32> to vector<16xf32>
        %add3A_1992 = arith.addf %add3A_1956, %get3A_1991 : vector<16xf32>
        %add3A_1993 = arith.constant 32 : i32
        %add3A_1994 = arith.addi %mul3A_853, %add3A_1993 : i32
        %get3A_1995 = arith.constant 1 : i32
        %get3A_1996 = arith.index_cast %get3A_1995 : i32 to index
        %get3A_1997 = arith.index_cast %add3A_1994 : i32 to index
        %get3A_1998 = arith.constant 0 : index
        %get3A_1999 = tpu.vector_load %arg6[%get3A_1996, %get3A_1997, %get3A_1998] {strides = array<i32>} : memref<2x800x64xf32, #tpu.memory_space<vmem>>, vector<1x1x16xf32>,
        %get3A_2000 = vector.shape_cast %get3A_1999 : vector<1x1x16xf32> to vector<16xf32>
        %add3A_2001 = arith.addf %add3A_1965, %get3A_2000 : vector<16xf32>
        %add3A_2002 = arith.constant 32 : i32
        %add3A_2003 = arith.addi %mul3A_853, %add3A_2002 : i32
        %get3A_2004 = arith.constant 1 : i32
        %get3A_2005 = arith.index_cast %get3A_2004 : i32 to index
        %get3A_2006 = arith.index_cast %add3A_2003 : i32 to index
        %get3A_2007 = arith.constant 16 : index
        %get3A_2008 = tpu.vector_load %arg6[%get3A_2005, %get3A_2006, %get3A_2007] {strides = array<i32>} : memref<2x800x64xf32, #tpu.memory_space<vmem>>, vector<1x1x16xf32>,
        %get3A_2009 = vector.shape_cast %get3A_2008 : vector<1x1x16xf32> to vector<16xf32>
        %add3A_2010 = arith.addf %add3A_1974, %get3A_2009 : vector<16xf32>
        %add3A_2011 = arith.constant 32 : i32
        %add3A_2012 = arith.addi %mul3A_853, %add3A_2011 : i32
        %get3A_2013 = arith.constant 1 : i32
        %get3A_2014 = arith.index_cast %get3A_2013 : i32 to index
        %get3A_2015 = arith.index_cast %add3A_2012 : i32 to index
        %get3A_2016 = arith.constant 32 : index
        %get3A_2017 = tpu.vector_load %arg6[%get3A_2014, %get3A_2015, %get3A_2016] {strides = array<i32>} : memref<2x800x64xf32, #tpu.memory_space<vmem>>, vector<1x1x16xf32>,
        %get3A_2018 = vector.shape_cast %get3A_2017 : vector<1x1x16xf32> to vector<16xf32>
        %add3A_2019 = arith.addf %add3A_1983, %get3A_2018 : vector<16xf32>
        %add3A_2020 = arith.constant 32 : i32
        %add3A_2021 = arith.addi %mul3A_853, %add3A_2020 : i32
        %get3A_2022 = arith.constant 1 : i32
        %get3A_2023 = arith.index_cast %get3A_2022 : i32 to index
        %get3A_2024 = arith.index_cast %add3A_2021 : i32 to index
        %get3A_2025 = arith.constant 48 : index
        %get3A_2026 = tpu.vector_load %arg6[%get3A_2023, %get3A_2024, %get3A_2025] {strides = array<i32>} : memref<2x800x64xf32, #tpu.memory_space<vmem>>, vector<1x1x16xf32>,
        %get3A_2027 = vector.shape_cast %get3A_2026 : vector<1x1x16xf32> to vector<16xf32>
        %add3A_2028 = arith.addf %add3A_1992, %get3A_2027 : vector<16xf32>
        %add3A_2029 = arith.constant 33 : i32
        %add3A_2030 = arith.addi %mul3A_853, %add3A_2029 : i32
        %get3A_2031 = arith.constant 1 : i32
        %get3A_2032 = arith.index_cast %get3A_2031 : i32 to index
        %get3A_2033 = arith.index_cast %add3A_2030 : i32 to index
        %get3A_2034 = arith.constant 0 : index
        %get3A_2035 = tpu.vector_load %arg6[%get3A_2032, %get3A_2033, %get3A_2034] {strides = array<i32>} : memref<2x800x64xf32, #tpu.memory_space<vmem>>, vector<1x1x16xf32>,
        %get3A_2036 = vector.shape_cast %get3A_2035 : vector<1x1x16xf32> to vector<16xf32>
        %add3A_2037 = arith.addf %add3A_2001, %get3A_2036 : vector<16xf32>
        %add3A_2038 = arith.constant 33 : i32
        %add3A_2039 = arith.addi %mul3A_853, %add3A_2038 : i32
        %get3A_2040 = arith.constant 1 : i32
        %get3A_2041 = arith.index_cast %get3A_2040 : i32 to index
        %get3A_2042 = arith.index_cast %add3A_2039 : i32 to index
        %get3A_2043 = arith.constant 16 : index
        %get3A_2044 = tpu.vector_load %arg6[%get3A_2041, %get3A_2042, %get3A_2043] {strides = array<i32>} : memref<2x800x64xf32, #tpu.memory_space<vmem>>, vector<1x1x16xf32>,
        %get3A_2045 = vector.shape_cast %get3A_2044 : vector<1x1x16xf32> to vector<16xf32>
        %add3A_2046 = arith.addf %add3A_2010, %get3A_2045 : vector<16xf32>
        %add3A_2047 = arith.constant 33 : i32
        %add3A_2048 = arith.addi %mul3A_853, %add3A_2047 : i32
        %get3A_2049 = arith.constant 1 : i32
        %get3A_2050 = arith.index_cast %get3A_2049 : i32 to index
        %get3A_2051 = arith.index_cast %add3A_2048 : i32 to index
        %get3A_2052 = arith.constant 32 : index
        %get3A_2053 = tpu.vector_load %arg6[%get3A_2050, %get3A_2051, %get3A_2052] {strides = array<i32>} : memref<2x800x64xf32, #tpu.memory_space<vmem>>, vector<1x1x16xf32>,
        %get3A_2054 = vector.shape_cast %get3A_2053 : vector<1x1x16xf32> to vector<16xf32>
        %add3A_2055 = arith.addf %add3A_2019, %get3A_2054 : vector<16xf32>
        %add3A_2056 = arith.constant 33 : i32
        %add3A_2057 = arith.addi %mul3A_853, %add3A_2056 : i32
        %get3A_2058 = arith.constant 1 : i32
        %get3A_2059 = arith.index_cast %get3A_2058 : i32 to index
        %get3A_2060 = arith.index_cast %add3A_2057 : i32 to index
        %get3A_2061 = arith.constant 48 : index
        %get3A_2062 = tpu.vector_load %arg6[%get3A_2059, %get3A_2060, %get3A_2061] {strides = array<i32>} : memref<2x800x64xf32, #tpu.memory_space<vmem>>, vector<1x1x16xf32>,
        %get3A_2063 = vector.shape_cast %get3A_2062 : vector<1x1x16xf32> to vector<16xf32>
        %add3A_2064 = arith.addf %add3A_2028, %get3A_2063 : vector<16xf32>
        %add3A_2065 = arith.constant 34 : i32
        %add3A_2066 = arith.addi %mul3A_853, %add3A_2065 : i32
        %get3A_2067 = arith.constant 1 : i32
        %get3A_2068 = arith.index_cast %get3A_2067 : i32 to index
        %get3A_2069 = arith.index_cast %add3A_2066 : i32 to index
        %get3A_2070 = arith.constant 0 : index
        %get3A_2071 = tpu.vector_load %arg6[%get3A_2068, %get3A_2069, %get3A_2070] {strides = array<i32>} : memref<2x800x64xf32, #tpu.memory_space<vmem>>, vector<1x1x16xf32>,
        %get3A_2072 = vector.shape_cast %get3A_2071 : vector<1x1x16xf32> to vector<16xf32>
        %add3A_2073 = arith.addf %add3A_2037, %get3A_2072 : vector<16xf32>
        %add3A_2074 = arith.constant 34 : i32
        %add3A_2075 = arith.addi %mul3A_853, %add3A_2074 : i32
        %get3A_2076 = arith.constant 1 : i32
        %get3A_2077 = arith.index_cast %get3A_2076 : i32 to index
        %get3A_2078 = arith.index_cast %add3A_2075 : i32 to index
        %get3A_2079 = arith.constant 16 : index
        %get3A_2080 = tpu.vector_load %arg6[%get3A_2077, %get3A_2078, %get3A_2079] {strides = array<i32>} : memref<2x800x64xf32, #tpu.memory_space<vmem>>, vector<1x1x16xf32>,
        %get3A_2081 = vector.shape_cast %get3A_2080 : vector<1x1x16xf32> to vector<16xf32>
        %add3A_2082 = arith.addf %add3A_2046, %get3A_2081 : vector<16xf32>
        %add3A_2083 = arith.constant 34 : i32
        %add3A_2084 = arith.addi %mul3A_853, %add3A_2083 : i32
        %get3A_2085 = arith.constant 1 : i32
        %get3A_2086 = arith.index_cast %get3A_2085 : i32 to index
        %get3A_2087 = arith.index_cast %add3A_2084 : i32 to index
        %get3A_2088 = arith.constant 32 : index
        %get3A_2089 = tpu.vector_load %arg6[%get3A_2086, %get3A_2087, %get3A_2088] {strides = array<i32>} : memref<2x800x64xf32, #tpu.memory_space<vmem>>, vector<1x1x16xf32>,
        %get3A_2090 = vector.shape_cast %get3A_2089 : vector<1x1x16xf32> to vector<16xf32>
        %add3A_2091 = arith.addf %add3A_2055, %get3A_2090 : vector<16xf32>
        %add3A_2092 = arith.constant 34 : i32
        %add3A_2093 = arith.addi %mul3A_853, %add3A_2092 : i32
        %get3A_2094 = arith.constant 1 : i32
        %get3A_2095 = arith.index_cast %get3A_2094 : i32 to index
        %get3A_2096 = arith.index_cast %add3A_2093 : i32 to index
        %get3A_2097 = arith.constant 48 : index
        %get3A_2098 = tpu.vector_load %arg6[%get3A_2095, %get3A_2096, %get3A_2097] {strides = array<i32>} : memref<2x800x64xf32, #tpu.memory_space<vmem>>, vector<1x1x16xf32>,
        %get3A_2099 = vector.shape_cast %get3A_2098 : vector<1x1x16xf32> to vector<16xf32>
        %add3A_2100 = arith.addf %add3A_2064, %get3A_2099 : vector<16xf32>
        %add3A_2101 = arith.constant 35 : i32
        %add3A_2102 = arith.addi %mul3A_853, %add3A_2101 : i32
        %get3A_2103 = arith.constant 1 : i32
        %get3A_2104 = arith.index_cast %get3A_2103 : i32 to index
        %get3A_2105 = arith.index_cast %add3A_2102 : i32 to index
        %get3A_2106 = arith.constant 0 : index
        %get3A_2107 = tpu.vector_load %arg6[%get3A_2104, %get3A_2105, %get3A_2106] {strides = array<i32>} : memref<2x800x64xf32, #tpu.memory_space<vmem>>, vector<1x1x16xf32>,
        %get3A_2108 = vector.shape_cast %get3A_2107 : vector<1x1x16xf32> to vector<16xf32>
        %add3A_2109 = arith.addf %add3A_2073, %get3A_2108 : vector<16xf32>
        %add3A_2110 = arith.constant 35 : i32
        %add3A_2111 = arith.addi %mul3A_853, %add3A_2110 : i32
        %get3A_2112 = arith.constant 1 : i32
        %get3A_2113 = arith.index_cast %get3A_2112 : i32 to index
        %get3A_2114 = arith.index_cast %add3A_2111 : i32 to index
        %get3A_2115 = arith.constant 16 : index
        %get3A_2116 = tpu.vector_load %arg6[%get3A_2113, %get3A_2114, %get3A_2115] {strides = array<i32>} : memref<2x800x64xf32, #tpu.memory_space<vmem>>, vector<1x1x16xf32>,
        %get3A_2117 = vector.shape_cast %get3A_2116 : vector<1x1x16xf32> to vector<16xf32>
        %add3A_2118 = arith.addf %add3A_2082, %get3A_2117 : vector<16xf32>
        %add3A_2119 = arith.constant 35 : i32
        %add3A_2120 = arith.addi %mul3A_853, %add3A_2119 : i32
        %get3A_2121 = arith.constant 1 : i32
        %get3A_2122 = arith.index_cast %get3A_2121 : i32 to index
        %get3A_2123 = arith.index_cast %add3A_2120 : i32 to index
        %get3A_2124 = arith.constant 32 : index
        %get3A_2125 = tpu.vector_load %arg6[%get3A_2122, %get3A_2123, %get3A_2124] {strides = array<i32>} : memref<2x800x64xf32, #tpu.memory_space<vmem>>, vector<1x1x16xf32>,
        %get3A_2126 = vector.shape_cast %get3A_2125 : vector<1x1x16xf32> to vector<16xf32>
        %add3A_2127 = arith.addf %add3A_2091, %get3A_2126 : vector<16xf32>
        %add3A_2128 = arith.constant 35 : i32
        %add3A_2129 = arith.addi %mul3A_853, %add3A_2128 : i32
        %get3A_2130 = arith.constant 1 : i32
        %get3A_2131 = arith.index_cast %get3A_2130 : i32 to index
        %get3A_2132 = arith.index_cast %add3A_2129 : i32 to index
        %get3A_2133 = arith.constant 48 : index
        %get3A_2134 = tpu.vector_load %arg6[%get3A_2131, %get3A_2132, %get3A_2133] {strides = array<i32>} : memref<2x800x64xf32, #tpu.memory_space<vmem>>, vector<1x1x16xf32>,
        %get3A_2135 = vector.shape_cast %get3A_2134 : vector<1x1x16xf32> to vector<16xf32>
        %add3A_2136 = arith.addf %add3A_2100, %get3A_2135 : vector<16xf32>
        %add3A_2137 = arith.constant 36 : i32
        %add3A_2138 = arith.addi %mul3A_853, %add3A_2137 : i32
        %get3A_2139 = arith.constant 1 : i32
        %get3A_2140 = arith.index_cast %get3A_2139 : i32 to index
        %get3A_2141 = arith.index_cast %add3A_2138 : i32 to index
        %get3A_2142 = arith.constant 0 : index
        %get3A_2143 = tpu.vector_load %arg6[%get3A_2140, %get3A_2141, %get3A_2142] {strides = array<i32>} : memref<2x800x64xf32, #tpu.memory_space<vmem>>, vector<1x1x16xf32>,
        %get3A_2144 = vector.shape_cast %get3A_2143 : vector<1x1x16xf32> to vector<16xf32>
        %add3A_2145 = arith.addf %add3A_2109, %get3A_2144 : vector<16xf32>
        %add3A_2146 = arith.constant 36 : i32
        %add3A_2147 = arith.addi %mul3A_853, %add3A_2146 : i32
        %get3A_2148 = arith.constant 1 : i32
        %get3A_2149 = arith.index_cast %get3A_2148 : i32 to index
        %get3A_2150 = arith.index_cast %add3A_2147 : i32 to index
        %get3A_2151 = arith.constant 16 : index
        %get3A_2152 = tpu.vector_load %arg6[%get3A_2149, %get3A_2150, %get3A_2151] {strides = array<i32>} : memref<2x800x64xf32, #tpu.memory_space<vmem>>, vector<1x1x16xf32>,
        %get3A_2153 = vector.shape_cast %get3A_2152 : vector<1x1x16xf32> to vector<16xf32>
        %add3A_2154 = arith.addf %add3A_2118, %get3A_2153 : vector<16xf32>
        %add3A_2155 = arith.constant 36 : i32
        %add3A_2156 = arith.addi %mul3A_853, %add3A_2155 : i32
        %get3A_2157 = arith.constant 1 : i32
        %get3A_2158 = arith.index_cast %get3A_2157 : i32 to index
        %get3A_2159 = arith.index_cast %add3A_2156 : i32 to index
        %get3A_2160 = arith.constant 32 : index
        %get3A_2161 = tpu.vector_load %arg6[%get3A_2158, %get3A_2159, %get3A_2160] {strides = array<i32>} : memref<2x800x64xf32, #tpu.memory_space<vmem>>, vector<1x1x16xf32>,
        %get3A_2162 = vector.shape_cast %get3A_2161 : vector<1x1x16xf32> to vector<16xf32>
        %add3A_2163 = arith.addf %add3A_2127, %get3A_2162 : vector<16xf32>
        %add3A_2164 = arith.constant 36 : i32
        %add3A_2165 = arith.addi %mul3A_853, %add3A_2164 : i32
        %get3A_2166 = arith.constant 1 : i32
        %get3A_2167 = arith.index_cast %get3A_2166 : i32 to index
        %get3A_2168 = arith.index_cast %add3A_2165 : i32 to index
        %get3A_2169 = arith.constant 48 : index
        %get3A_2170 = tpu.vector_load %arg6[%get3A_2167, %get3A_2168, %get3A_2169] {strides = array<i32>} : memref<2x800x64xf32, #tpu.memory_space<vmem>>, vector<1x1x16xf32>,
        %get3A_2171 = vector.shape_cast %get3A_2170 : vector<1x1x16xf32> to vector<16xf32>
        %add3A_2172 = arith.addf %add3A_2136, %get3A_2171 : vector<16xf32>
        %add3A_2173 = arith.constant 37 : i32
        %add3A_2174 = arith.addi %mul3A_853, %add3A_2173 : i32
        %get3A_2175 = arith.constant 1 : i32
        %get3A_2176 = arith.index_cast %get3A_2175 : i32 to index
        %get3A_2177 = arith.index_cast %add3A_2174 : i32 to index
        %get3A_2178 = arith.constant 0 : index
        %get3A_2179 = tpu.vector_load %arg6[%get3A_2176, %get3A_2177, %get3A_2178] {strides = array<i32>} : memref<2x800x64xf32, #tpu.memory_space<vmem>>, vector<1x1x16xf32>,
        %get3A_2180 = vector.shape_cast %get3A_2179 : vector<1x1x16xf32> to vector<16xf32>
        %add3A_2181 = arith.addf %add3A_2145, %get3A_2180 : vector<16xf32>
        %add3A_2182 = arith.constant 37 : i32
        %add3A_2183 = arith.addi %mul3A_853, %add3A_2182 : i32
        %get3A_2184 = arith.constant 1 : i32
        %get3A_2185 = arith.index_cast %get3A_2184 : i32 to index
        %get3A_2186 = arith.index_cast %add3A_2183 : i32 to index
        %get3A_2187 = arith.constant 16 : index
        %get3A_2188 = tpu.vector_load %arg6[%get3A_2185, %get3A_2186, %get3A_2187] {strides = array<i32>} : memref<2x800x64xf32, #tpu.memory_space<vmem>>, vector<1x1x16xf32>,
        %get3A_2189 = vector.shape_cast %get3A_2188 : vector<1x1x16xf32> to vector<16xf32>
        %add3A_2190 = arith.addf %add3A_2154, %get3A_2189 : vector<16xf32>
        %add3A_2191 = arith.constant 37 : i32
        %add3A_2192 = arith.addi %mul3A_853, %add3A_2191 : i32
        %get3A_2193 = arith.constant 1 : i32
        %get3A_2194 = arith.index_cast %get3A_2193 : i32 to index
        %get3A_2195 = arith.index_cast %add3A_2192 : i32 to index
        %get3A_2196 = arith.constant 32 : index
        %get3A_2197 = tpu.vector_load %arg6[%get3A_2194, %get3A_2195, %get3A_2196] {strides = array<i32>} : memref<2x800x64xf32, #tpu.memory_space<vmem>>, vector<1x1x16xf32>,
        %get3A_2198 = vector.shape_cast %get3A_2197 : vector<1x1x16xf32> to vector<16xf32>
        %add3A_2199 = arith.addf %add3A_2163, %get3A_2198 : vector<16xf32>
        %add3A_2200 = arith.constant 37 : i32
        %add3A_2201 = arith.addi %mul3A_853, %add3A_2200 : i32
        %get3A_2202 = arith.constant 1 : i32
        %get3A_2203 = arith.index_cast %get3A_2202 : i32 to index
        %get3A_2204 = arith.index_cast %add3A_2201 : i32 to index
        %get3A_2205 = arith.constant 48 : index
        %get3A_2206 = tpu.vector_load %arg6[%get3A_2203, %get3A_2204, %get3A_2205] {strides = array<i32>} : memref<2x800x64xf32, #tpu.memory_space<vmem>>, vector<1x1x16xf32>,
        %get3A_2207 = vector.shape_cast %get3A_2206 : vector<1x1x16xf32> to vector<16xf32>
        %add3A_2208 = arith.addf %add3A_2172, %get3A_2207 : vector<16xf32>
        %add3A_2209 = arith.constant 38 : i32
        %add3A_2210 = arith.addi %mul3A_853, %add3A_2209 : i32
        %get3A_2211 = arith.constant 1 : i32
        %get3A_2212 = arith.index_cast %get3A_2211 : i32 to index
        %get3A_2213 = arith.index_cast %add3A_2210 : i32 to index
        %get3A_2214 = arith.constant 0 : index
        %get3A_2215 = tpu.vector_load %arg6[%get3A_2212, %get3A_2213, %get3A_2214] {strides = array<i32>} : memref<2x800x64xf32, #tpu.memory_space<vmem>>, vector<1x1x16xf32>,
        %get3A_2216 = vector.shape_cast %get3A_2215 : vector<1x1x16xf32> to vector<16xf32>
        %add3A_2217 = arith.addf %add3A_2181, %get3A_2216 : vector<16xf32>
        %add3A_2218 = arith.constant 38 : i32
        %add3A_2219 = arith.addi %mul3A_853, %add3A_2218 : i32
        %get3A_2220 = arith.constant 1 : i32
        %get3A_2221 = arith.index_cast %get3A_2220 : i32 to index
        %get3A_2222 = arith.index_cast %add3A_2219 : i32 to index
        %get3A_2223 = arith.constant 16 : index
        %get3A_2224 = tpu.vector_load %arg6[%get3A_2221, %get3A_2222, %get3A_2223] {strides = array<i32>} : memref<2x800x64xf32, #tpu.memory_space<vmem>>, vector<1x1x16xf32>,
        %get3A_2225 = vector.shape_cast %get3A_2224 : vector<1x1x16xf32> to vector<16xf32>
        %add3A_2226 = arith.addf %add3A_2190, %get3A_2225 : vector<16xf32>
        %add3A_2227 = arith.constant 38 : i32
        %add3A_2228 = arith.addi %mul3A_853, %add3A_2227 : i32
        %get3A_2229 = arith.constant 1 : i32
        %get3A_2230 = arith.index_cast %get3A_2229 : i32 to index
        %get3A_2231 = arith.index_cast %add3A_2228 : i32 to index
        %get3A_2232 = arith.constant 32 : index
        %get3A_2233 = tpu.vector_load %arg6[%get3A_2230, %get3A_2231, %get3A_2232] {strides = array<i32>} : memref<2x800x64xf32, #tpu.memory_space<vmem>>, vector<1x1x16xf32>,
        %get3A_2234 = vector.shape_cast %get3A_2233 : vector<1x1x16xf32> to vector<16xf32>
        %add3A_2235 = arith.addf %add3A_2199, %get3A_2234 : vector<16xf32>
        %add3A_2236 = arith.constant 38 : i32
        %add3A_2237 = arith.addi %mul3A_853, %add3A_2236 : i32
        %get3A_2238 = arith.constant 1 : i32
        %get3A_2239 = arith.index_cast %get3A_2238 : i32 to index
        %get3A_2240 = arith.index_cast %add3A_2237 : i32 to index
        %get3A_2241 = arith.constant 48 : index
        %get3A_2242 = tpu.vector_load %arg6[%get3A_2239, %get3A_2240, %get3A_2241] {strides = array<i32>} : memref<2x800x64xf32, #tpu.memory_space<vmem>>, vector<1x1x16xf32>,
        %get3A_2243 = vector.shape_cast %get3A_2242 : vector<1x1x16xf32> to vector<16xf32>
        %add3A_2244 = arith.addf %add3A_2208, %get3A_2243 : vector<16xf32>
        %add3A_2245 = arith.constant 39 : i32
        %add3A_2246 = arith.addi %mul3A_853, %add3A_2245 : i32
        %get3A_2247 = arith.constant 1 : i32
        %get3A_2248 = arith.index_cast %get3A_2247 : i32 to index
        %get3A_2249 = arith.index_cast %add3A_2246 : i32 to index
        %get3A_2250 = arith.constant 0 : index
        %get3A_2251 = tpu.vector_load %arg6[%get3A_2248, %get3A_2249, %get3A_2250] {strides = array<i32>} : memref<2x800x64xf32, #tpu.memory_space<vmem>>, vector<1x1x16xf32>,
        %get3A_2252 = vector.shape_cast %get3A_2251 : vector<1x1x16xf32> to vector<16xf32>
        %add3A_2253 = arith.addf %add3A_2217, %get3A_2252 : vector<16xf32>
        %add3A_2254 = arith.constant 39 : i32
        %add3A_2255 = arith.addi %mul3A_853, %add3A_2254 : i32
        %get3A_2256 = arith.constant 1 : i32
        %get3A_2257 = arith.index_cast %get3A_2256 : i32 to index
        %get3A_2258 = arith.index_cast %add3A_2255 : i32 to index
        %get3A_2259 = arith.constant 16 : index
        %get3A_2260 = tpu.vector_load %arg6[%get3A_2257, %get3A_2258, %get3A_2259] {strides = array<i32>} : memref<2x800x64xf32, #tpu.memory_space<vmem>>, vector<1x1x16xf32>,
        %get3A_2261 = vector.shape_cast %get3A_2260 : vector<1x1x16xf32> to vector<16xf32>
        %add3A_2262 = arith.addf %add3A_2226, %get3A_2261 : vector<16xf32>
        %add3A_2263 = arith.constant 39 : i32
        %add3A_2264 = arith.addi %mul3A_853, %add3A_2263 : i32
        %get3A_2265 = arith.constant 1 : i32
        %get3A_2266 = arith.index_cast %get3A_2265 : i32 to index
        %get3A_2267 = arith.index_cast %add3A_2264 : i32 to index
        %get3A_2268 = arith.constant 32 : index
        %get3A_2269 = tpu.vector_load %arg6[%get3A_2266, %get3A_2267, %get3A_2268] {strides = array<i32>} : memref<2x800x64xf32, #tpu.memory_space<vmem>>, vector<1x1x16xf32>,
        %get3A_2270 = vector.shape_cast %get3A_2269 : vector<1x1x16xf32> to vector<16xf32>
        %add3A_2271 = arith.addf %add3A_2235, %get3A_2270 : vector<16xf32>
        %add3A_2272 = arith.constant 39 : i32
        %add3A_2273 = arith.addi %mul3A_853, %add3A_2272 : i32
        %get3A_2274 = arith.constant 1 : i32
        %get3A_2275 = arith.index_cast %get3A_2274 : i32 to index
        %get3A_2276 = arith.index_cast %add3A_2273 : i32 to index
        %get3A_2277 = arith.constant 48 : index
        %get3A_2278 = tpu.vector_load %arg6[%get3A_2275, %get3A_2276, %get3A_2277] {strides = array<i32>} : memref<2x800x64xf32, #tpu.memory_space<vmem>>, vector<1x1x16xf32>,
        %get3A_2279 = vector.shape_cast %get3A_2278 : vector<1x1x16xf32> to vector<16xf32>
        %add3A_2280 = arith.addf %add3A_2244, %get3A_2279 : vector<16xf32>
        %add3A_2281 = arith.constant 40 : i32
        %add3A_2282 = arith.addi %mul3A_853, %add3A_2281 : i32
        %get3A_2283 = arith.constant 1 : i32
        %get3A_2284 = arith.index_cast %get3A_2283 : i32 to index
        %get3A_2285 = arith.index_cast %add3A_2282 : i32 to index
        %get3A_2286 = arith.constant 0 : index
        %get3A_2287 = tpu.vector_load %arg6[%get3A_2284, %get3A_2285, %get3A_2286] {strides = array<i32>} : memref<2x800x64xf32, #tpu.memory_space<vmem>>, vector<1x1x16xf32>,
        %get3A_2288 = vector.shape_cast %get3A_2287 : vector<1x1x16xf32> to vector<16xf32>
        %add3A_2289 = arith.addf %add3A_2253, %get3A_2288 : vector<16xf32>
        %add3A_2290 = arith.constant 40 : i32
        %add3A_2291 = arith.addi %mul3A_853, %add3A_2290 : i32
        %get3A_2292 = arith.constant 1 : i32
        %get3A_2293 = arith.index_cast %get3A_2292 : i32 to index
        %get3A_2294 = arith.index_cast %add3A_2291 : i32 to index
        %get3A_2295 = arith.constant 16 : index
        %get3A_2296 = tpu.vector_load %arg6[%get3A_2293, %get3A_2294, %get3A_2295] {strides = array<i32>} : memref<2x800x64xf32, #tpu.memory_space<vmem>>, vector<1x1x16xf32>,
        %get3A_2297 = vector.shape_cast %get3A_2296 : vector<1x1x16xf32> to vector<16xf32>
        %add3A_2298 = arith.addf %add3A_2262, %get3A_2297 : vector<16xf32>
        %add3A_2299 = arith.constant 40 : i32
        %add3A_2300 = arith.addi %mul3A_853, %add3A_2299 : i32
        %get3A_2301 = arith.constant 1 : i32
        %get3A_2302 = arith.index_cast %get3A_2301 : i32 to index
        %get3A_2303 = arith.index_cast %add3A_2300 : i32 to index
        %get3A_2304 = arith.constant 32 : index
        %get3A_2305 = tpu.vector_load %arg6[%get3A_2302, %get3A_2303, %get3A_2304] {strides = array<i32>} : memref<2x800x64xf32, #tpu.memory_space<vmem>>, vector<1x1x16xf32>,
        %get3A_2306 = vector.shape_cast %get3A_2305 : vector<1x1x16xf32> to vector<16xf32>
        %add3A_2307 = arith.addf %add3A_2271, %get3A_2306 : vector<16xf32>
        %add3A_2308 = arith.constant 40 : i32
        %add3A_2309 = arith.addi %mul3A_853, %add3A_2308 : i32
        %get3A_2310 = arith.constant 1 : i32
        %get3A_2311 = arith.index_cast %get3A_2310 : i32 to index
        %get3A_2312 = arith.index_cast %add3A_2309 : i32 to index
        %get3A_2313 = arith.constant 48 : index
        %get3A_2314 = tpu.vector_load %arg6[%get3A_2311, %get3A_2312, %get3A_2313] {strides = array<i32>} : memref<2x800x64xf32, #tpu.memory_space<vmem>>, vector<1x1x16xf32>,
        %get3A_2315 = vector.shape_cast %get3A_2314 : vector<1x1x16xf32> to vector<16xf32>
        %add3A_2316 = arith.addf %add3A_2280, %get3A_2315 : vector<16xf32>
        %add3A_2317 = arith.constant 41 : i32
        %add3A_2318 = arith.addi %mul3A_853, %add3A_2317 : i32
        %get3A_2319 = arith.constant 1 : i32
        %get3A_2320 = arith.index_cast %get3A_2319 : i32 to index
        %get3A_2321 = arith.index_cast %add3A_2318 : i32 to index
        %get3A_2322 = arith.constant 0 : index
        %get3A_2323 = tpu.vector_load %arg6[%get3A_2320, %get3A_2321, %get3A_2322] {strides = array<i32>} : memref<2x800x64xf32, #tpu.memory_space<vmem>>, vector<1x1x16xf32>,
        %get3A_2324 = vector.shape_cast %get3A_2323 : vector<1x1x16xf32> to vector<16xf32>
        %add3A_2325 = arith.addf %add3A_2289, %get3A_2324 : vector<16xf32>
        %add3A_2326 = arith.constant 41 : i32
        %add3A_2327 = arith.addi %mul3A_853, %add3A_2326 : i32
        %get3A_2328 = arith.constant 1 : i32
        %get3A_2329 = arith.index_cast %get3A_2328 : i32 to index
        %get3A_2330 = arith.index_cast %add3A_2327 : i32 to index
        %get3A_2331 = arith.constant 16 : index
        %get3A_2332 = tpu.vector_load %arg6[%get3A_2329, %get3A_2330, %get3A_2331] {strides = array<i32>} : memref<2x800x64xf32, #tpu.memory_space<vmem>>, vector<1x1x16xf32>,
        %get3A_2333 = vector.shape_cast %get3A_2332 : vector<1x1x16xf32> to vector<16xf32>
        %add3A_2334 = arith.addf %add3A_2298, %get3A_2333 : vector<16xf32>
        %add3A_2335 = arith.constant 41 : i32
        %add3A_2336 = arith.addi %mul3A_853, %add3A_2335 : i32
        %get3A_2337 = arith.constant 1 : i32
        %get3A_2338 = arith.index_cast %get3A_2337 : i32 to index
        %get3A_2339 = arith.index_cast %add3A_2336 : i32 to index
        %get3A_2340 = arith.constant 32 : index
        %get3A_2341 = tpu.vector_load %arg6[%get3A_2338, %get3A_2339, %get3A_2340] {strides = array<i32>} : memref<2x800x64xf32, #tpu.memory_space<vmem>>, vector<1x1x16xf32>,
        %get3A_2342 = vector.shape_cast %get3A_2341 : vector<1x1x16xf32> to vector<16xf32>
        %add3A_2343 = arith.addf %add3A_2307, %get3A_2342 : vector<16xf32>
        %add3A_2344 = arith.constant 41 : i32
        %add3A_2345 = arith.addi %mul3A_853, %add3A_2344 : i32
        %get3A_2346 = arith.constant 1 : i32
        %get3A_2347 = arith.index_cast %get3A_2346 : i32 to index
        %get3A_2348 = arith.index_cast %add3A_2345 : i32 to index
        %get3A_2349 = arith.constant 48 : index
        %get3A_2350 = tpu.vector_load %arg6[%get3A_2347, %get3A_2348, %get3A_2349] {strides = array<i32>} : memref<2x800x64xf32, #tpu.memory_space<vmem>>, vector<1x1x16xf32>,
        %get3A_2351 = vector.shape_cast %get3A_2350 : vector<1x1x16xf32> to vector<16xf32>
        %add3A_2352 = arith.addf %add3A_2316, %get3A_2351 : vector<16xf32>
        %add3A_2353 = arith.constant 42 : i32
        %add3A_2354 = arith.addi %mul3A_853, %add3A_2353 : i32
        %get3A_2355 = arith.constant 1 : i32
        %get3A_2356 = arith.index_cast %get3A_2355 : i32 to index
        %get3A_2357 = arith.index_cast %add3A_2354 : i32 to index
        %get3A_2358 = arith.constant 0 : index
        %get3A_2359 = tpu.vector_load %arg6[%get3A_2356, %get3A_2357, %get3A_2358] {strides = array<i32>} : memref<2x800x64xf32, #tpu.memory_space<vmem>>, vector<1x1x16xf32>,
        %get3A_2360 = vector.shape_cast %get3A_2359 : vector<1x1x16xf32> to vector<16xf32>
        %add3A_2361 = arith.addf %add3A_2325, %get3A_2360 : vector<16xf32>
        %add3A_2362 = arith.constant 42 : i32
        %add3A_2363 = arith.addi %mul3A_853, %add3A_2362 : i32
        %get3A_2364 = arith.constant 1 : i32
        %get3A_2365 = arith.index_cast %get3A_2364 : i32 to index
        %get3A_2366 = arith.index_cast %add3A_2363 : i32 to index
        %get3A_2367 = arith.constant 16 : index
        %get3A_2368 = tpu.vector_load %arg6[%get3A_2365, %get3A_2366, %get3A_2367] {strides = array<i32>} : memref<2x800x64xf32, #tpu.memory_space<vmem>>, vector<1x1x16xf32>,
        %get3A_2369 = vector.shape_cast %get3A_2368 : vector<1x1x16xf32> to vector<16xf32>
        %add3A_2370 = arith.addf %add3A_2334, %get3A_2369 : vector<16xf32>
        %add3A_2371 = arith.constant 42 : i32
        %add3A_2372 = arith.addi %mul3A_853, %add3A_2371 : i32
        %get3A_2373 = arith.constant 1 : i32
        %get3A_2374 = arith.index_cast %get3A_2373 : i32 to index
        %get3A_2375 = arith.index_cast %add3A_2372 : i32 to index
        %get3A_2376 = arith.constant 32 : index
        %get3A_2377 = tpu.vector_load %arg6[%get3A_2374, %get3A_2375, %get3A_2376] {strides = array<i32>} : memref<2x800x64xf32, #tpu.memory_space<vmem>>, vector<1x1x16xf32>,
        %get3A_2378 = vector.shape_cast %get3A_2377 : vector<1x1x16xf32> to vector<16xf32>
        %add3A_2379 = arith.addf %add3A_2343, %get3A_2378 : vector<16xf32>
        %add3A_2380 = arith.constant 42 : i32
        %add3A_2381 = arith.addi %mul3A_853, %add3A_2380 : i32
        %get3A_2382 = arith.constant 1 : i32
        %get3A_2383 = arith.index_cast %get3A_2382 : i32 to index
        %get3A_2384 = arith.index_cast %add3A_2381 : i32 to index
        %get3A_2385 = arith.constant 48 : index
        %get3A_2386 = tpu.vector_load %arg6[%get3A_2383, %get3A_2384, %get3A_2385] {strides = array<i32>} : memref<2x800x64xf32, #tpu.memory_space<vmem>>, vector<1x1x16xf32>,
        %get3A_2387 = vector.shape_cast %get3A_2386 : vector<1x1x16xf32> to vector<16xf32>
        %add3A_2388 = arith.addf %add3A_2352, %get3A_2387 : vector<16xf32>
        %add3A_2389 = arith.constant 43 : i32
        %add3A_2390 = arith.addi %mul3A_853, %add3A_2389 : i32
        %get3A_2391 = arith.constant 1 : i32
        %get3A_2392 = arith.index_cast %get3A_2391 : i32 to index
        %get3A_2393 = arith.index_cast %add3A_2390 : i32 to index
        %get3A_2394 = arith.constant 0 : index
        %get3A_2395 = tpu.vector_load %arg6[%get3A_2392, %get3A_2393, %get3A_2394] {strides = array<i32>} : memref<2x800x64xf32, #tpu.memory_space<vmem>>, vector<1x1x16xf32>,
        %get3A_2396 = vector.shape_cast %get3A_2395 : vector<1x1x16xf32> to vector<16xf32>
        %add3A_2397 = arith.addf %add3A_2361, %get3A_2396 : vector<16xf32>
        %add3A_2398 = arith.constant 43 : i32
        %add3A_2399 = arith.addi %mul3A_853, %add3A_2398 : i32
        %get3A_2400 = arith.constant 1 : i32
        %get3A_2401 = arith.index_cast %get3A_2400 : i32 to index
        %get3A_2402 = arith.index_cast %add3A_2399 : i32 to index
        %get3A_2403 = arith.constant 16 : index
        %get3A_2404 = tpu.vector_load %arg6[%get3A_2401, %get3A_2402, %get3A_2403] {strides = array<i32>} : memref<2x800x64xf32, #tpu.memory_space<vmem>>, vector<1x1x16xf32>,
        %get3A_2405 = vector.shape_cast %get3A_2404 : vector<1x1x16xf32> to vector<16xf32>
        %add3A_2406 = arith.addf %add3A_2370, %get3A_2405 : vector<16xf32>
        %add3A_2407 = arith.constant 43 : i32
        %add3A_2408 = arith.addi %mul3A_853, %add3A_2407 : i32
        %get3A_2409 = arith.constant 1 : i32
        %get3A_2410 = arith.index_cast %get3A_2409 : i32 to index
        %get3A_2411 = arith.index_cast %add3A_2408 : i32 to index
        %get3A_2412 = arith.constant 32 : index
        %get3A_2413 = tpu.vector_load %arg6[%get3A_2410, %get3A_2411, %get3A_2412] {strides = array<i32>} : memref<2x800x64xf32, #tpu.memory_space<vmem>>, vector<1x1x16xf32>,
        %get3A_2414 = vector.shape_cast %get3A_2413 : vector<1x1x16xf32> to vector<16xf32>
        %add3A_2415 = arith.addf %add3A_2379, %get3A_2414 : vector<16xf32>
        %add3A_2416 = arith.constant 43 : i32
        %add3A_2417 = arith.addi %mul3A_853, %add3A_2416 : i32
        %get3A_2418 = arith.constant 1 : i32
        %get3A_2419 = arith.index_cast %get3A_2418 : i32 to index
        %get3A_2420 = arith.index_cast %add3A_2417 : i32 to index
        %get3A_2421 = arith.constant 48 : index
        %get3A_2422 = tpu.vector_load %arg6[%get3A_2419, %get3A_2420, %get3A_2421] {strides = array<i32>} : memref<2x800x64xf32, #tpu.memory_space<vmem>>, vector<1x1x16xf32>,
        %get3A_2423 = vector.shape_cast %get3A_2422 : vector<1x1x16xf32> to vector<16xf32>
        %add3A_2424 = arith.addf %add3A_2388, %get3A_2423 : vector<16xf32>
        %add3A_2425 = arith.constant 44 : i32
        %add3A_2426 = arith.addi %mul3A_853, %add3A_2425 : i32
        %get3A_2427 = arith.constant 1 : i32
        %get3A_2428 = arith.index_cast %get3A_2427 : i32 to index
        %get3A_2429 = arith.index_cast %add3A_2426 : i32 to index
        %get3A_2430 = arith.constant 0 : index
        %get3A_2431 = tpu.vector_load %arg6[%get3A_2428, %get3A_2429, %get3A_2430] {strides = array<i32>} : memref<2x800x64xf32, #tpu.memory_space<vmem>>, vector<1x1x16xf32>,
        %get3A_2432 = vector.shape_cast %get3A_2431 : vector<1x1x16xf32> to vector<16xf32>
        %add3A_2433 = arith.addf %add3A_2397, %get3A_2432 : vector<16xf32>
        %add3A_2434 = arith.constant 44 : i32
        %add3A_2435 = arith.addi %mul3A_853, %add3A_2434 : i32
        %get3A_2436 = arith.constant 1 : i32
        %get3A_2437 = arith.index_cast %get3A_2436 : i32 to index
        %get3A_2438 = arith.index_cast %add3A_2435 : i32 to index
        %get3A_2439 = arith.constant 16 : index
        %get3A_2440 = tpu.vector_load %arg6[%get3A_2437, %get3A_2438, %get3A_2439] {strides = array<i32>} : memref<2x800x64xf32, #tpu.memory_space<vmem>>, vector<1x1x16xf32>,
        %get3A_2441 = vector.shape_cast %get3A_2440 : vector<1x1x16xf32> to vector<16xf32>
        %add3A_2442 = arith.addf %add3A_2406, %get3A_2441 : vector<16xf32>
        %add3A_2443 = arith.constant 44 : i32
        %add3A_2444 = arith.addi %mul3A_853, %add3A_2443 : i32
        %get3A_2445 = arith.constant 1 : i32
        %get3A_2446 = arith.index_cast %get3A_2445 : i32 to index
        %get3A_2447 = arith.index_cast %add3A_2444 : i32 to index
        %get3A_2448 = arith.constant 32 : index
        %get3A_2449 = tpu.vector_load %arg6[%get3A_2446, %get3A_2447, %get3A_2448] {strides = array<i32>} : memref<2x800x64xf32, #tpu.memory_space<vmem>>, vector<1x1x16xf32>,
        %get3A_2450 = vector.shape_cast %get3A_2449 : vector<1x1x16xf32> to vector<16xf32>
        %add3A_2451 = arith.addf %add3A_2415, %get3A_2450 : vector<16xf32>
        %add3A_2452 = arith.constant 44 : i32
        %add3A_2453 = arith.addi %mul3A_853, %add3A_2452 : i32
        %get3A_2454 = arith.constant 1 : i32
        %get3A_2455 = arith.index_cast %get3A_2454 : i32 to index
        %get3A_2456 = arith.index_cast %add3A_2453 : i32 to index
        %get3A_2457 = arith.constant 48 : index
        %get3A_2458 = tpu.vector_load %arg6[%get3A_2455, %get3A_2456, %get3A_2457] {strides = array<i32>} : memref<2x800x64xf32, #tpu.memory_space<vmem>>, vector<1x1x16xf32>,
        %get3A_2459 = vector.shape_cast %get3A_2458 : vector<1x1x16xf32> to vector<16xf32>
        %add3A_2460 = arith.addf %add3A_2424, %get3A_2459 : vector<16xf32>
        %add3A_2461 = arith.constant 45 : i32
        %add3A_2462 = arith.addi %mul3A_853, %add3A_2461 : i32
        %get3A_2463 = arith.constant 1 : i32
        %get3A_2464 = arith.index_cast %get3A_2463 : i32 to index
        %get3A_2465 = arith.index_cast %add3A_2462 : i32 to index
        %get3A_2466 = arith.constant 0 : index
        %get3A_2467 = tpu.vector_load %arg6[%get3A_2464, %get3A_2465, %get3A_2466] {strides = array<i32>} : memref<2x800x64xf32, #tpu.memory_space<vmem>>, vector<1x1x16xf32>,
        %get3A_2468 = vector.shape_cast %get3A_2467 : vector<1x1x16xf32> to vector<16xf32>
        %add3A_2469 = arith.addf %add3A_2433, %get3A_2468 : vector<16xf32>
        %add3A_2470 = arith.constant 45 : i32
        %add3A_2471 = arith.addi %mul3A_853, %add3A_2470 : i32
        %get3A_2472 = arith.constant 1 : i32
        %get3A_2473 = arith.index_cast %get3A_2472 : i32 to index
        %get3A_2474 = arith.index_cast %add3A_2471 : i32 to index
        %get3A_2475 = arith.constant 16 : index
        %get3A_2476 = tpu.vector_load %arg6[%get3A_2473, %get3A_2474, %get3A_2475] {strides = array<i32>} : memref<2x800x64xf32, #tpu.memory_space<vmem>>, vector<1x1x16xf32>,
        %get3A_2477 = vector.shape_cast %get3A_2476 : vector<1x1x16xf32> to vector<16xf32>
        %add3A_2478 = arith.addf %add3A_2442, %get3A_2477 : vector<16xf32>
        %add3A_2479 = arith.constant 45 : i32
        %add3A_2480 = arith.addi %mul3A_853, %add3A_2479 : i32
        %get3A_2481 = arith.constant 1 : i32
        %get3A_2482 = arith.index_cast %get3A_2481 : i32 to index
        %get3A_2483 = arith.index_cast %add3A_2480 : i32 to index
        %get3A_2484 = arith.constant 32 : index
        %get3A_2485 = tpu.vector_load %arg6[%get3A_2482, %get3A_2483, %get3A_2484] {strides = array<i32>} : memref<2x800x64xf32, #tpu.memory_space<vmem>>, vector<1x1x16xf32>,
        %get3A_2486 = vector.shape_cast %get3A_2485 : vector<1x1x16xf32> to vector<16xf32>
        %add3A_2487 = arith.addf %add3A_2451, %get3A_2486 : vector<16xf32>
        %add3A_2488 = arith.constant 45 : i32
        %add3A_2489 = arith.addi %mul3A_853, %add3A_2488 : i32
        %get3A_2490 = arith.constant 1 : i32
        %get3A_2491 = arith.index_cast %get3A_2490 : i32 to index
        %get3A_2492 = arith.index_cast %add3A_2489 : i32 to index
        %get3A_2493 = arith.constant 48 : index
        %get3A_2494 = tpu.vector_load %arg6[%get3A_2491, %get3A_2492, %get3A_2493] {strides = array<i32>} : memref<2x800x64xf32, #tpu.memory_space<vmem>>, vector<1x1x16xf32>,
        %get3A_2495 = vector.shape_cast %get3A_2494 : vector<1x1x16xf32> to vector<16xf32>
        %add3A_2496 = arith.addf %add3A_2460, %get3A_2495 : vector<16xf32>
        %add3A_2497 = arith.constant 46 : i32
        %add3A_2498 = arith.addi %mul3A_853, %add3A_2497 : i32
        %get3A_2499 = arith.constant 1 : i32
        %get3A_2500 = arith.index_cast %get3A_2499 : i32 to index
        %get3A_2501 = arith.index_cast %add3A_2498 : i32 to index
        %get3A_2502 = arith.constant 0 : index
        %get3A_2503 = tpu.vector_load %arg6[%get3A_2500, %get3A_2501, %get3A_2502] {strides = array<i32>} : memref<2x800x64xf32, #tpu.memory_space<vmem>>, vector<1x1x16xf32>,
        %get3A_2504 = vector.shape_cast %get3A_2503 : vector<1x1x16xf32> to vector<16xf32>
        %add3A_2505 = arith.addf %add3A_2469, %get3A_2504 : vector<16xf32>
        %add3A_2506 = arith.constant 46 : i32
        %add3A_2507 = arith.addi %mul3A_853, %add3A_2506 : i32
        %get3A_2508 = arith.constant 1 : i32
        %get3A_2509 = arith.index_cast %get3A_2508 : i32 to index
        %get3A_2510 = arith.index_cast %add3A_2507 : i32 to index
        %get3A_2511 = arith.constant 16 : index
        %get3A_2512 = tpu.vector_load %arg6[%get3A_2509, %get3A_2510, %get3A_2511] {strides = array<i32>} : memref<2x800x64xf32, #tpu.memory_space<vmem>>, vector<1x1x16xf32>,
        %get3A_2513 = vector.shape_cast %get3A_2512 : vector<1x1x16xf32> to vector<16xf32>
        %add3A_2514 = arith.addf %add3A_2478, %get3A_2513 : vector<16xf32>
        %add3A_2515 = arith.constant 46 : i32
        %add3A_2516 = arith.addi %mul3A_853, %add3A_2515 : i32
        %get3A_2517 = arith.constant 1 : i32
        %get3A_2518 = arith.index_cast %get3A_2517 : i32 to index
        %get3A_2519 = arith.index_cast %add3A_2516 : i32 to index
        %get3A_2520 = arith.constant 32 : index
        %get3A_2521 = tpu.vector_load %arg6[%get3A_2518, %get3A_2519, %get3A_2520] {strides = array<i32>} : memref<2x800x64xf32, #tpu.memory_space<vmem>>, vector<1x1x16xf32>,
        %get3A_2522 = vector.shape_cast %get3A_2521 : vector<1x1x16xf32> to vector<16xf32>
        %add3A_2523 = arith.addf %add3A_2487, %get3A_2522 : vector<16xf32>
        %add3A_2524 = arith.constant 46 : i32
        %add3A_2525 = arith.addi %mul3A_853, %add3A_2524 : i32
        %get3A_2526 = arith.constant 1 : i32
        %get3A_2527 = arith.index_cast %get3A_2526 : i32 to index
        %get3A_2528 = arith.index_cast %add3A_2525 : i32 to index
        %get3A_2529 = arith.constant 48 : index
        %get3A_2530 = tpu.vector_load %arg6[%get3A_2527, %get3A_2528, %get3A_2529] {strides = array<i32>} : memref<2x800x64xf32, #tpu.memory_space<vmem>>, vector<1x1x16xf32>,
        %get3A_2531 = vector.shape_cast %get3A_2530 : vector<1x1x16xf32> to vector<16xf32>
        %add3A_2532 = arith.addf %add3A_2496, %get3A_2531 : vector<16xf32>
        %add3A_2533 = arith.constant 47 : i32
        %add3A_2534 = arith.addi %mul3A_853, %add3A_2533 : i32
        %get3A_2535 = arith.constant 1 : i32
        %get3A_2536 = arith.index_cast %get3A_2535 : i32 to index
        %get3A_2537 = arith.index_cast %add3A_2534 : i32 to index
        %get3A_2538 = arith.constant 0 : index
        %get3A_2539 = tpu.vector_load %arg6[%get3A_2536, %get3A_2537, %get3A_2538] {strides = array<i32>} : memref<2x800x64xf32, #tpu.memory_space<vmem>>, vector<1x1x16xf32>,
        %get3A_2540 = vector.shape_cast %get3A_2539 : vector<1x1x16xf32> to vector<16xf32>
        %add3A_2541 = arith.addf %add3A_2505, %get3A_2540 : vector<16xf32>
        %add3A_2542 = arith.constant 47 : i32
        %add3A_2543 = arith.addi %mul3A_853, %add3A_2542 : i32
        %get3A_2544 = arith.constant 1 : i32
        %get3A_2545 = arith.index_cast %get3A_2544 : i32 to index
        %get3A_2546 = arith.index_cast %add3A_2543 : i32 to index
        %get3A_2547 = arith.constant 16 : index
        %get3A_2548 = tpu.vector_load %arg6[%get3A_2545, %get3A_2546, %get3A_2547] {strides = array<i32>} : memref<2x800x64xf32, #tpu.memory_space<vmem>>, vector<1x1x16xf32>,
        %get3A_2549 = vector.shape_cast %get3A_2548 : vector<1x1x16xf32> to vector<16xf32>
        %add3A_2550 = arith.addf %add3A_2514, %get3A_2549 : vector<16xf32>
        %add3A_2551 = arith.constant 47 : i32
        %add3A_2552 = arith.addi %mul3A_853, %add3A_2551 : i32
        %get3A_2553 = arith.constant 1 : i32
        %get3A_2554 = arith.index_cast %get3A_2553 : i32 to index
        %get3A_2555 = arith.index_cast %add3A_2552 : i32 to index
        %get3A_2556 = arith.constant 32 : index
        %get3A_2557 = tpu.vector_load %arg6[%get3A_2554, %get3A_2555, %get3A_2556] {strides = array<i32>} : memref<2x800x64xf32, #tpu.memory_space<vmem>>, vector<1x1x16xf32>,
        %get3A_2558 = vector.shape_cast %get3A_2557 : vector<1x1x16xf32> to vector<16xf32>
        %add3A_2559 = arith.addf %add3A_2523, %get3A_2558 : vector<16xf32>
        %add3A_2560 = arith.constant 47 : i32
        %add3A_2561 = arith.addi %mul3A_853, %add3A_2560 : i32
        %get3A_2562 = arith.constant 1 : i32
        %get3A_2563 = arith.index_cast %get3A_2562 : i32 to index
        %get3A_2564 = arith.index_cast %add3A_2561 : i32 to index
        %get3A_2565 = arith.constant 48 : index
        %get3A_2566 = tpu.vector_load %arg6[%get3A_2563, %get3A_2564, %get3A_2565] {strides = array<i32>} : memref<2x800x64xf32, #tpu.memory_space<vmem>>, vector<1x1x16xf32>,
        %get3A_2567 = vector.shape_cast %get3A_2566 : vector<1x1x16xf32> to vector<16xf32>
        %add3A_2568 = arith.addf %add3A_2532, %get3A_2567 : vector<16xf32>
        %add3A_2569 = arith.constant 48 : i32
        %add3A_2570 = arith.addi %mul3A_853, %add3A_2569 : i32
        %get3A_2571 = arith.constant 1 : i32
        %get3A_2572 = arith.index_cast %get3A_2571 : i32 to index
        %get3A_2573 = arith.index_cast %add3A_2570 : i32 to index
        %get3A_2574 = arith.constant 0 : index
        %get3A_2575 = tpu.vector_load %arg6[%get3A_2572, %get3A_2573, %get3A_2574] {strides = array<i32>} : memref<2x800x64xf32, #tpu.memory_space<vmem>>, vector<1x1x16xf32>,
        %get3A_2576 = vector.shape_cast %get3A_2575 : vector<1x1x16xf32> to vector<16xf32>
        %add3A_2577 = arith.addf %add3A_2541, %get3A_2576 : vector<16xf32>
        %add3A_2578 = arith.constant 48 : i32
        %add3A_2579 = arith.addi %mul3A_853, %add3A_2578 : i32
        %get3A_2580 = arith.constant 1 : i32
        %get3A_2581 = arith.index_cast %get3A_2580 : i32 to index
        %get3A_2582 = arith.index_cast %add3A_2579 : i32 to index
        %get3A_2583 = arith.constant 16 : index
        %get3A_2584 = tpu.vector_load %arg6[%get3A_2581, %get3A_2582, %get3A_2583] {strides = array<i32>} : memref<2x800x64xf32, #tpu.memory_space<vmem>>, vector<1x1x16xf32>,
        %get3A_2585 = vector.shape_cast %get3A_2584 : vector<1x1x16xf32> to vector<16xf32>
        %add3A_2586 = arith.addf %add3A_2550, %get3A_2585 : vector<16xf32>
        %add3A_2587 = arith.constant 48 : i32
        %add3A_2588 = arith.addi %mul3A_853, %add3A_2587 : i32
        %get3A_2589 = arith.constant 1 : i32
        %get3A_2590 = arith.index_cast %get3A_2589 : i32 to index
        %get3A_2591 = arith.index_cast %add3A_2588 : i32 to index
        %get3A_2592 = arith.constant 32 : index
        %get3A_2593 = tpu.vector_load %arg6[%get3A_2590, %get3A_2591, %get3A_2592] {strides = array<i32>} : memref<2x800x64xf32, #tpu.memory_space<vmem>>, vector<1x1x16xf32>,
        %get3A_2594 = vector.shape_cast %get3A_2593 : vector<1x1x16xf32> to vector<16xf32>
        %add3A_2595 = arith.addf %add3A_2559, %get3A_2594 : vector<16xf32>
        %add3A_2596 = arith.constant 48 : i32
        %add3A_2597 = arith.addi %mul3A_853, %add3A_2596 : i32
        %get3A_2598 = arith.constant 1 : i32
        %get3A_2599 = arith.index_cast %get3A_2598 : i32 to index
        %get3A_2600 = arith.index_cast %add3A_2597 : i32 to index
        %get3A_2601 = arith.constant 48 : index
        %get3A_2602 = tpu.vector_load %arg6[%get3A_2599, %get3A_2600, %get3A_2601] {strides = array<i32>} : memref<2x800x64xf32, #tpu.memory_space<vmem>>, vector<1x1x16xf32>,
        %get3A_2603 = vector.shape_cast %get3A_2602 : vector<1x1x16xf32> to vector<16xf32>
        %add3A_2604 = arith.addf %add3A_2568, %get3A_2603 : vector<16xf32>
        %add3A_2605 = arith.constant 49 : i32
        %add3A_2606 = arith.addi %mul3A_853, %add3A_2605 : i32
        %get3A_2607 = arith.constant 1 : i32
        %get3A_2608 = arith.index_cast %get3A_2607 : i32 to index
        %get3A_2609 = arith.index_cast %add3A_2606 : i32 to index
        %get3A_2610 = arith.constant 0 : index
        %get3A_2611 = tpu.vector_load %arg6[%get3A_2608, %get3A_2609, %get3A_2610] {strides = array<i32>} : memref<2x800x64xf32, #tpu.memory_space<vmem>>, vector<1x1x16xf32>,
        %get3A_2612 = vector.shape_cast %get3A_2611 : vector<1x1x16xf32> to vector<16xf32>
        %add3A_2613 = arith.addf %add3A_2577, %get3A_2612 : vector<16xf32>
        %add3A_2614 = arith.constant 49 : i32
        %add3A_2615 = arith.addi %mul3A_853, %add3A_2614 : i32
        %get3A_2616 = arith.constant 1 : i32
        %get3A_2617 = arith.index_cast %get3A_2616 : i32 to index
        %get3A_2618 = arith.index_cast %add3A_2615 : i32 to index
        %get3A_2619 = arith.constant 16 : index
        %get3A_2620 = tpu.vector_load %arg6[%get3A_2617, %get3A_2618, %get3A_2619] {strides = array<i32>} : memref<2x800x64xf32, #tpu.memory_space<vmem>>, vector<1x1x16xf32>,
        %get3A_2621 = vector.shape_cast %get3A_2620 : vector<1x1x16xf32> to vector<16xf32>
        %add3A_2622 = arith.addf %add3A_2586, %get3A_2621 : vector<16xf32>
        %add3A_2623 = arith.constant 49 : i32
        %add3A_2624 = arith.addi %mul3A_853, %add3A_2623 : i32
        %get3A_2625 = arith.constant 1 : i32
        %get3A_2626 = arith.index_cast %get3A_2625 : i32 to index
        %get3A_2627 = arith.index_cast %add3A_2624 : i32 to index
        %get3A_2628 = arith.constant 32 : index
        %get3A_2629 = tpu.vector_load %arg6[%get3A_2626, %get3A_2627, %get3A_2628] {strides = array<i32>} : memref<2x800x64xf32, #tpu.memory_space<vmem>>, vector<1x1x16xf32>,
        %get3A_2630 = vector.shape_cast %get3A_2629 : vector<1x1x16xf32> to vector<16xf32>
        %add3A_2631 = arith.addf %add3A_2595, %get3A_2630 : vector<16xf32>
        %add3A_2632 = arith.constant 49 : i32
        %add3A_2633 = arith.addi %mul3A_853, %add3A_2632 : i32
        %get3A_2634 = arith.constant 1 : i32
        %get3A_2635 = arith.index_cast %get3A_2634 : i32 to index
        %get3A_2636 = arith.index_cast %add3A_2633 : i32 to index
        %get3A_2637 = arith.constant 48 : index
        %get3A_2638 = tpu.vector_load %arg6[%get3A_2635, %get3A_2636, %get3A_2637] {strides = array<i32>} : memref<2x800x64xf32, #tpu.memory_space<vmem>>, vector<1x1x16xf32>,
        %get3A_2639 = vector.shape_cast %get3A_2638 : vector<1x1x16xf32> to vector<16xf32>
        %add3A_2640 = arith.addf %add3A_2604, %get3A_2639 : vector<16xf32>
        %swap3A = arith.constant 1 : i32
        %swap3A_2641 = arith.index_cast %swap3A : i32 to index
        %swap3A_2642 = arith.index_cast %scan3A_851 : i32 to index
        %swap3A_2643 = arith.constant 0 : index
        %swap3A_2644 = tpu.vector_load %arg7[%swap3A_2641, %swap3A_2642, %swap3A_2643] {strides = array<i32>} : memref<2x16x64xf32, #tpu.memory_space<vmem>>, vector<1x1x16xf32>,
        %swap3A_2645 = vector.shape_cast %swap3A_2644 : vector<1x1x16xf32> to vector<16xf32>
        %swap3A_2646 = vector.shape_cast %add3A_2613 : vector<16xf32> to vector<1x1x16xf32>
        tpu.vector_store %arg7[%swap3A_2641, %swap3A_2642, %swap3A_2643], %swap3A_2646 {strides = array<i32>} : memref<2x16x64xf32, #tpu.memory_space<vmem>>, vector<1x1x16xf32>,
        %swap3A_2647 = arith.constant 1 : i32
        %swap3A_2648 = arith.index_cast %swap3A_2647 : i32 to index
        %swap3A_2649 = arith.index_cast %scan3A_851 : i32 to index
        %swap3A_2650 = arith.constant 16 : index
        %swap3A_2651 = tpu.vector_load %arg7[%swap3A_2648, %swap3A_2649, %swap3A_2650] {strides = array<i32>} : memref<2x16x64xf32, #tpu.memory_space<vmem>>, vector<1x1x16xf32>,
        %swap3A_2652 = vector.shape_cast %swap3A_2651 : vector<1x1x16xf32> to vector<16xf32>
        %swap3A_2653 = vector.shape_cast %add3A_2622 : vector<16xf32> to vector<1x1x16xf32>
        tpu.vector_store %arg7[%swap3A_2648, %swap3A_2649, %swap3A_2650], %swap3A_2653 {strides = array<i32>} : memref<2x16x64xf32, #tpu.memory_space<vmem>>, vector<1x1x16xf32>,
        %swap3A_2654 = arith.constant 1 : i32
        %swap3A_2655 = arith.index_cast %swap3A_2654 : i32 to index
        %swap3A_2656 = arith.index_cast %scan3A_851 : i32 to index
        %swap3A_2657 = arith.constant 32 : index
        %swap3A_2658 = tpu.vector_load %arg7[%swap3A_2655, %swap3A_2656, %swap3A_2657] {strides = array<i32>} : memref<2x16x64xf32, #tpu.memory_space<vmem>>, vector<1x1x16xf32>,
        %swap3A_2659 = vector.shape_cast %swap3A_2658 : vector<1x1x16xf32> to vector<16xf32>
        %swap3A_2660 = vector.shape_cast %add3A_2631 : vector<16xf32> to vector<1x1x16xf32>
        tpu.vector_store %arg7[%swap3A_2655, %swap3A_2656, %swap3A_2657], %swap3A_2660 {strides = array<i32>} : memref<2x16x64xf32, #tpu.memory_space<vmem>>, vector<1x1x16xf32>,
        %swap3A_2661 = arith.constant 1 : i32
        %swap3A_2662 = arith.index_cast %swap3A_2661 : i32 to index
        %swap3A_2663 = arith.index_cast %scan3A_851 : i32 to index
        %swap3A_2664 = arith.constant 48 : index
        %swap3A_2665 = tpu.vector_load %arg7[%swap3A_2662, %swap3A_2663, %swap3A_2664] {strides = array<i32>} : memref<2x16x64xf32, #tpu.memory_space<vmem>>, vector<1x1x16xf32>,
        %swap3A_2666 = vector.shape_cast %swap3A_2665 : vector<1x1x16xf32> to vector<16xf32>
        %swap3A_2667 = vector.shape_cast %add3A_2640 : vector<16xf32> to vector<1x1x16xf32>
        tpu.vector_store %arg7[%swap3A_2662, %swap3A_2663, %swap3A_2664], %swap3A_2667 {strides = array<i32>} : memref<2x16x64xf32, #tpu.memory_space<vmem>>, vector<1x1x16xf32>,
      }
      %scan3A_824 = arith.constant 16 : i32
      %mul3A_825 = arith.constant 16 : i32
      %mul3A_826 = arith.muli %add3A_788, %mul3A_825 : i32
      %add3A_827 = arith.addi %mul3A_4, %mul3A_826 : i32
      %dma_start3A_828 = arith.constant 1 : i32
      %dma_start3A_829 = arith.constant 1 : i32
      %dma_start3A_830 = arith.constant 0 : i32
      %dma_start3A_831 = arith.constant 0 : i32
      %dma_start3A_832 = tpu.memref_slice %arg7[%dma_start3A_828, %dma_start3A_830, %dma_start3A_831] : memref<2x16x64xf32, #tpu.memory_space<vmem>> -> memref<1x16x64xf32, #tpu.memory_space<vmem>>
      %dma_start3A_833 = tpu.memref_squeeze %dma_start3A_832 : memref<1x16x64xf32, #tpu.memory_space<vmem>> -> memref<16x64xf32, #tpu.memory_space<vmem>>
      %dma_start3A_834 = arith.constant 0 : i32
      %dma_start3A_835 = tpu.memref_slice %arg4[%add3A_827, %dma_start3A_834] : memref<16384x64xf32, #tpu.memory_space<hbm>> -> memref<16x64xf32, #tpu.memory_space<hbm>>
      %dma_start3A_836 = tpu.memref_slice %arg9[%dma_start3A_829] : memref<2x!tpu.dma_semaphore, #tpu.memory_space<semaphore_mem>> -> memref<1x!tpu.dma_semaphore, #tpu.memory_space<semaphore_mem>>
      %dma_start3A_837 = tpu.memref_squeeze %dma_start3A_836 : memref<1x!tpu.dma_semaphore, #tpu.memory_space<semaphore_mem>> -> memref<!tpu.dma_semaphore, #tpu.memory_space<semaphore_mem>>
      %dma_start3A_838 = arith.constant 0 : i32
      %dma_start3A_839 = tpu.memref_slice %arg4[%add3A_827, %dma_start3A_838] : memref<16384x64xf32, #tpu.memory_space<hbm>> -> memref<16x64xf32, #tpu.memory_space<hbm>>
      %dma_start3A_840 = arith.constant 0 : i32
      %dma_start3A_841 = arith.constant 0 : i32
      %dma_start3A_842 = tpu.memref_slice %arg7[%dma_start3A_828, %dma_start3A_840, %dma_start3A_841] : memref<2x16x64xf32, #tpu.memory_space<vmem>> -> memref<1x16x64xf32, #tpu.memory_space<vmem>>
      %dma_start3A_843 = tpu.memref_squeeze %dma_start3A_842 : memref<1x16x64xf32, #tpu.memory_space<vmem>> -> memref<16x64xf32, #tpu.memory_space<vmem>>
      tpu.enqueue_dma source(%dma_start3A_843 : memref<16x64xf32, #tpu.memory_space<vmem>>) target(%dma_start3A_839 : memref<16x64xf32, #tpu.memory_space<hbm>>) target_semaphore(%dma_start3A_837 : memref<!tpu.dma_semaphore, #tpu.memory_space<semaphore_mem>>)
      %add3A_844 = arith.constant 2 : i32
      %add3A_845 = arith.addi %add3A_788, %add3A_844 : i32
      %lt3A_846 = arith.constant 32 : i32
      %lt3A_847 = arith.cmpi slt, %add3A_845, %lt3A_846 : i32
      %convert_element_type3A_848 = arith.extui %lt3A_847 : i1 to i32
      %cond3A_849 = arith.constant 0 : i32
      %cond3A_850 = arith.cmpi ne, %convert_element_type3A_848, %cond3A_849 : i32
      scf.if %cond3A_850 {
        %add3A_851 = arith.constant 2 : i32
        %add3A_852 = arith.addi %add3A_788, %add3A_851 : i32
        %mul3A_853 = arith.constant 16 : i32
        %mul3A_854 = arith.muli %add3A_852, %mul3A_853 : i32
        %add3A_855 = arith.addi %mul3A_2, %mul3A_854 : i32
        %dma_wait3A_856 = arith.constant 1 : i32
        %dma_wait3A_857 = arith.constant 1 : i32
        %dma_wait3A_858 = arith.constant 0 : i32
        %dma_wait3A_859 = arith.constant 0 : i32
        %dma_wait3A_860 = tpu.memref_slice %arg5[%dma_wait3A_856, %dma_wait3A_858, %dma_wait3A_859] : memref<2x16x50xi32, #tpu.memory_space<vmem>> -> memref<1x16x50xi32, #tpu.memory_space<vmem>>
        %dma_wait3A_861 = tpu.memref_squeeze %dma_wait3A_860 : memref<1x16x50xi32, #tpu.memory_space<vmem>> -> memref<16x50xi32, #tpu.memory_space<vmem>>
        %dma_wait3A_862 = arith.constant 0 : i32
        %dma_wait3A_863 = tpu.memref_slice %arg2[%add3A_855, %dma_wait3A_862] : memref<16384x50xi32, #tpu.memory_space<hbm>> -> memref<16x50xi32, #tpu.memory_space<hbm>>
        %dma_wait3A_864 = tpu.memref_slice %arg10[%dma_wait3A_857] : memref<2x!tpu.dma_semaphore, #tpu.memory_space<semaphore_mem>> -> memref<1x!tpu.dma_semaphore, #tpu.memory_space<semaphore_mem>>
        %dma_wait3A_865 = tpu.memref_squeeze %dma_wait3A_864 : memref<1x!tpu.dma_semaphore, #tpu.memory_space<semaphore_mem>> -> memref<!tpu.dma_semaphore, #tpu.memory_space<semaphore_mem>>
        %dma_wait3A_866 = arith.constant 0 : i32
        %dma_wait3A_867 = arith.constant 0 : i32
        %dma_wait3A_868 = tpu.memref_slice %arg5[%dma_wait3A_856, %dma_wait3A_866, %dma_wait3A_867] : memref<2x16x50xi32, #tpu.memory_space<vmem>> -> memref<1x16x50xi32, #tpu.memory_space<vmem>>
        %dma_wait3A_869 = tpu.memref_squeeze %dma_wait3A_868 : memref<1x16x50xi32, #tpu.memory_space<vmem>> -> memref<16x50xi32, #tpu.memory_space<vmem>>
        %dma_wait3A_870 = arith.constant 0 : i32
        %dma_wait3A_871 = tpu.memref_slice %arg2[%add3A_855, %dma_wait3A_870] : memref<16384x50xi32, #tpu.memory_space<hbm>> -> memref<16x50xi32, #tpu.memory_space<hbm>>
        tpu.wait_dma2 semaphore(%dma_wait3A_865 : memref<!tpu.dma_semaphore, #tpu.memory_space<semaphore_mem>>) src(%dma_wait3A_871 : memref<16x50xi32, #tpu.memory_space<hbm>>) dst(%dma_wait3A_869 : memref<16x50xi32, #tpu.memory_space<vmem>>)
        %dma_start3A_872 = arith.constant 1 : i32
        %dma_start3A_873 = arith.constant 0 : i32
        %dma_start3A_874 = arith.constant 1 : i32
        %dma_start3A_875 = arith.constant 1 : i32
        %dma_start3A_876 = arith.constant 0 : i32
        %dma_start3A_877 = arith.constant 0 : i32
        %dma_start3A_878 = tpu.memref_slice %arg6[%dma_start3A_874, %dma_start3A_876, %dma_start3A_877] : memref<2x800x64xf32, #tpu.memory_space<vmem>> -> memref<1x800x64xf32, #tpu.memory_space<vmem>>
        %dma_start3A_879 = tpu.memref_squeeze %dma_start3A_878 : memref<1x800x64xf32, #tpu.memory_space<vmem>> -> memref<800x64xf32, #tpu.memory_space<vmem>>
        %dma_start3A_880 = arith.constant 0 : i32
        %dma_start3A_881 = arith.constant 0 : i32
        %dma_start3A_882 = tpu.memref_slice %dma_start3A_879[%dma_start3A_880, %dma_start3A_881] : memref<800x64xf32, #tpu.memory_space<vmem>> -> memref<50x64xf32, #tpu.memory_space<vmem>>
        %dma_start3A_883 = arith.constant 0 : i32
        %dma_start3A_884 = tpu.memref_slice %arg5[%dma_start3A_872, %dma_start3A_873, %dma_start3A_883] : memref<2x16x50xi32, #tpu.memory_space<vmem>> -> memref<1x1x50xi32, #tpu.memory_space<vmem>>
        %dma_start3A_885 = tpu.memref_squeeze %dma_start3A_884 : memref<1x1x50xi32, #tpu.memory_space<vmem>> -> memref<50xi32, #tpu.memory_space<vmem>>
        %dma_start3A_886 = arith.constant 0 : i32
        %dma_start3A_887 = arith.constant 0 : i32
        %dma_start3A_888 = tpu.memref_slice %arg3[%dma_start3A_886, %dma_start3A_887] : memref<1000000x64xf32, #tpu.memory_space<hbm>> -> memref<1000000x64xf32, #tpu.memory_space<hbm>>
        %dma_start3A_889 = tpu.memref_slice %arg8[%dma_start3A_875] : memref<2x!tpu.dma_semaphore, #tpu.memory_space<semaphore_mem>> -> memref<1x!tpu.dma_semaphore, #tpu.memory_space<semaphore_mem>>
        %dma_start3A_890 = tpu.memref_squeeze %dma_start3A_889 : memref<1x!tpu.dma_semaphore, #tpu.memory_space<semaphore_mem>> -> memref<!tpu.dma_semaphore, #tpu.memory_space<semaphore_mem>>
        tpu.enqueue_indirect_dma source(%dma_start3A_888 : memref<1000000x64xf32, #tpu.memory_space<hbm>>) target(%dma_start3A_882 : memref<50x64xf32, #tpu.memory_space<vmem>>) offsets(%dma_start3A_885 : memref<50xi32, #tpu.memory_space<vmem>>) semaphore(%dma_start3A_890 : memref<!tpu.dma_semaphore, #tpu.memory_space<semaphore_mem>>)
        %dma_start3A_891 = arith.constant 1 : i32
        %dma_start3A_892 = arith.constant 1 : i32
        %dma_start3A_893 = arith.constant 1 : i32
        %dma_start3A_894 = arith.constant 1 : i32
        %dma_start3A_895 = arith.constant 0 : i32
        %dma_start3A_896 = arith.constant 0 : i32
        %dma_start3A_897 = tpu.memref_slice %arg6[%dma_start3A_893, %dma_start3A_895, %dma_start3A_896] : memref<2x800x64xf32, #tpu.memory_space<vmem>> -> memref<1x800x64xf32, #tpu.memory_space<vmem>>
        %dma_start3A_898 = tpu.memref_squeeze %dma_start3A_897 : memref<1x800x64xf32, #tpu.memory_space<vmem>> -> memref<800x64xf32, #tpu.memory_space<vmem>>
        %dma_start3A_899 = arith.constant 50 : i32
        %dma_start3A_900 = arith.constant 0 : i32
        %dma_start3A_901 = tpu.memref_slice %dma_start3A_898[%dma_start3A_899, %dma_start3A_900] : memref<800x64xf32, #tpu.memory_space<vmem>> -> memref<50x64xf32, #tpu.memory_space<vmem>>
        %dma_start3A_902 = arith.constant 0 : i32
        %dma_start3A_903 = tpu.memref_slice %arg5[%dma_start3A_891, %dma_start3A_892, %dma_start3A_902] : memref<2x16x50xi32, #tpu.memory_space<vmem>> -> memref<1x1x50xi32, #tpu.memory_space<vmem>>
        %dma_start3A_904 = tpu.memref_squeeze %dma_start3A_903 : memref<1x1x50xi32, #tpu.memory_space<vmem>> -> memref<50xi32, #tpu.memory_space<vmem>>
        %dma_start3A_905 = arith.constant 0 : i32
        %dma_start3A_906 = arith.constant 0 : i32
        %dma_start3A_907 = tpu.memref_slice %arg3[%dma_start3A_905, %dma_start3A_906] : memref<1000000x64xf32, #tpu.memory_space<hbm>> -> memref<1000000x64xf32, #tpu.memory_space<hbm>>
        %dma_start3A_908 = tpu.memref_slice %arg8[%dma_start3A_894] : memref<2x!tpu.dma_semaphore, #tpu.memory_space<semaphore_mem>> -> memref<1x!tpu.dma_semaphore, #tpu.memory_space<semaphore_mem>>
        %dma_start3A_909 = tpu.memref_squeeze %dma_start3A_908 : memref<1x!tpu.dma_semaphore, #tpu.memory_space<semaphore_mem>> -> memref<!tpu.dma_semaphore, #tpu.memory_space<semaphore_mem>>
        tpu.enqueue_indirect_dma source(%dma_start3A_907 : memref<1000000x64xf32, #tpu.memory_space<hbm>>) target(%dma_start3A_901 : memref<50x64xf32, #tpu.memory_space<vmem>>) offsets(%dma_start3A_904 : memref<50xi32, #tpu.memory_space<vmem>>) semaphore(%dma_start3A_909 : memref<!tpu.dma_semaphore, #tpu.memory_space<semaphore_mem>>)
        %dma_start3A_910 = arith.constant 1 : i32
        %dma_start3A_911 = arith.constant 2 : i32
        %dma_start3A_912 = arith.constant 1 : i32
        %dma_start3A_913 = arith.constant 1 : i32
        %dma_start3A_914 = arith.constant 0 : i32
        %dma_start3A_915 = arith.constant 0 : i32
        %dma_start3A_916 = tpu.memref_slice %arg6[%dma_start3A_912, %dma_start3A_914, %dma_start3A_915] : memref<2x800x64xf32, #tpu.memory_space<vmem>> -> memref<1x800x64xf32, #tpu.memory_space<vmem>>
        %dma_start3A_917 = tpu.memref_squeeze %dma_start3A_916 : memref<1x800x64xf32, #tpu.memory_space<vmem>> -> memref<800x64xf32, #tpu.memory_space<vmem>>
        %dma_start3A_918 = arith.constant 100 : i32
        %dma_start3A_919 = arith.constant 0 : i32
        %dma_start3A_920 = tpu.memref_slice %dma_start3A_917[%dma_start3A_918, %dma_start3A_919] : memref<800x64xf32, #tpu.memory_space<vmem>> -> memref<50x64xf32, #tpu.memory_space<vmem>>
        %dma_start3A_921 = arith.constant 0 : i32
        %dma_start3A_922 = tpu.memref_slice %arg5[%dma_start3A_910, %dma_start3A_911, %dma_start3A_921] : memref<2x16x50xi32, #tpu.memory_space<vmem>> -> memref<1x1x50xi32, #tpu.memory_space<vmem>>
        %dma_start3A_923 = tpu.memref_squeeze %dma_start3A_922 : memref<1x1x50xi32, #tpu.memory_space<vmem>> -> memref<50xi32, #tpu.memory_space<vmem>>
        %dma_start3A_924 = arith.constant 0 : i32
        %dma_start3A_925 = arith.constant 0 : i32
        %dma_start3A_926 = tpu.memref_slice %arg3[%dma_start3A_924, %dma_start3A_925] : memref<1000000x64xf32, #tpu.memory_space<hbm>> -> memref<1000000x64xf32, #tpu.memory_space<hbm>>
        %dma_start3A_927 = tpu.memref_slice %arg8[%dma_start3A_913] : memref<2x!tpu.dma_semaphore, #tpu.memory_space<semaphore_mem>> -> memref<1x!tpu.dma_semaphore, #tpu.memory_space<semaphore_mem>>
        %dma_start3A_928 = tpu.memref_squeeze %dma_start3A_927 : memref<1x!tpu.dma_semaphore, #tpu.memory_space<semaphore_mem>> -> memref<!tpu.dma_semaphore, #tpu.memory_space<semaphore_mem>>
        tpu.enqueue_indirect_dma source(%dma_start3A_926 : memref<1000000x64xf32, #tpu.memory_space<hbm>>) target(%dma_start3A_920 : memref<50x64xf32, #tpu.memory_space<vmem>>) offsets(%dma_start3A_923 : memref<50xi32, #tpu.memory_space<vmem>>) semaphore(%dma_start3A_928 : memref<!tpu.dma_semaphore, #tpu.memory_space<semaphore_mem>>)
        %dma_start3A_929 = arith.constant 1 : i32
        %dma_start3A_930 = arith.constant 3 : i32
        %dma_start3A_931 = arith.constant 1 : i32
        %dma_start3A_932 = arith.constant 1 : i32
        %dma_start3A_933 = arith.constant 0 : i32
        %dma_start3A_934 = arith.constant 0 : i32
        %dma_start3A_935 = tpu.memref_slice %arg6[%dma_start3A_931, %dma_start3A_933, %dma_start3A_934] : memref<2x800x64xf32, #tpu.memory_space<vmem>> -> memref<1x800x64xf32, #tpu.memory_space<vmem>>
        %dma_start3A_936 = tpu.memref_squeeze %dma_start3A_935 : memref<1x800x64xf32, #tpu.memory_space<vmem>> -> memref<800x64xf32, #tpu.memory_space<vmem>>
        %dma_start3A_937 = arith.constant 150 : i32
        %dma_start3A_938 = arith.constant 0 : i32
        %dma_start3A_939 = tpu.memref_slice %dma_start3A_936[%dma_start3A_937, %dma_start3A_938] : memref<800x64xf32, #tpu.memory_space<vmem>> -> memref<50x64xf32, #tpu.memory_space<vmem>>
        %dma_start3A_940 = arith.constant 0 : i32
        %dma_start3A_941 = tpu.memref_slice %arg5[%dma_start3A_929, %dma_start3A_930, %dma_start3A_940] : memref<2x16x50xi32, #tpu.memory_space<vmem>> -> memref<1x1x50xi32, #tpu.memory_space<vmem>>
        %dma_start3A_942 = tpu.memref_squeeze %dma_start3A_941 : memref<1x1x50xi32, #tpu.memory_space<vmem>> -> memref<50xi32, #tpu.memory_space<vmem>>
        %dma_start3A_943 = arith.constant 0 : i32
        %dma_start3A_944 = arith.constant 0 : i32
        %dma_start3A_945 = tpu.memref_slice %arg3[%dma_start3A_943, %dma_start3A_944] : memref<1000000x64xf32, #tpu.memory_space<hbm>> -> memref<1000000x64xf32, #tpu.memory_space<hbm>>
        %dma_start3A_946 = tpu.memref_slice %arg8[%dma_start3A_932] : memref<2x!tpu.dma_semaphore, #tpu.memory_space<semaphore_mem>> -> memref<1x!tpu.dma_semaphore, #tpu.memory_space<semaphore_mem>>
        %dma_start3A_947 = tpu.memref_squeeze %dma_start3A_946 : memref<1x!tpu.dma_semaphore, #tpu.memory_space<semaphore_mem>> -> memref<!tpu.dma_semaphore, #tpu.memory_space<semaphore_mem>>
        tpu.enqueue_indirect_dma source(%dma_start3A_945 : memref<1000000x64xf32, #tpu.memory_space<hbm>>) target(%dma_start3A_939 : memref<50x64xf32, #tpu.memory_space<vmem>>) offsets(%dma_start3A_942 : memref<50xi32, #tpu.memory_space<vmem>>) semaphore(%dma_start3A_947 : memref<!tpu.dma_semaphore, #tpu.memory_space<semaphore_mem>>)
        %dma_start3A_948 = arith.constant 1 : i32
        %dma_start3A_949 = arith.constant 4 : i32
        %dma_start3A_950 = arith.constant 1 : i32
        %dma_start3A_951 = arith.constant 1 : i32
        %dma_start3A_952 = arith.constant 0 : i32
        %dma_start3A_953 = arith.constant 0 : i32
        %dma_start3A_954 = tpu.memref_slice %arg6[%dma_start3A_950, %dma_start3A_952, %dma_start3A_953] : memref<2x800x64xf32, #tpu.memory_space<vmem>> -> memref<1x800x64xf32, #tpu.memory_space<vmem>>
        %dma_start3A_955 = tpu.memref_squeeze %dma_start3A_954 : memref<1x800x64xf32, #tpu.memory_space<vmem>> -> memref<800x64xf32, #tpu.memory_space<vmem>>
        %dma_start3A_956 = arith.constant 200 : i32
        %dma_start3A_957 = arith.constant 0 : i32
        %dma_start3A_958 = tpu.memref_slice %dma_start3A_955[%dma_start3A_956, %dma_start3A_957] : memref<800x64xf32, #tpu.memory_space<vmem>> -> memref<50x64xf32, #tpu.memory_space<vmem>>
        %dma_start3A_959 = arith.constant 0 : i32
        %dma_start3A_960 = tpu.memref_slice %arg5[%dma_start3A_948, %dma_start3A_949, %dma_start3A_959] : memref<2x16x50xi32, #tpu.memory_space<vmem>> -> memref<1x1x50xi32, #tpu.memory_space<vmem>>
        %dma_start3A_961 = tpu.memref_squeeze %dma_start3A_960 : memref<1x1x50xi32, #tpu.memory_space<vmem>> -> memref<50xi32, #tpu.memory_space<vmem>>
        %dma_start3A_962 = arith.constant 0 : i32
        %dma_start3A_963 = arith.constant 0 : i32
        %dma_start3A_964 = tpu.memref_slice %arg3[%dma_start3A_962, %dma_start3A_963] : memref<1000000x64xf32, #tpu.memory_space<hbm>> -> memref<1000000x64xf32, #tpu.memory_space<hbm>>
        %dma_start3A_965 = tpu.memref_slice %arg8[%dma_start3A_951] : memref<2x!tpu.dma_semaphore, #tpu.memory_space<semaphore_mem>> -> memref<1x!tpu.dma_semaphore, #tpu.memory_space<semaphore_mem>>
        %dma_start3A_966 = tpu.memref_squeeze %dma_start3A_965 : memref<1x!tpu.dma_semaphore, #tpu.memory_space<semaphore_mem>> -> memref<!tpu.dma_semaphore, #tpu.memory_space<semaphore_mem>>
        tpu.enqueue_indirect_dma source(%dma_start3A_964 : memref<1000000x64xf32, #tpu.memory_space<hbm>>) target(%dma_start3A_958 : memref<50x64xf32, #tpu.memory_space<vmem>>) offsets(%dma_start3A_961 : memref<50xi32, #tpu.memory_space<vmem>>) semaphore(%dma_start3A_966 : memref<!tpu.dma_semaphore, #tpu.memory_space<semaphore_mem>>)
        %dma_start3A_967 = arith.constant 1 : i32
        %dma_start3A_968 = arith.constant 5 : i32
        %dma_start3A_969 = arith.constant 1 : i32
        %dma_start3A_970 = arith.constant 1 : i32
        %dma_start3A_971 = arith.constant 0 : i32
        %dma_start3A_972 = arith.constant 0 : i32
        %dma_start3A_973 = tpu.memref_slice %arg6[%dma_start3A_969, %dma_start3A_971, %dma_start3A_972] : memref<2x800x64xf32, #tpu.memory_space<vmem>> -> memref<1x800x64xf32, #tpu.memory_space<vmem>>
        %dma_start3A_974 = tpu.memref_squeeze %dma_start3A_973 : memref<1x800x64xf32, #tpu.memory_space<vmem>> -> memref<800x64xf32, #tpu.memory_space<vmem>>
        %dma_start3A_975 = arith.constant 250 : i32
        %dma_start3A_976 = arith.constant 0 : i32
        %dma_start3A_977 = tpu.memref_slice %dma_start3A_974[%dma_start3A_975, %dma_start3A_976] : memref<800x64xf32, #tpu.memory_space<vmem>> -> memref<50x64xf32, #tpu.memory_space<vmem>>
        %dma_start3A_978 = arith.constant 0 : i32
        %dma_start3A_979 = tpu.memref_slice %arg5[%dma_start3A_967, %dma_start3A_968, %dma_start3A_978] : memref<2x16x50xi32, #tpu.memory_space<vmem>> -> memref<1x1x50xi32, #tpu.memory_space<vmem>>
        %dma_start3A_980 = tpu.memref_squeeze %dma_start3A_979 : memref<1x1x50xi32, #tpu.memory_space<vmem>> -> memref<50xi32, #tpu.memory_space<vmem>>
        %dma_start3A_981 = arith.constant 0 : i32
        %dma_start3A_982 = arith.constant 0 : i32
        %dma_start3A_983 = tpu.memref_slice %arg3[%dma_start3A_981, %dma_start3A_982] : memref<1000000x64xf32, #tpu.memory_space<hbm>> -> memref<1000000x64xf32, #tpu.memory_space<hbm>>
        %dma_start3A_984 = tpu.memref_slice %arg8[%dma_start3A_970] : memref<2x!tpu.dma_semaphore, #tpu.memory_space<semaphore_mem>> -> memref<1x!tpu.dma_semaphore, #tpu.memory_space<semaphore_mem>>
        %dma_start3A_985 = tpu.memref_squeeze %dma_start3A_984 : memref<1x!tpu.dma_semaphore, #tpu.memory_space<semaphore_mem>> -> memref<!tpu.dma_semaphore, #tpu.memory_space<semaphore_mem>>
        tpu.enqueue_indirect_dma source(%dma_start3A_983 : memref<1000000x64xf32, #tpu.memory_space<hbm>>) target(%dma_start3A_977 : memref<50x64xf32, #tpu.memory_space<vmem>>) offsets(%dma_start3A_980 : memref<50xi32, #tpu.memory_space<vmem>>) semaphore(%dma_start3A_985 : memref<!tpu.dma_semaphore, #tpu.memory_space<semaphore_mem>>)
        %dma_start3A_986 = arith.constant 1 : i32
        %dma_start3A_987 = arith.constant 6 : i32
        %dma_start3A_988 = arith.constant 1 : i32
        %dma_start3A_989 = arith.constant 1 : i32
        %dma_start3A_990 = arith.constant 0 : i32
        %dma_start3A_991 = arith.constant 0 : i32
        %dma_start3A_992 = tpu.memref_slice %arg6[%dma_start3A_988, %dma_start3A_990, %dma_start3A_991] : memref<2x800x64xf32, #tpu.memory_space<vmem>> -> memref<1x800x64xf32, #tpu.memory_space<vmem>>
        %dma_start3A_993 = tpu.memref_squeeze %dma_start3A_992 : memref<1x800x64xf32, #tpu.memory_space<vmem>> -> memref<800x64xf32, #tpu.memory_space<vmem>>
        %dma_start3A_994 = arith.constant 300 : i32
        %dma_start3A_995 = arith.constant 0 : i32
        %dma_start3A_996 = tpu.memref_slice %dma_start3A_993[%dma_start3A_994, %dma_start3A_995] : memref<800x64xf32, #tpu.memory_space<vmem>> -> memref<50x64xf32, #tpu.memory_space<vmem>>
        %dma_start3A_997 = arith.constant 0 : i32
        %dma_start3A_998 = tpu.memref_slice %arg5[%dma_start3A_986, %dma_start3A_987, %dma_start3A_997] : memref<2x16x50xi32, #tpu.memory_space<vmem>> -> memref<1x1x50xi32, #tpu.memory_space<vmem>>
        %dma_start3A_999 = tpu.memref_squeeze %dma_start3A_998 : memref<1x1x50xi32, #tpu.memory_space<vmem>> -> memref<50xi32, #tpu.memory_space<vmem>>
        %dma_start3A_1000 = arith.constant 0 : i32
        %dma_start3A_1001 = arith.constant 0 : i32
        %dma_start3A_1002 = tpu.memref_slice %arg3[%dma_start3A_1000, %dma_start3A_1001] : memref<1000000x64xf32, #tpu.memory_space<hbm>> -> memref<1000000x64xf32, #tpu.memory_space<hbm>>
        %dma_start3A_1003 = tpu.memref_slice %arg8[%dma_start3A_989] : memref<2x!tpu.dma_semaphore, #tpu.memory_space<semaphore_mem>> -> memref<1x!tpu.dma_semaphore, #tpu.memory_space<semaphore_mem>>
        %dma_start3A_1004 = tpu.memref_squeeze %dma_start3A_1003 : memref<1x!tpu.dma_semaphore, #tpu.memory_space<semaphore_mem>> -> memref<!tpu.dma_semaphore, #tpu.memory_space<semaphore_mem>>
        tpu.enqueue_indirect_dma source(%dma_start3A_1002 : memref<1000000x64xf32, #tpu.memory_space<hbm>>) target(%dma_start3A_996 : memref<50x64xf32, #tpu.memory_space<vmem>>) offsets(%dma_start3A_999 : memref<50xi32, #tpu.memory_space<vmem>>) semaphore(%dma_start3A_1004 : memref<!tpu.dma_semaphore, #tpu.memory_space<semaphore_mem>>)
        %dma_start3A_1005 = arith.constant 1 : i32
        %dma_start3A_1006 = arith.constant 7 : i32
        %dma_start3A_1007 = arith.constant 1 : i32
        %dma_start3A_1008 = arith.constant 1 : i32
        %dma_start3A_1009 = arith.constant 0 : i32
        %dma_start3A_1010 = arith.constant 0 : i32
        %dma_start3A_1011 = tpu.memref_slice %arg6[%dma_start3A_1007, %dma_start3A_1009, %dma_start3A_1010] : memref<2x800x64xf32, #tpu.memory_space<vmem>> -> memref<1x800x64xf32, #tpu.memory_space<vmem>>
        %dma_start3A_1012 = tpu.memref_squeeze %dma_start3A_1011 : memref<1x800x64xf32, #tpu.memory_space<vmem>> -> memref<800x64xf32, #tpu.memory_space<vmem>>
        %dma_start3A_1013 = arith.constant 350 : i32
        %dma_start3A_1014 = arith.constant 0 : i32
        %dma_start3A_1015 = tpu.memref_slice %dma_start3A_1012[%dma_start3A_1013, %dma_start3A_1014] : memref<800x64xf32, #tpu.memory_space<vmem>> -> memref<50x64xf32, #tpu.memory_space<vmem>>
        %dma_start3A_1016 = arith.constant 0 : i32
        %dma_start3A_1017 = tpu.memref_slice %arg5[%dma_start3A_1005, %dma_start3A_1006, %dma_start3A_1016] : memref<2x16x50xi32, #tpu.memory_space<vmem>> -> memref<1x1x50xi32, #tpu.memory_space<vmem>>
        %dma_start3A_1018 = tpu.memref_squeeze %dma_start3A_1017 : memref<1x1x50xi32, #tpu.memory_space<vmem>> -> memref<50xi32, #tpu.memory_space<vmem>>
        %dma_start3A_1019 = arith.constant 0 : i32
        %dma_start3A_1020 = arith.constant 0 : i32
        %dma_start3A_1021 = tpu.memref_slice %arg3[%dma_start3A_1019, %dma_start3A_1020] : memref<1000000x64xf32, #tpu.memory_space<hbm>> -> memref<1000000x64xf32, #tpu.memory_space<hbm>>
        %dma_start3A_1022 = tpu.memref_slice %arg8[%dma_start3A_1008] : memref<2x!tpu.dma_semaphore, #tpu.memory_space<semaphore_mem>> -> memref<1x!tpu.dma_semaphore, #tpu.memory_space<semaphore_mem>>
        %dma_start3A_1023 = tpu.memref_squeeze %dma_start3A_1022 : memref<1x!tpu.dma_semaphore, #tpu.memory_space<semaphore_mem>> -> memref<!tpu.dma_semaphore, #tpu.memory_space<semaphore_mem>>
        tpu.enqueue_indirect_dma source(%dma_start3A_1021 : memref<1000000x64xf32, #tpu.memory_space<hbm>>) target(%dma_start3A_1015 : memref<50x64xf32, #tpu.memory_space<vmem>>) offsets(%dma_start3A_1018 : memref<50xi32, #tpu.memory_space<vmem>>) semaphore(%dma_start3A_1023 : memref<!tpu.dma_semaphore, #tpu.memory_space<semaphore_mem>>)
        %dma_start3A_1024 = arith.constant 1 : i32
        %dma_start3A_1025 = arith.constant 8 : i32
        %dma_start3A_1026 = arith.constant 1 : i32
        %dma_start3A_1027 = arith.constant 1 : i32
        %dma_start3A_1028 = arith.constant 0 : i32
        %dma_start3A_1029 = arith.constant 0 : i32
        %dma_start3A_1030 = tpu.memref_slice %arg6[%dma_start3A_1026, %dma_start3A_1028, %dma_start3A_1029] : memref<2x800x64xf32, #tpu.memory_space<vmem>> -> memref<1x800x64xf32, #tpu.memory_space<vmem>>
        %dma_start3A_1031 = tpu.memref_squeeze %dma_start3A_1030 : memref<1x800x64xf32, #tpu.memory_space<vmem>> -> memref<800x64xf32, #tpu.memory_space<vmem>>
        %dma_start3A_1032 = arith.constant 400 : i32
        %dma_start3A_1033 = arith.constant 0 : i32
        %dma_start3A_1034 = tpu.memref_slice %dma_start3A_1031[%dma_start3A_1032, %dma_start3A_1033] : memref<800x64xf32, #tpu.memory_space<vmem>> -> memref<50x64xf32, #tpu.memory_space<vmem>>
        %dma_start3A_1035 = arith.constant 0 : i32
        %dma_start3A_1036 = tpu.memref_slice %arg5[%dma_start3A_1024, %dma_start3A_1025, %dma_start3A_1035] : memref<2x16x50xi32, #tpu.memory_space<vmem>> -> memref<1x1x50xi32, #tpu.memory_space<vmem>>
        %dma_start3A_1037 = tpu.memref_squeeze %dma_start3A_1036 : memref<1x1x50xi32, #tpu.memory_space<vmem>> -> memref<50xi32, #tpu.memory_space<vmem>>
        %dma_start3A_1038 = arith.constant 0 : i32
        %dma_start3A_1039 = arith.constant 0 : i32
        %dma_start3A_1040 = tpu.memref_slice %arg3[%dma_start3A_1038, %dma_start3A_1039] : memref<1000000x64xf32, #tpu.memory_space<hbm>> -> memref<1000000x64xf32, #tpu.memory_space<hbm>>
        %dma_start3A_1041 = tpu.memref_slice %arg8[%dma_start3A_1027] : memref<2x!tpu.dma_semaphore, #tpu.memory_space<semaphore_mem>> -> memref<1x!tpu.dma_semaphore, #tpu.memory_space<semaphore_mem>>
        %dma_start3A_1042 = tpu.memref_squeeze %dma_start3A_1041 : memref<1x!tpu.dma_semaphore, #tpu.memory_space<semaphore_mem>> -> memref<!tpu.dma_semaphore, #tpu.memory_space<semaphore_mem>>
        tpu.enqueue_indirect_dma source(%dma_start3A_1040 : memref<1000000x64xf32, #tpu.memory_space<hbm>>) target(%dma_start3A_1034 : memref<50x64xf32, #tpu.memory_space<vmem>>) offsets(%dma_start3A_1037 : memref<50xi32, #tpu.memory_space<vmem>>) semaphore(%dma_start3A_1042 : memref<!tpu.dma_semaphore, #tpu.memory_space<semaphore_mem>>)
        %dma_start3A_1043 = arith.constant 1 : i32
        %dma_start3A_1044 = arith.constant 9 : i32
        %dma_start3A_1045 = arith.constant 1 : i32
        %dma_start3A_1046 = arith.constant 1 : i32
        %dma_start3A_1047 = arith.constant 0 : i32
        %dma_start3A_1048 = arith.constant 0 : i32
        %dma_start3A_1049 = tpu.memref_slice %arg6[%dma_start3A_1045, %dma_start3A_1047, %dma_start3A_1048] : memref<2x800x64xf32, #tpu.memory_space<vmem>> -> memref<1x800x64xf32, #tpu.memory_space<vmem>>
        %dma_start3A_1050 = tpu.memref_squeeze %dma_start3A_1049 : memref<1x800x64xf32, #tpu.memory_space<vmem>> -> memref<800x64xf32, #tpu.memory_space<vmem>>
        %dma_start3A_1051 = arith.constant 450 : i32
        %dma_start3A_1052 = arith.constant 0 : i32
        %dma_start3A_1053 = tpu.memref_slice %dma_start3A_1050[%dma_start3A_1051, %dma_start3A_1052] : memref<800x64xf32, #tpu.memory_space<vmem>> -> memref<50x64xf32, #tpu.memory_space<vmem>>
        %dma_start3A_1054 = arith.constant 0 : i32
        %dma_start3A_1055 = tpu.memref_slice %arg5[%dma_start3A_1043, %dma_start3A_1044, %dma_start3A_1054] : memref<2x16x50xi32, #tpu.memory_space<vmem>> -> memref<1x1x50xi32, #tpu.memory_space<vmem>>
        %dma_start3A_1056 = tpu.memref_squeeze %dma_start3A_1055 : memref<1x1x50xi32, #tpu.memory_space<vmem>> -> memref<50xi32, #tpu.memory_space<vmem>>
        %dma_start3A_1057 = arith.constant 0 : i32
        %dma_start3A_1058 = arith.constant 0 : i32
        %dma_start3A_1059 = tpu.memref_slice %arg3[%dma_start3A_1057, %dma_start3A_1058] : memref<1000000x64xf32, #tpu.memory_space<hbm>> -> memref<1000000x64xf32, #tpu.memory_space<hbm>>
        %dma_start3A_1060 = tpu.memref_slice %arg8[%dma_start3A_1046] : memref<2x!tpu.dma_semaphore, #tpu.memory_space<semaphore_mem>> -> memref<1x!tpu.dma_semaphore, #tpu.memory_space<semaphore_mem>>
        %dma_start3A_1061 = tpu.memref_squeeze %dma_start3A_1060 : memref<1x!tpu.dma_semaphore, #tpu.memory_space<semaphore_mem>> -> memref<!tpu.dma_semaphore, #tpu.memory_space<semaphore_mem>>
        tpu.enqueue_indirect_dma source(%dma_start3A_1059 : memref<1000000x64xf32, #tpu.memory_space<hbm>>) target(%dma_start3A_1053 : memref<50x64xf32, #tpu.memory_space<vmem>>) offsets(%dma_start3A_1056 : memref<50xi32, #tpu.memory_space<vmem>>) semaphore(%dma_start3A_1061 : memref<!tpu.dma_semaphore, #tpu.memory_space<semaphore_mem>>)
        %dma_start3A_1062 = arith.constant 1 : i32
        %dma_start3A_1063 = arith.constant 10 : i32
        %dma_start3A_1064 = arith.constant 1 : i32
        %dma_start3A_1065 = arith.constant 1 : i32
        %dma_start3A_1066 = arith.constant 0 : i32
        %dma_start3A_1067 = arith.constant 0 : i32
        %dma_start3A_1068 = tpu.memref_slice %arg6[%dma_start3A_1064, %dma_start3A_1066, %dma_start3A_1067] : memref<2x800x64xf32, #tpu.memory_space<vmem>> -> memref<1x800x64xf32, #tpu.memory_space<vmem>>
        %dma_start3A_1069 = tpu.memref_squeeze %dma_start3A_1068 : memref<1x800x64xf32, #tpu.memory_space<vmem>> -> memref<800x64xf32, #tpu.memory_space<vmem>>
        %dma_start3A_1070 = arith.constant 500 : i32
        %dma_start3A_1071 = arith.constant 0 : i32
        %dma_start3A_1072 = tpu.memref_slice %dma_start3A_1069[%dma_start3A_1070, %dma_start3A_1071] : memref<800x64xf32, #tpu.memory_space<vmem>> -> memref<50x64xf32, #tpu.memory_space<vmem>>
        %dma_start3A_1073 = arith.constant 0 : i32
        %dma_start3A_1074 = tpu.memref_slice %arg5[%dma_start3A_1062, %dma_start3A_1063, %dma_start3A_1073] : memref<2x16x50xi32, #tpu.memory_space<vmem>> -> memref<1x1x50xi32, #tpu.memory_space<vmem>>
        %dma_start3A_1075 = tpu.memref_squeeze %dma_start3A_1074 : memref<1x1x50xi32, #tpu.memory_space<vmem>> -> memref<50xi32, #tpu.memory_space<vmem>>
        %dma_start3A_1076 = arith.constant 0 : i32
        %dma_start3A_1077 = arith.constant 0 : i32
        %dma_start3A_1078 = tpu.memref_slice %arg3[%dma_start3A_1076, %dma_start3A_1077] : memref<1000000x64xf32, #tpu.memory_space<hbm>> -> memref<1000000x64xf32, #tpu.memory_space<hbm>>
        %dma_start3A_1079 = tpu.memref_slice %arg8[%dma_start3A_1065] : memref<2x!tpu.dma_semaphore, #tpu.memory_space<semaphore_mem>> -> memref<1x!tpu.dma_semaphore, #tpu.memory_space<semaphore_mem>>
        %dma_start3A_1080 = tpu.memref_squeeze %dma_start3A_1079 : memref<1x!tpu.dma_semaphore, #tpu.memory_space<semaphore_mem>> -> memref<!tpu.dma_semaphore, #tpu.memory_space<semaphore_mem>>
        tpu.enqueue_indirect_dma source(%dma_start3A_1078 : memref<1000000x64xf32, #tpu.memory_space<hbm>>) target(%dma_start3A_1072 : memref<50x64xf32, #tpu.memory_space<vmem>>) offsets(%dma_start3A_1075 : memref<50xi32, #tpu.memory_space<vmem>>) semaphore(%dma_start3A_1080 : memref<!tpu.dma_semaphore, #tpu.memory_space<semaphore_mem>>)
        %dma_start3A_1081 = arith.constant 1 : i32
        %dma_start3A_1082 = arith.constant 11 : i32
        %dma_start3A_1083 = arith.constant 1 : i32
        %dma_start3A_1084 = arith.constant 1 : i32
        %dma_start3A_1085 = arith.constant 0 : i32
        %dma_start3A_1086 = arith.constant 0 : i32
        %dma_start3A_1087 = tpu.memref_slice %arg6[%dma_start3A_1083, %dma_start3A_1085, %dma_start3A_1086] : memref<2x800x64xf32, #tpu.memory_space<vmem>> -> memref<1x800x64xf32, #tpu.memory_space<vmem>>
        %dma_start3A_1088 = tpu.memref_squeeze %dma_start3A_1087 : memref<1x800x64xf32, #tpu.memory_space<vmem>> -> memref<800x64xf32, #tpu.memory_space<vmem>>
        %dma_start3A_1089 = arith.constant 550 : i32
        %dma_start3A_1090 = arith.constant 0 : i32
        %dma_start3A_1091 = tpu.memref_slice %dma_start3A_1088[%dma_start3A_1089, %dma_start3A_1090] : memref<800x64xf32, #tpu.memory_space<vmem>> -> memref<50x64xf32, #tpu.memory_space<vmem>>
        %dma_start3A_1092 = arith.constant 0 : i32
        %dma_start3A_1093 = tpu.memref_slice %arg5[%dma_start3A_1081, %dma_start3A_1082, %dma_start3A_1092] : memref<2x16x50xi32, #tpu.memory_space<vmem>> -> memref<1x1x50xi32, #tpu.memory_space<vmem>>
        %dma_start3A_1094 = tpu.memref_squeeze %dma_start3A_1093 : memref<1x1x50xi32, #tpu.memory_space<vmem>> -> memref<50xi32, #tpu.memory_space<vmem>>
        %dma_start3A_1095 = arith.constant 0 : i32
        %dma_start3A_1096 = arith.constant 0 : i32
        %dma_start3A_1097 = tpu.memref_slice %arg3[%dma_start3A_1095, %dma_start3A_1096] : memref<1000000x64xf32, #tpu.memory_space<hbm>> -> memref<1000000x64xf32, #tpu.memory_space<hbm>>
        %dma_start3A_1098 = tpu.memref_slice %arg8[%dma_start3A_1084] : memref<2x!tpu.dma_semaphore, #tpu.memory_space<semaphore_mem>> -> memref<1x!tpu.dma_semaphore, #tpu.memory_space<semaphore_mem>>
        %dma_start3A_1099 = tpu.memref_squeeze %dma_start3A_1098 : memref<1x!tpu.dma_semaphore, #tpu.memory_space<semaphore_mem>> -> memref<!tpu.dma_semaphore, #tpu.memory_space<semaphore_mem>>
        tpu.enqueue_indirect_dma source(%dma_start3A_1097 : memref<1000000x64xf32, #tpu.memory_space<hbm>>) target(%dma_start3A_1091 : memref<50x64xf32, #tpu.memory_space<vmem>>) offsets(%dma_start3A_1094 : memref<50xi32, #tpu.memory_space<vmem>>) semaphore(%dma_start3A_1099 : memref<!tpu.dma_semaphore, #tpu.memory_space<semaphore_mem>>)
        %dma_start3A_1100 = arith.constant 1 : i32
        %dma_start3A_1101 = arith.constant 12 : i32
        %dma_start3A_1102 = arith.constant 1 : i32
        %dma_start3A_1103 = arith.constant 1 : i32
        %dma_start3A_1104 = arith.constant 0 : i32
        %dma_start3A_1105 = arith.constant 0 : i32
        %dma_start3A_1106 = tpu.memref_slice %arg6[%dma_start3A_1102, %dma_start3A_1104, %dma_start3A_1105] : memref<2x800x64xf32, #tpu.memory_space<vmem>> -> memref<1x800x64xf32, #tpu.memory_space<vmem>>
        %dma_start3A_1107 = tpu.memref_squeeze %dma_start3A_1106 : memref<1x800x64xf32, #tpu.memory_space<vmem>> -> memref<800x64xf32, #tpu.memory_space<vmem>>
        %dma_start3A_1108 = arith.constant 600 : i32
        %dma_start3A_1109 = arith.constant 0 : i32
        %dma_start3A_1110 = tpu.memref_slice %dma_start3A_1107[%dma_start3A_1108, %dma_start3A_1109] : memref<800x64xf32, #tpu.memory_space<vmem>> -> memref<50x64xf32, #tpu.memory_space<vmem>>
        %dma_start3A_1111 = arith.constant 0 : i32
        %dma_start3A_1112 = tpu.memref_slice %arg5[%dma_start3A_1100, %dma_start3A_1101, %dma_start3A_1111] : memref<2x16x50xi32, #tpu.memory_space<vmem>> -> memref<1x1x50xi32, #tpu.memory_space<vmem>>
        %dma_start3A_1113 = tpu.memref_squeeze %dma_start3A_1112 : memref<1x1x50xi32, #tpu.memory_space<vmem>> -> memref<50xi32, #tpu.memory_space<vmem>>
        %dma_start3A_1114 = arith.constant 0 : i32
        %dma_start3A_1115 = arith.constant 0 : i32
        %dma_start3A_1116 = tpu.memref_slice %arg3[%dma_start3A_1114, %dma_start3A_1115] : memref<1000000x64xf32, #tpu.memory_space<hbm>> -> memref<1000000x64xf32, #tpu.memory_space<hbm>>
        %dma_start3A_1117 = tpu.memref_slice %arg8[%dma_start3A_1103] : memref<2x!tpu.dma_semaphore, #tpu.memory_space<semaphore_mem>> -> memref<1x!tpu.dma_semaphore, #tpu.memory_space<semaphore_mem>>
        %dma_start3A_1118 = tpu.memref_squeeze %dma_start3A_1117 : memref<1x!tpu.dma_semaphore, #tpu.memory_space<semaphore_mem>> -> memref<!tpu.dma_semaphore, #tpu.memory_space<semaphore_mem>>
        tpu.enqueue_indirect_dma source(%dma_start3A_1116 : memref<1000000x64xf32, #tpu.memory_space<hbm>>) target(%dma_start3A_1110 : memref<50x64xf32, #tpu.memory_space<vmem>>) offsets(%dma_start3A_1113 : memref<50xi32, #tpu.memory_space<vmem>>) semaphore(%dma_start3A_1118 : memref<!tpu.dma_semaphore, #tpu.memory_space<semaphore_mem>>)
        %dma_start3A_1119 = arith.constant 1 : i32
        %dma_start3A_1120 = arith.constant 13 : i32
        %dma_start3A_1121 = arith.constant 1 : i32
        %dma_start3A_1122 = arith.constant 1 : i32
        %dma_start3A_1123 = arith.constant 0 : i32
        %dma_start3A_1124 = arith.constant 0 : i32
        %dma_start3A_1125 = tpu.memref_slice %arg6[%dma_start3A_1121, %dma_start3A_1123, %dma_start3A_1124] : memref<2x800x64xf32, #tpu.memory_space<vmem>> -> memref<1x800x64xf32, #tpu.memory_space<vmem>>
        %dma_start3A_1126 = tpu.memref_squeeze %dma_start3A_1125 : memref<1x800x64xf32, #tpu.memory_space<vmem>> -> memref<800x64xf32, #tpu.memory_space<vmem>>
        %dma_start3A_1127 = arith.constant 650 : i32
        %dma_start3A_1128 = arith.constant 0 : i32
        %dma_start3A_1129 = tpu.memref_slice %dma_start3A_1126[%dma_start3A_1127, %dma_start3A_1128] : memref<800x64xf32, #tpu.memory_space<vmem>> -> memref<50x64xf32, #tpu.memory_space<vmem>>
        %dma_start3A_1130 = arith.constant 0 : i32
        %dma_start3A_1131 = tpu.memref_slice %arg5[%dma_start3A_1119, %dma_start3A_1120, %dma_start3A_1130] : memref<2x16x50xi32, #tpu.memory_space<vmem>> -> memref<1x1x50xi32, #tpu.memory_space<vmem>>
        %dma_start3A_1132 = tpu.memref_squeeze %dma_start3A_1131 : memref<1x1x50xi32, #tpu.memory_space<vmem>> -> memref<50xi32, #tpu.memory_space<vmem>>
        %dma_start3A_1133 = arith.constant 0 : i32
        %dma_start3A_1134 = arith.constant 0 : i32
        %dma_start3A_1135 = tpu.memref_slice %arg3[%dma_start3A_1133, %dma_start3A_1134] : memref<1000000x64xf32, #tpu.memory_space<hbm>> -> memref<1000000x64xf32, #tpu.memory_space<hbm>>
        %dma_start3A_1136 = tpu.memref_slice %arg8[%dma_start3A_1122] : memref<2x!tpu.dma_semaphore, #tpu.memory_space<semaphore_mem>> -> memref<1x!tpu.dma_semaphore, #tpu.memory_space<semaphore_mem>>
        %dma_start3A_1137 = tpu.memref_squeeze %dma_start3A_1136 : memref<1x!tpu.dma_semaphore, #tpu.memory_space<semaphore_mem>> -> memref<!tpu.dma_semaphore, #tpu.memory_space<semaphore_mem>>
        tpu.enqueue_indirect_dma source(%dma_start3A_1135 : memref<1000000x64xf32, #tpu.memory_space<hbm>>) target(%dma_start3A_1129 : memref<50x64xf32, #tpu.memory_space<vmem>>) offsets(%dma_start3A_1132 : memref<50xi32, #tpu.memory_space<vmem>>) semaphore(%dma_start3A_1137 : memref<!tpu.dma_semaphore, #tpu.memory_space<semaphore_mem>>)
        %dma_start3A_1138 = arith.constant 1 : i32
        %dma_start3A_1139 = arith.constant 14 : i32
        %dma_start3A_1140 = arith.constant 1 : i32
        %dma_start3A_1141 = arith.constant 1 : i32
        %dma_start3A_1142 = arith.constant 0 : i32
        %dma_start3A_1143 = arith.constant 0 : i32
        %dma_start3A_1144 = tpu.memref_slice %arg6[%dma_start3A_1140, %dma_start3A_1142, %dma_start3A_1143] : memref<2x800x64xf32, #tpu.memory_space<vmem>> -> memref<1x800x64xf32, #tpu.memory_space<vmem>>
        %dma_start3A_1145 = tpu.memref_squeeze %dma_start3A_1144 : memref<1x800x64xf32, #tpu.memory_space<vmem>> -> memref<800x64xf32, #tpu.memory_space<vmem>>
        %dma_start3A_1146 = arith.constant 700 : i32
        %dma_start3A_1147 = arith.constant 0 : i32
        %dma_start3A_1148 = tpu.memref_slice %dma_start3A_1145[%dma_start3A_1146, %dma_start3A_1147] : memref<800x64xf32, #tpu.memory_space<vmem>> -> memref<50x64xf32, #tpu.memory_space<vmem>>
        %dma_start3A_1149 = arith.constant 0 : i32
        %dma_start3A_1150 = tpu.memref_slice %arg5[%dma_start3A_1138, %dma_start3A_1139, %dma_start3A_1149] : memref<2x16x50xi32, #tpu.memory_space<vmem>> -> memref<1x1x50xi32, #tpu.memory_space<vmem>>
        %dma_start3A_1151 = tpu.memref_squeeze %dma_start3A_1150 : memref<1x1x50xi32, #tpu.memory_space<vmem>> -> memref<50xi32, #tpu.memory_space<vmem>>
        %dma_start3A_1152 = arith.constant 0 : i32
        %dma_start3A_1153 = arith.constant 0 : i32
        %dma_start3A_1154 = tpu.memref_slice %arg3[%dma_start3A_1152, %dma_start3A_1153] : memref<1000000x64xf32, #tpu.memory_space<hbm>> -> memref<1000000x64xf32, #tpu.memory_space<hbm>>
        %dma_start3A_1155 = tpu.memref_slice %arg8[%dma_start3A_1141] : memref<2x!tpu.dma_semaphore, #tpu.memory_space<semaphore_mem>> -> memref<1x!tpu.dma_semaphore, #tpu.memory_space<semaphore_mem>>
        %dma_start3A_1156 = tpu.memref_squeeze %dma_start3A_1155 : memref<1x!tpu.dma_semaphore, #tpu.memory_space<semaphore_mem>> -> memref<!tpu.dma_semaphore, #tpu.memory_space<semaphore_mem>>
        tpu.enqueue_indirect_dma source(%dma_start3A_1154 : memref<1000000x64xf32, #tpu.memory_space<hbm>>) target(%dma_start3A_1148 : memref<50x64xf32, #tpu.memory_space<vmem>>) offsets(%dma_start3A_1151 : memref<50xi32, #tpu.memory_space<vmem>>) semaphore(%dma_start3A_1156 : memref<!tpu.dma_semaphore, #tpu.memory_space<semaphore_mem>>)
        %dma_start3A_1157 = arith.constant 1 : i32
        %dma_start3A_1158 = arith.constant 15 : i32
        %dma_start3A_1159 = arith.constant 1 : i32
        %dma_start3A_1160 = arith.constant 1 : i32
        %dma_start3A_1161 = arith.constant 0 : i32
        %dma_start3A_1162 = arith.constant 0 : i32
        %dma_start3A_1163 = tpu.memref_slice %arg6[%dma_start3A_1159, %dma_start3A_1161, %dma_start3A_1162] : memref<2x800x64xf32, #tpu.memory_space<vmem>> -> memref<1x800x64xf32, #tpu.memory_space<vmem>>
        %dma_start3A_1164 = tpu.memref_squeeze %dma_start3A_1163 : memref<1x800x64xf32, #tpu.memory_space<vmem>> -> memref<800x64xf32, #tpu.memory_space<vmem>>
        %dma_start3A_1165 = arith.constant 750 : i32
        %dma_start3A_1166 = arith.constant 0 : i32
        %dma_start3A_1167 = tpu.memref_slice %dma_start3A_1164[%dma_start3A_1165, %dma_start3A_1166] : memref<800x64xf32, #tpu.memory_space<vmem>> -> memref<50x64xf32, #tpu.memory_space<vmem>>
        %dma_start3A_1168 = arith.constant 0 : i32
        %dma_start3A_1169 = tpu.memref_slice %arg5[%dma_start3A_1157, %dma_start3A_1158, %dma_start3A_1168] : memref<2x16x50xi32, #tpu.memory_space<vmem>> -> memref<1x1x50xi32, #tpu.memory_space<vmem>>
        %dma_start3A_1170 = tpu.memref_squeeze %dma_start3A_1169 : memref<1x1x50xi32, #tpu.memory_space<vmem>> -> memref<50xi32, #tpu.memory_space<vmem>>
        %dma_start3A_1171 = arith.constant 0 : i32
        %dma_start3A_1172 = arith.constant 0 : i32
        %dma_start3A_1173 = tpu.memref_slice %arg3[%dma_start3A_1171, %dma_start3A_1172] : memref<1000000x64xf32, #tpu.memory_space<hbm>> -> memref<1000000x64xf32, #tpu.memory_space<hbm>>
        %dma_start3A_1174 = tpu.memref_slice %arg8[%dma_start3A_1160] : memref<2x!tpu.dma_semaphore, #tpu.memory_space<semaphore_mem>> -> memref<1x!tpu.dma_semaphore, #tpu.memory_space<semaphore_mem>>
        %dma_start3A_1175 = tpu.memref_squeeze %dma_start3A_1174 : memref<1x!tpu.dma_semaphore, #tpu.memory_space<semaphore_mem>> -> memref<!tpu.dma_semaphore, #tpu.memory_space<semaphore_mem>>
        tpu.enqueue_indirect_dma source(%dma_start3A_1173 : memref<1000000x64xf32, #tpu.memory_space<hbm>>) target(%dma_start3A_1167 : memref<50x64xf32, #tpu.memory_space<vmem>>) offsets(%dma_start3A_1170 : memref<50xi32, #tpu.memory_space<vmem>>) semaphore(%dma_start3A_1175 : memref<!tpu.dma_semaphore, #tpu.memory_space<semaphore_mem>>)
      } else {
      }
    }
    %scan3A_687 = arith.constant 16 : i32
    %dma_wait3A_688 = arith.constant 0 : i32
    %dma_wait3A_689 = arith.constant 0 : i32
    %dma_wait3A_690 = arith.constant 0 : i32
    %dma_wait3A_691 = arith.constant 0 : i32
    %dma_wait3A_692 = tpu.memref_slice %arg7[%dma_wait3A_688, %dma_wait3A_690, %dma_wait3A_691] : memref<2x16x64xf32, #tpu.memory_space<vmem>> -> memref<1x16x64xf32, #tpu.memory_space<vmem>>
    %dma_wait3A_693 = tpu.memref_squeeze %dma_wait3A_692 : memref<1x16x64xf32, #tpu.memory_space<vmem>> -> memref<16x64xf32, #tpu.memory_space<vmem>>
    %dma_wait3A_694 = arith.constant 0 : i32
    %dma_wait3A_695 = arith.constant 0 : i32
    %dma_wait3A_696 = tpu.memref_slice %arg4[%dma_wait3A_694, %dma_wait3A_695] : memref<16384x64xf32, #tpu.memory_space<hbm>> -> memref<16x64xf32, #tpu.memory_space<hbm>>
    %dma_wait3A_697 = tpu.memref_slice %arg9[%dma_wait3A_689] : memref<2x!tpu.dma_semaphore, #tpu.memory_space<semaphore_mem>> -> memref<1x!tpu.dma_semaphore, #tpu.memory_space<semaphore_mem>>
    %dma_wait3A_698 = tpu.memref_squeeze %dma_wait3A_697 : memref<1x!tpu.dma_semaphore, #tpu.memory_space<semaphore_mem>> -> memref<!tpu.dma_semaphore, #tpu.memory_space<semaphore_mem>>
    %dma_wait3A_699 = arith.constant 0 : i32
    %dma_wait3A_700 = arith.constant 0 : i32
    %dma_wait3A_701 = tpu.memref_slice %arg4[%dma_wait3A_699, %dma_wait3A_700] : memref<16384x64xf32, #tpu.memory_space<hbm>> -> memref<16x64xf32, #tpu.memory_space<hbm>>
    %dma_wait3A_702 = arith.constant 0 : i32
    %dma_wait3A_703 = arith.constant 0 : i32
    %dma_wait3A_704 = tpu.memref_slice %arg7[%dma_wait3A_688, %dma_wait3A_702, %dma_wait3A_703] : memref<2x16x64xf32, #tpu.memory_space<vmem>> -> memref<1x16x64xf32, #tpu.memory_space<vmem>>
    %dma_wait3A_705 = tpu.memref_squeeze %dma_wait3A_704 : memref<1x16x64xf32, #tpu.memory_space<vmem>> -> memref<16x64xf32, #tpu.memory_space<vmem>>
    tpu.wait_dma2 semaphore(%dma_wait3A_698 : memref<!tpu.dma_semaphore, #tpu.memory_space<semaphore_mem>>) src(%dma_wait3A_705 : memref<16x64xf32, #tpu.memory_space<vmem>>) dst(%dma_wait3A_701 : memref<16x64xf32, #tpu.memory_space<hbm>>)
    %dma_wait3A_706 = arith.constant 1 : i32
    %dma_wait3A_707 = arith.constant 1 : i32
    %dma_wait3A_708 = arith.constant 0 : i32
    %dma_wait3A_709 = arith.constant 0 : i32
    %dma_wait3A_710 = tpu.memref_slice %arg7[%dma_wait3A_706, %dma_wait3A_708, %dma_wait3A_709] : memref<2x16x64xf32, #tpu.memory_space<vmem>> -> memref<1x16x64xf32, #tpu.memory_space<vmem>>
    %dma_wait3A_711 = tpu.memref_squeeze %dma_wait3A_710 : memref<1x16x64xf32, #tpu.memory_space<vmem>> -> memref<16x64xf32, #tpu.memory_space<vmem>>
    %dma_wait3A_712 = arith.constant 0 : i32
    %dma_wait3A_713 = arith.constant 0 : i32
    %dma_wait3A_714 = tpu.memref_slice %arg4[%dma_wait3A_712, %dma_wait3A_713] : memref<16384x64xf32, #tpu.memory_space<hbm>> -> memref<16x64xf32, #tpu.memory_space<hbm>>
    %dma_wait3A_715 = tpu.memref_slice %arg9[%dma_wait3A_707] : memref<2x!tpu.dma_semaphore, #tpu.memory_space<semaphore_mem>> -> memref<1x!tpu.dma_semaphore, #tpu.memory_space<semaphore_mem>>
    %dma_wait3A_716 = tpu.memref_squeeze %dma_wait3A_715 : memref<1x!tpu.dma_semaphore, #tpu.memory_space<semaphore_mem>> -> memref<!tpu.dma_semaphore, #tpu.memory_space<semaphore_mem>>
    %dma_wait3A_717 = arith.constant 0 : i32
    %dma_wait3A_718 = arith.constant 0 : i32
    %dma_wait3A_719 = tpu.memref_slice %arg4[%dma_wait3A_717, %dma_wait3A_718] : memref<16384x64xf32, #tpu.memory_space<hbm>> -> memref<16x64xf32, #tpu.memory_space<hbm>>
    %dma_wait3A_720 = arith.constant 0 : i32
    %dma_wait3A_721 = arith.constant 0 : i32
    %dma_wait3A_722 = tpu.memref_slice %arg7[%dma_wait3A_706, %dma_wait3A_720, %dma_wait3A_721] : memref<2x16x64xf32, #tpu.memory_space<vmem>> -> memref<1x16x64xf32, #tpu.memory_space<vmem>>
    %dma_wait3A_723 = tpu.memref_squeeze %dma_wait3A_722 : memref<1x16x64xf32, #tpu.memory_space<vmem>> -> memref<16x64xf32, #tpu.memory_space<vmem>>
    tpu.wait_dma2 semaphore(%dma_wait3A_716 : memref<!tpu.dma_semaphore, #tpu.memory_space<semaphore_mem>>) src(%dma_wait3A_723 : memref<16x64xf32, #tpu.memory_space<vmem>>) dst(%dma_wait3A_719 : memref<16x64xf32, #tpu.memory_space<hbm>>)
    return
  }
}

</mosaic_0001>

<sc_bundles>
// kernel: kernel.3.cloned.1.call-start
scs
__scs_entry_jumppad:
0x0: {  	(pc) =	sbr.rel $0x88, $3  }
0x1: {  	(tag) =	ssettag $0x0;
	lr =	simm.s32 $0x1  }
0x2: {  	[smem:$0x3F9F] =	sst lr;
	_ =	strace $0xD0000000  }
0x3: {  	_ = 	snop  }
0x4: {  	_ = 	snop  }
0x5: {  	_ = 	snop  }
0x6: {  	_ = 	snop  }
0x7: {  	_ = 	snop  }
__scs_overlays_trampoline_lowered:
0x8: {  	[smem:$0x3FAE] =	sst s0  }
0x9: {  	[smem:$0x3FAF] =	sst s1  }
0xa: {  	[smem:$0x3FB0] =	sst s2  }
0xb: {  	[smem:$0x3FB1] =	sst s3  }
0xc: {  	[smem:$0x3FB2] =	sst s4  }
0xd: {  	[smem:$0x3FB3] =	sst s5  }
0xe: {  	[smem:$0x3FB4] =	sst s6  }
0xf: {  	[smem:$0x3FB5] =	sst s7  }
0x10: {  	[smem:$0x3FB6] =	sst s8  }
0x11: {  	[smem:$0x3FB7] =	sst s9;
	s0 =	simm.s32 @!p0 $0x0  }
0x12: {  	s1 =	sld [smem:$0x3F9D];
	s0 =	simm.s32 @p0 $0x1  }
0x13: {  	[smem:$0x3FB8] =	sst s0;
	s0 =	simm.s32 @!p1 $0x0  }
0x14: {  	s2 =	sld [smem:$0x3F9C];
	s0 =	simm.s32 @p1 $0x1  }
0x15: {  	[smem:$0x3FB9] =	sst s0;
	s0 =	simm.s32 @!p2 $0x0  }
0x16: {  	s3 =	sld [smem:$0x3FDB];
	s0 =	simm.s32 @p2 $0x1  }
0x17: {  	s4 =	simm.s32 $0x1BF5;
	[smem:$0x3FBB] =	sst s0  }
0x18: {  	s0 =	sld [smem:$0x3F9E];
	_ =	swait.ge [sflag:s4], $0x0  }
0x19: {  	s7 =	sld [smem:$0x3F9F]  }
0x1a: {  	s8 =	sadd.s32 $0xFFFFE003, lr  }
0x1b: {  	s9 =	sadd.s32 $0xFFFFFEF7, lr;
	s5 =	simm.s32 $0xFFFFFFFF;
	p2 =	slt.u32 s8, $0xFFFFF086  }
0x1c: {  	p1 =	slt.u32 s9, $0xF7A;
	s5 =	simm.s32 @!p2 $0x0  }
0x1d: {  	s5 =	simm.s32 @p1 $0x1;
	p0 =	seq.s32 s7, s2  }
0x1e: {  	s7 =	smul.u32 @!p0 $0xF7A, s2;
	p2 =	seq.s32 @!p0 s5, $0x0  }
0x1f: {  	s9 =	smul.u32 $0xF7A, s1;
	s8 =	simm.s32 @!p0 $0x1BF5;
	p2 =	por !p2, p0  }
0x20: {  	[sflag:s8] =	ssyncset.s32 @!p0 $0xFFFFF086;
	s6 =	sadd.s32 @!p0 s3, s7;
	s7 =	simm.s32 @!p0 $0x108  }
0x21: {  	s3 =	sadd.s32 s3, s9;
	s6 =	sadd.s32 @!p0 $0x88, s6;
	s7 =	simm.s32 @p2 $0x1082  }
0x22: {  	[simem:s7], [sflag:s8] =	dma.local @!p0 [hbm:s6], $0xF7A  }
0x23: {  	s9 =	sor.u32 $0xD0000000, s2;
	s6 =	simm.s32 $0x108;
	_ =	swait.ge @!p0 [sflag:s8], $0x0  }
0x24: {  	s3 =	sadd.s32 $0x88, s3;
	s6 =	simm.s32 @!p1 $0x1082;
	[sflag:s4] =	ssyncset.s32 $0xFFFFF086  }
0x25: {  	[simem:s6], [sflag:s4] =	dma.local [hbm:s3], $0xF7A  }
0x26: {  	[smem:$0x3F9F] =	sst s1;
	(tag) =	ssettag s2;
	_ =	strace s9  }
0x27: {  	s1 =	sld [smem:$0x3FAF]  }
0x28: {  	s2 =	sld [smem:$0x3FB0]  }
0x29: {  	s4 =	sld [smem:$0x3FB2]  }
0x2a: {  	p0 =	seq.s32 s5, $0x0;
	s5 =	sld [smem:$0x3FB3]  }
0x2b: {  	s6 =	sld [smem:$0x3FB4]  }
0x2c: {  	s7 =	sld [smem:$0x3FB5]  }
0x2d: {  	s3 =	simm.s32 $0x108;
	s8 =	sld [smem:$0x3FB6]  }
0x2e: {  	s3 =	simm.s32 @!p0 $0x1082;
	s9 =	sld [smem:$0x3FB7]  }
0x2f: {  	lr =	sadd.s32 s0, s3;
	s0 =	sld [smem:$0x3FAE]  }
0x30: {  	s3 =	sld [smem:$0x3FB1]  }
0x31: {  	[smem:$0x3FBA] =	sst s10  }
0x32: {  	s10 =	sld [smem:$0x3FB8];
	_ =	sdelay $0x3  }
0x33: {  	p0 =	seq.s32 s10, $0x1;
	s10 =	sld [smem:$0x3FBA];
	_ =	sdelay $0x3  }
0x34: {  	[smem:$0x3FBA] =	sst s10  }
0x35: {  	s10 =	sld [smem:$0x3FB9];
	_ =	sdelay $0x3  }
0x36: {  	p1 =	seq.s32 s10, $0x1;
	s10 =	sld [smem:$0x3FBA];
	_ =	sdelay $0x3  }
0x37: {  	[smem:$0x3FBA] =	sst s10  }
0x38: {  	s10 =	sld [smem:$0x3FBB]  }
0x39: {  	_ = 	snop;
	(pc) =	sbr.ind lr, $3  }
0x3a: {  	_ = 	snop  }
0x3b: {  	_ = 	snop  }
0x3c: {  	p2 =	seq.s32 s10, $0x1;
	s10 =	sld [smem:$0x3FBA]  }
0x3d: {  	_ =	shalt  }
0x3e: {  	_ =	shalt  }
0x3f: {  	_ =	shalt  }
0x40: {  	_ =	shalt  }
0x41: {  	_ =	shalt  }
0x42: {  	_ =	shalt  }
0x43: {  	_ =	shalt  }
0x44: {  	_ =	shalt  }
0x45: {  	_ =	shalt  }
0x46: {  	_ =	shalt  }
0x47: {  	_ =	shalt  }
0x48: {  	_ =	shalt  }
0x49: {  	_ =	shalt  }
0x4a: {  	_ =	shalt  }
0x4b: {  	_ =	shalt  }
0x4c: {  	_ =	shalt  }
0x4d: {  	_ =	shalt  }
0x4e: {  	_ =	shalt  }
0x4f: {  	_ =	shalt  }
0x50: {  	_ =	shalt  }
0x51: {  	_ =	shalt  }
0x52: {  	_ =	shalt  }
0x53: {  	_ =	shalt  }
0x54: {  	_ =	shalt  }
0x55: {  	_ =	shalt  }
0x56: {  	_ =	shalt  }
0x57: {  	_ =	shalt  }
0x58: {  	_ =	shalt  }
0x59: {  	_ =	shalt  }
0x5a: {  	_ =	shalt  }
0x5b: {  	_ =	shalt  }
0x5c: {  	_ =	shalt  }
0x5d: {  	_ =	shalt  }
0x5e: {  	_ =	shalt  }
0x5f: {  	_ =	shalt  }
0x60: {  	_ =	shalt  }
0x61: {  	_ =	shalt  }
0x62: {  	_ =	shalt  }
0x63: {  	_ =	shalt  }
0x64: {  	_ =	shalt  }
0x65: {  	_ =	shalt  }
0x66: {  	_ =	shalt  }
0x67: {  	_ =	shalt  }
0x68: {  	_ =	shalt  }
0x69: {  	_ =	shalt  }
0x6a: {  	_ =	shalt  }
0x6b: {  	_ =	shalt  }
0x6c: {  	_ =	shalt  }
0x6d: {  	_ =	shalt  }
0x6e: {  	_ =	shalt  }
0x6f: {  	_ =	shalt  }
0x70: {  	_ =	shalt  }
0x71: {  	_ =	shalt  }
0x72: {  	_ =	shalt  }
0x73: {  	_ =	shalt  }
0x74: {  	_ =	shalt  }
0x75: {  	_ =	shalt  }
0x76: {  	_ =	shalt  }
0x77: {  	_ =	shalt  }
0x78: {  	_ =	shalt  }
0x79: {  	_ =	shalt  }
0x7a: {  	_ =	shalt  }
0x7b: {  	_ =	shalt  }
0x7c: {  	_ =	shalt  }
0x7d: {  	_ =	shalt  }
0x7e: {  	_ =	shalt  }
0x7f: {  	_ =	shalt  }
0x80: {  	_ =	shalt  }
0x81: {  	_ =	shalt  }
0x82: {  	_ =	shalt  }
0x83: {  	_ =	shalt  }
0x84: {  	_ =	shalt  }
0x85: {  	_ =	shalt  }
0x86: {  	_ =	shalt  }
0x87: {  	_ =	shalt  }
.Lfunc_end0:
.L_simem_size_0:
called_computation_lowered:
.L_overlay_start_0:
0x88: {  	s2 =	sld [smem:$0x3FD9]  }
0x89: {  	s3 =	sld [smem:$0x3FFE];
	_ =	sdelay $0x1  }
0x8a: {  	s1 =	srdreg.scid  }
0x8b: {  	s0 =	sand.u32 $0x1, s1  }
0x8c: {  	s17 =	sshll.u32 s0, $0xA;
	s2 =	sadd.s32 s3, s2  }
0x8d: {  	s2 =	sadd.s32 s2, s17  }
0x8e: {  	[smem:$0x3FC6] =	sst s2  }
0x8f: {  	_ = 	snop  }
0x90: {  	s2 =	sld [smem:$0x3FD0];
	(tm) =	ssettm $0x1  }
0x91: {  	s18 =	sld [smem:$0x3FFB];
	_ =	sdelay $0x3  }
0x92: {  	_ =	strace s18  }
0x93: {  	s3 =	sld [smem:$0x3FFC];
	_ =	sdelay $0x3  }
0x94: {  	_ =	strace s3  }
0x95: {  	s3 =	sld [smem:$0x3FFD];
	_ =	sdelay $0x3  }
0x96: {  	_ =	strace s3  }
0x97: {  	_ =	strace $0x8FFFFFFF  }
0x98: {  	s19 =	sld [smem:$0x3FDB];
	_ =	sdelay $0x1  }
0x99: {  	s4 =	simm.s32 $_scs_section_size  }
0x9a: {  	s5 =	simm.s32 $_size__tile_overlayer_lowered;
	s6 =	simm.s32 $_tile_overlayer_lowered  }
0x9b: {  	s22 =	simm.s32 $0x1BFF;
	s21 =	sshll.u32 s6, $0x1;
	s3 =	sadd.s32 s4, s19  }
0x9c: {  	s7 =	simm.s32 $0x0;
	s20 =	sshll.u32 s5, $0x1;
	s5 =	sadd.s32 s21, s3  }
0x9d: {  	[timem:s7], [sflag:s22] =	dma.local [hbm:s5], s20  }
0x9e: {  	_ =	swait.ge [sflag:s22], s20  }
0x9f: {  	s4 =	ssub.s32 $0x0, s20;
	[sflag:s22] =	ssyncset.done $0x0  }
0xa0: {  	[sflag:s22] =	ssyncadd.s32 s4;
	_ =	sdelay $0x1  }
0xa1: {  	s23 =	simm.s32 $0x1B8B  }
0xa2: {  	_ =	swait.ge [sflag:s23], $0x1  }
0xa3: {  	[sflag:s23] =	ssyncset.done $0x0  }
0xa4: {  	s25 =	simm.s32 $0x1B8E;
	s24 =	sld [smem:$0x3FFE];
	[sflag:s23] =	ssyncadd.s32 $0xFFFFFFFF  }
0xa5: {  	s26 =	simm.s32 $execute0_lowered;
	[smem:$0x3FD2] =	sst s25  }
0xa6: {  	s5 =	sshll.u32 s26, $0x1;
	_ =	strace $0x80000046;
	[dreg:$0x1] =	wrdreg $0xFFFFFFFF  }
0xa7: {  	s28 =	simm.s32 $_size_execute0_lowered;
	s3 =	sadd.s32 s3, s5;
	[dreg:$0x0] =	wrdreg $0x0  }
0xa8: {  	s5 =	sshll.u32 s28, $0x1;
	[dreg:$0x2] =	wrdreg s3  }
0xa9: {  	[dreg:$0x3] =	wrdreg s5  }
0xaa: {  	[dreg:$0x4] =	wrdreg $0xC0  }
0xab: {  	_ =	task [dreg:s7], $0x5FFFF  }
0xac: {  	[dreg:$0x1] =	wrdreg $0xFFFFFFFF  }
0xad: {  	[dreg:$0x0] =	wrdreg $0x60  }
0xae: {  	[dreg:$0x2] =	wrdreg s24  }
0xaf: {  	[dreg:$0x3] =	wrdreg s2  }
0xb0: {  	[dreg:$0x4] =	wrdreg $0x9  }
0xb1: {  	_ =	task.clear_ibuf [dreg:s7], $0x5FFFF;
	_ =	strace $0x90000046  }
0xb2: {  	s29 =	simm.s32 $0x9;
	_ =	strace $0x80000048  }
0xb3: {  	_ =	swait.ge [sflag:s29], $0x1  }
0xb4: {  	[sflag:s29] =	ssyncadd.s32 $0xFFFFFFFF  }
0xb5: {  	_ =	strace $0x90000048  }
0xb6: {  	_ =	sfence  }
0xb7: {  	s30 =	sld [smem:$0x0];
	_ =	sdelay $0x2  }
0xb8: {  	s31 =	sshll.u32 s1, $0xD;
	s1 =	sshrl.u32 s1, $0x2  }
0xb9: {  	s3 =	sand.u32 $0x4000, s31;
	s1 =	sadd.s32 s1, s30  }
0xba: {  	s0 =	sor.u32 s3, s0;
	s1 =	sshll.u32 s1, $0x11  }
0xbb: {  	s0 =	sor.u32 s1, s0  }
0xbc: {  	s0 =	sadd.s32 $0x8F2B, s0  }
0xbd: {  	[sflag:s0] =	ssyncadd.remote.s32 $0x1  }
0xbe: {  	_ =	sfence.sel $0xFFFF  }
0xbf: {  	[dreg:$0x0] =	wrdreg $0xFFFFFFFF;
	(pc) =	sbr.abs _section_cstart, $3  }
0xc0: {  	[dreg:$0x1] =	wrdreg $0xFFFFFFFF  }
0xc1: {  	_ =	task.clear_ibuf [dreg:s7], $0x2FFFF;
	_ =	strace $0x9FFFFFFF  }
0xc2: {  	(tm) =	ssettm $0x7FFFFFFF  }
0xc3: {  	_ =	shalt  }
tec
execute0_lowered:
.L_overlay_start_1:
0x0: {  	(tag) =	ssettag $0x1  }
0x1: {  	s0 =	rddreg [dreg:$0x0]  }
0x2: {  	s7 =	rddreg [dreg:$0x1];
	s1 =	srdreg.scid  }
0x3: {  	s2 =	stileid.u32;
	s3 =	simm.s32 $0x0;
	s13 =	simm.s32 $0x5  }
0x4: {  	s14 =	simm.s32 $0x32;
	s11 =	simm.s32 $0x14C00;
	s28 =	simm.s32 $0x5E8  }
0x5: {  	s29 =	simm.s32 $0x15880;
	s30 =	simm.s32 $0x620;
	s31 =	simm.s32 $0x16500  }
0x6: {  	s8 =	simm.s32 $0x690;
	s12 =	simm.s32 $0x17E00;
	s15 =	simm.s32 $0x18A80  }
0x7: {  	s16 =	simm.s32 $0x1;
	s17 =	simm.s32 $0x19700;
	s18 =	simm.s32 $0x4  }
0x8: {  	s19 =	simm.s32 $0x2;
	s20 =	simm.s32 $0x19B00;
	s22 =	simm.s32 $0x0  }
0x9: {  	s1 =	sand.u32 $0x1, s1;
	s2 =	sshll.u32 s2, $0xA;
	[smem:$0x7FF] =	sst s3  }
0xa: {  	s5 =	sadd.s32 $0x600, s0;
	s4 =	sshll.u32 s1, $0x9;
	s1 =	ssub.s32 $0x2, s1  }
0xb: {  	s6 =	sadd.s32 $0xF42A00, s0;
	s4 =	sor.u32 s4, s2;
	s24 =	sshrl.u32 s1, $0x1  }
0xc: {  	_ =	strace $0x80000047;
	s2 =	smul.u32 $0x7, s4;
	s0 =	ssub.s32 s1, s24  }
0xd: {  	s25 =	sshll.u32 s4, $0x3;
	s9 =	sor.u32 $0x20, s4;
	s26 =	sor.u32 $0x30, s4  }
.Ltmp0:
0xe: {  	s1 =	simm.s32 $0x17180;
	s10 =	sadd.s32 s7, s25;
	(pc) =	sbr.rel .LBB2_1-.Ltmp0, $4  }
0xf: {  	[dreg:$0x5] =	wrdreg s26;
	s0 =	smax.u32 s0, $0x1;
	s25 =	simm.s32 $0x380  }
0x10: {  	s26 =	simm.s32 $0x6;
	s2 =	sadd.s32 s5, s2;
	[dreg:$0x6] =	wrdreg s0  }
0x11: {  	s7 =	simm.s32 $0x6C8;
	[dreg:$0x3] =	wrdreg s2;
	s2 =	sadd.s32 $0x70, s2  }
0x12: {  	s0 =	simm.s32 $0x658;
	[dreg:$0x4] =	wrdreg s2;
	s2 =	simm.s32 $0x5B0  }
.LBB2_11:
0x13: {  	s21 =	simm.s32 $0x3  }
0x14: {  	_ =	swait.ge [sflag:s21], $0x400  }
0x15: {  	[sflag:s21] =	ssyncset.done $0x0  }
0x16: {  	[sflag:s21] =	ssyncadd.s32 $0xFFFFFC00  }
0x17: {  	_ =	swait.ge [sflag:s18], $0x400  }
0x18: {  	s22 =	rddreg [dreg:$0x7]  }
0x19: {  	s24 =	rddreg [dreg:$0x6];
	s22 =	sadd.s32 $0x1, s22  }
0x1a: {  	p0 =	sne.s32 s22, s24  }
.Ltmp1:
0x1b: {  	_ = 	snop;
	(pc) =	sbr.rel @!p0 .LBB2_12-.Ltmp1, $3  }
0x1c: {  	_ =	sdelay $0x1  }
0x1d: {  	[sflag:s18] =	ssyncset.done $0x0  }
0x1e: {  	[sflag:s18] =	ssyncadd.s32 $0xFFFFFC00  }
.LBB2_1:
0x1f: {  	[dreg:$0x7] =	wrdreg s22  }
0x20: {  	s21 =	rddreg [dreg:$0x3]  }
0x21: {  	[tilespmem:s3], [sflag:$0x5] =	stream.linear.gather [hbm4b:s21+s3], $0x380, $0x38;
	[tilespmem:$0x19F00] =	vst v63  }
0x22: {  	_ =	swait.ge [sflag:s13], $0x380  }
0x23: {  	[sflag:s13] =	ssyncset.done $0x0  }
0x24: {  	s22 =	simm.s32 $0x700;
	[sflag:s13] =	ssyncadd.s32 $0xFFFFFC80  }
0x25: {  	[tilespmem:s22], [sflag:$0x1] =	stream.indirect.gather [hbm4b:s6+s14], $0x40, s3, s14, $0xb8;
	[tilespmem:$0x19F00] =	vst v63  }
0x26: {  	s23 =	simm.s32 $0x38;
	s24 =	simm.s32 $0x1380  }
0x27: {  	[tilespmem:s24], [sflag:$0x1] =	stream.indirect.gather [hbm4b:s6+s14], $0x40, s23, s14, $0xb8;
	[tilespmem:$0x19F00] =	vst v63  }
0x28: {  	s23 =	simm.s32 $0x70;
	s24 =	simm.s32 $0x2000  }
0x29: {  	[tilespmem:s24], [sflag:$0x1] =	stream.indirect.gather [hbm4b:s6+s14], $0x40, s23, s14, $0xb8;
	[tilespmem:$0x19F00] =	vst v63  }
0x2a: {  	s23 =	simm.s32 $0xA8;
	s24 =	simm.s32 $0x2C80  }
0x2b: {  	[tilespmem:s24], [sflag:$0x1] =	stream.indirect.gather [hbm4b:s6+s14], $0x40, s23, s14, $0xb8;
	[tilespmem:$0x19F00] =	vst v63  }
0x2c: {  	s23 =	simm.s32 $0xE0;
	s24 =	simm.s32 $0x3900  }
0x2d: {  	[tilespmem:s24], [sflag:$0x1] =	stream.indirect.gather [hbm4b:s6+s14], $0x40, s23, s14, $0xb8;
	[tilespmem:$0x19F00] =	vst v63  }
0x2e: {  	s23 =	simm.s32 $0x118;
	s24 =	simm.s32 $0x4580  }
0x2f: {  	[tilespmem:s24], [sflag:$0x1] =	stream.indirect.gather [hbm4b:s6+s14], $0x40, s23, s14, $0xb8;
	[tilespmem:$0x19F00] =	vst v63  }
0x30: {  	s23 =	simm.s32 $0x150;
	s24 =	simm.s32 $0x5200  }
0x31: {  	[tilespmem:s24], [sflag:$0x1] =	stream.indirect.gather [hbm4b:s6+s14], $0x40, s23, s14, $0xb8;
	[tilespmem:$0x19F00] =	vst v63  }
0x32: {  	s23 =	simm.s32 $0x188;
	s24 =	simm.s32 $0x5E80  }
0x33: {  	[tilespmem:s24], [sflag:$0x1] =	stream.indirect.gather [hbm4b:s6+s14], $0x40, s23, s14, $0xb8;
	[tilespmem:$0x19F00] =	vst v63  }
0x34: {  	s23 =	simm.s32 $0x1C0;
	s24 =	simm.s32 $0x6B00  }
0x35: {  	[tilespmem:s24], [sflag:$0x1] =	stream.indirect.gather [hbm4b:s6+s14], $0x40, s23, s14, $0xb8;
	[tilespmem:$0x19F00] =	vst v63  }
0x36: {  	s23 =	simm.s32 $0x1F8;
	s24 =	simm.s32 $0x7780  }
0x37: {  	[tilespmem:s24], [sflag:$0x1] =	stream.indirect.gather [hbm4b:s6+s14], $0x40, s23, s14, $0xb8;
	[tilespmem:$0x19F00] =	vst v63  }
0x38: {  	s23 =	simm.s32 $0x230;
	s24 =	simm.s32 $0x8400  }
0x39: {  	[tilespmem:s24], [sflag:$0x1] =	stream.indirect.gather [hbm4b:s6+s14], $0x40, s23, s14, $0xb8;
	[tilespmem:$0x19F00] =	vst v63  }
0x3a: {  	s23 =	simm.s32 $0x268;
	s24 =	simm.s32 $0x9080  }
0x3b: {  	[tilespmem:s24], [sflag:$0x1] =	stream.indirect.gather [hbm4b:s6+s14], $0x40, s23, s14, $0xb8;
	[tilespmem:$0x19F00] =	vst v63  }
0x3c: {  	s23 =	simm.s32 $0x2A0;
	s24 =	simm.s32 $0x9D00  }
0x3d: {  	[tilespmem:s24], [sflag:$0x1] =	stream.indirect.gather [hbm4b:s6+s14], $0x40, s23, s14, $0xb8;
	[tilespmem:$0x19F00] =	vst v63  }
0x3e: {  	s23 =	simm.s32 $0x2D8;
	s24 =	simm.s32 $0xA980  }
0x3f: {  	[tilespmem:s24], [sflag:$0x1] =	stream.indirect.gather [hbm4b:s6+s14], $0x40, s23, s14, $0xb8;
	[tilespmem:$0x19F00] =	vst v63  }
0x40: {  	s23 =	simm.s32 $0x310;
	s24 =	simm.s32 $0xB600  }
0x41: {  	[tilespmem:s24], [sflag:$0x1] =	stream.indirect.gather [hbm4b:s6+s14], $0x40, s23, s14, $0xb8;
	[tilespmem:$0x19F00] =	vst v63  }
0x42: {  	s22 =	simm.s32 $0x348;
	s23 =	simm.s32 $0xC280  }
0x43: {  	[tilespmem:s23], [sflag:$0x1] =	stream.indirect.gather [hbm4b:s6+s14], $0x40, s22, s14, $0xb8;
	[tilespmem:$0x19F00] =	vst v63  }
0x44: {  	s24 =	rddreg [dreg:$0x4]  }
0x45: {  	[tilespmem:s25], [sflag:$0x6] =	stream.linear.gather [hbm4b:s24+s3], $0x380, $0x38;
	[tilespmem:$0x19F00] =	vst v63  }
0x46: {  	_ =	swait.ge [sflag:s26], $0x380  }
0x47: {  	[sflag:s26] =	ssyncset.done $0x0  }
0x48: {  	s22 =	simm.s32 $0xCF00;
	[sflag:s26] =	ssyncadd.s32 $0xFFFFFC80  }
0x49: {  	[tilespmem:s22], [sflag:$0x2] =	stream.indirect.gather [hbm4b:s6+s14], $0x40, s25, s14, $0xb8;
	[tilespmem:$0x19F00] =	vst v63  }
0x4a: {  	s23 =	simm.s32 $0x3B8;
	s24 =	simm.s32 $0xDB80  }
0x4b: {  	[tilespmem:s24], [sflag:$0x2] =	stream.indirect.gather [hbm4b:s6+s14], $0x40, s23, s14, $0xb8;
	[tilespmem:$0x19F00] =	vst v63  }
0x4c: {  	s23 =	simm.s32 $0x3F0;
	s24 =	simm.s32 $0xE800  }
0x4d: {  	[tilespmem:s24], [sflag:$0x2] =	stream.indirect.gather [hbm4b:s6+s14], $0x40, s23, s14, $0xb8;
	[tilespmem:$0x19F00] =	vst v63  }
0x4e: {  	s23 =	simm.s32 $0x428;
	s24 =	simm.s32 $0xF480  }
0x4f: {  	[tilespmem:s24], [sflag:$0x2] =	stream.indirect.gather [hbm4b:s6+s14], $0x40, s23, s14, $0xb8;
	[tilespmem:$0x19F00] =	vst v63  }
0x50: {  	s23 =	simm.s32 $0x460;
	s24 =	simm.s32 $0x10100  }
0x51: {  	[tilespmem:s24], [sflag:$0x2] =	stream.indirect.gather [hbm4b:s6+s14], $0x40, s23, s14, $0xb8;
	[tilespmem:$0x19F00] =	vst v63  }
0x52: {  	s23 =	simm.s32 $0x498;
	s24 =	simm.s32 $0x10D80  }
0x53: {  	[tilespmem:s24], [sflag:$0x2] =	stream.indirect.gather [hbm4b:s6+s14], $0x40, s23, s14, $0xb8;
	[tilespmem:$0x19F00] =	vst v63  }
0x54: {  	s23 =	simm.s32 $0x4D0;
	s24 =	simm.s32 $0x11A00  }
0x55: {  	[tilespmem:s24], [sflag:$0x2] =	stream.indirect.gather [hbm4b:s6+s14], $0x40, s23, s14, $0xb8;
	[tilespmem:$0x19F00] =	vst v63  }
0x56: {  	s23 =	simm.s32 $0x508;
	s24 =	simm.s32 $0x12680  }
0x57: {  	[tilespmem:s24], [sflag:$0x2] =	stream.indirect.gather [hbm4b:s6+s14], $0x40, s23, s14, $0xb8;
	[tilespmem:$0x19F00] =	vst v63  }
0x58: {  	s23 =	simm.s32 $0x540;
	s24 =	simm.s32 $0x13300  }
0x59: {  	[tilespmem:s24], [sflag:$0x2] =	stream.indirect.gather [hbm4b:s6+s14], $0x40, s23, s14, $0xb8;
	[tilespmem:$0x19F00] =	vst v63  }
0x5a: {  	s23 =	simm.s32 $0x578;
	s24 =	simm.s32 $0x13F80  }
0x5b: {  	[tilespmem:s24], [sflag:$0x2] =	stream.indirect.gather [hbm4b:s6+s14], $0x40, s23, s14, $0xb8;
	[tilespmem:$0x19F00] =	vst v63  }
0x5c: {  	_ = 	snop  }
0x5d: {  	[tilespmem:s11], [sflag:$0x2] =	stream.indirect.gather [hbm4b:s6+s14], $0x40, s2, s14, $0xb8;
	[tilespmem:$0x19F00] =	vst v63  }
0x5e: {  	_ = 	snop  }
0x5f: {  	[tilespmem:s29], [sflag:$0x2] =	stream.indirect.gather [hbm4b:s6+s14], $0x40, s28, s14, $0xb8;
	[tilespmem:$0x19F00] =	vst v63  }
0x60: {  	_ = 	snop  }
0x61: {  	[tilespmem:s31], [sflag:$0x2] =	stream.indirect.gather [hbm4b:s6+s14], $0x40, s30, s14, $0xb8;
	[tilespmem:$0x19F00] =	vst v63  }
0x62: {  	_ = 	snop  }
0x63: {  	[tilespmem:s1], [sflag:$0x2] =	stream.indirect.gather [hbm4b:s6+s14], $0x40, s0, s14, $0xb8;
	[tilespmem:$0x19F00] =	vst v63  }
0x64: {  	_ = 	snop  }
0x65: {  	[tilespmem:s12], [sflag:$0x2] =	stream.indirect.gather [hbm4b:s6+s14], $0x40, s8, s14, $0xb8;
	[tilespmem:$0x19F00] =	vst v63  }
0x66: {  	s21 =	simm.s32 $0x0  }
0x67: {  	[tilespmem:s15], [sflag:$0x2] =	stream.indirect.gather [hbm4b:s6+s14], $0x40, s7, s14, $0xb8;
	[tilespmem:$0x19F00] =	vst v63  }
.LBB2_2:
0x68: {  	p1 =	seq.s32 s21, $0x0  }
0x69: {  	s23 =	simm.s32 @!p1 $0x3  }
0x6a: {  	_ =	swait.ge @!p1 [sflag:s23], $0x400  }
0x6b: {  	s22 =	sshll.u32 s21, $0x5;
	p0 =	seq.s32 s21, $0xF;
	[sflag:s23] =	ssyncset.done @!p1 $0x0  }
0x6c: {  	[sflag:s23] =	ssyncadd.s32 @!p1 $0xFFFFFC00;
	s23 =	sadd.s32 @!p0 s22, s9  }
0x6d: {  	_ =	swait.ge [sflag:s16], $0xC800;
	s23 =	smul.u32 @!p0 $0x7, s23  }
0x6e: {  	[sflag:s16] =	ssyncset.done $0x0  }
0x6f: {  	s24 =	simm.s32 @!p0 $0x0;
	[sflag:s16] =	ssyncadd.s32 $0xFFFF3800;
	s23 =	sadd.s32 @!p0 s5, s23  }
0x70: {  	[tilespmem:s24], [sflag:$0x5] =	stream.linear.gather @!p0 [hbm4b:s23+s24], $0x380, $0x38;
	[tilespmem:$0x19F00] =	vst v63  }
0x71: {  	s23 =	simm.s32 $0x0  }
.LBB2_3:
0x72: {  	s24 =	smul.u32 $0x3200, s23;
	_ =	sdelay $0x1  }
0x73: {  	s24 =	sshra.s32 s24, $0x2  }
0x74: {  	v56 =	vld [tilespmem:s24+$0xAF0];
	_ =	sdelay $0x4  }
0x75: {  	[tilespmem:$0x1FD80] =	vst v56;
	v56 =	vld [tilespmem:s24+$0xB10];
	_ =	sdelay $0x4  }
0x76: {  	[tilespmem:$0x1FD90] =	vst v56;
	v56 =	vld [tilespmem:s24+$0xB20];
	_ =	sdelay $0x1  }
0x77: {  	v3 =	vld [tilespmem:s24+$0x700]  }
0x78: {  	v4 =	vld [tilespmem:s24+$0x710]  }
0x79: {  	v5 =	vld [tilespmem:s24+$0x720]  }
0x7a: {  	[tilespmem:$0x1FDA0] =	vst v56;
	v56 =	vld [tilespmem:s24+$0xB30]  }
0x7b: {  	v16 =	vld [tilespmem:s24+$0x730]  }
0x7c: {  	v17 =	vld [tilespmem:s24+$0x740]  }
0x7d: {  	v20 =	vld [tilespmem:s24+$0x750]  }
0x7e: {  	v21 =	vld [tilespmem:s24+$0x760]  }
0x7f: {  	[tilespmem:$0x1FDC0] =	vst v56;
	v56 =	vld [tilespmem:s24+$0xB40]  }
0x80: {  	v32 =	vld [tilespmem:s24+$0x770]  }
0x81: {  	v33 =	vld [tilespmem:s24+$0x780]  }
0x82: {  	v36 =	vld [tilespmem:s24+$0x790]  }
0x83: {  	v37 =	vld [tilespmem:s24+$0x7A0]  }
0x84: {  	[tilespmem:$0x1FDB0] =	vst v56;
	v56 =	vld [tilespmem:s24+$0xB50]  }
0x85: {  	v48 =	vld [tilespmem:s24+$0x7B0]  }
0x86: {  	v49 =	vld [tilespmem:s24+$0x7C0]  }
0x87: {  	v52 =	vld [tilespmem:s24+$0x7D0]  }
0x88: {  	v53 =	vld [tilespmem:s24+$0x7E0]  }
0x89: {  	[tilespmem:$0x1FDD0] =	vst v56;
	v56 =	vld [tilespmem:s24+$0xB60]  }
0x8a: {  	v62 =	vld [tilespmem:s24+$0x7F0]  }
0x8b: {  	v63 =	vld [tilespmem:s24+$0x800]  }
0x8c: {  	v0 =	vld [tilespmem:s24+$0x810]  }
0x8d: {  	v2 =	vld [tilespmem:s24+$0x820]  }
0x8e: {  	[tilespmem:$0x1FDE0] =	vst v56;
	v56 =	vld [tilespmem:s24+$0xB70]  }
0x8f: {  	v9 =	vld [tilespmem:s24+$0x830]  }
0x90: {  	v1 =	vld [tilespmem:s24+$0x840]  }
0x91: {  	v6 =	vld [tilespmem:s24+$0x850]  }
0x92: {  	v8 =	vld [tilespmem:s24+$0x860]  }
0x93: {  	[tilespmem:$0x1FE00] =	vst v56;
	v56 =	vld [tilespmem:s24+$0xB80]  }
0x94: {  	v13 =	vld [tilespmem:s24+$0x870]  }
0x95: {  	v7 =	vld [tilespmem:s24+$0x880]  }
0x96: {  	v10 =	vld [tilespmem:s24+$0x890]  }
0x97: {  	v12 =	vld [tilespmem:s24+$0x8A0]  }
0x98: {  	[tilespmem:$0x1FDF0] =	vst v56;
	v56 =	vld [tilespmem:s24+$0xB90]  }
0x99: {  	v19 =	vld [tilespmem:s24+$0x8B0]  }
0x9a: {  	v11 =	vld [tilespmem:s24+$0x8C0]  }
0x9b: {  	v14 =	vld [tilespmem:s24+$0x8D0]  }
0x9c: {  	v18 =	vld [tilespmem:s24+$0x8E0]  }
0x9d: {  	[tilespmem:$0x1FE10] =	vst v56;
	v56 =	vld [tilespmem:s24+$0xBA0]  }
0x9e: {  	v25 =	vld [tilespmem:s24+$0x8F0]  }
0x9f: {  	v15 =	vld [tilespmem:s24+$0x900]  }
0xa0: {  	v22 =	vld [tilespmem:s24+$0x910]  }
0xa1: {  	v24 =	vld [tilespmem:s24+$0x920]  }
0xa2: {  	[tilespmem:$0x1FE20] =	vst v56;
	v56 =	vld [tilespmem:s24+$0xBB0]  }
0xa3: {  	v29 =	vld [tilespmem:s24+$0x930]  }
0xa4: {  	v23 =	vld [tilespmem:s24+$0x940]  }
0xa5: {  	v26 =	vld [tilespmem:s24+$0x950]  }
0xa6: {  	v28 =	vld [tilespmem:s24+$0x960]  }
0xa7: {  	[tilespmem:$0x1FE40] =	vst v56;
	v56 =	vld [tilespmem:s24+$0xBC0]  }
0xa8: {  	v35 =	vld [tilespmem:s24+$0x970]  }
0xa9: {  	v27 =	vld [tilespmem:s24+$0x980]  }
0xaa: {  	v30 =	vld [tilespmem:s24+$0x990]  }
0xab: {  	v34 =	vld [tilespmem:s24+$0x9A0]  }
0xac: {  	[tilespmem:$0x1FE30] =	vst v56;
	v56 =	vld [tilespmem:s24+$0xBD0]  }
0xad: {  	v41 =	vld [tilespmem:s24+$0x9B0]  }
0xae: {  	v31 =	vld [tilespmem:s24+$0x9C0]  }
0xaf: {  	v38 =	vld [tilespmem:s24+$0x9D0]  }
0xb0: {  	v40 =	vld [tilespmem:s24+$0x9E0]  }
0xb1: {  	[tilespmem:$0x1FE50] =	vst v56;
	v56 =	vld [tilespmem:s24+$0xBE0]  }
0xb2: {  	v45 =	vld [tilespmem:s24+$0x9F0]  }
0xb3: {  	v39 =	vld [tilespmem:s24+$0xA00]  }
0xb4: {  	v42 =	vld [tilespmem:s24+$0xA10]  }
0xb5: {  	v44 =	vld [tilespmem:s24+$0xA20]  }
0xb6: {  	[tilespmem:$0x1FE60] =	vst v56;
	v56 =	vld [tilespmem:s24+$0xBF0]  }
0xb7: {  	v51 =	vld [tilespmem:s24+$0xA30]  }
0xb8: {  	v43 =	vld [tilespmem:s24+$0xA40]  }
0xb9: {  	v46 =	vld [tilespmem:s24+$0xA50]  }
0xba: {  	v50 =	vld [tilespmem:s24+$0xA60]  }
0xbb: {  	[tilespmem:$0x1FE80] =	vst v56;
	v56 =	vld [tilespmem:s24+$0xC00]  }
0xbc: {  	v60 =	vld [tilespmem:s24+$0xA70]  }
0xbd: {  	v47 =	vld [tilespmem:s24+$0xA80]  }
0xbe: {  	v54 =	vld [tilespmem:s24+$0xA90]  }
0xbf: {  	v61 =	vld [tilespmem:s24+$0xAA0]  }
0xc0: {  	[tilespmem:$0x1FE70] =	vst v56;
	v56 =	vld [tilespmem:s24+$0xC10]  }
0xc1: {  	v55 =	vld [tilespmem:s24+$0xAB0]  }
0xc2: {  	v58 =	vld [tilespmem:s24+$0xAD0]  }
0xc3: {  	v57 =	vld [tilespmem:s24+$0xAE0]  }
0xc4: {  	v59 =	vld [tilespmem:s24+$0xB00]  }
0xc5: {  	[tilespmem:$0x1FE90] =	vst v56;
	v56 =	vld [tilespmem:s24+$0xC20]  }
0xc6: {  	[tilespmem:$0x1FD70] =	vst v55;
	v55 =	vld [tilespmem:s24+$0xAC0]  }
0xc7: {  	v17 =	vadd.f32 v17, v3;
	v3 =	vld [tilespmem:s24+$0xD90]  }
0xc8: {  	v20 =	vadd.f32 v20, v4;
	v4 =	vld [tilespmem:s24+$0xDA0]  }
0xc9: {  	v21 =	vadd.f32 v21, v5;
	v5 =	vld [tilespmem:s24+$0xDB0]  }
0xca: {  	v17 =	vadd.f32 v33, v17;
	[tilespmem:$0x1FEA0] =	vst v56;
	v56 =	vld [tilespmem:s24+$0xC30]  }
0xcb: {  	v32 =	vadd.f32 v32, v16;
	v16 =	vld [tilespmem:s24+$0xDC0];
	v20 =	vadd.f32 v36, v20  }
0xcc: {  	v21 =	vadd.f32 v37, v21;
	v33 =	vadd.f32 v49, v17;
	v17 =	vld [tilespmem:s24+$0xDD0]  }
0xcd: {  	v36 =	vadd.f32 v52, v20;
	v20 =	vld [tilespmem:s24+$0xDE0]  }
0xce: {  	v32 =	vadd.f32 v48, v32;
	v37 =	vadd.f32 v53, v21;
	v21 =	vld [tilespmem:s24+$0xDF0]  }
0xcf: {  	[tilespmem:$0x1FEC0] =	vst v56;
	v56 =	vld [tilespmem:s24+$0xC40]  }
0xd0: {  	v48 =	vadd.f32 v62, v32;
	v32 =	vld [tilespmem:s24+$0xE00]  }
0xd1: {  	v49 =	vld [tilespmem:s24+$0xE50]  }
0xd2: {  	v52 =	vld [tilespmem:s24+$0xE60]  }
0xd3: {  	v0 =	vadd.f32 v0, v36;
	v36 =	vld [tilespmem:s24+$0xE20]  }
0xd4: {  	[tilespmem:$0x1FEB0] =	vst v56;
	v56 =	vld [tilespmem:s24+$0xC50]  }
0xd5: {  	v33 =	vadd.f32 v63, v33;
	v2 =	vadd.f32 v2, v37;
	v37 =	vld [tilespmem:s24+$0xE30]  }
0xd6: {  	v9 =	vadd.f32 v9, v48;
	v48 =	vld [tilespmem:s24+$0xE40]  }
0xd7: {  	v1 =	vadd.f32 v1, v33;
	v33 =	vld [tilespmem:s24+$0xE10]  }
0xd8: {  	v2 =	vadd.f32 v8, v2;
	v8 =	vld [tilespmem:s24+$0xE90]  }
0xd9: {  	[tilespmem:$0x1FED0] =	vst v56;
	v56 =	vld [tilespmem:s24+$0xC60]  }
0xda: {  	v53 =	vadd.f32 v13, v9;
	v9 =	vld [tilespmem:s24+$0xEA0]  }
0xdb: {  	v13 =	vld [tilespmem:s24+$0xEE0]  }
0xdc: {  	v0 =	vadd.f32 v6, v0;
	v6 =	vadd.f32 v19, v53;
	v53 =	vld [tilespmem:s24+$0xE70]  }
0xdd: {  	v1 =	vadd.f32 v7, v1;
	v7 =	vld [tilespmem:s24+$0xE80]  }
0xde: {  	[tilespmem:$0x1FEE0] =	vst v56;
	v56 =	vld [tilespmem:s24+$0xC70]  }
0xdf: {  	v0 =	vadd.f32 v10, v0;
	v10 =	vld [tilespmem:s24+$0xEB0]  }
0xe0: {  	v2 =	vadd.f32 v12, v2;
	v12 =	vld [tilespmem:s24+$0xED0]  }
0xe1: {  	v19 =	vld [tilespmem:s24+$0xF20]  }
0xe2: {  	v1 =	vadd.f32 v11, v1;
	v11 =	vld [tilespmem:s24+$0xEC0]  }
0xe3: {  	[tilespmem:$0x1FF00] =	vst v56;
	v56 =	vld [tilespmem:s24+$0xC80]  }
0xe4: {  	v0 =	vadd.f32 v14, v0;
	v14 =	vld [tilespmem:s24+$0xEF0]  }
0xe5: {  	v2 =	vadd.f32 v18, v2;
	v18 =	vld [tilespmem:s24+$0xF10]  }
0xe6: {  	v6 =	vadd.f32 v25, v6;
	v25 =	vld [tilespmem:s24+$0xF60]  }
0xe7: {  	v1 =	vadd.f32 v15, v1;
	v15 =	vld [tilespmem:s24+$0xF00]  }
0xe8: {  	[tilespmem:$0x1FEF0] =	vst v56;
	v56 =	vld [tilespmem:s24+$0xC90]  }
0xe9: {  	v0 =	vadd.f32 v22, v0;
	v22 =	vld [tilespmem:s24+$0xF30]  }
0xea: {  	v2 =	vadd.f32 v24, v2;
	v24 =	vld [tilespmem:s24+$0xF50]  }
0xeb: {  	v6 =	vadd.f32 v29, v6;
	v29 =	vld [tilespmem:s24+$0xFA0]  }
0xec: {  	v1 =	vadd.f32 v23, v1;
	v2 =	vadd.f32 v28, v2;
	v23 =	vld [tilespmem:s24+$0xF40]  }
0xed: {  	v0 =	vadd.f32 v26, v0;
	v6 =	vadd.f32 v35, v6;
	[tilespmem:$0x1FF10] =	vst v56;
	v56 =	vld [tilespmem:s24+$0xCA0]  }
0xee: {  	v26 =	vld [tilespmem:s24+$0xF70];
	v1 =	vadd.f32 v27, v1;
	v2 =	vadd.f32 v34, v2  }
0xef: {  	v28 =	vld [tilespmem:s24+$0xF90];
	v0 =	vadd.f32 v30, v0;
	v6 =	vadd.f32 v41, v6  }
0xf0: {  	v62 =	vld [tilespmem:$0x1FDC0];
	v1 =	vadd.f32 v31, v1;
	v2 =	vadd.f32 v40, v2  }
0xf1: {  	v27 =	vld [tilespmem:s24+$0xF80];
	v0 =	vadd.f32 v38, v0;
	v6 =	vadd.f32 v45, v6  }
0xf2: {  	v1 =	vadd.f32 v39, v1;
	v2 =	vadd.f32 v44, v2;
	[tilespmem:$0x1FF20] =	vst v56;
	v56 =	vld [tilespmem:s24+$0xCB0]  }
0xf3: {  	v30 =	vld [tilespmem:s24+$0xFB0];
	v0 =	vadd.f32 v42, v0;
	v6 =	vadd.f32 v51, v6  }
0xf4: {  	v31 =	vld [tilespmem:s24+$0xFC0];
	v1 =	vadd.f32 v43, v1;
	v2 =	vadd.f32 v50, v2  }
0xf5: {  	v0 =	vadd.f32 v46, v0;
	v6 =	vadd.f32 v60, v6;
	v60 =	vld [tilespmem:$0x1FDA0]  }
0xf6: {  	v1 =	vadd.f32 v47, v1;
	v2 =	vadd.f32 v61, v2;
	v61 =	vld [tilespmem:$0x1FDB0]  }
0xf7: {  	[tilespmem:$0x1FF40] =	vst v56;
	v56 =	vld [tilespmem:s24+$0xCC0]  }
0xf8: {  	v0 =	vadd.f32 v54, v0;
	v1 =	vadd.f32 v55, v1;
	v55 =	vld [tilespmem:$0x1FD70]  }
0xf9: {  	v63 =	vld [tilespmem:$0x1FDD0]  }
0xfa: {  	v0 =	vadd.f32 v58, v0;
	v58 =	vld [tilespmem:$0x1FD80]  }
0xfb: {  	v34 =	vld [tilespmem:$0x1FDE0]  }
0xfc: {  	v2 =	vadd.f32 v57, v2;
	[tilespmem:$0x1FF30] =	vst v56;
	v56 =	vld [tilespmem:s24+$0xCD0]  }
0xfd: {  	v1 =	vadd.f32 v59, v1;
	v59 =	vld [tilespmem:$0x1FD90];
	v6 =	vadd.f32 v55, v6  }
0xfe: {  	v2 =	vadd.f32 v60, v2;
	v38 =	vld [tilespmem:$0x1FE00]  }
0xff: {  	v6 =	vadd.f32 v58, v6;
	v35 =	vld [tilespmem:$0x1FDF0]  }
0x100: {  	v2 =	vadd.f32 v34, v2;
	v34 =	vld [tilespmem:s24+$0xFD0]  }
0x101: {  	v6 =	vadd.f32 v62, v6;
	[tilespmem:$0x1FF50] =	vst v56;
	v56 =	vld [tilespmem:s24+$0xCE0]  }
0x102: {  	v1 =	vadd.f32 v61, v1;
	v39 =	vld [tilespmem:$0x1FE10]  }
0x103: {  	v0 =	vadd.f32 v59, v0;
	v6 =	vadd.f32 v38, v6;
	v38 =	vld [tilespmem:s24+$0xFF0]  }
0x104: {  	v1 =	vadd.f32 v35, v1;
	v35 =	vld [tilespmem:s24+$0xFE0]  }
0x105: {  	v0 =	vadd.f32 v63, v0;
	v40 =	vld [tilespmem:$0x1FE20]  }
0x106: {  	[tilespmem:$0x1FF60] =	vst v56;
	v56 =	vld [tilespmem:s24+$0xCF0]  }
0x107: {  	v0 =	vadd.f32 v39, v0;
	v39 =	vld [tilespmem:s24+$0x1000]  }
0x108: {  	v42 =	vld [tilespmem:$0x1FE40]  }
0x109: {  	v41 =	vld [tilespmem:$0x1FE30]  }
0x10a: {  	v2 =	vadd.f32 v40, v2;
	v40 =	vld [tilespmem:s24+$0x1010]  }
0x10b: {  	[tilespmem:$0x1FF80] =	vst v56;
	v56 =	vld [tilespmem:s24+$0xD00]  }
0x10c: {  	v43 =	vld [tilespmem:$0x1FE50]  }
0x10d: {  	v6 =	vadd.f32 v42, v6;
	v42 =	vld [tilespmem:s24+$0x1030]  }
0x10e: {  	v1 =	vadd.f32 v41, v1;
	v41 =	vld [tilespmem:s24+$0x1020]  }
0x10f: {  	v44 =	vld [tilespmem:$0x1FE60]  }
0x110: {  	[tilespmem:$0x1FF70] =	vst v56;
	v56 =	vld [tilespmem:s24+$0xD10]  }
0x111: {  	v0 =	vadd.f32 v43, v0;
	v43 =	vld [tilespmem:s24+$0x1040]  }
0x112: {  	v46 =	vld [tilespmem:$0x1FE80]  }
0x113: {  	v45 =	vld [tilespmem:$0x1FE70]  }
0x114: {  	v2 =	vadd.f32 v44, v2;
	v44 =	vld [tilespmem:s24+$0x1050]  }
0x115: {  	[tilespmem:$0x1FF90] =	vst v56;
	v56 =	vld [tilespmem:s24+$0xD20]  }
0x116: {  	v47 =	vld [tilespmem:$0x1FE90]  }
0x117: {  	v6 =	vadd.f32 v46, v6;
	v46 =	vld [tilespmem:s24+$0x1070]  }
0x118: {  	v1 =	vadd.f32 v45, v1;
	v45 =	vld [tilespmem:s24+$0x1060]  }
0x119: {  	v50 =	vld [tilespmem:$0x1FEA0]  }
0x11a: {  	[tilespmem:$0x1FFA0] =	vst v56;
	v56 =	vld [tilespmem:s24+$0xD30]  }
0x11b: {  	v0 =	vadd.f32 v47, v0;
	v47 =	vld [tilespmem:s24+$0x1080]  }
0x11c: {  	v54 =	vld [tilespmem:$0x1FEC0]  }
0x11d: {  	v51 =	vld [tilespmem:$0x1FEB0]  }
0x11e: {  	v55 =	vld [tilespmem:$0x1FED0]  }
0x11f: {  	[tilespmem:$0x1FFC0] =	vst v56;
	v56 =	vld [tilespmem:s24+$0xD40]  }
0x120: {  	v57 =	vld [tilespmem:$0x1FEE0]  }
0x121: {  	v59 =	vld [tilespmem:$0x1FF00]  }
0x122: {  	v58 =	vld [tilespmem:$0x1FEF0]  }
0x123: {  	v60 =	vld [tilespmem:$0x1FF10]  }
0x124: {  	[tilespmem:$0x1FFB0] =	vst v56;
	v56 =	vld [tilespmem:s24+$0xD50]  }
0x125: {  	v61 =	vld [tilespmem:$0x1FF20]  }
0x126: {  	v63 =	vld [tilespmem:$0x1FF40]  }
0x127: {  	v62 =	vld [tilespmem:$0x1FF30]  }
0x128: {  	v2 =	vadd.f32 v50, v2;
	v50 =	vld [tilespmem:$0x1FF50]  }
0x129: {  	[tilespmem:$0x1FFD0] =	vst v56;
	v56 =	vld [tilespmem:s24+$0xD60]  }
0x12a: {  	v1 =	vadd.f32 v51, v1;
	v51 =	vld [tilespmem:$0x1FF60]  }
0x12b: {  	v0 =	vadd.f32 v55, v0;
	v55 =	vld [tilespmem:$0x1FF80]  }
0x12c: {  	v6 =	vadd.f32 v54, v6;
	v54 =	vld [tilespmem:$0x1FF70]  }
0x12d: {  	v2 =	vadd.f32 v57, v2;
	v57 =	vld [tilespmem:$0x1FF90]  }
0x12e: {  	[tilespmem:$0x1FFE0] =	vst v56;
	v56 =	vld [tilespmem:s24+$0xD70]  }
0x12f: {  	v1 =	vadd.f32 v58, v1;
	v58 =	vld [tilespmem:$0x1FFA0]  }
0x130: {  	v0 =	vadd.f32 v60, v0;
	v60 =	vld [tilespmem:$0x1FFC0]  }
0x131: {  	v6 =	vadd.f32 v59, v6;
	v2 =	vadd.f32 v61, v2;
	v61 =	vld [tilespmem:$0x1FFD0]  }
0x132: {  	v1 =	vadd.f32 v62, v1;
	v0 =	vadd.f32 v50, v0;
	v62 =	vld [tilespmem:$0x1FFE0]  }
0x133: {  	v6 =	vadd.f32 v63, v6;
	v2 =	vadd.f32 v51, v2;
	v59 =	vld [tilespmem:$0x1FFB0];
	[tilespmem:$0x1FFF0] =	vst v56  }
0x134: {  	v0 =	vadd.f32 v57, v0;
	v63 =	vld [tilespmem:$0x1FFF0]  }
0x135: {  	v6 =	vadd.f32 v55, v6;
	v2 =	vadd.f32 v58, v2;
	v56 =	vld [tilespmem:s24+$0xD80]  }
0x136: {  	v50 =	vld [tilespmem:s24+$0x1090];
	v1 =	vadd.f32 v54, v1;
	v0 =	vadd.f32 v61, v0  }
0x137: {  	v51 =	vld [tilespmem:s24+$0x10A0];
	v6 =	vadd.f32 v60, v6;
	v2 =	vadd.f32 v62, v2  }
0x138: {  	v55 =	vld [tilespmem:s24+$0x1130];
	v1 =	vadd.f32 v59, v1;
	v0 =	vadd.f32 v3, v0  }
0x139: {  	v54 =	vld [tilespmem:s24+$0x10B0];
	v2 =	vadd.f32 v4, v2;
	v6 =	vadd.f32 v63, v6  }
0x13a: {  	v57 =	vld [tilespmem:s24+$0x1150];
	v0 =	vadd.f32 v17, v0;
	v1 =	vadd.f32 v56, v1  }
0x13b: {  	v58 =	vld [tilespmem:s24+$0x1160];
	v2 =	vadd.f32 v20, v2;
	v5 =	vadd.f32 v5, v6  }
0x13c: {  	v60 =	vld [tilespmem:s24+$0x1180];
	v0 =	vadd.f32 v33, v0;
	v1 =	vadd.f32 v16, v1  }
0x13d: {  	v59 =	vld [tilespmem:s24+$0x1170];
	v2 =	vadd.f32 v36, v2;
	v5 =	vadd.f32 v21, v5  }
0x13e: {  	v61 =	vld [tilespmem:s24+$0x1190];
	v0 =	vadd.f32 v49, v0;
	v1 =	vadd.f32 v32, v1  }
0x13f: {  	v3 =	vld [tilespmem:s24+$0x10C0];
	v2 =	vadd.f32 v52, v2;
	v5 =	vadd.f32 v37, v5  }
0x140: {  	v17 =	vld [tilespmem:s24+$0x1100];
	v0 =	vadd.f32 v8, v0;
	v1 =	vadd.f32 v48, v1  }
0x141: {  	v62 =	vld [tilespmem:s24+$0x11A0];
	v2 =	vadd.f32 v9, v2;
	v5 =	vadd.f32 v53, v5  }
0x142: {  	v33 =	vld [tilespmem:s24+$0x11D0];
	v0 =	vadd.f32 v12, v0;
	v1 =	vadd.f32 v7, v1  }
0x143: {  	v4 =	vld [tilespmem:s24+$0x10D0];
	v2 =	vadd.f32 v13, v2;
	v5 =	vadd.f32 v10, v5  }
0x144: {  	v49 =	vld [tilespmem:s24+$0x1120];
	v0 =	vadd.f32 v18, v0;
	v1 =	vadd.f32 v11, v1  }
0x145: {  	v56 =	vld [tilespmem:s24+$0x1140];
	v2 =	vadd.f32 v19, v2;
	v5 =	vadd.f32 v14, v5  }
0x146: {  	v63 =	vld [tilespmem:s24+$0x11B0];
	v0 =	vadd.f32 v24, v0;
	v1 =	vadd.f32 v15, v1  }
0x147: {  	v16 =	vld [tilespmem:s24+$0x10F0];
	v2 =	vadd.f32 v25, v2;
	v5 =	vadd.f32 v22, v5  }
0x148: {  	v36 =	vld [tilespmem:s24+$0x11E0];
	v0 =	vadd.f32 v28, v0;
	v1 =	vadd.f32 v23, v1  }
0x149: {  	v6 =	vld [tilespmem:s24+$0x10E0];
	v2 =	vadd.f32 v29, v2;
	v5 =	vadd.f32 v26, v5  }
0x14a: {  	v32 =	vld [tilespmem:s24+$0x11C0];
	v0 =	vadd.f32 v34, v0;
	v1 =	vadd.f32 v27, v1  }
0x14b: {  	v52 =	vld [tilespmem:s24+$0x12E0];
	v2 =	vadd.f32 v35, v2;
	v5 =	vadd.f32 v30, v5  }
0x14c: {  	v48 =	vld [tilespmem:s24+$0x1110];
	v0 =	vadd.f32 v40, v0;
	v1 =	vadd.f32 v31, v1  }
0x14d: {  	v37 =	vld [tilespmem:s24+$0x11F0];
	v2 =	vadd.f32 v41, v2;
	v5 =	vadd.f32 v38, v5  }
0x14e: {  	v53 =	vld [tilespmem:s24+$0x12F0];
	v0 =	vadd.f32 v44, v0;
	v1 =	vadd.f32 v39, v1  }
0x14f: {  	v40 =	vld [tilespmem:s24+$0x1220];
	v2 =	vadd.f32 v45, v2;
	v5 =	vadd.f32 v42, v5  }
0x150: {  	v44 =	vld [tilespmem:s24+$0x1260];
	v0 =	vadd.f32 v50, v0;
	v1 =	vadd.f32 v43, v1  }
0x151: {  	v50 =	vld [tilespmem:s24+$0x12C0];
	v2 =	vadd.f32 v51, v2;
	v5 =	vadd.f32 v46, v5  }
0x152: {  	v41 =	vld [tilespmem:s24+$0x1230];
	v0 =	vadd.f32 v4, v0;
	v1 =	vadd.f32 v47, v1  }
0x153: {  	v39 =	vld [tilespmem:s24+$0x1210];
	v2 =	vadd.f32 v6, v2;
	v5 =	vadd.f32 v54, v5  }
0x154: {  	v45 =	vld [tilespmem:s24+$0x1270];
	v0 =	vadd.f32 v48, v0;
	v1 =	vadd.f32 v3, v1  }
0x155: {  	v38 =	vld [tilespmem:s24+$0x1200];
	v2 =	vadd.f32 v49, v2;
	v5 =	vadd.f32 v16, v5  }
0x156: {  	v48 =	vld [tilespmem:s24+$0x12A0];
	v0 =	vadd.f32 v57, v0;
	v1 =	vadd.f32 v17, v1  }
0x157: {  	v43 =	vld [tilespmem:s24+$0x1250];
	v2 =	vadd.f32 v58, v2;
	v5 =	vadd.f32 v55, v5  }
0x158: {  	v51 =	vld [tilespmem:s24+$0x12D0];
	v0 =	vadd.f32 v61, v0;
	v1 =	vadd.f32 v56, v1  }
0x159: {  	v42 =	vld [tilespmem:s24+$0x1240];
	v2 =	vadd.f32 v62, v2;
	v5 =	vadd.f32 v59, v5  }
0x15a: {  	v57 =	vld [tilespmem:s24+$0x1330];
	v0 =	vadd.f32 v33, v0;
	v1 =	vadd.f32 v60, v1  }
0x15b: {  	v47 =	vld [tilespmem:s24+$0x1290];
	v2 =	vadd.f32 v36, v2;
	v5 =	vadd.f32 v63, v5  }
0x15c: {  	v46 =	vld [tilespmem:s24+$0x1280];
	v0 =	vadd.f32 v39, v0;
	v1 =	vadd.f32 v32, v1  }
0x15d: {  	v49 =	vld [tilespmem:s24+$0x12B0];
	v2 =	vadd.f32 v40, v2;
	v5 =	vadd.f32 v37, v5  }
0x15e: {  	v54 =	vld [tilespmem:s24+$0x1300];
	v0 =	vadd.f32 v43, v0;
	v1 =	vadd.f32 v38, v1  }
0x15f: {  	v55 =	vld [tilespmem:s24+$0x1310];
	v2 =	vadd.f32 v44, v2;
	v5 =	vadd.f32 v41, v5  }
0x160: {  	v56 =	vld [tilespmem:s24+$0x1320];
	v0 =	vadd.f32 v47, v0;
	v1 =	vadd.f32 v42, v1  }
0x161: {  	v59 =	vld [tilespmem:s24+$0x1350];
	v2 =	vadd.f32 v48, v2;
	v5 =	vadd.f32 v45, v5  }
0x162: {  	v60 =	vld [tilespmem:s24+$0x1360];
	v0 =	vadd.f32 v51, v0;
	v1 =	vadd.f32 v46, v1  }
0x163: {  	v58 =	vld [tilespmem:s24+$0x1340];
	v2 =	vadd.f32 v52, v2;
	v5 =	vadd.f32 v49, v5  }
0x164: {  	v61 =	vld [tilespmem:s24+$0x1370];
	v0 =	vadd.f32 v55, v0;
	v1 =	vadd.f32 v50, v1  }
0x165: {  	v2 =	vadd.f32 v56, v2;
	v5 =	vadd.f32 v53, v5  }
0x166: {  	p2 =	sne.s32 s23, $0xF;
	s24 =	sshll.u32 s23, $0x6;
	v0 =	vadd.f32 v59, v0;
	v1 =	vadd.f32 v54, v1  }
.Ltmp2:
0x167: {  	s24 =	sand.u32 $0x3FFFFFC0, s24;
	v2 =	vadd.f32 v60, v2;
	v62 =	vadd.f32 v57, v5;
	(pc) =	sbr.rel @p2 .LBB2_3-.Ltmp2, $4  }
0x168: {  	[tilespmem:s24+$0x19710] =	vst v0;
	v1 =	vadd.f32 v58, v1  }
0x169: {  	[tilespmem:s24+$0x19720] =	vst v2;
	v63 =	vadd.f32 v61, v62  }
0x16a: {  	[tilespmem:s24+$0x19700] =	vst v1  }
0x16b: {  	s23 =	sadd.s32 $0x1, s23;
	[tilespmem:s24+$0x19730] =	vst v63  }
.Ltmp3:
0x16c: {  	(pc) =	sbr.rel @!p0 .LBB2_5-.Ltmp3, $4  }
0x16d: {  	_ = 	snop  }
0x16e: {  	s23 =	sshll.u32 s21, $0x8  }
0x16f: {  	s23 =	sadd.s32 s23, s10  }
0x170: {  	[hbm4b:s23+s3] =	stream.linear.scatter [tilespmem:s17], [sflag:$0x3], $0x400, $0x38;
	[tilespmem:$0x19F00] =	vst v63  }
0x171: {  	_ =	swait.ge [sflag:s18], $0x400  }
.Ltmp4:
0x172: {  	[sflag:s18] =	ssyncset.done $0x0;
	(pc) =	sbr.rel .LBB2_7-.Ltmp4, $4  }
0x173: {  	[sflag:s18] =	ssyncadd.s32 $0xFFFFFC00  }
0x174: {  	_ =	swait.ge [sflag:s19], $0xC800  }
0x175: {  	[sflag:s19] =	ssyncset.done $0x0  }
0x176: {  	[sflag:s19] =	ssyncadd.s32 $0xFFFF3800  }
.LBB2_5:
0x177: {  	_ =	swait.ge [sflag:s13], $0x380  }
0x178: {  	[sflag:s13] =	ssyncset.done $0x0  }
0x179: {  	s23 =	simm.s32 $0x700;
	[sflag:s13] =	ssyncadd.s32 $0xFFFFFC80  }
0x17a: {  	[tilespmem:s23], [sflag:$0x1] =	stream.indirect.gather [hbm4b:s6+s14], $0x40, s3, s14, $0xb8;
	[tilespmem:$0x19F00] =	vst v63  }
0x17b: {  	s24 =	simm.s32 $0x1380;
	s23 =	simm.s32 $0x38  }
0x17c: {  	[tilespmem:s24], [sflag:$0x1] =	stream.indirect.gather [hbm4b:s6+s14], $0x40, s23, s14, $0xb8;
	[tilespmem:$0x19F00] =	vst v63  }
0x17d: {  	s23 =	simm.s32 $0x70;
	s24 =	simm.s32 $0x2000  }
0x17e: {  	[tilespmem:s24], [sflag:$0x1] =	stream.indirect.gather [hbm4b:s6+s14], $0x40, s23, s14, $0xb8;
	[tilespmem:$0x19F00] =	vst v63  }
0x17f: {  	s23 =	simm.s32 $0xA8;
	s24 =	simm.s32 $0x2C80  }
0x180: {  	[tilespmem:s24], [sflag:$0x1] =	stream.indirect.gather [hbm4b:s6+s14], $0x40, s23, s14, $0xb8;
	[tilespmem:$0x19F00] =	vst v63  }
0x181: {  	s23 =	simm.s32 $0xE0;
	s24 =	simm.s32 $0x3900  }
0x182: {  	[tilespmem:s24], [sflag:$0x1] =	stream.indirect.gather [hbm4b:s6+s14], $0x40, s23, s14, $0xb8;
	[tilespmem:$0x19F00] =	vst v63  }
0x183: {  	s23 =	simm.s32 $0x118;
	s24 =	simm.s32 $0x4580  }
0x184: {  	[tilespmem:s24], [sflag:$0x1] =	stream.indirect.gather [hbm4b:s6+s14], $0x40, s23, s14, $0xb8;
	[tilespmem:$0x19F00] =	vst v63  }
0x185: {  	s23 =	simm.s32 $0x150;
	s24 =	simm.s32 $0x5200  }
0x186: {  	[tilespmem:s24], [sflag:$0x1] =	stream.indirect.gather [hbm4b:s6+s14], $0x40, s23, s14, $0xb8;
	[tilespmem:$0x19F00] =	vst v63  }
0x187: {  	s23 =	simm.s32 $0x188;
	s24 =	simm.s32 $0x5E80  }
0x188: {  	[tilespmem:s24], [sflag:$0x1] =	stream.indirect.gather [hbm4b:s6+s14], $0x40, s23, s14, $0xb8;
	[tilespmem:$0x19F00] =	vst v63  }
0x189: {  	s23 =	simm.s32 $0x1C0;
	s24 =	simm.s32 $0x6B00  }
0x18a: {  	[tilespmem:s24], [sflag:$0x1] =	stream.indirect.gather [hbm4b:s6+s14], $0x40, s23, s14, $0xb8;
	[tilespmem:$0x19F00] =	vst v63  }
0x18b: {  	s23 =	simm.s32 $0x1F8;
	s24 =	simm.s32 $0x7780  }
0x18c: {  	[tilespmem:s24], [sflag:$0x1] =	stream.indirect.gather [hbm4b:s6+s14], $0x40, s23, s14, $0xb8;
	[tilespmem:$0x19F00] =	vst v63  }
0x18d: {  	s23 =	simm.s32 $0x230;
	s24 =	simm.s32 $0x8400  }
0x18e: {  	[tilespmem:s24], [sflag:$0x1] =	stream.indirect.gather [hbm4b:s6+s14], $0x40, s23, s14, $0xb8;
	[tilespmem:$0x19F00] =	vst v63  }
0x18f: {  	s23 =	simm.s32 $0x268;
	s24 =	simm.s32 $0x9080  }
0x190: {  	[tilespmem:s24], [sflag:$0x1] =	stream.indirect.gather [hbm4b:s6+s14], $0x40, s23, s14, $0xb8;
	[tilespmem:$0x19F00] =	vst v63  }
0x191: {  	s23 =	simm.s32 $0x2A0;
	s24 =	simm.s32 $0x9D00  }
0x192: {  	[tilespmem:s24], [sflag:$0x1] =	stream.indirect.gather [hbm4b:s6+s14], $0x40, s23, s14, $0xb8;
	[tilespmem:$0x19F00] =	vst v63  }
0x193: {  	s23 =	simm.s32 $0x2D8;
	s24 =	simm.s32 $0xA980  }
0x194: {  	[tilespmem:s24], [sflag:$0x1] =	stream.indirect.gather [hbm4b:s6+s14], $0x40, s23, s14, $0xb8;
	[tilespmem:$0x19F00] =	vst v63  }
0x195: {  	s23 =	simm.s32 $0x310;
	s24 =	simm.s32 $0xB600  }
0x196: {  	[tilespmem:s24], [sflag:$0x1] =	stream.indirect.gather [hbm4b:s6+s14], $0x40, s23, s14, $0xb8;
	[tilespmem:$0x19F00] =	vst v63  }
0x197: {  	s23 =	simm.s32 $0x348;
	s24 =	simm.s32 $0xC280  }
0x198: {  	[tilespmem:s24], [sflag:$0x1] =	stream.indirect.gather [hbm4b:s6+s14], $0x40, s23, s14, $0xb8;
	[tilespmem:$0x19F00] =	vst v63  }
0x199: {  	s23 =	simm.s32 @!p1 $0x4  }
0x19a: {  	_ =	swait.ge @!p1 [sflag:s23], $0x400  }
0x19b: {  	[sflag:s23] =	ssyncset.done @!p1 $0x0;
	s24 =	rddreg [dreg:$0x5]  }
0x19c: {  	[sflag:s23] =	ssyncadd.s32 @!p1 $0xFFFFFC00;
	s23 =	sadd.s32 s22, s24  }
0x19d: {  	_ =	swait.ge [sflag:s19], $0xC800;
	s23 =	smul.u32 $0x7, s23  }
0x19e: {  	[sflag:s19] =	ssyncset.done $0x0  }
0x19f: {  	[sflag:s19] =	ssyncadd.s32 $0xFFFF3800;
	s23 =	sadd.s32 s5, s23  }
0x1a0: {  	[tilespmem:s25], [sflag:$0x6] =	stream.linear.gather [hbm4b:s23+s3], $0x380, $0x38;
	[tilespmem:$0x19F00] =	vst v63  }
.LBB2_7:
0x1a1: {  	s23 =	simm.s32 $0x0  }
.LBB2_8:
0x1a2: {  	s24 =	smul.u32 $0x3200, s23;
	_ =	sdelay $0x1  }
0x1a3: {  	s24 =	sshra.s32 s24, $0x2  }
0x1a4: {  	v56 =	vld [tilespmem:s24+$0xD2F0];
	_ =	sdelay $0x4  }
0x1a5: {  	[tilespmem:$0x1FAF0] =	vst v56;
	v56 =	vld [tilespmem:s24+$0xD310];
	_ =	sdelay $0x4  }
0x1a6: {  	[tilespmem:$0x1FB00] =	vst v56;
	v56 =	vld [tilespmem:s24+$0xD320];
	_ =	sdelay $0x1  }
0x1a7: {  	v3 =	vld [tilespmem:s24+$0xCF00]  }
0x1a8: {  	v4 =	vld [tilespmem:s24+$0xCF10]  }
0x1a9: {  	v5 =	vld [tilespmem:s24+$0xCF20]  }
0x1aa: {  	[tilespmem:$0x1FB10] =	vst v56;
	v56 =	vld [tilespmem:s24+$0xD330]  }
0x1ab: {  	v16 =	vld [tilespmem:s24+$0xCF30]  }
0x1ac: {  	v17 =	vld [tilespmem:s24+$0xCF40]  }
0x1ad: {  	v20 =	vld [tilespmem:s24+$0xCF50]  }
0x1ae: {  	v21 =	vld [tilespmem:s24+$0xCF60]  }
0x1af: {  	[tilespmem:$0x1FB30] =	vst v56;
	v56 =	vld [tilespmem:s24+$0xD340]  }
0x1b0: {  	v32 =	vld [tilespmem:s24+$0xCF70]  }
0x1b1: {  	v33 =	vld [tilespmem:s24+$0xCF80]  }
0x1b2: {  	v36 =	vld [tilespmem:s24+$0xCF90]  }
0x1b3: {  	v37 =	vld [tilespmem:s24+$0xCFA0]  }
0x1b4: {  	[tilespmem:$0x1FB20] =	vst v56;
	v56 =	vld [tilespmem:s24+$0xD350]  }
0x1b5: {  	v48 =	vld [tilespmem:s24+$0xCFB0]  }
0x1b6: {  	v49 =	vld [tilespmem:s24+$0xCFC0]  }
0x1b7: {  	v52 =	vld [tilespmem:s24+$0xCFD0]  }
0x1b8: {  	v53 =	vld [tilespmem:s24+$0xCFE0]  }
0x1b9: {  	[tilespmem:$0x1FB40] =	vst v56;
	v56 =	vld [tilespmem:s24+$0xD360]  }
0x1ba: {  	v62 =	vld [tilespmem:s24+$0xCFF0]  }
0x1bb: {  	v63 =	vld [tilespmem:s24+$0xD000]  }
0x1bc: {  	v0 =	vld [tilespmem:s24+$0xD010]  }
0x1bd: {  	v2 =	vld [tilespmem:s24+$0xD020]  }
0x1be: {  	[tilespmem:$0x1FB50] =	vst v56;
	v56 =	vld [tilespmem:s24+$0xD370]  }
0x1bf: {  	v9 =	vld [tilespmem:s24+$0xD030]  }
0x1c0: {  	v1 =	vld [tilespmem:s24+$0xD040]  }
0x1c1: {  	v6 =	vld [tilespmem:s24+$0xD050]  }
0x1c2: {  	v8 =	vld [tilespmem:s24+$0xD060]  }
0x1c3: {  	[tilespmem:$0x1FB70] =	vst v56;
	v56 =	vld [tilespmem:s24+$0xD380]  }
0x1c4: {  	v13 =	vld [tilespmem:s24+$0xD070]  }
0x1c5: {  	v7 =	vld [tilespmem:s24+$0xD080]  }
0x1c6: {  	v10 =	vld [tilespmem:s24+$0xD090]  }
0x1c7: {  	v12 =	vld [tilespmem:s24+$0xD0A0]  }
0x1c8: {  	[tilespmem:$0x1FB60] =	vst v56;
	v56 =	vld [tilespmem:s24+$0xD390]  }
0x1c9: {  	v19 =	vld [tilespmem:s24+$0xD0B0]  }
0x1ca: {  	v11 =	vld [tilespmem:s24+$0xD0C0]  }
0x1cb: {  	v14 =	vld [tilespmem:s24+$0xD0D0]  }
0x1cc: {  	v18 =	vld [tilespmem:s24+$0xD0E0]  }
0x1cd: {  	[tilespmem:$0x1FB80] =	vst v56;
	v56 =	vld [tilespmem:s24+$0xD3A0]  }
0x1ce: {  	v25 =	vld [tilespmem:s24+$0xD0F0]  }
0x1cf: {  	v15 =	vld [tilespmem:s24+$0xD100]  }
0x1d0: {  	v22 =	vld [tilespmem:s24+$0xD110]  }
0x1d1: {  	v24 =	vld [tilespmem:s24+$0xD120]  }
0x1d2: {  	[tilespmem:$0x1FB90] =	vst v56;
	v56 =	vld [tilespmem:s24+$0xD3B0]  }
0x1d3: {  	v29 =	vld [tilespmem:s24+$0xD130]  }
0x1d4: {  	v23 =	vld [tilespmem:s24+$0xD140]  }
0x1d5: {  	v26 =	vld [tilespmem:s24+$0xD150]  }
0x1d6: {  	v28 =	vld [tilespmem:s24+$0xD160]  }
0x1d7: {  	[tilespmem:$0x1FBB0] =	vst v56;
	v56 =	vld [tilespmem:s24+$0xD3C0]  }
0x1d8: {  	v35 =	vld [tilespmem:s24+$0xD170]  }
0x1d9: {  	v27 =	vld [tilespmem:s24+$0xD180]  }
0x1da: {  	v30 =	vld [tilespmem:s24+$0xD190]  }
0x1db: {  	v34 =	vld [tilespmem:s24+$0xD1A0]  }
0x1dc: {  	[tilespmem:$0x1FBA0] =	vst v56;
	v56 =	vld [tilespmem:s24+$0xD3D0]  }
0x1dd: {  	v41 =	vld [tilespmem:s24+$0xD1B0]  }
0x1de: {  	v31 =	vld [tilespmem:s24+$0xD1C0]  }
0x1df: {  	v38 =	vld [tilespmem:s24+$0xD1D0]  }
0x1e0: {  	v40 =	vld [tilespmem:s24+$0xD1E0]  }
0x1e1: {  	[tilespmem:$0x1FBC0] =	vst v56;
	v56 =	vld [tilespmem:s24+$0xD3E0]  }
0x1e2: {  	v45 =	vld [tilespmem:s24+$0xD1F0]  }
0x1e3: {  	v39 =	vld [tilespmem:s24+$0xD200]  }
0x1e4: {  	v42 =	vld [tilespmem:s24+$0xD210]  }
0x1e5: {  	v44 =	vld [tilespmem:s24+$0xD220]  }
0x1e6: {  	[tilespmem:$0x1FBD0] =	vst v56;
	v56 =	vld [tilespmem:s24+$0xD3F0]  }
0x1e7: {  	v51 =	vld [tilespmem:s24+$0xD230]  }
0x1e8: {  	v43 =	vld [tilespmem:s24+$0xD240]  }
0x1e9: {  	v46 =	vld [tilespmem:s24+$0xD250]  }
0x1ea: {  	v50 =	vld [tilespmem:s24+$0xD260]  }
0x1eb: {  	[tilespmem:$0x1FBF0] =	vst v56;
	v56 =	vld [tilespmem:s24+$0xD400]  }
0x1ec: {  	v60 =	vld [tilespmem:s24+$0xD270]  }
0x1ed: {  	v47 =	vld [tilespmem:s24+$0xD280]  }
0x1ee: {  	v54 =	vld [tilespmem:s24+$0xD290]  }
0x1ef: {  	v61 =	vld [tilespmem:s24+$0xD2A0]  }
0x1f0: {  	[tilespmem:$0x1FBE0] =	vst v56;
	v56 =	vld [tilespmem:s24+$0xD410]  }
0x1f1: {  	v55 =	vld [tilespmem:s24+$0xD2B0]  }
0x1f2: {  	v58 =	vld [tilespmem:s24+$0xD2D0]  }
0x1f3: {  	v57 =	vld [tilespmem:s24+$0xD2E0]  }
0x1f4: {  	v59 =	vld [tilespmem:s24+$0xD300]  }
0x1f5: {  	[tilespmem:$0x1FC00] =	vst v56;
	v56 =	vld [tilespmem:s24+$0xD420]  }
0x1f6: {  	[tilespmem:$0x1FAE0] =	vst v55;
	v55 =	vld [tilespmem:s24+$0xD2C0]  }
0x1f7: {  	v17 =	vadd.f32 v17, v3;
	v3 =	vld [tilespmem:s24+$0xD590]  }
0x1f8: {  	v20 =	vadd.f32 v20, v4;
	v4 =	vld [tilespmem:s24+$0xD5A0]  }
0x1f9: {  	v21 =	vadd.f32 v21, v5;
	v5 =	vld [tilespmem:s24+$0xD5B0]  }
0x1fa: {  	v17 =	vadd.f32 v33, v17;
	[tilespmem:$0x1FC10] =	vst v56;
	v56 =	vld [tilespmem:s24+$0xD430]  }
0x1fb: {  	v32 =	vadd.f32 v32, v16;
	v16 =	vld [tilespmem:s24+$0xD5C0];
	v20 =	vadd.f32 v36, v20  }
0x1fc: {  	v21 =	vadd.f32 v37, v21;
	v33 =	vadd.f32 v49, v17;
	v17 =	vld [tilespmem:s24+$0xD5D0]  }
0x1fd: {  	v36 =	vadd.f32 v52, v20;
	v20 =	vld [tilespmem:s24+$0xD5E0]  }
0x1fe: {  	v32 =	vadd.f32 v48, v32;
	v37 =	vadd.f32 v53, v21;
	v21 =	vld [tilespmem:s24+$0xD5F0]  }
0x1ff: {  	[tilespmem:$0x1FC30] =	vst v56;
	v56 =	vld [tilespmem:s24+$0xD440]  }
0x200: {  	v48 =	vadd.f32 v62, v32;
	v32 =	vld [tilespmem:s24+$0xD600]  }
0x201: {  	v49 =	vld [tilespmem:s24+$0xD650]  }
0x202: {  	v52 =	vld [tilespmem:s24+$0xD660]  }
0x203: {  	v0 =	vadd.f32 v0, v36;
	v36 =	vld [tilespmem:s24+$0xD620]  }
0x204: {  	[tilespmem:$0x1FC20] =	vst v56;
	v56 =	vld [tilespmem:s24+$0xD450]  }
0x205: {  	v33 =	vadd.f32 v63, v33;
	v2 =	vadd.f32 v2, v37;
	v37 =	vld [tilespmem:s24+$0xD630]  }
0x206: {  	v9 =	vadd.f32 v9, v48;
	v48 =	vld [tilespmem:s24+$0xD640]  }
0x207: {  	v1 =	vadd.f32 v1, v33;
	v33 =	vld [tilespmem:s24+$0xD610]  }
0x208: {  	v2 =	vadd.f32 v8, v2;
	v8 =	vld [tilespmem:s24+$0xD690]  }
0x209: {  	[tilespmem:$0x1FC40] =	vst v56;
	v56 =	vld [tilespmem:s24+$0xD460]  }
0x20a: {  	v53 =	vadd.f32 v13, v9;
	v9 =	vld [tilespmem:s24+$0xD6A0]  }
0x20b: {  	v13 =	vld [tilespmem:s24+$0xD6E0]  }
0x20c: {  	v0 =	vadd.f32 v6, v0;
	v6 =	vadd.f32 v19, v53;
	v53 =	vld [tilespmem:s24+$0xD670]  }
0x20d: {  	v1 =	vadd.f32 v7, v1;
	v7 =	vld [tilespmem:s24+$0xD680]  }
0x20e: {  	[tilespmem:$0x1FC50] =	vst v56;
	v56 =	vld [tilespmem:s24+$0xD470]  }
0x20f: {  	v0 =	vadd.f32 v10, v0;
	v10 =	vld [tilespmem:s24+$0xD6B0]  }
0x210: {  	v2 =	vadd.f32 v12, v2;
	v12 =	vld [tilespmem:s24+$0xD6D0]  }
0x211: {  	v19 =	vld [tilespmem:s24+$0xD720]  }
0x212: {  	v1 =	vadd.f32 v11, v1;
	v11 =	vld [tilespmem:s24+$0xD6C0]  }
0x213: {  	[tilespmem:$0x1FC70] =	vst v56;
	v56 =	vld [tilespmem:s24+$0xD480]  }
0x214: {  	v0 =	vadd.f32 v14, v0;
	v14 =	vld [tilespmem:s24+$0xD6F0]  }
0x215: {  	v2 =	vadd.f32 v18, v2;
	v18 =	vld [tilespmem:s24+$0xD710]  }
0x216: {  	v6 =	vadd.f32 v25, v6;
	v25 =	vld [tilespmem:s24+$0xD760]  }
0x217: {  	v1 =	vadd.f32 v15, v1;
	v15 =	vld [tilespmem:s24+$0xD700]  }
0x218: {  	[tilespmem:$0x1FC60] =	vst v56;
	v56 =	vld [tilespmem:s24+$0xD490]  }
0x219: {  	v0 =	vadd.f32 v22, v0;
	v22 =	vld [tilespmem:s24+$0xD730]  }
0x21a: {  	v2 =	vadd.f32 v24, v2;
	v24 =	vld [tilespmem:s24+$0xD750]  }
0x21b: {  	v6 =	vadd.f32 v29, v6;
	v29 =	vld [tilespmem:s24+$0xD7A0]  }
0x21c: {  	v1 =	vadd.f32 v23, v1;
	v2 =	vadd.f32 v28, v2;
	v23 =	vld [tilespmem:s24+$0xD740]  }
0x21d: {  	v0 =	vadd.f32 v26, v0;
	v6 =	vadd.f32 v35, v6;
	[tilespmem:$0x1FC80] =	vst v56;
	v56 =	vld [tilespmem:s24+$0xD4A0]  }
0x21e: {  	v26 =	vld [tilespmem:s24+$0xD770];
	v1 =	vadd.f32 v27, v1;
	v2 =	vadd.f32 v34, v2  }
0x21f: {  	v28 =	vld [tilespmem:s24+$0xD790];
	v0 =	vadd.f32 v30, v0;
	v6 =	vadd.f32 v41, v6  }
0x220: {  	v62 =	vld [tilespmem:$0x1FB30];
	v1 =	vadd.f32 v31, v1;
	v2 =	vadd.f32 v40, v2  }
0x221: {  	v27 =	vld [tilespmem:s24+$0xD780];
	v0 =	vadd.f32 v38, v0;
	v6 =	vadd.f32 v45, v6  }
0x222: {  	v1 =	vadd.f32 v39, v1;
	v2 =	vadd.f32 v44, v2;
	[tilespmem:$0x1FC90] =	vst v56;
	v56 =	vld [tilespmem:s24+$0xD4B0]  }
0x223: {  	v30 =	vld [tilespmem:s24+$0xD7B0];
	v0 =	vadd.f32 v42, v0;
	v6 =	vadd.f32 v51, v6  }
0x224: {  	v31 =	vld [tilespmem:s24+$0xD7C0];
	v1 =	vadd.f32 v43, v1;
	v2 =	vadd.f32 v50, v2  }
0x225: {  	v0 =	vadd.f32 v46, v0;
	v6 =	vadd.f32 v60, v6;
	v60 =	vld [tilespmem:$0x1FB10]  }
0x226: {  	v1 =	vadd.f32 v47, v1;
	v2 =	vadd.f32 v61, v2;
	v61 =	vld [tilespmem:$0x1FB20]  }
0x227: {  	[tilespmem:$0x1FCB0] =	vst v56;
	v56 =	vld [tilespmem:s24+$0xD4C0]  }
0x228: {  	v0 =	vadd.f32 v54, v0;
	v1 =	vadd.f32 v55, v1;
	v55 =	vld [tilespmem:$0x1FAE0]  }
0x229: {  	v63 =	vld [tilespmem:$0x1FB40]  }
0x22a: {  	v0 =	vadd.f32 v58, v0;
	v58 =	vld [tilespmem:$0x1FAF0]  }
0x22b: {  	v34 =	vld [tilespmem:$0x1FB50]  }
0x22c: {  	v2 =	vadd.f32 v57, v2;
	[tilespmem:$0x1FCA0] =	vst v56;
	v56 =	vld [tilespmem:s24+$0xD4D0]  }
0x22d: {  	v1 =	vadd.f32 v59, v1;
	v59 =	vld [tilespmem:$0x1FB00];
	v6 =	vadd.f32 v55, v6  }
0x22e: {  	v2 =	vadd.f32 v60, v2;
	v38 =	vld [tilespmem:$0x1FB70]  }
0x22f: {  	v6 =	vadd.f32 v58, v6;
	v35 =	vld [tilespmem:$0x1FB60]  }
0x230: {  	v2 =	vadd.f32 v34, v2;
	v34 =	vld [tilespmem:s24+$0xD7D0]  }
0x231: {  	v6 =	vadd.f32 v62, v6;
	[tilespmem:$0x1FCC0] =	vst v56;
	v56 =	vld [tilespmem:s24+$0xD4E0]  }
0x232: {  	v1 =	vadd.f32 v61, v1;
	v39 =	vld [tilespmem:$0x1FB80]  }
0x233: {  	v0 =	vadd.f32 v59, v0;
	v6 =	vadd.f32 v38, v6;
	v38 =	vld [tilespmem:s24+$0xD7F0]  }
0x234: {  	v1 =	vadd.f32 v35, v1;
	v35 =	vld [tilespmem:s24+$0xD7E0]  }
0x235: {  	v0 =	vadd.f32 v63, v0;
	v40 =	vld [tilespmem:$0x1FB90]  }
0x236: {  	[tilespmem:$0x1FCD0] =	vst v56;
	v56 =	vld [tilespmem:s24+$0xD4F0]  }
0x237: {  	v0 =	vadd.f32 v39, v0;
	v39 =	vld [tilespmem:s24+$0xD800]  }
0x238: {  	v42 =	vld [tilespmem:$0x1FBB0]  }
0x239: {  	v41 =	vld [tilespmem:$0x1FBA0]  }
0x23a: {  	v2 =	vadd.f32 v40, v2;
	v40 =	vld [tilespmem:s24+$0xD810]  }
0x23b: {  	[tilespmem:$0x1FCF0] =	vst v56;
	v56 =	vld [tilespmem:s24+$0xD500]  }
0x23c: {  	v43 =	vld [tilespmem:$0x1FBC0]  }
0x23d: {  	v6 =	vadd.f32 v42, v6;
	v42 =	vld [tilespmem:s24+$0xD830]  }
0x23e: {  	v1 =	vadd.f32 v41, v1;
	v41 =	vld [tilespmem:s24+$0xD820]  }
0x23f: {  	v44 =	vld [tilespmem:$0x1FBD0]  }
0x240: {  	[tilespmem:$0x1FCE0] =	vst v56;
	v56 =	vld [tilespmem:s24+$0xD510]  }
0x241: {  	v0 =	vadd.f32 v43, v0;
	v43 =	vld [tilespmem:s24+$0xD840]  }
0x242: {  	v46 =	vld [tilespmem:$0x1FBF0]  }
0x243: {  	v45 =	vld [tilespmem:$0x1FBE0]  }
0x244: {  	v2 =	vadd.f32 v44, v2;
	v44 =	vld [tilespmem:s24+$0xD850]  }
0x245: {  	[tilespmem:$0x1FD00] =	vst v56;
	v56 =	vld [tilespmem:s24+$0xD520]  }
0x246: {  	v47 =	vld [tilespmem:$0x1FC00]  }
0x247: {  	v6 =	vadd.f32 v46, v6;
	v46 =	vld [tilespmem:s24+$0xD870]  }
0x248: {  	v1 =	vadd.f32 v45, v1;
	v45 =	vld [tilespmem:s24+$0xD860]  }
0x249: {  	v50 =	vld [tilespmem:$0x1FC10]  }
0x24a: {  	[tilespmem:$0x1FD10] =	vst v56;
	v56 =	vld [tilespmem:s24+$0xD530]  }
0x24b: {  	v0 =	vadd.f32 v47, v0;
	v47 =	vld [tilespmem:s24+$0xD880]  }
0x24c: {  	v54 =	vld [tilespmem:$0x1FC30]  }
0x24d: {  	v51 =	vld [tilespmem:$0x1FC20]  }
0x24e: {  	v55 =	vld [tilespmem:$0x1FC40]  }
0x24f: {  	[tilespmem:$0x1FD30] =	vst v56;
	v56 =	vld [tilespmem:s24+$0xD540]  }
0x250: {  	v57 =	vld [tilespmem:$0x1FC50]  }
0x251: {  	v59 =	vld [tilespmem:$0x1FC70]  }
0x252: {  	v58 =	vld [tilespmem:$0x1FC60]  }
0x253: {  	v60 =	vld [tilespmem:$0x1FC80]  }
0x254: {  	[tilespmem:$0x1FD20] =	vst v56;
	v56 =	vld [tilespmem:s24+$0xD550]  }
0x255: {  	v61 =	vld [tilespmem:$0x1FC90]  }
0x256: {  	v63 =	vld [tilespmem:$0x1FCB0]  }
0x257: {  	v62 =	vld [tilespmem:$0x1FCA0]  }
0x258: {  	v2 =	vadd.f32 v50, v2;
	v50 =	vld [tilespmem:$0x1FCC0]  }
0x259: {  	[tilespmem:$0x1FD40] =	vst v56;
	v56 =	vld [tilespmem:s24+$0xD560]  }
0x25a: {  	v1 =	vadd.f32 v51, v1;
	v51 =	vld [tilespmem:$0x1FCD0]  }
0x25b: {  	v0 =	vadd.f32 v55, v0;
	v55 =	vld [tilespmem:$0x1FCF0]  }
0x25c: {  	v6 =	vadd.f32 v54, v6;
	v54 =	vld [tilespmem:$0x1FCE0]  }
0x25d: {  	v2 =	vadd.f32 v57, v2;
	v57 =	vld [tilespmem:$0x1FD00]  }
0x25e: {  	[tilespmem:$0x1FD50] =	vst v56;
	v56 =	vld [tilespmem:s24+$0xD570]  }
0x25f: {  	v1 =	vadd.f32 v58, v1;
	v58 =	vld [tilespmem:$0x1FD10]  }
0x260: {  	v0 =	vadd.f32 v60, v0;
	v60 =	vld [tilespmem:$0x1FD30]  }
0x261: {  	v6 =	vadd.f32 v59, v6;
	v2 =	vadd.f32 v61, v2;
	v61 =	vld [tilespmem:$0x1FD40]  }
0x262: {  	v1 =	vadd.f32 v62, v1;
	v0 =	vadd.f32 v50, v0;
	v62 =	vld [tilespmem:$0x1FD50]  }
0x263: {  	v6 =	vadd.f32 v63, v6;
	v2 =	vadd.f32 v51, v2;
	v59 =	vld [tilespmem:$0x1FD20];
	[tilespmem:$0x1FD60] =	vst v56  }
0x264: {  	v0 =	vadd.f32 v57, v0;
	v63 =	vld [tilespmem:$0x1FD60]  }
0x265: {  	v6 =	vadd.f32 v55, v6;
	v2 =	vadd.f32 v58, v2;
	v56 =	vld [tilespmem:s24+$0xD580]  }
0x266: {  	v50 =	vld [tilespmem:s24+$0xD890];
	v1 =	vadd.f32 v54, v1;
	v0 =	vadd.f32 v61, v0  }
0x267: {  	v51 =	vld [tilespmem:s24+$0xD8A0];
	v6 =	vadd.f32 v60, v6;
	v2 =	vadd.f32 v62, v2  }
0x268: {  	v55 =	vld [tilespmem:s24+$0xD930];
	v1 =	vadd.f32 v59, v1;
	v0 =	vadd.f32 v3, v0  }
0x269: {  	v54 =	vld [tilespmem:s24+$0xD8B0];
	v2 =	vadd.f32 v4, v2;
	v6 =	vadd.f32 v63, v6  }
0x26a: {  	v57 =	vld [tilespmem:s24+$0xD950];
	v0 =	vadd.f32 v17, v0;
	v1 =	vadd.f32 v56, v1  }
0x26b: {  	v58 =	vld [tilespmem:s24+$0xD960];
	v2 =	vadd.f32 v20, v2;
	v5 =	vadd.f32 v5, v6  }
0x26c: {  	v60 =	vld [tilespmem:s24+$0xD980];
	v0 =	vadd.f32 v33, v0;
	v1 =	vadd.f32 v16, v1  }
0x26d: {  	v59 =	vld [tilespmem:s24+$0xD970];
	v2 =	vadd.f32 v36, v2;
	v5 =	vadd.f32 v21, v5  }
0x26e: {  	v61 =	vld [tilespmem:s24+$0xD990];
	v0 =	vadd.f32 v49, v0;
	v1 =	vadd.f32 v32, v1  }
0x26f: {  	v3 =	vld [tilespmem:s24+$0xD8C0];
	v2 =	vadd.f32 v52, v2;
	v5 =	vadd.f32 v37, v5  }
0x270: {  	v17 =	vld [tilespmem:s24+$0xD900];
	v0 =	vadd.f32 v8, v0;
	v1 =	vadd.f32 v48, v1  }
0x271: {  	v62 =	vld [tilespmem:s24+$0xD9A0];
	v2 =	vadd.f32 v9, v2;
	v5 =	vadd.f32 v53, v5  }
0x272: {  	v33 =	vld [tilespmem:s24+$0xD9D0];
	v0 =	vadd.f32 v12, v0;
	v1 =	vadd.f32 v7, v1  }
0x273: {  	v4 =	vld [tilespmem:s24+$0xD8D0];
	v2 =	vadd.f32 v13, v2;
	v5 =	vadd.f32 v10, v5  }
0x274: {  	v49 =	vld [tilespmem:s24+$0xD920];
	v0 =	vadd.f32 v18, v0;
	v1 =	vadd.f32 v11, v1  }
0x275: {  	v56 =	vld [tilespmem:s24+$0xD940];
	v2 =	vadd.f32 v19, v2;
	v5 =	vadd.f32 v14, v5  }
0x276: {  	v63 =	vld [tilespmem:s24+$0xD9B0];
	v0 =	vadd.f32 v24, v0;
	v1 =	vadd.f32 v15, v1  }
0x277: {  	v16 =	vld [tilespmem:s24+$0xD8F0];
	v2 =	vadd.f32 v25, v2;
	v5 =	vadd.f32 v22, v5  }
0x278: {  	v36 =	vld [tilespmem:s24+$0xD9E0];
	v0 =	vadd.f32 v28, v0;
	v1 =	vadd.f32 v23, v1  }
0x279: {  	v6 =	vld [tilespmem:s24+$0xD8E0];
	v2 =	vadd.f32 v29, v2;
	v5 =	vadd.f32 v26, v5  }
0x27a: {  	v32 =	vld [tilespmem:s24+$0xD9C0];
	v0 =	vadd.f32 v34, v0;
	v1 =	vadd.f32 v27, v1  }
0x27b: {  	v52 =	vld [tilespmem:s24+$0xDAE0];
	v2 =	vadd.f32 v35, v2;
	v5 =	vadd.f32 v30, v5  }
0x27c: {  	v48 =	vld [tilespmem:s24+$0xD910];
	v0 =	vadd.f32 v40, v0;
	v1 =	vadd.f32 v31, v1  }
0x27d: {  	v37 =	vld [tilespmem:s24+$0xD9F0];
	v2 =	vadd.f32 v41, v2;
	v5 =	vadd.f32 v38, v5  }
0x27e: {  	v53 =	vld [tilespmem:s24+$0xDAF0];
	v0 =	vadd.f32 v44, v0;
	v1 =	vadd.f32 v39, v1  }
0x27f: {  	v40 =	vld [tilespmem:s24+$0xDA20];
	v2 =	vadd.f32 v45, v2;
	v5 =	vadd.f32 v42, v5  }
0x280: {  	v44 =	vld [tilespmem:s24+$0xDA60];
	v0 =	vadd.f32 v50, v0;
	v1 =	vadd.f32 v43, v1  }
0x281: {  	v50 =	vld [tilespmem:s24+$0xDAC0];
	v2 =	vadd.f32 v51, v2;
	v5 =	vadd.f32 v46, v5  }
0x282: {  	v41 =	vld [tilespmem:s24+$0xDA30];
	v0 =	vadd.f32 v4, v0;
	v1 =	vadd.f32 v47, v1  }
0x283: {  	v39 =	vld [tilespmem:s24+$0xDA10];
	v2 =	vadd.f32 v6, v2;
	v5 =	vadd.f32 v54, v5  }
0x284: {  	v45 =	vld [tilespmem:s24+$0xDA70];
	v0 =	vadd.f32 v48, v0;
	v1 =	vadd.f32 v3, v1  }
0x285: {  	v38 =	vld [tilespmem:s24+$0xDA00];
	v2 =	vadd.f32 v49, v2;
	v5 =	vadd.f32 v16, v5  }
0x286: {  	v48 =	vld [tilespmem:s24+$0xDAA0];
	v0 =	vadd.f32 v57, v0;
	v1 =	vadd.f32 v17, v1  }
0x287: {  	v43 =	vld [tilespmem:s24+$0xDA50];
	v2 =	vadd.f32 v58, v2;
	v5 =	vadd.f32 v55, v5  }
0x288: {  	v51 =	vld [tilespmem:s24+$0xDAD0];
	v0 =	vadd.f32 v61, v0;
	v1 =	vadd.f32 v56, v1  }
0x289: {  	v42 =	vld [tilespmem:s24+$0xDA40];
	v2 =	vadd.f32 v62, v2;
	v5 =	vadd.f32 v59, v5  }
0x28a: {  	v57 =	vld [tilespmem:s24+$0xDB30];
	v0 =	vadd.f32 v33, v0;
	v1 =	vadd.f32 v60, v1  }
0x28b: {  	v47 =	vld [tilespmem:s24+$0xDA90];
	v2 =	vadd.f32 v36, v2;
	v5 =	vadd.f32 v63, v5  }
0x28c: {  	v46 =	vld [tilespmem:s24+$0xDA80];
	v0 =	vadd.f32 v39, v0;
	v1 =	vadd.f32 v32, v1  }
0x28d: {  	v49 =	vld [tilespmem:s24+$0xDAB0];
	v2 =	vadd.f32 v40, v2;
	v5 =	vadd.f32 v37, v5  }
0x28e: {  	v54 =	vld [tilespmem:s24+$0xDB00];
	v0 =	vadd.f32 v43, v0;
	v1 =	vadd.f32 v38, v1  }
0x28f: {  	v55 =	vld [tilespmem:s24+$0xDB10];
	v2 =	vadd.f32 v44, v2;
	v5 =	vadd.f32 v41, v5  }
0x290: {  	v56 =	vld [tilespmem:s24+$0xDB20];
	v0 =	vadd.f32 v47, v0;
	v1 =	vadd.f32 v42, v1  }
0x291: {  	v59 =	vld [tilespmem:s24+$0xDB50];
	v2 =	vadd.f32 v48, v2;
	v5 =	vadd.f32 v45, v5  }
0x292: {  	v60 =	vld [tilespmem:s24+$0xDB60];
	v0 =	vadd.f32 v51, v0;
	v1 =	vadd.f32 v46, v1  }
0x293: {  	v58 =	vld [tilespmem:s24+$0xDB40];
	v2 =	vadd.f32 v52, v2;
	v5 =	vadd.f32 v49, v5  }
0x294: {  	v61 =	vld [tilespmem:s24+$0xDB70];
	v0 =	vadd.f32 v55, v0;
	v1 =	vadd.f32 v50, v1  }
0x295: {  	v2 =	vadd.f32 v56, v2;
	v5 =	vadd.f32 v53, v5  }
0x296: {  	p1 =	sne.s32 s23, $0xF;
	s24 =	sshll.u32 s23, $0x6;
	v0 =	vadd.f32 v59, v0;
	v1 =	vadd.f32 v54, v1  }
.Ltmp5:
0x297: {  	s24 =	sand.u32 $0x3FFFFFC0, s24;
	v2 =	vadd.f32 v60, v2;
	v62 =	vadd.f32 v57, v5;
	(pc) =	sbr.rel @p1 .LBB2_8-.Ltmp5, $4  }
0x298: {  	[tilespmem:s24+$0x19B10] =	vst v0;
	v1 =	vadd.f32 v58, v1  }
0x299: {  	[tilespmem:s24+$0x19B20] =	vst v2;
	v63 =	vadd.f32 v61, v62  }
0x29a: {  	[tilespmem:s24+$0x19B00] =	vst v1  }
0x29b: {  	s23 =	sadd.s32 $0x1, s23;
	[tilespmem:s24+$0x19B30] =	vst v63  }
.Ltmp6:
0x29c: {  	s22 =	sadd.s32 s22, s4;
	(pc) =	sbr.rel @p0 .LBB2_11-.Ltmp6, $4  }
0x29d: {  	s23 =	rddreg [dreg:$0x1];
	s22 =	sshll.u32 s22, $0x3  }
0x29e: {  	s22 =	sadd.s32 s23, s22  }
0x29f: {  	s22 =	sadd.s32 $0x80, s22  }
0x2a0: {  	[hbm4b:s22+s3] =	stream.linear.scatter [tilespmem:s20], [sflag:$0x4], $0x400, $0x38;
	[tilespmem:$0x19F00] =	vst v63  }
0x2a1: {  	_ =	swait.ge [sflag:s26], $0x380  }
0x2a2: {  	[sflag:s26] =	ssyncset.done $0x0  }
0x2a3: {  	s22 =	simm.s32 $0xCF00;
	[sflag:s26] =	ssyncadd.s32 $0xFFFFFC80  }
0x2a4: {  	[tilespmem:s22], [sflag:$0x2] =	stream.indirect.gather [hbm4b:s6+s14], $0x40, s25, s14, $0xb8;
	[tilespmem:$0x19F00] =	vst v63  }
0x2a5: {  	s24 =	simm.s32 $0x3B8;
	s23 =	simm.s32 $0xDB80  }
0x2a6: {  	[tilespmem:s23], [sflag:$0x2] =	stream.indirect.gather [hbm4b:s6+s14], $0x40, s24, s14, $0xb8;
	[tilespmem:$0x19F00] =	vst v63  }
0x2a7: {  	s23 =	simm.s32 $0x3F0;
	s24 =	simm.s32 $0xE800  }
0x2a8: {  	[tilespmem:s24], [sflag:$0x2] =	stream.indirect.gather [hbm4b:s6+s14], $0x40, s23, s14, $0xb8;
	[tilespmem:$0x19F00] =	vst v63  }
0x2a9: {  	s23 =	simm.s32 $0x428;
	s24 =	simm.s32 $0xF480  }
0x2aa: {  	[tilespmem:s24], [sflag:$0x2] =	stream.indirect.gather [hbm4b:s6+s14], $0x40, s23, s14, $0xb8;
	[tilespmem:$0x19F00] =	vst v63  }
0x2ab: {  	s23 =	simm.s32 $0x460;
	s24 =	simm.s32 $0x10100  }
0x2ac: {  	[tilespmem:s24], [sflag:$0x2] =	stream.indirect.gather [hbm4b:s6+s14], $0x40, s23, s14, $0xb8;
	[tilespmem:$0x19F00] =	vst v63  }
0x2ad: {  	s23 =	simm.s32 $0x498;
	s24 =	simm.s32 $0x10D80  }
0x2ae: {  	[tilespmem:s24], [sflag:$0x2] =	stream.indirect.gather [hbm4b:s6+s14], $0x40, s23, s14, $0xb8;
	[tilespmem:$0x19F00] =	vst v63  }
0x2af: {  	s23 =	simm.s32 $0x4D0;
	s24 =	simm.s32 $0x11A00  }
0x2b0: {  	[tilespmem:s24], [sflag:$0x2] =	stream.indirect.gather [hbm4b:s6+s14], $0x40, s23, s14, $0xb8;
	[tilespmem:$0x19F00] =	vst v63  }
0x2b1: {  	s23 =	simm.s32 $0x508;
	s24 =	simm.s32 $0x12680  }
0x2b2: {  	[tilespmem:s24], [sflag:$0x2] =	stream.indirect.gather [hbm4b:s6+s14], $0x40, s23, s14, $0xb8;
	[tilespmem:$0x19F00] =	vst v63  }
0x2b3: {  	s23 =	simm.s32 $0x540;
	s24 =	simm.s32 $0x13300  }
0x2b4: {  	[tilespmem:s24], [sflag:$0x2] =	stream.indirect.gather [hbm4b:s6+s14], $0x40, s23, s14, $0xb8;
	[tilespmem:$0x19F00] =	vst v63  }
0x2b5: {  	s23 =	simm.s32 $0x578;
	s24 =	simm.s32 $0x13F80  }
0x2b6: {  	[tilespmem:s24], [sflag:$0x2] =	stream.indirect.gather [hbm4b:s6+s14], $0x40, s23, s14, $0xb8;
	[tilespmem:$0x19F00] =	vst v63  }
0x2b7: {  	_ = 	snop  }
0x2b8: {  	[tilespmem:s11], [sflag:$0x2] =	stream.indirect.gather [hbm4b:s6+s14], $0x40, s2, s14, $0xb8;
	[tilespmem:$0x19F00] =	vst v63  }
0x2b9: {  	_ = 	snop  }
0x2ba: {  	[tilespmem:s29], [sflag:$0x2] =	stream.indirect.gather [hbm4b:s6+s14], $0x40, s28, s14, $0xb8;
	[tilespmem:$0x19F00] =	vst v63  }
0x2bb: {  	_ = 	snop  }
0x2bc: {  	[tilespmem:s31], [sflag:$0x2] =	stream.indirect.gather [hbm4b:s6+s14], $0x40, s30, s14, $0xb8;
	[tilespmem:$0x19F00] =	vst v63  }
0x2bd: {  	_ = 	snop  }
0x2be: {  	[tilespmem:s1], [sflag:$0x2] =	stream.indirect.gather [hbm4b:s6+s14], $0x40, s0, s14, $0xb8;
	[tilespmem:$0x19F00] =	vst v63  }
.Ltmp7:
0x2bf: {  	_ = 	snop;
	(pc) =	sbr.rel .LBB2_2-.Ltmp7, $4  }
0x2c0: {  	_ = 	snop  }
0x2c1: {  	[tilespmem:s12], [sflag:$0x2] =	stream.indirect.gather [hbm4b:s6+s14], $0x40, s8, s14, $0xb8;
	[tilespmem:$0x19F00] =	vst v63  }
0x2c2: {  	s21 =	sadd.s32 $0x1, s21  }
0x2c3: {  	[tilespmem:s15], [sflag:$0x2] =	stream.indirect.gather [hbm4b:s6+s14], $0x40, s7, s14, $0xb8;
	[tilespmem:$0x19F00] =	vst v63  }
.LBB2_12:
0x2c4: {  	_ =	sfence.sel $0x180000  }
0x2c5: {  	[bflag:$0x0] =	sbarrier.arrive $0xFFFF  }
0x2c6: {  	_ =	strace $0x90000047  }
0x2c7: {  	s0 =	stileid.u32;
	[bflag:$0x2] =	sbarrier.arrive $0xFFFF  }
0x2c8: {  	p0 =	sne.s32 s0, $0x0;
	s0 =	rddreg [dreg:$0x2]  }
0x2c9: {  	s0 =	sadd.s32 @!p0 $0x100000, s0  }
0x2ca: {  	[sflag:s0] =	ssyncadd.tile.s32 @!p0 $0x1;
	_ =	shalt  }
.Lfunc_end2:
_tile_overlayer_lowered:
.L_overlay_start_2:
0x2cb: {  	(tag) =	ssettag $0x2  }
0x2cc: {  	s0 =	rddreg [dreg:$0x0];
	s2 =	stileid.u32  }
0x2cd: {  	s1 =	rddreg [dreg:$0x1];
	p0 =	sne.s32 s2, $0x0  }
0x2ce: {  	s3 =	rddreg [dreg:$0x2];
	[bflag:$0x3] =	sbarrier.arrive $0xFFFF;
	s2 =	simm.s32 @!p0 $0x1C07  }
0x2cf: {  	[timem:s3], [sflag:s2] =	dma.local @!p0 [hbm:s0], s1  }
0x2d0: {  	s0 =	simm.s32 @!p0 $0x7  }
0x2d1: {  	_ =	swait.ge @!p0 [sflag:s0], s1  }
0x2d2: {  	s1 =	ssub.s32 @!p0 $0x0, s1;
	[sflag:s0] =	ssyncset.done @!p0 $0x0  }
0x2d3: {  	[sflag:s0] =	ssyncadd.s32 @!p0 s1  }
0x2d4: {  	[bflag:$0x3] =	sbarrier.arrive $0xFFFF  }
0x2d5: {  	_ =	shalt  }

</sc_bundles>
